<compile_context>
chip_gen: v7x
topology: tpu7x:2x2x1
jax: 0.10.2.dev20260603
libtpu: 0.0.44.dev20260713+nightly
codegen_flags: <defaults>
</compile_context>

<pallas_src>
import functools

import jax
import jax.numpy as jnp
from jax import lax
from jax.experimental import pallas as pl
from jax.experimental.pallas import tpu as pltpu
from jax.experimental.pallas import tpu_sc as plsc

_L = 16
_NSUB = 16


def _sc_stage(cls_flat, cent, k, nc):
  n = cls_flat.shape[0] // nc
  rows = n // _NSUB
  nv = rows // _L
  crows = 176
  nchunk = rows // crows
  gpc = crows // _L

  mesh = plsc.VectorSubcoreMesh(
      core_axis_name="c", subcore_axis_name="s", num_cores=1)

  out_type = (
      jax.ShapeDtypeStruct((n,), jnp.float32),
      jax.ShapeDtypeStruct((n,), jnp.float32),
      jax.ShapeDtypeStruct((n,), jnp.float32),
      jax.ShapeDtypeStruct((_L,), jnp.float32),
  )
  scratch = [
      pltpu.VMEM((crows * nc,), jnp.float32),
      pltpu.VMEM((crows * nc,), jnp.float32),
      pltpu.VMEM((crows * nc,), jnp.float32),
      pltpu.VMEM((crows * nc,), jnp.float32),
      pltpu.VMEM((rows,), jnp.float32),
      pltpu.VMEM((rows,), jnp.float32),
      pltpu.VMEM((rows,), jnp.float32),
      pltpu.VMEM((_L * 256,), jnp.int32),
      pltpu.VMEM((_L * 256,), jnp.int32),
      pltpu.VMEM((512,), jnp.int32),
      pltpu.VMEM((_NSUB * 512,), jnp.int32),
      pltpu.VMEM((512,), jnp.int32),
      pltpu.VMEM((_L,), jnp.float32),
      pltpu.VMEM((_NSUB * _L,), jnp.float32),
      pltpu.VMEM((_L,), jnp.float32),
      pltpu.VMEM_SHARED((4, _NSUB * 512), jnp.int32),
      pltpu.VMEM_SHARED((_NSUB * _L,), jnp.float32),
      pltpu.SemaphoreType.DMA,
      pltpu.SemaphoreType.DMA,
      pltpu.SemaphoreType.DMA,
      pltpu.SemaphoreType.DMA,
  ]

  @functools.partial(
      pl.kernel, out_type=out_type, mesh=mesh, scratch_types=scratch,
      compiler_params=pltpu.CompilerParams(needs_layout_passes=False))
  def sel(cls_hbm, cent_hbm, joint_hbm, pos_hbm, neg_hbm, scal_hbm,
          cls_a, cls_b, cls_c, cls_d, cent_v, joint_v, ts_v, hp_v, hn_v,
          red_v, allh_v, gh_v, st_v, alls_v, scal_v, shist, sstat,
          sem_a, sem_b, sem_c, sem_d):
    pos_v = joint_v
    neg_v = cent_v
    sid = lax.axis_index("s")
    base = sid * rows
    lane = lax.iota(jnp.int32, _L)
    ones = jnp.ones((_L,), jnp.int32)
    zi = jnp.zeros((_L,), jnp.int32)
    zf = jnp.zeros((_L,), jnp.float32)

    pltpu.sync_copy(cent_hbm.at[pl.ds(base, rows)], cent_v)
    cidx = [jnp.full((_L,), c, jnp.int32) for c in range(nc)]

    def cls_dma(ch, buf, sem):
      return pltpu.make_async_copy(
          cls_hbm.at[pl.ds((base + ch * crows) * nc, crows * nc)], buf, sem)

    def rowmax_chunk(ch, buf):
      row0 = ch * crows

      def g_body(g, _):
        ridx = (g * _L + lane) * nc
        m = plsc.load_gather(buf, [ridx + cidx[0]])
        for c in range(1, nc):
          m = jnp.maximum(m, plsc.load_gather(buf, [ridx + cidx[c]]))
        ts_v[pl.ds(row0 + g * _L, _L)] = m
        return 0
      lax.fori_loop(0, gpc, g_body, 0)

    bufs = [(cls_a, sem_a), (cls_b, sem_b), (cls_c, sem_c), (cls_d, sem_d)]
    nsuper = (nchunk + 3) // 4
    for ch in range(3):
      cls_dma(ch, *bufs[ch]).start()

    def super_body(i, _):
      for b in range(4):
        ch = i * 4 + b
        buf, sem = bufs[b]

        @pl.when(ch + 3 < nchunk)
        def _():
          nbuf, nsem = bufs[(b + 3) % 4]
          cls_dma(ch + 3, nbuf, nsem).start()

        @pl.when(ch < nchunk)
        def _():
          cls_dma(ch, buf, sem).wait()
          rowmax_chunk(ch, buf)
      return 0
    lax.fori_loop(0, nsuper, super_body, 0)

    def sig_body(i, _):
      o = i * (2 * _L)
      m0 = ts_v[pl.ds(o, _L)]
      m1 = ts_v[pl.ds(o + _L, _L)]
      c0 = cent_v[pl.ds(o, _L)]
      c1 = cent_v[pl.ds(o + _L, _L)]
      s0 = 1.0 / (1.0 + jnp.exp(-m0))
      s1 = 1.0 / (1.0 + jnp.exp(-m1))
      e0 = 1.0 / (1.0 + jnp.exp(-c0))
      e1 = 1.0 / (1.0 + jnp.exp(-c1))
      ts_v[pl.ds(o, _L)] = s0
      ts_v[pl.ds(o + _L, _L)] = s1
      joint_v[pl.ds(o, _L)] = e0 * s0
      joint_v[pl.ds(o + _L, _L)] = e1 * s1
      return 0
    lax.fori_loop(0, nv // 2, sig_body, 0)
    pltpu.sync_copy(joint_v, joint_hbm.at[pl.ds(base, rows)])

    kp = jnp.int32(k)
    kn = jnp.int32(k)
    pp = jnp.int32(0)
    pn = jnp.int32(0)
    for r in range(4):
      sh = 24 - 8 * r

      def zb(i, _):
        hp_v[pl.ds(i * _L, _L)] = zi
        hn_v[pl.ds(i * _L, _L)] = zi
        return 0
      lax.fori_loop(0, 256, zb, 0)

      if r == 0:
        def sc0(i, _):
          bits = lax.bitcast_convert_type(ts_v[pl.ds(i * _L, _L)], jnp.int32)
          byte = (bits >> sh) & 255
          plsc.addupdate_scatter(hp_v, [lane * 256 + byte], ones)
          return 0
        lax.fori_loop(0, nv, sc0, 0)
      else:
        mh = jnp.int32(-(1 << (sh + 8)))
        pph = pp
        pnh = pn

        def scr(i, _):
          bits = lax.bitcast_convert_type(ts_v[pl.ds(i * _L, _L)], jnp.int32)
          byte = (bits >> sh) & 255
          idx = lane * 256 + byte
          hi = bits & mh
          plsc.addupdate_scatter(hp_v, [idx], ones, mask=(hi == pph))
          plsc.addupdate_scatter(hn_v, [idx], ones, mask=(hi == pnh))
          return 0
        lax.fori_loop(0, nv, scr, 0)

      def lr(j, _):
        accp = zi
        accn = zi
        for l in range(_L):
          accp = accp + hp_v[pl.ds(l * 256 + j * _L, _L)]
          accn = accn + hn_v[pl.ds(l * 256 + j * _L, _L)]
        red_v[pl.ds(j * _L, _L)] = accp
        red_v[pl.ds(256 + j * _L, _L)] = accn
        return 0
      lax.fori_loop(0, 16, lr, 0)

      pltpu.sync_copy(red_v, shist.at[r, pl.ds(sid * 512, 512)])
      plsc.subcore_barrier()
      pltpu.sync_copy(shist.at[r], allh_v)

      def gm(j, _):
        accp = zi
        accn = zi
        for ss in range(_NSUB):
          accp = accp + allh_v[pl.ds(ss * 512 + j * _L, _L)]
          accn = accn + allh_v[pl.ds(ss * 512 + 256 + j * _L, _L)]
        gh_v[pl.ds(j * _L, _L)] = accp
        gh_v[pl.ds(256 + j * _L, _L)] = accn
        return 0
      lax.fori_loop(0, 16, gm, 0)

      noff = 0 if r == 0 else 256

      def htot(off):
        def tb(j, acc):
          return acc + gh_v[pl.ds(off + j * _L, _L)]
        return jnp.sum(lax.fori_loop(0, 16, tb, zi))

      total_p = htot(0)
      total_n = total_p if r == 0 else htot(256)

      def mb_desc(j, carry):
        cnt, hsum, rowpref = carry
        h = gh_v[pl.ds(j * _L, _L)]
        cums = jnp.cumsum(h)
        pref_lt = rowpref + cums - h
        m = (total_p - pref_lt) >= kp
        return (cnt + plsc.all_reduce_population_count(m),
                hsum + jnp.sum(jnp.where(m, h, 0)),
                rowpref + jnp.sum(h))
      cntp, hsump, _ = lax.fori_loop(
          0, 16, mb_desc, (zi, jnp.int32(0), jnp.int32(0)))
      bp = cntp - 1
      abovep = total_p - hsump

      def mb_asc(j, carry):
        cnt, hsum, rowpref = carry
        h = gh_v[pl.ds(noff + j * _L, _L)]
        cums = jnp.cumsum(h)
        m = (rowpref + cums) >= kn
        return (cnt + plsc.all_reduce_population_count(m),
                hsum + jnp.sum(jnp.where(m, h, 0)),
                rowpref + jnp.sum(h))
      cntn, hsumn, _ = lax.fori_loop(
          0, 16, mb_asc, (zi, jnp.int32(0), jnp.int32(0)))
      bn = 256 - cntn
      belown = total_n - hsumn

      kp = kp - abovep
      pp = pp | (bp << sh)
      kn = kn - belown
      pn = pn | (bn << sh)

    def cnt_body(i, carry):
      cp, cn, sg, st = carry
      v = ts_v[pl.ds(i * _L, _L)]
      bits = lax.bitcast_convert_type(v, jnp.int32)
      cp = cp + (bits == pp).astype(jnp.int32)
      cn = cn + (bits == pn).astype(jnp.int32)
      sg = sg + jnp.where(bits > pp, v, 0.0)
      st = st + v
      return (cp, cn, sg, st)
    cpv, cnv, sgv, stv = lax.fori_loop(0, nv, cnt_body, (zi, zi, zf, zf))
    cposf = jnp.sum(cpv).astype(jnp.float32)
    cnegf = jnp.sum(cnv).astype(jnp.float32)
    sgt = jnp.sum(sgv)
    stot = jnp.sum(stv)

    stats = (cposf * (lane == 0).astype(jnp.float32)
             + cnegf * (lane == 1).astype(jnp.float32)
             + sgt * (lane == 2).astype(jnp.float32)
             + stot * (lane == 3).astype(jnp.float32))
    st_v[...] = stats
    pltpu.sync_copy(st_v, sstat.at[pl.ds(sid * _L, _L)])
    plsc.subcore_barrier()
    pltpu.sync_copy(sstat, alls_v)

    colp = plsc.load_gather(alls_v, [lane * _L])
    coln = plsc.load_gather(alls_v, [lane * _L + 1])
    colg = plsc.load_gather(alls_v, [lane * _L + 2])
    cols = plsc.load_gather(alls_v, [lane * _L + 3])
    beforem = (lane < sid).astype(jnp.float32)
    eqpre_p = jnp.sum(colp * beforem)
    eqpre_n = jnp.sum(coln * beforem)
    qpos = (kp.astype(jnp.float32) - eqpre_p).astype(jnp.int32)
    qneg = (kn.astype(jnp.float32) - eqpre_n).astype(jnp.int32)

    tot_g = jnp.sum(colg)
    tot_s = jnp.sum(cols)
    tval = lax.bitcast_convert_type(pp, jnp.float32)
    fgv = tot_g + kp.astype(jnp.float32) * tval
    sdv = tot_s * jnp.float32(1.0 / n)
    outv = (fgv * (lane == 0).astype(jnp.float32)
            + sdv * (lane == 1).astype(jnp.float32))
    scal_v[...] = outv

    @pl.when(sid == 0)
    def _():
      pltpu.sync_copy(scal_v, scal_hbm)

    def mask_body(i, carry):
      lep, len_ = carry
      v = ts_v[pl.ds(i * _L, _L)]
      bits = lax.bitcast_convert_type(v, jnp.int32)
      eqp = bits == pp
      eqn = bits == pn
      cump = jnp.cumsum(eqp.astype(jnp.int32))
      cumn = jnp.cumsum(eqn.astype(jnp.int32))
      pos_sel = (bits > pp) | (eqp & ((lep + cump) <= qpos))
      neg_sel = (bits < pn) | (eqn & ((len_ + cumn) <= qneg))
      pos_v[pl.ds(i * _L, _L)] = (pos_sel & jnp.logical_not(neg_sel)).astype(jnp.float32)
      neg_v[pl.ds(i * _L, _L)] = neg_sel.astype(jnp.float32)
      return (lep + plsc.all_reduce_population_count(eqp),
              len_ + plsc.all_reduce_population_count(eqn))
    lax.fori_loop(0, nv, mask_body, (zi, zi))

    pltpu.sync_copy(pos_v, pos_hbm.at[pl.ds(base, rows)])
    pltpu.sync_copy(neg_v, neg_hbm.at[pl.ds(base, rows)])

  return sel(cls_flat, cent)


def kernel(t_cls_scores, t_centernesses):
  n, nc = t_cls_scores.shape
  k = max(int(n * 0.01), 2)
  joint, posm, negm, scal = _sc_stage(
      t_cls_scores.reshape(-1), t_centernesses.reshape(-1), k, nc)
  return (posm > 0, negm > 0, joint, scal[0], scal[1], joint)

# --- scband reference (transcript-rebuilt; emitter-appended) ---
"""Pipeline reference for scband-rotated-dtblgihead-loss-7610682048917 (READ-ONLY COPY).

The authoritative reference and input builder live on the scoring server;
editing this copy changes nothing except your own understanding.
"""

import jax, jax.numpy as jnp
import numpy as np

N = 174592
NC = 16
RATIO = 0.01


def setup_inputs(seed: int = 0) -> dict:
    key = jax.random.key(seed)
    k1, k2 = jax.random.split(key)
    return {
        "t_cls_scores": jax.random.normal(k1, (N, NC), dtype=jnp.float32),
        "t_centernesses": jax.random.normal(k2, (N, 1), dtype=jnp.float32),
    }


def reference(t_cls_scores, t_centernesses):
    # Faithful JAX port of RotatedDTBLGIHeadLoss.pseudoLabelSelection with mode='topk'
    teacher_probs = jax.nn.sigmoid(t_cls_scores)
    t_scores = jnp.max(teacher_probs, axis=1)
    t_joint_scores = jax.nn.sigmoid(t_centernesses).reshape(-1) * t_scores
    S_dps = jnp.mean(t_scores)
    weight_mask = t_joint_scores
    n = t_cls_scores.shape[0]
    topk_num = max(int(n * RATIO), 2)
    # torch.topk(t_scores, n) -> full descending sort with indices
    pos_sorted_vals, pos_sorted_inds = jax.lax.top_k(t_scores, n)
    # torch.topk(..., largest=False) -> full ascending sort
    neg_vals_neg, neg_sorted_inds = jax.lax.top_k(-t_scores, n)
    mask = jnp.zeros_like(t_scores)
    mask = mask.at[pos_sorted_inds[:topk_num]].set(1.0)
    mask = mask.at[neg_sorted_inds[:topk_num]].set(-1.0)
    fg_num = jnp.sum(pos_sorted_vals[:topk_num])
    pos_mask = mask > 0.0
    neg_mask = mask < 0.0
    return (pos_mask, neg_mask, weight_mask, fg_num, S_dps, t_joint_scores)

if __name__ == "__main__":
    import jax
    _d = setup_inputs()
    print(jax.jit(kernel)(*tuple(_d.values())))

</pallas_src>

<mosaic_0001>
#map = affine_map<(d0, d1) -> (0)>
module attributes {stable_mosaic.version = 14 : i64} {
  func.func @sel(%arg0: i32, %arg1: i32, %arg2: memref<2793472xf32, #tpu.memory_space<hbm>>, %arg3: memref<174592xf32, #tpu.memory_space<hbm>>, %arg4: memref<174592xf32, #tpu.memory_space<hbm>>, %arg5: memref<174592xf32, #tpu.memory_space<hbm>>, %arg6: memref<174592xf32, #tpu.memory_space<hbm>>, %arg7: memref<16xf32, #tpu.memory_space<hbm>>, %arg8: memref<2816xf32, #tpu.memory_space<vmem>>, %arg9: memref<2816xf32, #tpu.memory_space<vmem>>, %arg10: memref<2816xf32, #tpu.memory_space<vmem>>, %arg11: memref<2816xf32, #tpu.memory_space<vmem>>, %arg12: memref<10912xf32, #tpu.memory_space<vmem>>, %arg13: memref<10912xf32, #tpu.memory_space<vmem>>, %arg14: memref<10912xf32, #tpu.memory_space<vmem>>, %arg15: memref<4096xi32, #tpu.memory_space<vmem>>, %arg16: memref<4096xi32, #tpu.memory_space<vmem>>, %arg17: memref<512xi32, #tpu.memory_space<vmem>>, %arg18: memref<8192xi32, #tpu.memory_space<vmem>>, %arg19: memref<512xi32, #tpu.memory_space<vmem>>, %arg20: memref<16xf32, #tpu.memory_space<vmem>>, %arg21: memref<256xf32, #tpu.memory_space<vmem>>, %arg22: memref<16xf32, #tpu.memory_space<vmem>>, %arg23: memref<4x8192xi32, #tpu.memory_space<vmem_shared>>, %arg24: memref<256xf32, #tpu.memory_space<vmem_shared>>, %arg25: memref<!tpu.dma_semaphore, #tpu.memory_space<semaphore_mem>>, %arg26: memref<!tpu.dma_semaphore, #tpu.memory_space<semaphore_mem>>, %arg27: memref<!tpu.dma_semaphore, #tpu.memory_space<semaphore_mem>>, %arg28: memref<!tpu.dma_semaphore, #tpu.memory_space<semaphore_mem>>) attributes {dimension_semantics = [#tpu.dimension_semantics<core_parallel>, #tpu.dimension_semantics<subcore_parallel>], iteration_bounds = array<i64: 1, 16>, scalar_prefetch = 0 : i64, scratch_operands = 21 : i64, tpu.core_type = #tpu.core_type<sc_vector_subcore>, window_params = [{transform_indices = #map}, {transform_indices = #map}, {transform_indices = #map}, {transform_indices = #map}, {transform_indices = #map}, {transform_indices = #map}]} {
    %mul3A = arith.constant 10912 : i32
    %mul3A_0 = arith.muli %arg1, %mul3A : i32
    %iota3A = tpu.iota {dimensions = array<i32: 0>} : vector<16xi32>
    %broadcast_in_dim3A = arith.constant 1 : i32
    %broadcast_in_dim3A_1 = vector.broadcast %broadcast_in_dim3A : i32 to vector<16xi32>
    %broadcast_in_dim3A_2 = arith.constant 0 : i32
    %broadcast_in_dim3A_3 = vector.broadcast %broadcast_in_dim3A_2 : i32 to vector<16xi32>
    %broadcast_in_dim3A_4 = arith.constant 0.000000e+00 : f32
    %broadcast_in_dim3A_5 = vector.broadcast %broadcast_in_dim3A_4 : f32 to vector<16xf32>
    "tpu.region"() ({
      %run_scoped3A_551 = tpu.sem_alloc : memref<!tpu.dma_semaphore, #tpu.memory_space<semaphore_mem>>
      %dma_start3A_552 = tpu.memref_slice %arg3[%mul3A_0] : memref<174592xf32, #tpu.memory_space<hbm>> -> memref<10912xf32, #tpu.memory_space<hbm>>
      %dma_start3A_553 = tpu.memref_slice %arg3[%mul3A_0] : memref<174592xf32, #tpu.memory_space<hbm>> -> memref<10912xf32, #tpu.memory_space<hbm>>
      tpu.enqueue_dma source(%dma_start3A_553 : memref<10912xf32, #tpu.memory_space<hbm>>) target(%arg12 : memref<10912xf32, #tpu.memory_space<vmem>>) target_semaphore(%run_scoped3A_551 : memref<!tpu.dma_semaphore, #tpu.memory_space<semaphore_mem>>)
      %dma_wait3A = tpu.memref_slice %arg3[%mul3A_0] : memref<174592xf32, #tpu.memory_space<hbm>> -> memref<10912xf32, #tpu.memory_space<hbm>>
      %dma_wait3A_554 = tpu.memref_slice %arg3[%mul3A_0] : memref<174592xf32, #tpu.memory_space<hbm>> -> memref<10912xf32, #tpu.memory_space<hbm>>
      tpu.wait_dma2 semaphore(%run_scoped3A_551 : memref<!tpu.dma_semaphore, #tpu.memory_space<semaphore_mem>>) src(%dma_wait3A_554 : memref<10912xf32, #tpu.memory_space<hbm>>) dst(%arg12 : memref<10912xf32, #tpu.memory_space<vmem>>)
      tpu.yield
    }) : () -> ()
    %broadcast_in_dim3A_6 = arith.constant 0 : i32
    %broadcast_in_dim3A_7 = vector.broadcast %broadcast_in_dim3A_6 : i32 to vector<16xi32>
    %broadcast_in_dim3A_8 = arith.constant 1 : i32
    %broadcast_in_dim3A_9 = vector.broadcast %broadcast_in_dim3A_8 : i32 to vector<16xi32>
    %broadcast_in_dim3A_10 = arith.constant 2 : i32
    %broadcast_in_dim3A_11 = vector.broadcast %broadcast_in_dim3A_10 : i32 to vector<16xi32>
    %broadcast_in_dim3A_12 = arith.constant 3 : i32
    %broadcast_in_dim3A_13 = vector.broadcast %broadcast_in_dim3A_12 : i32 to vector<16xi32>
    %broadcast_in_dim3A_14 = arith.constant 4 : i32
    %broadcast_in_dim3A_15 = vector.broadcast %broadcast_in_dim3A_14 : i32 to vector<16xi32>
    %broadcast_in_dim3A_16 = arith.constant 5 : i32
    %broadcast_in_dim3A_17 = vector.broadcast %broadcast_in_dim3A_16 : i32 to vector<16xi32>
    %broadcast_in_dim3A_18 = arith.constant 6 : i32
    %broadcast_in_dim3A_19 = vector.broadcast %broadcast_in_dim3A_18 : i32 to vector<16xi32>
    %broadcast_in_dim3A_20 = arith.constant 7 : i32
    %broadcast_in_dim3A_21 = vector.broadcast %broadcast_in_dim3A_20 : i32 to vector<16xi32>
    %broadcast_in_dim3A_22 = arith.constant 8 : i32
    %broadcast_in_dim3A_23 = vector.broadcast %broadcast_in_dim3A_22 : i32 to vector<16xi32>
    %broadcast_in_dim3A_24 = arith.constant 9 : i32
    %broadcast_in_dim3A_25 = vector.broadcast %broadcast_in_dim3A_24 : i32 to vector<16xi32>
    %broadcast_in_dim3A_26 = arith.constant 10 : i32
    %broadcast_in_dim3A_27 = vector.broadcast %broadcast_in_dim3A_26 : i32 to vector<16xi32>
    %broadcast_in_dim3A_28 = arith.constant 11 : i32
    %broadcast_in_dim3A_29 = vector.broadcast %broadcast_in_dim3A_28 : i32 to vector<16xi32>
    %broadcast_in_dim3A_30 = arith.constant 12 : i32
    %broadcast_in_dim3A_31 = vector.broadcast %broadcast_in_dim3A_30 : i32 to vector<16xi32>
    %broadcast_in_dim3A_32 = arith.constant 13 : i32
    %broadcast_in_dim3A_33 = vector.broadcast %broadcast_in_dim3A_32 : i32 to vector<16xi32>
    %broadcast_in_dim3A_34 = arith.constant 14 : i32
    %broadcast_in_dim3A_35 = vector.broadcast %broadcast_in_dim3A_34 : i32 to vector<16xi32>
    %broadcast_in_dim3A_36 = arith.constant 15 : i32
    %broadcast_in_dim3A_37 = vector.broadcast %broadcast_in_dim3A_36 : i32 to vector<16xi32>
    %add3A = arith.constant 0 : i32
    %add3A_38 = arith.addi %mul3A_0, %add3A : i32
    %mul3A_39 = arith.constant 16 : i32
    %mul3A_40 = arith.muli %add3A_38, %mul3A_39 : i32
    %dma_start3A = tpu.memref_slice %arg2[%mul3A_40] : memref<2793472xf32, #tpu.memory_space<hbm>> -> memref<2816xf32, #tpu.memory_space<hbm>>
    %dma_start3A_41 = tpu.memref_slice %arg2[%mul3A_40] : memref<2793472xf32, #tpu.memory_space<hbm>> -> memref<2816xf32, #tpu.memory_space<hbm>>
    tpu.enqueue_dma source(%dma_start3A_41 : memref<2816xf32, #tpu.memory_space<hbm>>) target(%arg8 : memref<2816xf32, #tpu.memory_space<vmem>>) target_semaphore(%arg25 : memref<!tpu.dma_semaphore, #tpu.memory_space<semaphore_mem>>)
    %add3A_42 = arith.constant 176 : i32
    %add3A_43 = arith.addi %mul3A_0, %add3A_42 : i32
    %mul3A_44 = arith.constant 16 : i32
    %mul3A_45 = arith.muli %add3A_43, %mul3A_44 : i32
    %dma_start3A_46 = tpu.memref_slice %arg2[%mul3A_45] : memref<2793472xf32, #tpu.memory_space<hbm>> -> memref<2816xf32, #tpu.memory_space<hbm>>
    %dma_start3A_47 = tpu.memref_slice %arg2[%mul3A_45] : memref<2793472xf32, #tpu.memory_space<hbm>> -> memref<2816xf32, #tpu.memory_space<hbm>>
    tpu.enqueue_dma source(%dma_start3A_47 : memref<2816xf32, #tpu.memory_space<hbm>>) target(%arg9 : memref<2816xf32, #tpu.memory_space<vmem>>) target_semaphore(%arg26 : memref<!tpu.dma_semaphore, #tpu.memory_space<semaphore_mem>>)
    %add3A_48 = arith.constant 352 : i32
    %add3A_49 = arith.addi %mul3A_0, %add3A_48 : i32
    %mul3A_50 = arith.constant 16 : i32
    %mul3A_51 = arith.muli %add3A_49, %mul3A_50 : i32
    %dma_start3A_52 = tpu.memref_slice %arg2[%mul3A_51] : memref<2793472xf32, #tpu.memory_space<hbm>> -> memref<2816xf32, #tpu.memory_space<hbm>>
    %dma_start3A_53 = tpu.memref_slice %arg2[%mul3A_51] : memref<2793472xf32, #tpu.memory_space<hbm>> -> memref<2816xf32, #tpu.memory_space<hbm>>
    tpu.enqueue_dma source(%dma_start3A_53 : memref<2816xf32, #tpu.memory_space<hbm>>) target(%arg10 : memref<2816xf32, #tpu.memory_space<vmem>>) target_semaphore(%arg27 : memref<!tpu.dma_semaphore, #tpu.memory_space<semaphore_mem>>)
    %scan3A = arith.constant 0 : i32
    %scan3A_54 = arith.constant 0 : i32
    %scan3A_55 = arith.constant 16 : i32
    %scan3A_56 = arith.addi %scan3A_54, %scan3A_55 : i32
    %scan3A_57 = arith.constant 1 : i32
    %scan3A_58 = scf.for %scan3A_551 = %scan3A_54 to %scan3A_56 step %scan3A_57 iter_args(%scan3A_552 = %scan3A) -> (i32)  : i32 {
      %mul3A_553 = arith.constant 4 : i32
      %mul3A_554 = arith.muli %scan3A_551, %mul3A_553 : i32
      %add3A_555 = arith.constant 0 : i32
      %add3A_556 = arith.addi %mul3A_554, %add3A_555 : i32
      %add3A_557 = arith.constant 3 : i32
      %add3A_558 = arith.addi %add3A_556, %add3A_557 : i32
      %lt3A_559 = arith.constant 62 : i32
      %lt3A_560 = arith.cmpi slt, %add3A_558, %lt3A_559 : i32
      %convert_element_type3A_561 = arith.extui %lt3A_560 : i1 to i32
      %cond3A_562 = arith.constant 0 : i32
      %cond3A_563 = arith.cmpi ne, %convert_element_type3A_561, %cond3A_562 : i32
      scf.if %cond3A_563 {
        %add3A_618 = arith.constant 3 : i32
        %add3A_619 = arith.addi %add3A_556, %add3A_618 : i32
        %mul3A_620 = arith.constant 176 : i32
        %mul3A_621 = arith.muli %add3A_619, %mul3A_620 : i32
        %add3A_622 = arith.addi %mul3A_0, %mul3A_621 : i32
        %mul3A_623 = arith.constant 16 : i32
        %mul3A_624 = arith.muli %add3A_622, %mul3A_623 : i32
        %dma_start3A_625 = tpu.memref_slice %arg2[%mul3A_624] : memref<2793472xf32, #tpu.memory_space<hbm>> -> memref<2816xf32, #tpu.memory_space<hbm>>
        %dma_start3A_626 = tpu.memref_slice %arg2[%mul3A_624] : memref<2793472xf32, #tpu.memory_space<hbm>> -> memref<2816xf32, #tpu.memory_space<hbm>>
        tpu.enqueue_dma source(%dma_start3A_626 : memref<2816xf32, #tpu.memory_space<hbm>>) target(%arg11 : memref<2816xf32, #tpu.memory_space<vmem>>) target_semaphore(%arg28 : memref<!tpu.dma_semaphore, #tpu.memory_space<semaphore_mem>>)
      } else {
      }
      %lt3A_564 = arith.constant 62 : i32
      %lt3A_565 = arith.cmpi slt, %add3A_556, %lt3A_564 : i32
      %convert_element_type3A_566 = arith.extui %lt3A_565 : i1 to i32
      %cond3A_567 = arith.constant 0 : i32
      %cond3A_568 = arith.cmpi ne, %convert_element_type3A_566, %cond3A_567 : i32
      scf.if %cond3A_568 {
        %mul3A_618 = arith.constant 176 : i32
        %mul3A_619 = arith.muli %add3A_556, %mul3A_618 : i32
        %add3A_620 = arith.addi %mul3A_0, %mul3A_619 : i32
        %mul3A_621 = arith.constant 16 : i32
        %mul3A_622 = arith.muli %add3A_620, %mul3A_621 : i32
        %dma_wait3A = tpu.memref_slice %arg2[%mul3A_622] : memref<2793472xf32, #tpu.memory_space<hbm>> -> memref<2816xf32, #tpu.memory_space<hbm>>
        %dma_wait3A_623 = tpu.memref_slice %arg2[%mul3A_622] : memref<2793472xf32, #tpu.memory_space<hbm>> -> memref<2816xf32, #tpu.memory_space<hbm>>
        tpu.wait_dma2 semaphore(%arg25 : memref<!tpu.dma_semaphore, #tpu.memory_space<semaphore_mem>>) src(%dma_wait3A_623 : memref<2816xf32, #tpu.memory_space<hbm>>) dst(%arg8 : memref<2816xf32, #tpu.memory_space<vmem>>)
        %mul3A_624 = arith.constant 176 : i32
        %mul3A_625 = arith.muli %add3A_556, %mul3A_624 : i32
        %scan3A_626 = arith.constant 0 : i32
        %scan3A_627 = arith.constant 0 : i32
        %scan3A_628 = arith.constant 11 : i32
        %scan3A_629 = arith.addi %scan3A_627, %scan3A_628 : i32
        %scan3A_630 = arith.constant 1 : i32
        %scan3A_631 = scf.for %scan3A_633 = %scan3A_627 to %scan3A_629 step %scan3A_630 iter_args(%scan3A_634 = %scan3A_626) -> (i32)  : i32 {
          %mul3A_635 = arith.constant 16 : i32
          %mul3A_636 = arith.muli %scan3A_633, %mul3A_635 : i32
          %add3A_637 = vector.broadcast %mul3A_636 : i32 to vector<16xi32>
          %add3A_638 = arith.addi %add3A_637, %iota3A : vector<16xi32>
          %mul3A_639 = arith.constant 16 : i32
          %mul3A_640 = vector.broadcast %mul3A_639 : i32 to vector<16xi32>
          %mul3A_641 = arith.muli %add3A_638, %mul3A_640 : vector<16xi32>
          %add3A_642 = arith.addi %mul3A_641, %broadcast_in_dim3A_7 : vector<16xi32>
          %gather3A_643 = tpu.vector_load_idx %arg8[%add3A_642] : memref<2816xf32, #tpu.memory_space<vmem>>[vector<16xi32>], vector<16xf32>,
          %add3A_644 = arith.addi %mul3A_641, %broadcast_in_dim3A_9 : vector<16xi32>
          %gather3A_645 = tpu.vector_load_idx %arg8[%add3A_644] : memref<2816xf32, #tpu.memory_space<vmem>>[vector<16xi32>], vector<16xf32>,
          %max3A = arith.maximumf %gather3A_643, %gather3A_645 : vector<16xf32>
          %add3A_646 = arith.addi %mul3A_641, %broadcast_in_dim3A_11 : vector<16xi32>
          %gather3A_647 = tpu.vector_load_idx %arg8[%add3A_646] : memref<2816xf32, #tpu.memory_space<vmem>>[vector<16xi32>], vector<16xf32>,
          %max3A_648 = arith.maximumf %max3A, %gather3A_647 : vector<16xf32>
          %add3A_649 = arith.addi %mul3A_641, %broadcast_in_dim3A_13 : vector<16xi32>
          %gather3A_650 = tpu.vector_load_idx %arg8[%add3A_649] : memref<2816xf32, #tpu.memory_space<vmem>>[vector<16xi32>], vector<16xf32>,
          %max3A_651 = arith.maximumf %max3A_648, %gather3A_650 : vector<16xf32>
          %add3A_652 = arith.addi %mul3A_641, %broadcast_in_dim3A_15 : vector<16xi32>
          %gather3A_653 = tpu.vector_load_idx %arg8[%add3A_652] : memref<2816xf32, #tpu.memory_space<vmem>>[vector<16xi32>], vector<16xf32>,
          %max3A_654 = arith.maximumf %max3A_651, %gather3A_653 : vector<16xf32>
          %add3A_655 = arith.addi %mul3A_641, %broadcast_in_dim3A_17 : vector<16xi32>
          %gather3A_656 = tpu.vector_load_idx %arg8[%add3A_655] : memref<2816xf32, #tpu.memory_space<vmem>>[vector<16xi32>], vector<16xf32>,
          %max3A_657 = arith.maximumf %max3A_654, %gather3A_656 : vector<16xf32>
          %add3A_658 = arith.addi %mul3A_641, %broadcast_in_dim3A_19 : vector<16xi32>
          %gather3A_659 = tpu.vector_load_idx %arg8[%add3A_658] : memref<2816xf32, #tpu.memory_space<vmem>>[vector<16xi32>], vector<16xf32>,
          %max3A_660 = arith.maximumf %max3A_657, %gather3A_659 : vector<16xf32>
          %add3A_661 = arith.addi %mul3A_641, %broadcast_in_dim3A_21 : vector<16xi32>
          %gather3A_662 = tpu.vector_load_idx %arg8[%add3A_661] : memref<2816xf32, #tpu.memory_space<vmem>>[vector<16xi32>], vector<16xf32>,
          %max3A_663 = arith.maximumf %max3A_660, %gather3A_662 : vector<16xf32>
          %add3A_664 = arith.addi %mul3A_641, %broadcast_in_dim3A_23 : vector<16xi32>
          %gather3A_665 = tpu.vector_load_idx %arg8[%add3A_664] : memref<2816xf32, #tpu.memory_space<vmem>>[vector<16xi32>], vector<16xf32>,
          %max3A_666 = arith.maximumf %max3A_663, %gather3A_665 : vector<16xf32>
          %add3A_667 = arith.addi %mul3A_641, %broadcast_in_dim3A_25 : vector<16xi32>
          %gather3A_668 = tpu.vector_load_idx %arg8[%add3A_667] : memref<2816xf32, #tpu.memory_space<vmem>>[vector<16xi32>], vector<16xf32>,
          %max3A_669 = arith.maximumf %max3A_666, %gather3A_668 : vector<16xf32>
          %add3A_670 = arith.addi %mul3A_641, %broadcast_in_dim3A_27 : vector<16xi32>
          %gather3A_671 = tpu.vector_load_idx %arg8[%add3A_670] : memref<2816xf32, #tpu.memory_space<vmem>>[vector<16xi32>], vector<16xf32>,
          %max3A_672 = arith.maximumf %max3A_669, %gather3A_671 : vector<16xf32>
          %add3A_673 = arith.addi %mul3A_641, %broadcast_in_dim3A_29 : vector<16xi32>
          %gather3A_674 = tpu.vector_load_idx %arg8[%add3A_673] : memref<2816xf32, #tpu.memory_space<vmem>>[vector<16xi32>], vector<16xf32>,
          %max3A_675 = arith.maximumf %max3A_672, %gather3A_674 : vector<16xf32>
          %add3A_676 = arith.addi %mul3A_641, %broadcast_in_dim3A_31 : vector<16xi32>
          %gather3A_677 = tpu.vector_load_idx %arg8[%add3A_676] : memref<2816xf32, #tpu.memory_space<vmem>>[vector<16xi32>], vector<16xf32>,
          %max3A_678 = arith.maximumf %max3A_675, %gather3A_677 : vector<16xf32>
          %add3A_679 = arith.addi %mul3A_641, %broadcast_in_dim3A_33 : vector<16xi32>
          %gather3A_680 = tpu.vector_load_idx %arg8[%add3A_679] : memref<2816xf32, #tpu.memory_space<vmem>>[vector<16xi32>], vector<16xf32>,
          %max3A_681 = arith.maximumf %max3A_678, %gather3A_680 : vector<16xf32>
          %add3A_682 = arith.addi %mul3A_641, %broadcast_in_dim3A_35 : vector<16xi32>
          %gather3A_683 = tpu.vector_load_idx %arg8[%add3A_682] : memref<2816xf32, #tpu.memory_space<vmem>>[vector<16xi32>], vector<16xf32>,
          %max3A_684 = arith.maximumf %max3A_681, %gather3A_683 : vector<16xf32>
          %add3A_685 = arith.addi %mul3A_641, %broadcast_in_dim3A_37 : vector<16xi32>
          %gather3A_686 = tpu.vector_load_idx %arg8[%add3A_685] : memref<2816xf32, #tpu.memory_space<vmem>>[vector<16xi32>], vector<16xf32>,
          %max3A_687 = arith.maximumf %max3A_684, %gather3A_686 : vector<16xf32>
          %mul3A_688 = arith.constant 16 : i32
          %mul3A_689 = arith.muli %scan3A_633, %mul3A_688 : i32
          %add3A_690 = arith.addi %mul3A_625, %mul3A_689 : i32
          %swap3A_691 = arith.index_cast %add3A_690 : i32 to index
          %swap3A_692 = tpu.vector_load %arg14[%swap3A_691] {strides = array<i32>} : memref<10912xf32, #tpu.memory_space<vmem>>, vector<16xf32>,
          tpu.vector_store %arg14[%swap3A_691], %max3A_687 {strides = array<i32>} : memref<10912xf32, #tpu.memory_space<vmem>>, vector<16xf32>,
          %scan3A_693 = arith.constant 0 : i32
          scf.yield %scan3A_693 : i32
        }
        %scan3A_632 = arith.constant 11 : i32
      } else {
      }
      %mul3A_569 = arith.constant 4 : i32
      %mul3A_570 = arith.muli %scan3A_551, %mul3A_569 : i32
      %add3A_571 = arith.constant 1 : i32
      %add3A_572 = arith.addi %mul3A_570, %add3A_571 : i32
      %add3A_573 = arith.constant 3 : i32
      %add3A_574 = arith.addi %add3A_572, %add3A_573 : i32
      %lt3A_575 = arith.constant 62 : i32
      %lt3A_576 = arith.cmpi slt, %add3A_574, %lt3A_575 : i32
      %convert_element_type3A_577 = arith.extui %lt3A_576 : i1 to i32
      %cond3A_578 = arith.constant 0 : i32
      %cond3A_579 = arith.cmpi ne, %convert_element_type3A_577, %cond3A_578 : i32
      scf.if %cond3A_579 {
        %add3A_618 = arith.constant 3 : i32
        %add3A_619 = arith.addi %add3A_572, %add3A_618 : i32
        %mul3A_620 = arith.constant 176 : i32
        %mul3A_621 = arith.muli %add3A_619, %mul3A_620 : i32
        %add3A_622 = arith.addi %mul3A_0, %mul3A_621 : i32
        %mul3A_623 = arith.constant 16 : i32
        %mul3A_624 = arith.muli %add3A_622, %mul3A_623 : i32
        %dma_start3A_625 = tpu.memref_slice %arg2[%mul3A_624] : memref<2793472xf32, #tpu.memory_space<hbm>> -> memref<2816xf32, #tpu.memory_space<hbm>>
        %dma_start3A_626 = tpu.memref_slice %arg2[%mul3A_624] : memref<2793472xf32, #tpu.memory_space<hbm>> -> memref<2816xf32, #tpu.memory_space<hbm>>
        tpu.enqueue_dma source(%dma_start3A_626 : memref<2816xf32, #tpu.memory_space<hbm>>) target(%arg8 : memref<2816xf32, #tpu.memory_space<vmem>>) target_semaphore(%arg25 : memref<!tpu.dma_semaphore, #tpu.memory_space<semaphore_mem>>)
      } else {
      }
      %lt3A_580 = arith.constant 62 : i32
      %lt3A_581 = arith.cmpi slt, %add3A_572, %lt3A_580 : i32
      %convert_element_type3A_582 = arith.extui %lt3A_581 : i1 to i32
      %cond3A_583 = arith.constant 0 : i32
      %cond3A_584 = arith.cmpi ne, %convert_element_type3A_582, %cond3A_583 : i32
      scf.if %cond3A_584 {
        %mul3A_618 = arith.constant 176 : i32
        %mul3A_619 = arith.muli %add3A_572, %mul3A_618 : i32
        %add3A_620 = arith.addi %mul3A_0, %mul3A_619 : i32
        %mul3A_621 = arith.constant 16 : i32
        %mul3A_622 = arith.muli %add3A_620, %mul3A_621 : i32
        %dma_wait3A = tpu.memref_slice %arg2[%mul3A_622] : memref<2793472xf32, #tpu.memory_space<hbm>> -> memref<2816xf32, #tpu.memory_space<hbm>>
        %dma_wait3A_623 = tpu.memref_slice %arg2[%mul3A_622] : memref<2793472xf32, #tpu.memory_space<hbm>> -> memref<2816xf32, #tpu.memory_space<hbm>>
        tpu.wait_dma2 semaphore(%arg26 : memref<!tpu.dma_semaphore, #tpu.memory_space<semaphore_mem>>) src(%dma_wait3A_623 : memref<2816xf32, #tpu.memory_space<hbm>>) dst(%arg9 : memref<2816xf32, #tpu.memory_space<vmem>>)
        %mul3A_624 = arith.constant 176 : i32
        %mul3A_625 = arith.muli %add3A_572, %mul3A_624 : i32
        %scan3A_626 = arith.constant 0 : i32
        %scan3A_627 = arith.constant 0 : i32
        %scan3A_628 = arith.constant 11 : i32
        %scan3A_629 = arith.addi %scan3A_627, %scan3A_628 : i32
        %scan3A_630 = arith.constant 1 : i32
        %scan3A_631 = scf.for %scan3A_633 = %scan3A_627 to %scan3A_629 step %scan3A_630 iter_args(%scan3A_634 = %scan3A_626) -> (i32)  : i32 {
          %mul3A_635 = arith.constant 16 : i32
          %mul3A_636 = arith.muli %scan3A_633, %mul3A_635 : i32
          %add3A_637 = vector.broadcast %mul3A_636 : i32 to vector<16xi32>
          %add3A_638 = arith.addi %add3A_637, %iota3A : vector<16xi32>
          %mul3A_639 = arith.constant 16 : i32
          %mul3A_640 = vector.broadcast %mul3A_639 : i32 to vector<16xi32>
          %mul3A_641 = arith.muli %add3A_638, %mul3A_640 : vector<16xi32>
          %add3A_642 = arith.addi %mul3A_641, %broadcast_in_dim3A_7 : vector<16xi32>
          %gather3A_643 = tpu.vector_load_idx %arg9[%add3A_642] : memref<2816xf32, #tpu.memory_space<vmem>>[vector<16xi32>], vector<16xf32>,
          %add3A_644 = arith.addi %mul3A_641, %broadcast_in_dim3A_9 : vector<16xi32>
          %gather3A_645 = tpu.vector_load_idx %arg9[%add3A_644] : memref<2816xf32, #tpu.memory_space<vmem>>[vector<16xi32>], vector<16xf32>,
          %max3A = arith.maximumf %gather3A_643, %gather3A_645 : vector<16xf32>
          %add3A_646 = arith.addi %mul3A_641, %broadcast_in_dim3A_11 : vector<16xi32>
          %gather3A_647 = tpu.vector_load_idx %arg9[%add3A_646] : memref<2816xf32, #tpu.memory_space<vmem>>[vector<16xi32>], vector<16xf32>,
          %max3A_648 = arith.maximumf %max3A, %gather3A_647 : vector<16xf32>
          %add3A_649 = arith.addi %mul3A_641, %broadcast_in_dim3A_13 : vector<16xi32>
          %gather3A_650 = tpu.vector_load_idx %arg9[%add3A_649] : memref<2816xf32, #tpu.memory_space<vmem>>[vector<16xi32>], vector<16xf32>,
          %max3A_651 = arith.maximumf %max3A_648, %gather3A_650 : vector<16xf32>
          %add3A_652 = arith.addi %mul3A_641, %broadcast_in_dim3A_15 : vector<16xi32>
          %gather3A_653 = tpu.vector_load_idx %arg9[%add3A_652] : memref<2816xf32, #tpu.memory_space<vmem>>[vector<16xi32>], vector<16xf32>,
          %max3A_654 = arith.maximumf %max3A_651, %gather3A_653 : vector<16xf32>
          %add3A_655 = arith.addi %mul3A_641, %broadcast_in_dim3A_17 : vector<16xi32>
          %gather3A_656 = tpu.vector_load_idx %arg9[%add3A_655] : memref<2816xf32, #tpu.memory_space<vmem>>[vector<16xi32>], vector<16xf32>,
          %max3A_657 = arith.maximumf %max3A_654, %gather3A_656 : vector<16xf32>
          %add3A_658 = arith.addi %mul3A_641, %broadcast_in_dim3A_19 : vector<16xi32>
          %gather3A_659 = tpu.vector_load_idx %arg9[%add3A_658] : memref<2816xf32, #tpu.memory_space<vmem>>[vector<16xi32>], vector<16xf32>,
          %max3A_660 = arith.maximumf %max3A_657, %gather3A_659 : vector<16xf32>
          %add3A_661 = arith.addi %mul3A_641, %broadcast_in_dim3A_21 : vector<16xi32>
          %gather3A_662 = tpu.vector_load_idx %arg9[%add3A_661] : memref<2816xf32, #tpu.memory_space<vmem>>[vector<16xi32>], vector<16xf32>,
          %max3A_663 = arith.maximumf %max3A_660, %gather3A_662 : vector<16xf32>
          %add3A_664 = arith.addi %mul3A_641, %broadcast_in_dim3A_23 : vector<16xi32>
          %gather3A_665 = tpu.vector_load_idx %arg9[%add3A_664] : memref<2816xf32, #tpu.memory_space<vmem>>[vector<16xi32>], vector<16xf32>,
          %max3A_666 = arith.maximumf %max3A_663, %gather3A_665 : vector<16xf32>
          %add3A_667 = arith.addi %mul3A_641, %broadcast_in_dim3A_25 : vector<16xi32>
          %gather3A_668 = tpu.vector_load_idx %arg9[%add3A_667] : memref<2816xf32, #tpu.memory_space<vmem>>[vector<16xi32>], vector<16xf32>,
          %max3A_669 = arith.maximumf %max3A_666, %gather3A_668 : vector<16xf32>
          %add3A_670 = arith.addi %mul3A_641, %broadcast_in_dim3A_27 : vector<16xi32>
          %gather3A_671 = tpu.vector_load_idx %arg9[%add3A_670] : memref<2816xf32, #tpu.memory_space<vmem>>[vector<16xi32>], vector<16xf32>,
          %max3A_672 = arith.maximumf %max3A_669, %gather3A_671 : vector<16xf32>
          %add3A_673 = arith.addi %mul3A_641, %broadcast_in_dim3A_29 : vector<16xi32>
          %gather3A_674 = tpu.vector_load_idx %arg9[%add3A_673] : memref<2816xf32, #tpu.memory_space<vmem>>[vector<16xi32>], vector<16xf32>,
          %max3A_675 = arith.maximumf %max3A_672, %gather3A_674 : vector<16xf32>
          %add3A_676 = arith.addi %mul3A_641, %broadcast_in_dim3A_31 : vector<16xi32>
          %gather3A_677 = tpu.vector_load_idx %arg9[%add3A_676] : memref<2816xf32, #tpu.memory_space<vmem>>[vector<16xi32>], vector<16xf32>,
          %max3A_678 = arith.maximumf %max3A_675, %gather3A_677 : vector<16xf32>
          %add3A_679 = arith.addi %mul3A_641, %broadcast_in_dim3A_33 : vector<16xi32>
          %gather3A_680 = tpu.vector_load_idx %arg9[%add3A_679] : memref<2816xf32, #tpu.memory_space<vmem>>[vector<16xi32>], vector<16xf32>,
          %max3A_681 = arith.maximumf %max3A_678, %gather3A_680 : vector<16xf32>
          %add3A_682 = arith.addi %mul3A_641, %broadcast_in_dim3A_35 : vector<16xi32>
          %gather3A_683 = tpu.vector_load_idx %arg9[%add3A_682] : memref<2816xf32, #tpu.memory_space<vmem>>[vector<16xi32>], vector<16xf32>,
          %max3A_684 = arith.maximumf %max3A_681, %gather3A_683 : vector<16xf32>
          %add3A_685 = arith.addi %mul3A_641, %broadcast_in_dim3A_37 : vector<16xi32>
          %gather3A_686 = tpu.vector_load_idx %arg9[%add3A_685] : memref<2816xf32, #tpu.memory_space<vmem>>[vector<16xi32>], vector<16xf32>,
          %max3A_687 = arith.maximumf %max3A_684, %gather3A_686 : vector<16xf32>
          %mul3A_688 = arith.constant 16 : i32
          %mul3A_689 = arith.muli %scan3A_633, %mul3A_688 : i32
          %add3A_690 = arith.addi %mul3A_625, %mul3A_689 : i32
          %swap3A_691 = arith.index_cast %add3A_690 : i32 to index
          %swap3A_692 = tpu.vector_load %arg14[%swap3A_691] {strides = array<i32>} : memref<10912xf32, #tpu.memory_space<vmem>>, vector<16xf32>,
          tpu.vector_store %arg14[%swap3A_691], %max3A_687 {strides = array<i32>} : memref<10912xf32, #tpu.memory_space<vmem>>, vector<16xf32>,
          %scan3A_693 = arith.constant 0 : i32
          scf.yield %scan3A_693 : i32
        }
        %scan3A_632 = arith.constant 11 : i32
      } else {
      }
      %mul3A_585 = arith.constant 4 : i32
      %mul3A_586 = arith.muli %scan3A_551, %mul3A_585 : i32
      %add3A_587 = arith.constant 2 : i32
      %add3A_588 = arith.addi %mul3A_586, %add3A_587 : i32
      %add3A_589 = arith.constant 3 : i32
      %add3A_590 = arith.addi %add3A_588, %add3A_589 : i32
      %lt3A_591 = arith.constant 62 : i32
      %lt3A_592 = arith.cmpi slt, %add3A_590, %lt3A_591 : i32
      %convert_element_type3A_593 = arith.extui %lt3A_592 : i1 to i32
      %cond3A_594 = arith.constant 0 : i32
      %cond3A_595 = arith.cmpi ne, %convert_element_type3A_593, %cond3A_594 : i32
      scf.if %cond3A_595 {
        %add3A_618 = arith.constant 3 : i32
        %add3A_619 = arith.addi %add3A_588, %add3A_618 : i32
        %mul3A_620 = arith.constant 176 : i32
        %mul3A_621 = arith.muli %add3A_619, %mul3A_620 : i32
        %add3A_622 = arith.addi %mul3A_0, %mul3A_621 : i32
        %mul3A_623 = arith.constant 16 : i32
        %mul3A_624 = arith.muli %add3A_622, %mul3A_623 : i32
        %dma_start3A_625 = tpu.memref_slice %arg2[%mul3A_624] : memref<2793472xf32, #tpu.memory_space<hbm>> -> memref<2816xf32, #tpu.memory_space<hbm>>
        %dma_start3A_626 = tpu.memref_slice %arg2[%mul3A_624] : memref<2793472xf32, #tpu.memory_space<hbm>> -> memref<2816xf32, #tpu.memory_space<hbm>>
        tpu.enqueue_dma source(%dma_start3A_626 : memref<2816xf32, #tpu.memory_space<hbm>>) target(%arg9 : memref<2816xf32, #tpu.memory_space<vmem>>) target_semaphore(%arg26 : memref<!tpu.dma_semaphore, #tpu.memory_space<semaphore_mem>>)
      } else {
      }
      %lt3A_596 = arith.constant 62 : i32
      %lt3A_597 = arith.cmpi slt, %add3A_588, %lt3A_596 : i32
      %convert_element_type3A_598 = arith.extui %lt3A_597 : i1 to i32
      %cond3A_599 = arith.constant 0 : i32
      %cond3A_600 = arith.cmpi ne, %convert_element_type3A_598, %cond3A_599 : i32
      scf.if %cond3A_600 {
        %mul3A_618 = arith.constant 176 : i32
        %mul3A_619 = arith.muli %add3A_588, %mul3A_618 : i32
        %add3A_620 = arith.addi %mul3A_0, %mul3A_619 : i32
        %mul3A_621 = arith.constant 16 : i32
        %mul3A_622 = arith.muli %add3A_620, %mul3A_621 : i32
        %dma_wait3A = tpu.memref_slice %arg2[%mul3A_622] : memref<2793472xf32, #tpu.memory_space<hbm>> -> memref<2816xf32, #tpu.memory_space<hbm>>
        %dma_wait3A_623 = tpu.memref_slice %arg2[%mul3A_622] : memref<2793472xf32, #tpu.memory_space<hbm>> -> memref<2816xf32, #tpu.memory_space<hbm>>
        tpu.wait_dma2 semaphore(%arg27 : memref<!tpu.dma_semaphore, #tpu.memory_space<semaphore_mem>>) src(%dma_wait3A_623 : memref<2816xf32, #tpu.memory_space<hbm>>) dst(%arg10 : memref<2816xf32, #tpu.memory_space<vmem>>)
        %mul3A_624 = arith.constant 176 : i32
        %mul3A_625 = arith.muli %add3A_588, %mul3A_624 : i32
        %scan3A_626 = arith.constant 0 : i32
        %scan3A_627 = arith.constant 0 : i32
        %scan3A_628 = arith.constant 11 : i32
        %scan3A_629 = arith.addi %scan3A_627, %scan3A_628 : i32
        %scan3A_630 = arith.constant 1 : i32
        %scan3A_631 = scf.for %scan3A_633 = %scan3A_627 to %scan3A_629 step %scan3A_630 iter_args(%scan3A_634 = %scan3A_626) -> (i32)  : i32 {
          %mul3A_635 = arith.constant 16 : i32
          %mul3A_636 = arith.muli %scan3A_633, %mul3A_635 : i32
          %add3A_637 = vector.broadcast %mul3A_636 : i32 to vector<16xi32>
          %add3A_638 = arith.addi %add3A_637, %iota3A : vector<16xi32>
          %mul3A_639 = arith.constant 16 : i32
          %mul3A_640 = vector.broadcast %mul3A_639 : i32 to vector<16xi32>
          %mul3A_641 = arith.muli %add3A_638, %mul3A_640 : vector<16xi32>
          %add3A_642 = arith.addi %mul3A_641, %broadcast_in_dim3A_7 : vector<16xi32>
          %gather3A_643 = tpu.vector_load_idx %arg10[%add3A_642] : memref<2816xf32, #tpu.memory_space<vmem>>[vector<16xi32>], vector<16xf32>,
          %add3A_644 = arith.addi %mul3A_641, %broadcast_in_dim3A_9 : vector<16xi32>
          %gather3A_645 = tpu.vector_load_idx %arg10[%add3A_644] : memref<2816xf32, #tpu.memory_space<vmem>>[vector<16xi32>], vector<16xf32>,
          %max3A = arith.maximumf %gather3A_643, %gather3A_645 : vector<16xf32>
          %add3A_646 = arith.addi %mul3A_641, %broadcast_in_dim3A_11 : vector<16xi32>
          %gather3A_647 = tpu.vector_load_idx %arg10[%add3A_646] : memref<2816xf32, #tpu.memory_space<vmem>>[vector<16xi32>], vector<16xf32>,
          %max3A_648 = arith.maximumf %max3A, %gather3A_647 : vector<16xf32>
          %add3A_649 = arith.addi %mul3A_641, %broadcast_in_dim3A_13 : vector<16xi32>
          %gather3A_650 = tpu.vector_load_idx %arg10[%add3A_649] : memref<2816xf32, #tpu.memory_space<vmem>>[vector<16xi32>], vector<16xf32>,
          %max3A_651 = arith.maximumf %max3A_648, %gather3A_650 : vector<16xf32>
          %add3A_652 = arith.addi %mul3A_641, %broadcast_in_dim3A_15 : vector<16xi32>
          %gather3A_653 = tpu.vector_load_idx %arg10[%add3A_652] : memref<2816xf32, #tpu.memory_space<vmem>>[vector<16xi32>], vector<16xf32>,
          %max3A_654 = arith.maximumf %max3A_651, %gather3A_653 : vector<16xf32>
          %add3A_655 = arith.addi %mul3A_641, %broadcast_in_dim3A_17 : vector<16xi32>
          %gather3A_656 = tpu.vector_load_idx %arg10[%add3A_655] : memref<2816xf32, #tpu.memory_space<vmem>>[vector<16xi32>], vector<16xf32>,
          %max3A_657 = arith.maximumf %max3A_654, %gather3A_656 : vector<16xf32>
          %add3A_658 = arith.addi %mul3A_641, %broadcast_in_dim3A_19 : vector<16xi32>
          %gather3A_659 = tpu.vector_load_idx %arg10[%add3A_658] : memref<2816xf32, #tpu.memory_space<vmem>>[vector<16xi32>], vector<16xf32>,
          %max3A_660 = arith.maximumf %max3A_657, %gather3A_659 : vector<16xf32>
          %add3A_661 = arith.addi %mul3A_641, %broadcast_in_dim3A_21 : vector<16xi32>
          %gather3A_662 = tpu.vector_load_idx %arg10[%add3A_661] : memref<2816xf32, #tpu.memory_space<vmem>>[vector<16xi32>], vector<16xf32>,
          %max3A_663 = arith.maximumf %max3A_660, %gather3A_662 : vector<16xf32>
          %add3A_664 = arith.addi %mul3A_641, %broadcast_in_dim3A_23 : vector<16xi32>
          %gather3A_665 = tpu.vector_load_idx %arg10[%add3A_664] : memref<2816xf32, #tpu.memory_space<vmem>>[vector<16xi32>], vector<16xf32>,
          %max3A_666 = arith.maximumf %max3A_663, %gather3A_665 : vector<16xf32>
          %add3A_667 = arith.addi %mul3A_641, %broadcast_in_dim3A_25 : vector<16xi32>
          %gather3A_668 = tpu.vector_load_idx %arg10[%add3A_667] : memref<2816xf32, #tpu.memory_space<vmem>>[vector<16xi32>], vector<16xf32>,
          %max3A_669 = arith.maximumf %max3A_666, %gather3A_668 : vector<16xf32>
          %add3A_670 = arith.addi %mul3A_641, %broadcast_in_dim3A_27 : vector<16xi32>
          %gather3A_671 = tpu.vector_load_idx %arg10[%add3A_670] : memref<2816xf32, #tpu.memory_space<vmem>>[vector<16xi32>], vector<16xf32>,
          %max3A_672 = arith.maximumf %max3A_669, %gather3A_671 : vector<16xf32>
          %add3A_673 = arith.addi %mul3A_641, %broadcast_in_dim3A_29 : vector<16xi32>
          %gather3A_674 = tpu.vector_load_idx %arg10[%add3A_673] : memref<2816xf32, #tpu.memory_space<vmem>>[vector<16xi32>], vector<16xf32>,
          %max3A_675 = arith.maximumf %max3A_672, %gather3A_674 : vector<16xf32>
          %add3A_676 = arith.addi %mul3A_641, %broadcast_in_dim3A_31 : vector<16xi32>
          %gather3A_677 = tpu.vector_load_idx %arg10[%add3A_676] : memref<2816xf32, #tpu.memory_space<vmem>>[vector<16xi32>], vector<16xf32>,
          %max3A_678 = arith.maximumf %max3A_675, %gather3A_677 : vector<16xf32>
          %add3A_679 = arith.addi %mul3A_641, %broadcast_in_dim3A_33 : vector<16xi32>
          %gather3A_680 = tpu.vector_load_idx %arg10[%add3A_679] : memref<2816xf32, #tpu.memory_space<vmem>>[vector<16xi32>], vector<16xf32>,
          %max3A_681 = arith.maximumf %max3A_678, %gather3A_680 : vector<16xf32>
          %add3A_682 = arith.addi %mul3A_641, %broadcast_in_dim3A_35 : vector<16xi32>
          %gather3A_683 = tpu.vector_load_idx %arg10[%add3A_682] : memref<2816xf32, #tpu.memory_space<vmem>>[vector<16xi32>], vector<16xf32>,
          %max3A_684 = arith.maximumf %max3A_681, %gather3A_683 : vector<16xf32>
          %add3A_685 = arith.addi %mul3A_641, %broadcast_in_dim3A_37 : vector<16xi32>
          %gather3A_686 = tpu.vector_load_idx %arg10[%add3A_685] : memref<2816xf32, #tpu.memory_space<vmem>>[vector<16xi32>], vector<16xf32>,
          %max3A_687 = arith.maximumf %max3A_684, %gather3A_686 : vector<16xf32>
          %mul3A_688 = arith.constant 16 : i32
          %mul3A_689 = arith.muli %scan3A_633, %mul3A_688 : i32
          %add3A_690 = arith.addi %mul3A_625, %mul3A_689 : i32
          %swap3A_691 = arith.index_cast %add3A_690 : i32 to index
          %swap3A_692 = tpu.vector_load %arg14[%swap3A_691] {strides = array<i32>} : memref<10912xf32, #tpu.memory_space<vmem>>, vector<16xf32>,
          tpu.vector_store %arg14[%swap3A_691], %max3A_687 {strides = array<i32>} : memref<10912xf32, #tpu.memory_space<vmem>>, vector<16xf32>,
          %scan3A_693 = arith.constant 0 : i32
          scf.yield %scan3A_693 : i32
        }
        %scan3A_632 = arith.constant 11 : i32
      } else {
      }
      %mul3A_601 = arith.constant 4 : i32
      %mul3A_602 = arith.muli %scan3A_551, %mul3A_601 : i32
      %add3A_603 = arith.constant 3 : i32
      %add3A_604 = arith.addi %mul3A_602, %add3A_603 : i32
      %add3A_605 = arith.constant 3 : i32
      %add3A_606 = arith.addi %add3A_604, %add3A_605 : i32
      %lt3A_607 = arith.constant 62 : i32
      %lt3A_608 = arith.cmpi slt, %add3A_606, %lt3A_607 : i32
      %convert_element_type3A_609 = arith.extui %lt3A_608 : i1 to i32
      %cond3A_610 = arith.constant 0 : i32
      %cond3A_611 = arith.cmpi ne, %convert_element_type3A_609, %cond3A_610 : i32
      scf.if %cond3A_611 {
        %add3A_618 = arith.constant 3 : i32
        %add3A_619 = arith.addi %add3A_604, %add3A_618 : i32
        %mul3A_620 = arith.constant 176 : i32
        %mul3A_621 = arith.muli %add3A_619, %mul3A_620 : i32
        %add3A_622 = arith.addi %mul3A_0, %mul3A_621 : i32
        %mul3A_623 = arith.constant 16 : i32
        %mul3A_624 = arith.muli %add3A_622, %mul3A_623 : i32
        %dma_start3A_625 = tpu.memref_slice %arg2[%mul3A_624] : memref<2793472xf32, #tpu.memory_space<hbm>> -> memref<2816xf32, #tpu.memory_space<hbm>>
        %dma_start3A_626 = tpu.memref_slice %arg2[%mul3A_624] : memref<2793472xf32, #tpu.memory_space<hbm>> -> memref<2816xf32, #tpu.memory_space<hbm>>
        tpu.enqueue_dma source(%dma_start3A_626 : memref<2816xf32, #tpu.memory_space<hbm>>) target(%arg10 : memref<2816xf32, #tpu.memory_space<vmem>>) target_semaphore(%arg27 : memref<!tpu.dma_semaphore, #tpu.memory_space<semaphore_mem>>)
      } else {
      }
      %lt3A_612 = arith.constant 62 : i32
      %lt3A_613 = arith.cmpi slt, %add3A_604, %lt3A_612 : i32
      %convert_element_type3A_614 = arith.extui %lt3A_613 : i1 to i32
      %cond3A_615 = arith.constant 0 : i32
      %cond3A_616 = arith.cmpi ne, %convert_element_type3A_614, %cond3A_615 : i32
      scf.if %cond3A_616 {
        %mul3A_618 = arith.constant 176 : i32
        %mul3A_619 = arith.muli %add3A_604, %mul3A_618 : i32
        %add3A_620 = arith.addi %mul3A_0, %mul3A_619 : i32
        %mul3A_621 = arith.constant 16 : i32
        %mul3A_622 = arith.muli %add3A_620, %mul3A_621 : i32
        %dma_wait3A = tpu.memref_slice %arg2[%mul3A_622] : memref<2793472xf32, #tpu.memory_space<hbm>> -> memref<2816xf32, #tpu.memory_space<hbm>>
        %dma_wait3A_623 = tpu.memref_slice %arg2[%mul3A_622] : memref<2793472xf32, #tpu.memory_space<hbm>> -> memref<2816xf32, #tpu.memory_space<hbm>>
        tpu.wait_dma2 semaphore(%arg28 : memref<!tpu.dma_semaphore, #tpu.memory_space<semaphore_mem>>) src(%dma_wait3A_623 : memref<2816xf32, #tpu.memory_space<hbm>>) dst(%arg11 : memref<2816xf32, #tpu.memory_space<vmem>>)
        %mul3A_624 = arith.constant 176 : i32
        %mul3A_625 = arith.muli %add3A_604, %mul3A_624 : i32
        %scan3A_626 = arith.constant 0 : i32
        %scan3A_627 = arith.constant 0 : i32
        %scan3A_628 = arith.constant 11 : i32
        %scan3A_629 = arith.addi %scan3A_627, %scan3A_628 : i32
        %scan3A_630 = arith.constant 1 : i32
        %scan3A_631 = scf.for %scan3A_633 = %scan3A_627 to %scan3A_629 step %scan3A_630 iter_args(%scan3A_634 = %scan3A_626) -> (i32)  : i32 {
          %mul3A_635 = arith.constant 16 : i32
          %mul3A_636 = arith.muli %scan3A_633, %mul3A_635 : i32
          %add3A_637 = vector.broadcast %mul3A_636 : i32 to vector<16xi32>
          %add3A_638 = arith.addi %add3A_637, %iota3A : vector<16xi32>
          %mul3A_639 = arith.constant 16 : i32
          %mul3A_640 = vector.broadcast %mul3A_639 : i32 to vector<16xi32>
          %mul3A_641 = arith.muli %add3A_638, %mul3A_640 : vector<16xi32>
          %add3A_642 = arith.addi %mul3A_641, %broadcast_in_dim3A_7 : vector<16xi32>
          %gather3A_643 = tpu.vector_load_idx %arg11[%add3A_642] : memref<2816xf32, #tpu.memory_space<vmem>>[vector<16xi32>], vector<16xf32>,
          %add3A_644 = arith.addi %mul3A_641, %broadcast_in_dim3A_9 : vector<16xi32>
          %gather3A_645 = tpu.vector_load_idx %arg11[%add3A_644] : memref<2816xf32, #tpu.memory_space<vmem>>[vector<16xi32>], vector<16xf32>,
          %max3A = arith.maximumf %gather3A_643, %gather3A_645 : vector<16xf32>
          %add3A_646 = arith.addi %mul3A_641, %broadcast_in_dim3A_11 : vector<16xi32>
          %gather3A_647 = tpu.vector_load_idx %arg11[%add3A_646] : memref<2816xf32, #tpu.memory_space<vmem>>[vector<16xi32>], vector<16xf32>,
          %max3A_648 = arith.maximumf %max3A, %gather3A_647 : vector<16xf32>
          %add3A_649 = arith.addi %mul3A_641, %broadcast_in_dim3A_13 : vector<16xi32>
          %gather3A_650 = tpu.vector_load_idx %arg11[%add3A_649] : memref<2816xf32, #tpu.memory_space<vmem>>[vector<16xi32>], vector<16xf32>,
          %max3A_651 = arith.maximumf %max3A_648, %gather3A_650 : vector<16xf32>
          %add3A_652 = arith.addi %mul3A_641, %broadcast_in_dim3A_15 : vector<16xi32>
          %gather3A_653 = tpu.vector_load_idx %arg11[%add3A_652] : memref<2816xf32, #tpu.memory_space<vmem>>[vector<16xi32>], vector<16xf32>,
          %max3A_654 = arith.maximumf %max3A_651, %gather3A_653 : vector<16xf32>
          %add3A_655 = arith.addi %mul3A_641, %broadcast_in_dim3A_17 : vector<16xi32>
          %gather3A_656 = tpu.vector_load_idx %arg11[%add3A_655] : memref<2816xf32, #tpu.memory_space<vmem>>[vector<16xi32>], vector<16xf32>,
          %max3A_657 = arith.maximumf %max3A_654, %gather3A_656 : vector<16xf32>
          %add3A_658 = arith.addi %mul3A_641, %broadcast_in_dim3A_19 : vector<16xi32>
          %gather3A_659 = tpu.vector_load_idx %arg11[%add3A_658] : memref<2816xf32, #tpu.memory_space<vmem>>[vector<16xi32>], vector<16xf32>,
          %max3A_660 = arith.maximumf %max3A_657, %gather3A_659 : vector<16xf32>
          %add3A_661 = arith.addi %mul3A_641, %broadcast_in_dim3A_21 : vector<16xi32>
          %gather3A_662 = tpu.vector_load_idx %arg11[%add3A_661] : memref<2816xf32, #tpu.memory_space<vmem>>[vector<16xi32>], vector<16xf32>,
          %max3A_663 = arith.maximumf %max3A_660, %gather3A_662 : vector<16xf32>
          %add3A_664 = arith.addi %mul3A_641, %broadcast_in_dim3A_23 : vector<16xi32>
          %gather3A_665 = tpu.vector_load_idx %arg11[%add3A_664] : memref<2816xf32, #tpu.memory_space<vmem>>[vector<16xi32>], vector<16xf32>,
          %max3A_666 = arith.maximumf %max3A_663, %gather3A_665 : vector<16xf32>
          %add3A_667 = arith.addi %mul3A_641, %broadcast_in_dim3A_25 : vector<16xi32>
          %gather3A_668 = tpu.vector_load_idx %arg11[%add3A_667] : memref<2816xf32, #tpu.memory_space<vmem>>[vector<16xi32>], vector<16xf32>,
          %max3A_669 = arith.maximumf %max3A_666, %gather3A_668 : vector<16xf32>
          %add3A_670 = arith.addi %mul3A_641, %broadcast_in_dim3A_27 : vector<16xi32>
          %gather3A_671 = tpu.vector_load_idx %arg11[%add3A_670] : memref<2816xf32, #tpu.memory_space<vmem>>[vector<16xi32>], vector<16xf32>,
          %max3A_672 = arith.maximumf %max3A_669, %gather3A_671 : vector<16xf32>
          %add3A_673 = arith.addi %mul3A_641, %broadcast_in_dim3A_29 : vector<16xi32>
          %gather3A_674 = tpu.vector_load_idx %arg11[%add3A_673] : memref<2816xf32, #tpu.memory_space<vmem>>[vector<16xi32>], vector<16xf32>,
          %max3A_675 = arith.maximumf %max3A_672, %gather3A_674 : vector<16xf32>
          %add3A_676 = arith.addi %mul3A_641, %broadcast_in_dim3A_31 : vector<16xi32>
          %gather3A_677 = tpu.vector_load_idx %arg11[%add3A_676] : memref<2816xf32, #tpu.memory_space<vmem>>[vector<16xi32>], vector<16xf32>,
          %max3A_678 = arith.maximumf %max3A_675, %gather3A_677 : vector<16xf32>
          %add3A_679 = arith.addi %mul3A_641, %broadcast_in_dim3A_33 : vector<16xi32>
          %gather3A_680 = tpu.vector_load_idx %arg11[%add3A_679] : memref<2816xf32, #tpu.memory_space<vmem>>[vector<16xi32>], vector<16xf32>,
          %max3A_681 = arith.maximumf %max3A_678, %gather3A_680 : vector<16xf32>
          %add3A_682 = arith.addi %mul3A_641, %broadcast_in_dim3A_35 : vector<16xi32>
          %gather3A_683 = tpu.vector_load_idx %arg11[%add3A_682] : memref<2816xf32, #tpu.memory_space<vmem>>[vector<16xi32>], vector<16xf32>,
          %max3A_684 = arith.maximumf %max3A_681, %gather3A_683 : vector<16xf32>
          %add3A_685 = arith.addi %mul3A_641, %broadcast_in_dim3A_37 : vector<16xi32>
          %gather3A_686 = tpu.vector_load_idx %arg11[%add3A_685] : memref<2816xf32, #tpu.memory_space<vmem>>[vector<16xi32>], vector<16xf32>,
          %max3A_687 = arith.maximumf %max3A_684, %gather3A_686 : vector<16xf32>
          %mul3A_688 = arith.constant 16 : i32
          %mul3A_689 = arith.muli %scan3A_633, %mul3A_688 : i32
          %add3A_690 = arith.addi %mul3A_625, %mul3A_689 : i32
          %swap3A_691 = arith.index_cast %add3A_690 : i32 to index
          %swap3A_692 = tpu.vector_load %arg14[%swap3A_691] {strides = array<i32>} : memref<10912xf32, #tpu.memory_space<vmem>>, vector<16xf32>,
          tpu.vector_store %arg14[%swap3A_691], %max3A_687 {strides = array<i32>} : memref<10912xf32, #tpu.memory_space<vmem>>, vector<16xf32>,
          %scan3A_693 = arith.constant 0 : i32
          scf.yield %scan3A_693 : i32
        }
        %scan3A_632 = arith.constant 11 : i32
      } else {
      }
      %scan3A_617 = arith.constant 0 : i32
      scf.yield %scan3A_617 : i32
    }
    %scan3A_59 = arith.constant 16 : i32
    %scan3A_60 = arith.constant 0 : i32
    %scan3A_61 = arith.constant 0 : i32
    %scan3A_62 = arith.constant 341 : i32
    %scan3A_63 = arith.addi %scan3A_61, %scan3A_62 : i32
    %scan3A_64 = arith.constant 1 : i32
    %scan3A_65 = scf.for %scan3A_551 = %scan3A_61 to %scan3A_63 step %scan3A_64 iter_args(%scan3A_552 = %scan3A_60) -> (i32)  : i32 {
      %mul3A_553 = arith.constant 32 : i32
      %mul3A_554 = arith.muli %scan3A_551, %mul3A_553 : i32
      %get3A = arith.index_cast %mul3A_554 : i32 to index
      %get3A_555 = tpu.vector_load %arg14[%get3A] {strides = array<i32>} : memref<10912xf32, #tpu.memory_space<vmem>>, vector<16xf32>,
      %add3A_556 = arith.constant 16 : i32
      %add3A_557 = arith.addi %mul3A_554, %add3A_556 : i32
      %get3A_558 = arith.index_cast %add3A_557 : i32 to index
      %get3A_559 = tpu.vector_load %arg14[%get3A_558] {strides = array<i32>} : memref<10912xf32, #tpu.memory_space<vmem>>, vector<16xf32>,
      %get3A_560 = arith.index_cast %mul3A_554 : i32 to index
      %get3A_561 = tpu.vector_load %arg12[%get3A_560] {strides = array<i32>} : memref<10912xf32, #tpu.memory_space<vmem>>, vector<16xf32>,
      %add3A_562 = arith.constant 16 : i32
      %add3A_563 = arith.addi %mul3A_554, %add3A_562 : i32
      %get3A_564 = arith.index_cast %add3A_563 : i32 to index
      %get3A_565 = tpu.vector_load %arg12[%get3A_564] {strides = array<i32>} : memref<10912xf32, #tpu.memory_space<vmem>>, vector<16xf32>,
      %neg3A = arith.constant 0.000000e+00 : f32
      %neg3A_566 = vector.broadcast %neg3A : f32 to vector<16xf32>
      %neg3A_567 = arith.subf %neg3A_566, %get3A_555 : vector<16xf32>
      %exp3A = math.exp %neg3A_567 : vector<16xf32>
      %add3A_568 = arith.constant 1.000000e+00 : f32
      %add3A_569 = vector.broadcast %add3A_568 : f32 to vector<16xf32>
      %add3A_570 = arith.addf %add3A_569, %exp3A : vector<16xf32>
      %div3A = arith.constant 1.000000e+00 : f32
      %div3A_571 = vector.broadcast %div3A : f32 to vector<16xf32>
      %div3A_572 = arith.divf %div3A_571, %add3A_570 : vector<16xf32>
      %neg3A_573 = arith.constant 0.000000e+00 : f32
      %neg3A_574 = vector.broadcast %neg3A_573 : f32 to vector<16xf32>
      %neg3A_575 = arith.subf %neg3A_574, %get3A_559 : vector<16xf32>
      %exp3A_576 = math.exp %neg3A_575 : vector<16xf32>
      %add3A_577 = arith.constant 1.000000e+00 : f32
      %add3A_578 = vector.broadcast %add3A_577 : f32 to vector<16xf32>
      %add3A_579 = arith.addf %add3A_578, %exp3A_576 : vector<16xf32>
      %div3A_580 = arith.constant 1.000000e+00 : f32
      %div3A_581 = vector.broadcast %div3A_580 : f32 to vector<16xf32>
      %div3A_582 = arith.divf %div3A_581, %add3A_579 : vector<16xf32>
      %neg3A_583 = arith.constant 0.000000e+00 : f32
      %neg3A_584 = vector.broadcast %neg3A_583 : f32 to vector<16xf32>
      %neg3A_585 = arith.subf %neg3A_584, %get3A_561 : vector<16xf32>
      %exp3A_586 = math.exp %neg3A_585 : vector<16xf32>
      %add3A_587 = arith.constant 1.000000e+00 : f32
      %add3A_588 = vector.broadcast %add3A_587 : f32 to vector<16xf32>
      %add3A_589 = arith.addf %add3A_588, %exp3A_586 : vector<16xf32>
      %div3A_590 = arith.constant 1.000000e+00 : f32
      %div3A_591 = vector.broadcast %div3A_590 : f32 to vector<16xf32>
      %div3A_592 = arith.divf %div3A_591, %add3A_589 : vector<16xf32>
      %neg3A_593 = arith.constant 0.000000e+00 : f32
      %neg3A_594 = vector.broadcast %neg3A_593 : f32 to vector<16xf32>
      %neg3A_595 = arith.subf %neg3A_594, %get3A_565 : vector<16xf32>
      %exp3A_596 = math.exp %neg3A_595 : vector<16xf32>
      %add3A_597 = arith.constant 1.000000e+00 : f32
      %add3A_598 = vector.broadcast %add3A_597 : f32 to vector<16xf32>
      %add3A_599 = arith.addf %add3A_598, %exp3A_596 : vector<16xf32>
      %div3A_600 = arith.constant 1.000000e+00 : f32
      %div3A_601 = vector.broadcast %div3A_600 : f32 to vector<16xf32>
      %div3A_602 = arith.divf %div3A_601, %add3A_599 : vector<16xf32>
      %swap3A_603 = arith.index_cast %mul3A_554 : i32 to index
      %swap3A_604 = tpu.vector_load %arg14[%swap3A_603] {strides = array<i32>} : memref<10912xf32, #tpu.memory_space<vmem>>, vector<16xf32>,
      tpu.vector_store %arg14[%swap3A_603], %div3A_572 {strides = array<i32>} : memref<10912xf32, #tpu.memory_space<vmem>>, vector<16xf32>,
      %add3A_605 = arith.constant 16 : i32
      %add3A_606 = arith.addi %mul3A_554, %add3A_605 : i32
      %swap3A_607 = arith.index_cast %add3A_606 : i32 to index
      %swap3A_608 = tpu.vector_load %arg14[%swap3A_607] {strides = array<i32>} : memref<10912xf32, #tpu.memory_space<vmem>>, vector<16xf32>,
      tpu.vector_store %arg14[%swap3A_607], %div3A_582 {strides = array<i32>} : memref<10912xf32, #tpu.memory_space<vmem>>, vector<16xf32>,
      %mul3A_609 = arith.mulf %div3A_592, %div3A_572 : vector<16xf32>
      %swap3A_610 = arith.index_cast %mul3A_554 : i32 to index
      %swap3A_611 = tpu.vector_load %arg13[%swap3A_610] {strides = array<i32>} : memref<10912xf32, #tpu.memory_space<vmem>>, vector<16xf32>,
      tpu.vector_store %arg13[%swap3A_610], %mul3A_609 {strides = array<i32>} : memref<10912xf32, #tpu.memory_space<vmem>>, vector<16xf32>,
      %mul3A_612 = arith.mulf %div3A_602, %div3A_582 : vector<16xf32>
      %add3A_613 = arith.constant 16 : i32
      %add3A_614 = arith.addi %mul3A_554, %add3A_613 : i32
      %swap3A_615 = arith.index_cast %add3A_614 : i32 to index
      %swap3A_616 = tpu.vector_load %arg13[%swap3A_615] {strides = array<i32>} : memref<10912xf32, #tpu.memory_space<vmem>>, vector<16xf32>,
      tpu.vector_store %arg13[%swap3A_615], %mul3A_612 {strides = array<i32>} : memref<10912xf32, #tpu.memory_space<vmem>>, vector<16xf32>,
      %scan3A_617 = arith.constant 0 : i32
      scf.yield %scan3A_617 : i32
    }
    %scan3A_66 = arith.constant 341 : i32
    "tpu.region"() ({
      %run_scoped3A_551 = tpu.sem_alloc : memref<!tpu.dma_semaphore, #tpu.memory_space<semaphore_mem>>
      %dma_start3A_552 = tpu.memref_slice %arg4[%mul3A_0] : memref<174592xf32, #tpu.memory_space<hbm>> -> memref<10912xf32, #tpu.memory_space<hbm>>
      %dma_start3A_553 = tpu.memref_slice %arg4[%mul3A_0] : memref<174592xf32, #tpu.memory_space<hbm>> -> memref<10912xf32, #tpu.memory_space<hbm>>
      tpu.enqueue_dma source(%arg13 : memref<10912xf32, #tpu.memory_space<vmem>>) target(%dma_start3A_553 : memref<10912xf32, #tpu.memory_space<hbm>>) target_semaphore(%run_scoped3A_551 : memref<!tpu.dma_semaphore, #tpu.memory_space<semaphore_mem>>)
      %dma_wait3A = tpu.memref_slice %arg4[%mul3A_0] : memref<174592xf32, #tpu.memory_space<hbm>> -> memref<10912xf32, #tpu.memory_space<hbm>>
      %dma_wait3A_554 = tpu.memref_slice %arg4[%mul3A_0] : memref<174592xf32, #tpu.memory_space<hbm>> -> memref<10912xf32, #tpu.memory_space<hbm>>
      tpu.wait_dma2 semaphore(%run_scoped3A_551 : memref<!tpu.dma_semaphore, #tpu.memory_space<semaphore_mem>>) src(%arg13 : memref<10912xf32, #tpu.memory_space<vmem>>) dst(%dma_wait3A_554 : memref<10912xf32, #tpu.memory_space<hbm>>)
      tpu.yield
    }) : () -> ()
    %scan3A_67 = arith.constant 0 : i32
    %scan3A_68 = arith.constant 0 : i32
    %scan3A_69 = arith.constant 256 : i32
    %scan3A_70 = arith.addi %scan3A_68, %scan3A_69 : i32
    %scan3A_71 = arith.constant 1 : i32
    %scan3A_72 = scf.for %scan3A_551 = %scan3A_68 to %scan3A_70 step %scan3A_71 iter_args(%scan3A_552 = %scan3A_67) -> (i32)  : i32 {
      %mul3A_553 = arith.constant 16 : i32
      %mul3A_554 = arith.muli %scan3A_551, %mul3A_553 : i32
      %swap3A_555 = arith.index_cast %mul3A_554 : i32 to index
      %swap3A_556 = tpu.vector_load %arg15[%swap3A_555] {strides = array<i32>} : memref<4096xi32, #tpu.memory_space<vmem>>, vector<16xi32>,
      tpu.vector_store %arg15[%swap3A_555], %broadcast_in_dim3A_3 {strides = array<i32>} : memref<4096xi32, #tpu.memory_space<vmem>>, vector<16xi32>,
      %mul3A_557 = arith.constant 16 : i32
      %mul3A_558 = arith.muli %scan3A_551, %mul3A_557 : i32
      %swap3A_559 = arith.index_cast %mul3A_558 : i32 to index
      %swap3A_560 = tpu.vector_load %arg16[%swap3A_559] {strides = array<i32>} : memref<4096xi32, #tpu.memory_space<vmem>>, vector<16xi32>,
      tpu.vector_store %arg16[%swap3A_559], %broadcast_in_dim3A_3 {strides = array<i32>} : memref<4096xi32, #tpu.memory_space<vmem>>, vector<16xi32>,
      %scan3A_561 = arith.constant 0 : i32
      scf.yield %scan3A_561 : i32
    }
    %scan3A_73 = arith.constant 256 : i32
    %scan3A_74 = arith.constant 0 : i32
    %scan3A_75 = arith.constant 0 : i32
    %scan3A_76 = arith.constant 682 : i32
    %scan3A_77 = arith.addi %scan3A_75, %scan3A_76 : i32
    %scan3A_78 = arith.constant 1 : i32
    %scan3A_79 = scf.for %scan3A_551 = %scan3A_75 to %scan3A_77 step %scan3A_78 iter_args(%scan3A_552 = %scan3A_74) -> (i32)  : i32 {
      %mul3A_553 = arith.constant 16 : i32
      %mul3A_554 = arith.muli %scan3A_551, %mul3A_553 : i32
      %get3A = arith.index_cast %mul3A_554 : i32 to index
      %get3A_555 = tpu.vector_load %arg14[%get3A] {strides = array<i32>} : memref<10912xf32, #tpu.memory_space<vmem>>, vector<16xf32>,
      %bitcast_convert_type3A_556 = tpu.bitcast %get3A_555 : vector<16xf32> -> vector<16xi32>
      %shift_right_arithmetic3A = arith.constant 24 : i32
      %shift_right_arithmetic3A_557 = vector.broadcast %shift_right_arithmetic3A : i32 to vector<16xi32>
      %shift_right_arithmetic3A_558 = arith.shrsi %bitcast_convert_type3A_556, %shift_right_arithmetic3A_557 : vector<16xi32>
      %and3A = arith.constant 255 : i32
      %and3A_559 = vector.broadcast %and3A : i32 to vector<16xi32>
      %and3A_560 = arith.andi %shift_right_arithmetic3A_558, %and3A_559 : vector<16xi32>
      %mul3A_561 = arith.constant 256 : i32
      %mul3A_562 = vector.broadcast %mul3A_561 : i32 to vector<16xi32>
      %mul3A_563 = arith.muli %iota3A, %mul3A_562 : vector<16xi32>
      %add3A_564 = arith.addi %mul3A_563, %and3A_560 : vector<16xi32>
      tpu.vector_store_idx %arg15[%add3A_564], %broadcast_in_dim3A_1 {add = true} : memref<4096xi32, #tpu.memory_space<vmem>>[vector<16xi32>], vector<16xi32>,
      %scan3A_565 = arith.constant 0 : i32
      scf.yield %scan3A_565 : i32
    }
    %scan3A_80 = arith.constant 682 : i32
    %scan3A_81 = arith.constant 0 : i32
    %scan3A_82 = arith.constant 0 : i32
    %scan3A_83 = arith.constant 16 : i32
    %scan3A_84 = arith.addi %scan3A_82, %scan3A_83 : i32
    %scan3A_85 = arith.constant 1 : i32
    %scan3A_86 = scf.for %scan3A_551 = %scan3A_82 to %scan3A_84 step %scan3A_85 iter_args(%scan3A_552 = %scan3A_81) -> (i32)  : i32 {
      %mul3A_553 = arith.constant 16 : i32
      %mul3A_554 = arith.muli %scan3A_551, %mul3A_553 : i32
      %add3A_555 = arith.constant 0 : i32
      %add3A_556 = arith.addi %add3A_555, %mul3A_554 : i32
      %get3A = arith.index_cast %add3A_556 : i32 to index
      %get3A_557 = tpu.vector_load %arg15[%get3A] {strides = array<i32>} : memref<4096xi32, #tpu.memory_space<vmem>>, vector<16xi32>,
      %add3A_558 = arith.addi %broadcast_in_dim3A_3, %get3A_557 : vector<16xi32>
      %mul3A_559 = arith.constant 16 : i32
      %mul3A_560 = arith.muli %scan3A_551, %mul3A_559 : i32
      %add3A_561 = arith.constant 0 : i32
      %add3A_562 = arith.addi %add3A_561, %mul3A_560 : i32
      %get3A_563 = arith.index_cast %add3A_562 : i32 to index
      %get3A_564 = tpu.vector_load %arg16[%get3A_563] {strides = array<i32>} : memref<4096xi32, #tpu.memory_space<vmem>>, vector<16xi32>,
      %add3A_565 = arith.addi %broadcast_in_dim3A_3, %get3A_564 : vector<16xi32>
      %mul3A_566 = arith.constant 16 : i32
      %mul3A_567 = arith.muli %scan3A_551, %mul3A_566 : i32
      %add3A_568 = arith.constant 256 : i32
      %add3A_569 = arith.addi %add3A_568, %mul3A_567 : i32
      %get3A_570 = arith.index_cast %add3A_569 : i32 to index
      %get3A_571 = tpu.vector_load %arg15[%get3A_570] {strides = array<i32>} : memref<4096xi32, #tpu.memory_space<vmem>>, vector<16xi32>,
      %add3A_572 = arith.addi %add3A_558, %get3A_571 : vector<16xi32>
      %mul3A_573 = arith.constant 16 : i32
      %mul3A_574 = arith.muli %scan3A_551, %mul3A_573 : i32
      %add3A_575 = arith.constant 256 : i32
      %add3A_576 = arith.addi %add3A_575, %mul3A_574 : i32
      %get3A_577 = arith.index_cast %add3A_576 : i32 to index
      %get3A_578 = tpu.vector_load %arg16[%get3A_577] {strides = array<i32>} : memref<4096xi32, #tpu.memory_space<vmem>>, vector<16xi32>,
      %add3A_579 = arith.addi %add3A_565, %get3A_578 : vector<16xi32>
      %mul3A_580 = arith.constant 16 : i32
      %mul3A_581 = arith.muli %scan3A_551, %mul3A_580 : i32
      %add3A_582 = arith.constant 512 : i32
      %add3A_583 = arith.addi %add3A_582, %mul3A_581 : i32
      %get3A_584 = arith.index_cast %add3A_583 : i32 to index
      %get3A_585 = tpu.vector_load %arg15[%get3A_584] {strides = array<i32>} : memref<4096xi32, #tpu.memory_space<vmem>>, vector<16xi32>,
      %add3A_586 = arith.addi %add3A_572, %get3A_585 : vector<16xi32>
      %mul3A_587 = arith.constant 16 : i32
      %mul3A_588 = arith.muli %scan3A_551, %mul3A_587 : i32
      %add3A_589 = arith.constant 512 : i32
      %add3A_590 = arith.addi %add3A_589, %mul3A_588 : i32
      %get3A_591 = arith.index_cast %add3A_590 : i32 to index
      %get3A_592 = tpu.vector_load %arg16[%get3A_591] {strides = array<i32>} : memref<4096xi32, #tpu.memory_space<vmem>>, vector<16xi32>,
      %add3A_593 = arith.addi %add3A_579, %get3A_592 : vector<16xi32>
      %mul3A_594 = arith.constant 16 : i32
      %mul3A_595 = arith.muli %scan3A_551, %mul3A_594 : i32
      %add3A_596 = arith.constant 768 : i32
      %add3A_597 = arith.addi %add3A_596, %mul3A_595 : i32
      %get3A_598 = arith.index_cast %add3A_597 : i32 to index
      %get3A_599 = tpu.vector_load %arg15[%get3A_598] {strides = array<i32>} : memref<4096xi32, #tpu.memory_space<vmem>>, vector<16xi32>,
      %add3A_600 = arith.addi %add3A_586, %get3A_599 : vector<16xi32>
      %mul3A_601 = arith.constant 16 : i32
      %mul3A_602 = arith.muli %scan3A_551, %mul3A_601 : i32
      %add3A_603 = arith.constant 768 : i32
      %add3A_604 = arith.addi %add3A_603, %mul3A_602 : i32
      %get3A_605 = arith.index_cast %add3A_604 : i32 to index
      %get3A_606 = tpu.vector_load %arg16[%get3A_605] {strides = array<i32>} : memref<4096xi32, #tpu.memory_space<vmem>>, vector<16xi32>,
      %add3A_607 = arith.addi %add3A_593, %get3A_606 : vector<16xi32>
      %mul3A_608 = arith.constant 16 : i32
      %mul3A_609 = arith.muli %scan3A_551, %mul3A_608 : i32
      %add3A_610 = arith.constant 1024 : i32
      %add3A_611 = arith.addi %add3A_610, %mul3A_609 : i32
      %get3A_612 = arith.index_cast %add3A_611 : i32 to index
      %get3A_613 = tpu.vector_load %arg15[%get3A_612] {strides = array<i32>} : memref<4096xi32, #tpu.memory_space<vmem>>, vector<16xi32>,
      %add3A_614 = arith.addi %add3A_600, %get3A_613 : vector<16xi32>
      %mul3A_615 = arith.constant 16 : i32
      %mul3A_616 = arith.muli %scan3A_551, %mul3A_615 : i32
      %add3A_617 = arith.constant 1024 : i32
      %add3A_618 = arith.addi %add3A_617, %mul3A_616 : i32
      %get3A_619 = arith.index_cast %add3A_618 : i32 to index
      %get3A_620 = tpu.vector_load %arg16[%get3A_619] {strides = array<i32>} : memref<4096xi32, #tpu.memory_space<vmem>>, vector<16xi32>,
      %add3A_621 = arith.addi %add3A_607, %get3A_620 : vector<16xi32>
      %mul3A_622 = arith.constant 16 : i32
      %mul3A_623 = arith.muli %scan3A_551, %mul3A_622 : i32
      %add3A_624 = arith.constant 1280 : i32
      %add3A_625 = arith.addi %add3A_624, %mul3A_623 : i32
      %get3A_626 = arith.index_cast %add3A_625 : i32 to index
      %get3A_627 = tpu.vector_load %arg15[%get3A_626] {strides = array<i32>} : memref<4096xi32, #tpu.memory_space<vmem>>, vector<16xi32>,
      %add3A_628 = arith.addi %add3A_614, %get3A_627 : vector<16xi32>
      %mul3A_629 = arith.constant 16 : i32
      %mul3A_630 = arith.muli %scan3A_551, %mul3A_629 : i32
      %add3A_631 = arith.constant 1280 : i32
      %add3A_632 = arith.addi %add3A_631, %mul3A_630 : i32
      %get3A_633 = arith.index_cast %add3A_632 : i32 to index
      %get3A_634 = tpu.vector_load %arg16[%get3A_633] {strides = array<i32>} : memref<4096xi32, #tpu.memory_space<vmem>>, vector<16xi32>,
      %add3A_635 = arith.addi %add3A_621, %get3A_634 : vector<16xi32>
      %mul3A_636 = arith.constant 16 : i32
      %mul3A_637 = arith.muli %scan3A_551, %mul3A_636 : i32
      %add3A_638 = arith.constant 1536 : i32
      %add3A_639 = arith.addi %add3A_638, %mul3A_637 : i32
      %get3A_640 = arith.index_cast %add3A_639 : i32 to index
      %get3A_641 = tpu.vector_load %arg15[%get3A_640] {strides = array<i32>} : memref<4096xi32, #tpu.memory_space<vmem>>, vector<16xi32>,
      %add3A_642 = arith.addi %add3A_628, %get3A_641 : vector<16xi32>
      %mul3A_643 = arith.constant 16 : i32
      %mul3A_644 = arith.muli %scan3A_551, %mul3A_643 : i32
      %add3A_645 = arith.constant 1536 : i32
      %add3A_646 = arith.addi %add3A_645, %mul3A_644 : i32
      %get3A_647 = arith.index_cast %add3A_646 : i32 to index
      %get3A_648 = tpu.vector_load %arg16[%get3A_647] {strides = array<i32>} : memref<4096xi32, #tpu.memory_space<vmem>>, vector<16xi32>,
      %add3A_649 = arith.addi %add3A_635, %get3A_648 : vector<16xi32>
      %mul3A_650 = arith.constant 16 : i32
      %mul3A_651 = arith.muli %scan3A_551, %mul3A_650 : i32
      %add3A_652 = arith.constant 1792 : i32
      %add3A_653 = arith.addi %add3A_652, %mul3A_651 : i32
      %get3A_654 = arith.index_cast %add3A_653 : i32 to index
      %get3A_655 = tpu.vector_load %arg15[%get3A_654] {strides = array<i32>} : memref<4096xi32, #tpu.memory_space<vmem>>, vector<16xi32>,
      %add3A_656 = arith.addi %add3A_642, %get3A_655 : vector<16xi32>
      %mul3A_657 = arith.constant 16 : i32
      %mul3A_658 = arith.muli %scan3A_551, %mul3A_657 : i32
      %add3A_659 = arith.constant 1792 : i32
      %add3A_660 = arith.addi %add3A_659, %mul3A_658 : i32
      %get3A_661 = arith.index_cast %add3A_660 : i32 to index
      %get3A_662 = tpu.vector_load %arg16[%get3A_661] {strides = array<i32>} : memref<4096xi32, #tpu.memory_space<vmem>>, vector<16xi32>,
      %add3A_663 = arith.addi %add3A_649, %get3A_662 : vector<16xi32>
      %mul3A_664 = arith.constant 16 : i32
      %mul3A_665 = arith.muli %scan3A_551, %mul3A_664 : i32
      %add3A_666 = arith.constant 2048 : i32
      %add3A_667 = arith.addi %add3A_666, %mul3A_665 : i32
      %get3A_668 = arith.index_cast %add3A_667 : i32 to index
      %get3A_669 = tpu.vector_load %arg15[%get3A_668] {strides = array<i32>} : memref<4096xi32, #tpu.memory_space<vmem>>, vector<16xi32>,
      %add3A_670 = arith.addi %add3A_656, %get3A_669 : vector<16xi32>
      %mul3A_671 = arith.constant 16 : i32
      %mul3A_672 = arith.muli %scan3A_551, %mul3A_671 : i32
      %add3A_673 = arith.constant 2048 : i32
      %add3A_674 = arith.addi %add3A_673, %mul3A_672 : i32
      %get3A_675 = arith.index_cast %add3A_674 : i32 to index
      %get3A_676 = tpu.vector_load %arg16[%get3A_675] {strides = array<i32>} : memref<4096xi32, #tpu.memory_space<vmem>>, vector<16xi32>,
      %add3A_677 = arith.addi %add3A_663, %get3A_676 : vector<16xi32>
      %mul3A_678 = arith.constant 16 : i32
      %mul3A_679 = arith.muli %scan3A_551, %mul3A_678 : i32
      %add3A_680 = arith.constant 2304 : i32
      %add3A_681 = arith.addi %add3A_680, %mul3A_679 : i32
      %get3A_682 = arith.index_cast %add3A_681 : i32 to index
      %get3A_683 = tpu.vector_load %arg15[%get3A_682] {strides = array<i32>} : memref<4096xi32, #tpu.memory_space<vmem>>, vector<16xi32>,
      %add3A_684 = arith.addi %add3A_670, %get3A_683 : vector<16xi32>
      %mul3A_685 = arith.constant 16 : i32
      %mul3A_686 = arith.muli %scan3A_551, %mul3A_685 : i32
      %add3A_687 = arith.constant 2304 : i32
      %add3A_688 = arith.addi %add3A_687, %mul3A_686 : i32
      %get3A_689 = arith.index_cast %add3A_688 : i32 to index
      %get3A_690 = tpu.vector_load %arg16[%get3A_689] {strides = array<i32>} : memref<4096xi32, #tpu.memory_space<vmem>>, vector<16xi32>,
      %add3A_691 = arith.addi %add3A_677, %get3A_690 : vector<16xi32>
      %mul3A_692 = arith.constant 16 : i32
      %mul3A_693 = arith.muli %scan3A_551, %mul3A_692 : i32
      %add3A_694 = arith.constant 2560 : i32
      %add3A_695 = arith.addi %add3A_694, %mul3A_693 : i32
      %get3A_696 = arith.index_cast %add3A_695 : i32 to index
      %get3A_697 = tpu.vector_load %arg15[%get3A_696] {strides = array<i32>} : memref<4096xi32, #tpu.memory_space<vmem>>, vector<16xi32>,
      %add3A_698 = arith.addi %add3A_684, %get3A_697 : vector<16xi32>
      %mul3A_699 = arith.constant 16 : i32
      %mul3A_700 = arith.muli %scan3A_551, %mul3A_699 : i32
      %add3A_701 = arith.constant 2560 : i32
      %add3A_702 = arith.addi %add3A_701, %mul3A_700 : i32
      %get3A_703 = arith.index_cast %add3A_702 : i32 to index
      %get3A_704 = tpu.vector_load %arg16[%get3A_703] {strides = array<i32>} : memref<4096xi32, #tpu.memory_space<vmem>>, vector<16xi32>,
      %add3A_705 = arith.addi %add3A_691, %get3A_704 : vector<16xi32>
      %mul3A_706 = arith.constant 16 : i32
      %mul3A_707 = arith.muli %scan3A_551, %mul3A_706 : i32
      %add3A_708 = arith.constant 2816 : i32
      %add3A_709 = arith.addi %add3A_708, %mul3A_707 : i32
      %get3A_710 = arith.index_cast %add3A_709 : i32 to index
      %get3A_711 = tpu.vector_load %arg15[%get3A_710] {strides = array<i32>} : memref<4096xi32, #tpu.memory_space<vmem>>, vector<16xi32>,
      %add3A_712 = arith.addi %add3A_698, %get3A_711 : vector<16xi32>
      %mul3A_713 = arith.constant 16 : i32
      %mul3A_714 = arith.muli %scan3A_551, %mul3A_713 : i32
      %add3A_715 = arith.constant 2816 : i32
      %add3A_716 = arith.addi %add3A_715, %mul3A_714 : i32
      %get3A_717 = arith.index_cast %add3A_716 : i32 to index
      %get3A_718 = tpu.vector_load %arg16[%get3A_717] {strides = array<i32>} : memref<4096xi32, #tpu.memory_space<vmem>>, vector<16xi32>,
      %add3A_719 = arith.addi %add3A_705, %get3A_718 : vector<16xi32>
      %mul3A_720 = arith.constant 16 : i32
      %mul3A_721 = arith.muli %scan3A_551, %mul3A_720 : i32
      %add3A_722 = arith.constant 3072 : i32
      %add3A_723 = arith.addi %add3A_722, %mul3A_721 : i32
      %get3A_724 = arith.index_cast %add3A_723 : i32 to index
      %get3A_725 = tpu.vector_load %arg15[%get3A_724] {strides = array<i32>} : memref<4096xi32, #tpu.memory_space<vmem>>, vector<16xi32>,
      %add3A_726 = arith.addi %add3A_712, %get3A_725 : vector<16xi32>
      %mul3A_727 = arith.constant 16 : i32
      %mul3A_728 = arith.muli %scan3A_551, %mul3A_727 : i32
      %add3A_729 = arith.constant 3072 : i32
      %add3A_730 = arith.addi %add3A_729, %mul3A_728 : i32
      %get3A_731 = arith.index_cast %add3A_730 : i32 to index
      %get3A_732 = tpu.vector_load %arg16[%get3A_731] {strides = array<i32>} : memref<4096xi32, #tpu.memory_space<vmem>>, vector<16xi32>,
      %add3A_733 = arith.addi %add3A_719, %get3A_732 : vector<16xi32>
      %mul3A_734 = arith.constant 16 : i32
      %mul3A_735 = arith.muli %scan3A_551, %mul3A_734 : i32
      %add3A_736 = arith.constant 3328 : i32
      %add3A_737 = arith.addi %add3A_736, %mul3A_735 : i32
      %get3A_738 = arith.index_cast %add3A_737 : i32 to index
      %get3A_739 = tpu.vector_load %arg15[%get3A_738] {strides = array<i32>} : memref<4096xi32, #tpu.memory_space<vmem>>, vector<16xi32>,
      %add3A_740 = arith.addi %add3A_726, %get3A_739 : vector<16xi32>
      %mul3A_741 = arith.constant 16 : i32
      %mul3A_742 = arith.muli %scan3A_551, %mul3A_741 : i32
      %add3A_743 = arith.constant 3328 : i32
      %add3A_744 = arith.addi %add3A_743, %mul3A_742 : i32
      %get3A_745 = arith.index_cast %add3A_744 : i32 to index
      %get3A_746 = tpu.vector_load %arg16[%get3A_745] {strides = array<i32>} : memref<4096xi32, #tpu.memory_space<vmem>>, vector<16xi32>,
      %add3A_747 = arith.addi %add3A_733, %get3A_746 : vector<16xi32>
      %mul3A_748 = arith.constant 16 : i32
      %mul3A_749 = arith.muli %scan3A_551, %mul3A_748 : i32
      %add3A_750 = arith.constant 3584 : i32
      %add3A_751 = arith.addi %add3A_750, %mul3A_749 : i32
      %get3A_752 = arith.index_cast %add3A_751 : i32 to index
      %get3A_753 = tpu.vector_load %arg15[%get3A_752] {strides = array<i32>} : memref<4096xi32, #tpu.memory_space<vmem>>, vector<16xi32>,
      %add3A_754 = arith.addi %add3A_740, %get3A_753 : vector<16xi32>
      %mul3A_755 = arith.constant 16 : i32
      %mul3A_756 = arith.muli %scan3A_551, %mul3A_755 : i32
      %add3A_757 = arith.constant 3584 : i32
      %add3A_758 = arith.addi %add3A_757, %mul3A_756 : i32
      %get3A_759 = arith.index_cast %add3A_758 : i32 to index
      %get3A_760 = tpu.vector_load %arg16[%get3A_759] {strides = array<i32>} : memref<4096xi32, #tpu.memory_space<vmem>>, vector<16xi32>,
      %add3A_761 = arith.addi %add3A_747, %get3A_760 : vector<16xi32>
      %mul3A_762 = arith.constant 16 : i32
      %mul3A_763 = arith.muli %scan3A_551, %mul3A_762 : i32
      %add3A_764 = arith.constant 3840 : i32
      %add3A_765 = arith.addi %add3A_764, %mul3A_763 : i32
      %get3A_766 = arith.index_cast %add3A_765 : i32 to index
      %get3A_767 = tpu.vector_load %arg15[%get3A_766] {strides = array<i32>} : memref<4096xi32, #tpu.memory_space<vmem>>, vector<16xi32>,
      %add3A_768 = arith.addi %add3A_754, %get3A_767 : vector<16xi32>
      %mul3A_769 = arith.constant 16 : i32
      %mul3A_770 = arith.muli %scan3A_551, %mul3A_769 : i32
      %add3A_771 = arith.constant 3840 : i32
      %add3A_772 = arith.addi %add3A_771, %mul3A_770 : i32
      %get3A_773 = arith.index_cast %add3A_772 : i32 to index
      %get3A_774 = tpu.vector_load %arg16[%get3A_773] {strides = array<i32>} : memref<4096xi32, #tpu.memory_space<vmem>>, vector<16xi32>,
      %add3A_775 = arith.addi %add3A_761, %get3A_774 : vector<16xi32>
      %mul3A_776 = arith.constant 16 : i32
      %mul3A_777 = arith.muli %scan3A_551, %mul3A_776 : i32
      %swap3A_778 = arith.index_cast %mul3A_777 : i32 to index
      %swap3A_779 = tpu.vector_load %arg17[%swap3A_778] {strides = array<i32>} : memref<512xi32, #tpu.memory_space<vmem>>, vector<16xi32>,
      tpu.vector_store %arg17[%swap3A_778], %add3A_768 {strides = array<i32>} : memref<512xi32, #tpu.memory_space<vmem>>, vector<16xi32>,
      %mul3A_780 = arith.constant 16 : i32
      %mul3A_781 = arith.muli %scan3A_551, %mul3A_780 : i32
      %add3A_782 = arith.constant 256 : i32
      %add3A_783 = arith.addi %add3A_782, %mul3A_781 : i32
      %swap3A_784 = arith.index_cast %add3A_783 : i32 to index
      %swap3A_785 = tpu.vector_load %arg17[%swap3A_784] {strides = array<i32>} : memref<512xi32, #tpu.memory_space<vmem>>, vector<16xi32>,
      tpu.vector_store %arg17[%swap3A_784], %add3A_775 {strides = array<i32>} : memref<512xi32, #tpu.memory_space<vmem>>, vector<16xi32>,
      %scan3A_786 = arith.constant 0 : i32
      scf.yield %scan3A_786 : i32
    }
    %scan3A_87 = arith.constant 16 : i32
    %mul3A_88 = arith.constant 512 : i32
    %mul3A_89 = arith.muli %arg1, %mul3A_88 : i32
    %run_scoped3A = arith.constant 0 : i32
    "tpu.region"() ({
      %run_scoped3A_551 = tpu.sem_alloc : memref<!tpu.dma_semaphore, #tpu.memory_space<semaphore_mem>>
      %dma_start3A_552 = tpu.memref_slice %arg23[%run_scoped3A, %mul3A_89] : memref<4x8192xi32, #tpu.memory_space<vmem_shared>> -> memref<1x512xi32, #tpu.memory_space<vmem_shared>>
      %dma_start3A_553 = tpu.memref_squeeze %dma_start3A_552 : memref<1x512xi32, #tpu.memory_space<vmem_shared>> -> memref<512xi32, #tpu.memory_space<vmem_shared>>
      %dma_start3A_554 = tpu.memref_slice %arg23[%run_scoped3A, %mul3A_89] : memref<4x8192xi32, #tpu.memory_space<vmem_shared>> -> memref<1x512xi32, #tpu.memory_space<vmem_shared>>
      %dma_start3A_555 = tpu.memref_squeeze %dma_start3A_554 : memref<1x512xi32, #tpu.memory_space<vmem_shared>> -> memref<512xi32, #tpu.memory_space<vmem_shared>>
      tpu.enqueue_dma source(%arg17 : memref<512xi32, #tpu.memory_space<vmem>>) target(%dma_start3A_555 : memref<512xi32, #tpu.memory_space<vmem_shared>>) target_semaphore(%run_scoped3A_551 : memref<!tpu.dma_semaphore, #tpu.memory_space<semaphore_mem>>)
      %dma_wait3A = tpu.memref_slice %arg23[%run_scoped3A, %mul3A_89] : memref<4x8192xi32, #tpu.memory_space<vmem_shared>> -> memref<1x512xi32, #tpu.memory_space<vmem_shared>>
      %dma_wait3A_556 = tpu.memref_squeeze %dma_wait3A : memref<1x512xi32, #tpu.memory_space<vmem_shared>> -> memref<512xi32, #tpu.memory_space<vmem_shared>>
      %dma_wait3A_557 = tpu.memref_slice %arg23[%run_scoped3A, %mul3A_89] : memref<4x8192xi32, #tpu.memory_space<vmem_shared>> -> memref<1x512xi32, #tpu.memory_space<vmem_shared>>
      %dma_wait3A_558 = tpu.memref_squeeze %dma_wait3A_557 : memref<1x512xi32, #tpu.memory_space<vmem_shared>> -> memref<512xi32, #tpu.memory_space<vmem_shared>>
      tpu.wait_dma2 semaphore(%run_scoped3A_551 : memref<!tpu.dma_semaphore, #tpu.memory_space<semaphore_mem>>) src(%arg17 : memref<512xi32, #tpu.memory_space<vmem>>) dst(%dma_wait3A_558 : memref<512xi32, #tpu.memory_space<vmem_shared>>)
      tpu.yield
    }) : () -> ()
    %barrier3A = arith.constant 0 : index
    tpu.barrier barrier_id(%barrier3A)
    %run_scoped3A_90 = arith.constant 0 : i32
    "tpu.region"() ({
      %run_scoped3A_551 = tpu.sem_alloc : memref<!tpu.dma_semaphore, #tpu.memory_space<semaphore_mem>>
      %dma_start3A_552 = arith.constant 0 : i32
      %dma_start3A_553 = tpu.memref_slice %arg23[%run_scoped3A_90, %dma_start3A_552] : memref<4x8192xi32, #tpu.memory_space<vmem_shared>> -> memref<1x8192xi32, #tpu.memory_space<vmem_shared>>
      %dma_start3A_554 = tpu.memref_squeeze %dma_start3A_553 : memref<1x8192xi32, #tpu.memory_space<vmem_shared>> -> memref<8192xi32, #tpu.memory_space<vmem_shared>>
      %dma_start3A_555 = arith.constant 0 : i32
      %dma_start3A_556 = tpu.memref_slice %arg23[%run_scoped3A_90, %dma_start3A_555] : memref<4x8192xi32, #tpu.memory_space<vmem_shared>> -> memref<1x8192xi32, #tpu.memory_space<vmem_shared>>
      %dma_start3A_557 = tpu.memref_squeeze %dma_start3A_556 : memref<1x8192xi32, #tpu.memory_space<vmem_shared>> -> memref<8192xi32, #tpu.memory_space<vmem_shared>>
      tpu.enqueue_dma source(%dma_start3A_557 : memref<8192xi32, #tpu.memory_space<vmem_shared>>) target(%arg18 : memref<8192xi32, #tpu.memory_space<vmem>>) target_semaphore(%run_scoped3A_551 : memref<!tpu.dma_semaphore, #tpu.memory_space<semaphore_mem>>)
      %dma_wait3A = arith.constant 0 : i32
      %dma_wait3A_558 = tpu.memref_slice %arg23[%run_scoped3A_90, %dma_wait3A] : memref<4x8192xi32, #tpu.memory_space<vmem_shared>> -> memref<1x8192xi32, #tpu.memory_space<vmem_shared>>
      %dma_wait3A_559 = tpu.memref_squeeze %dma_wait3A_558 : memref<1x8192xi32, #tpu.memory_space<vmem_shared>> -> memref<8192xi32, #tpu.memory_space<vmem_shared>>
      %dma_wait3A_560 = arith.constant 0 : i32
      %dma_wait3A_561 = tpu.memref_slice %arg23[%run_scoped3A_90, %dma_wait3A_560] : memref<4x8192xi32, #tpu.memory_space<vmem_shared>> -> memref<1x8192xi32, #tpu.memory_space<vmem_shared>>
      %dma_wait3A_562 = tpu.memref_squeeze %dma_wait3A_561 : memref<1x8192xi32, #tpu.memory_space<vmem_shared>> -> memref<8192xi32, #tpu.memory_space<vmem_shared>>
      tpu.wait_dma2 semaphore(%run_scoped3A_551 : memref<!tpu.dma_semaphore, #tpu.memory_space<semaphore_mem>>) src(%dma_wait3A_562 : memref<8192xi32, #tpu.memory_space<vmem_shared>>) dst(%arg18 : memref<8192xi32, #tpu.memory_space<vmem>>)
      tpu.yield
    }) : () -> ()
    %scan3A_91 = arith.constant 0 : i32
    %scan3A_92 = arith.constant 0 : i32
    %scan3A_93 = arith.constant 16 : i32
    %scan3A_94 = arith.addi %scan3A_92, %scan3A_93 : i32
    %scan3A_95 = arith.constant 1 : i32
    %scan3A_96 = scf.for %scan3A_551 = %scan3A_92 to %scan3A_94 step %scan3A_95 iter_args(%scan3A_552 = %scan3A_91) -> (i32)  : i32 {
      %mul3A_553 = arith.constant 16 : i32
      %mul3A_554 = arith.muli %scan3A_551, %mul3A_553 : i32
      %add3A_555 = arith.constant 0 : i32
      %add3A_556 = arith.addi %add3A_555, %mul3A_554 : i32
      %get3A = arith.index_cast %add3A_556 : i32 to index
      %get3A_557 = tpu.vector_load %arg18[%get3A] {strides = array<i32>} : memref<8192xi32, #tpu.memory_space<vmem>>, vector<16xi32>,
      %add3A_558 = arith.addi %broadcast_in_dim3A_3, %get3A_557 : vector<16xi32>
      %mul3A_559 = arith.constant 16 : i32
      %mul3A_560 = arith.muli %scan3A_551, %mul3A_559 : i32
      %add3A_561 = arith.constant 256 : i32
      %add3A_562 = arith.addi %add3A_561, %mul3A_560 : i32
      %get3A_563 = arith.index_cast %add3A_562 : i32 to index
      %get3A_564 = tpu.vector_load %arg18[%get3A_563] {strides = array<i32>} : memref<8192xi32, #tpu.memory_space<vmem>>, vector<16xi32>,
      %add3A_565 = arith.addi %broadcast_in_dim3A_3, %get3A_564 : vector<16xi32>
      %mul3A_566 = arith.constant 16 : i32
      %mul3A_567 = arith.muli %scan3A_551, %mul3A_566 : i32
      %add3A_568 = arith.constant 512 : i32
      %add3A_569 = arith.addi %add3A_568, %mul3A_567 : i32
      %get3A_570 = arith.index_cast %add3A_569 : i32 to index
      %get3A_571 = tpu.vector_load %arg18[%get3A_570] {strides = array<i32>} : memref<8192xi32, #tpu.memory_space<vmem>>, vector<16xi32>,
      %add3A_572 = arith.addi %add3A_558, %get3A_571 : vector<16xi32>
      %mul3A_573 = arith.constant 16 : i32
      %mul3A_574 = arith.muli %scan3A_551, %mul3A_573 : i32
      %add3A_575 = arith.constant 768 : i32
      %add3A_576 = arith.addi %add3A_575, %mul3A_574 : i32
      %get3A_577 = arith.index_cast %add3A_576 : i32 to index
      %get3A_578 = tpu.vector_load %arg18[%get3A_577] {strides = array<i32>} : memref<8192xi32, #tpu.memory_space<vmem>>, vector<16xi32>,
      %add3A_579 = arith.addi %add3A_565, %get3A_578 : vector<16xi32>
      %mul3A_580 = arith.constant 16 : i32
      %mul3A_581 = arith.muli %scan3A_551, %mul3A_580 : i32
      %add3A_582 = arith.constant 1024 : i32
      %add3A_583 = arith.addi %add3A_582, %mul3A_581 : i32
      %get3A_584 = arith.index_cast %add3A_583 : i32 to index
      %get3A_585 = tpu.vector_load %arg18[%get3A_584] {strides = array<i32>} : memref<8192xi32, #tpu.memory_space<vmem>>, vector<16xi32>,
      %add3A_586 = arith.addi %add3A_572, %get3A_585 : vector<16xi32>
      %mul3A_587 = arith.constant 16 : i32
      %mul3A_588 = arith.muli %scan3A_551, %mul3A_587 : i32
      %add3A_589 = arith.constant 1280 : i32
      %add3A_590 = arith.addi %add3A_589, %mul3A_588 : i32
      %get3A_591 = arith.index_cast %add3A_590 : i32 to index
      %get3A_592 = tpu.vector_load %arg18[%get3A_591] {strides = array<i32>} : memref<8192xi32, #tpu.memory_space<vmem>>, vector<16xi32>,
      %add3A_593 = arith.addi %add3A_579, %get3A_592 : vector<16xi32>
      %mul3A_594 = arith.constant 16 : i32
      %mul3A_595 = arith.muli %scan3A_551, %mul3A_594 : i32
      %add3A_596 = arith.constant 1536 : i32
      %add3A_597 = arith.addi %add3A_596, %mul3A_595 : i32
      %get3A_598 = arith.index_cast %add3A_597 : i32 to index
      %get3A_599 = tpu.vector_load %arg18[%get3A_598] {strides = array<i32>} : memref<8192xi32, #tpu.memory_space<vmem>>, vector<16xi32>,
      %add3A_600 = arith.addi %add3A_586, %get3A_599 : vector<16xi32>
      %mul3A_601 = arith.constant 16 : i32
      %mul3A_602 = arith.muli %scan3A_551, %mul3A_601 : i32
      %add3A_603 = arith.constant 1792 : i32
      %add3A_604 = arith.addi %add3A_603, %mul3A_602 : i32
      %get3A_605 = arith.index_cast %add3A_604 : i32 to index
      %get3A_606 = tpu.vector_load %arg18[%get3A_605] {strides = array<i32>} : memref<8192xi32, #tpu.memory_space<vmem>>, vector<16xi32>,
      %add3A_607 = arith.addi %add3A_593, %get3A_606 : vector<16xi32>
      %mul3A_608 = arith.constant 16 : i32
      %mul3A_609 = arith.muli %scan3A_551, %mul3A_608 : i32
      %add3A_610 = arith.constant 2048 : i32
      %add3A_611 = arith.addi %add3A_610, %mul3A_609 : i32
      %get3A_612 = arith.index_cast %add3A_611 : i32 to index
      %get3A_613 = tpu.vector_load %arg18[%get3A_612] {strides = array<i32>} : memref<8192xi32, #tpu.memory_space<vmem>>, vector<16xi32>,
      %add3A_614 = arith.addi %add3A_600, %get3A_613 : vector<16xi32>
      %mul3A_615 = arith.constant 16 : i32
      %mul3A_616 = arith.muli %scan3A_551, %mul3A_615 : i32
      %add3A_617 = arith.constant 2304 : i32
      %add3A_618 = arith.addi %add3A_617, %mul3A_616 : i32
      %get3A_619 = arith.index_cast %add3A_618 : i32 to index
      %get3A_620 = tpu.vector_load %arg18[%get3A_619] {strides = array<i32>} : memref<8192xi32, #tpu.memory_space<vmem>>, vector<16xi32>,
      %add3A_621 = arith.addi %add3A_607, %get3A_620 : vector<16xi32>
      %mul3A_622 = arith.constant 16 : i32
      %mul3A_623 = arith.muli %scan3A_551, %mul3A_622 : i32
      %add3A_624 = arith.constant 2560 : i32
      %add3A_625 = arith.addi %add3A_624, %mul3A_623 : i32
      %get3A_626 = arith.index_cast %add3A_625 : i32 to index
      %get3A_627 = tpu.vector_load %arg18[%get3A_626] {strides = array<i32>} : memref<8192xi32, #tpu.memory_space<vmem>>, vector<16xi32>,
      %add3A_628 = arith.addi %add3A_614, %get3A_627 : vector<16xi32>
      %mul3A_629 = arith.constant 16 : i32
      %mul3A_630 = arith.muli %scan3A_551, %mul3A_629 : i32
      %add3A_631 = arith.constant 2816 : i32
      %add3A_632 = arith.addi %add3A_631, %mul3A_630 : i32
      %get3A_633 = arith.index_cast %add3A_632 : i32 to index
      %get3A_634 = tpu.vector_load %arg18[%get3A_633] {strides = array<i32>} : memref<8192xi32, #tpu.memory_space<vmem>>, vector<16xi32>,
      %add3A_635 = arith.addi %add3A_621, %get3A_634 : vector<16xi32>
      %mul3A_636 = arith.constant 16 : i32
      %mul3A_637 = arith.muli %scan3A_551, %mul3A_636 : i32
      %add3A_638 = arith.constant 3072 : i32
      %add3A_639 = arith.addi %add3A_638, %mul3A_637 : i32
      %get3A_640 = arith.index_cast %add3A_639 : i32 to index
      %get3A_641 = tpu.vector_load %arg18[%get3A_640] {strides = array<i32>} : memref<8192xi32, #tpu.memory_space<vmem>>, vector<16xi32>,
      %add3A_642 = arith.addi %add3A_628, %get3A_641 : vector<16xi32>
      %mul3A_643 = arith.constant 16 : i32
      %mul3A_644 = arith.muli %scan3A_551, %mul3A_643 : i32
      %add3A_645 = arith.constant 3328 : i32
      %add3A_646 = arith.addi %add3A_645, %mul3A_644 : i32
      %get3A_647 = arith.index_cast %add3A_646 : i32 to index
      %get3A_648 = tpu.vector_load %arg18[%get3A_647] {strides = array<i32>} : memref<8192xi32, #tpu.memory_space<vmem>>, vector<16xi32>,
      %add3A_649 = arith.addi %add3A_635, %get3A_648 : vector<16xi32>
      %mul3A_650 = arith.constant 16 : i32
      %mul3A_651 = arith.muli %scan3A_551, %mul3A_650 : i32
      %add3A_652 = arith.constant 3584 : i32
      %add3A_653 = arith.addi %add3A_652, %mul3A_651 : i32
      %get3A_654 = arith.index_cast %add3A_653 : i32 to index
      %get3A_655 = tpu.vector_load %arg18[%get3A_654] {strides = array<i32>} : memref<8192xi32, #tpu.memory_space<vmem>>, vector<16xi32>,
      %add3A_656 = arith.addi %add3A_642, %get3A_655 : vector<16xi32>
      %mul3A_657 = arith.constant 16 : i32
      %mul3A_658 = arith.muli %scan3A_551, %mul3A_657 : i32
      %add3A_659 = arith.constant 3840 : i32
      %add3A_660 = arith.addi %add3A_659, %mul3A_658 : i32
      %get3A_661 = arith.index_cast %add3A_660 : i32 to index
      %get3A_662 = tpu.vector_load %arg18[%get3A_661] {strides = array<i32>} : memref<8192xi32, #tpu.memory_space<vmem>>, vector<16xi32>,
      %add3A_663 = arith.addi %add3A_649, %get3A_662 : vector<16xi32>
      %mul3A_664 = arith.constant 16 : i32
      %mul3A_665 = arith.muli %scan3A_551, %mul3A_664 : i32
      %add3A_666 = arith.constant 4096 : i32
      %add3A_667 = arith.addi %add3A_666, %mul3A_665 : i32
      %get3A_668 = arith.index_cast %add3A_667 : i32 to index
      %get3A_669 = tpu.vector_load %arg18[%get3A_668] {strides = array<i32>} : memref<8192xi32, #tpu.memory_space<vmem>>, vector<16xi32>,
      %add3A_670 = arith.addi %add3A_656, %get3A_669 : vector<16xi32>
      %mul3A_671 = arith.constant 16 : i32
      %mul3A_672 = arith.muli %scan3A_551, %mul3A_671 : i32
      %add3A_673 = arith.constant 4352 : i32
      %add3A_674 = arith.addi %add3A_673, %mul3A_672 : i32
      %get3A_675 = arith.index_cast %add3A_674 : i32 to index
      %get3A_676 = tpu.vector_load %arg18[%get3A_675] {strides = array<i32>} : memref<8192xi32, #tpu.memory_space<vmem>>, vector<16xi32>,
      %add3A_677 = arith.addi %add3A_663, %get3A_676 : vector<16xi32>
      %mul3A_678 = arith.constant 16 : i32
      %mul3A_679 = arith.muli %scan3A_551, %mul3A_678 : i32
      %add3A_680 = arith.constant 4608 : i32
      %add3A_681 = arith.addi %add3A_680, %mul3A_679 : i32
      %get3A_682 = arith.index_cast %add3A_681 : i32 to index
      %get3A_683 = tpu.vector_load %arg18[%get3A_682] {strides = array<i32>} : memref<8192xi32, #tpu.memory_space<vmem>>, vector<16xi32>,
      %add3A_684 = arith.addi %add3A_670, %get3A_683 : vector<16xi32>
      %mul3A_685 = arith.constant 16 : i32
      %mul3A_686 = arith.muli %scan3A_551, %mul3A_685 : i32
      %add3A_687 = arith.constant 4864 : i32
      %add3A_688 = arith.addi %add3A_687, %mul3A_686 : i32
      %get3A_689 = arith.index_cast %add3A_688 : i32 to index
      %get3A_690 = tpu.vector_load %arg18[%get3A_689] {strides = array<i32>} : memref<8192xi32, #tpu.memory_space<vmem>>, vector<16xi32>,
      %add3A_691 = arith.addi %add3A_677, %get3A_690 : vector<16xi32>
      %mul3A_692 = arith.constant 16 : i32
      %mul3A_693 = arith.muli %scan3A_551, %mul3A_692 : i32
      %add3A_694 = arith.constant 5120 : i32
      %add3A_695 = arith.addi %add3A_694, %mul3A_693 : i32
      %get3A_696 = arith.index_cast %add3A_695 : i32 to index
      %get3A_697 = tpu.vector_load %arg18[%get3A_696] {strides = array<i32>} : memref<8192xi32, #tpu.memory_space<vmem>>, vector<16xi32>,
      %add3A_698 = arith.addi %add3A_684, %get3A_697 : vector<16xi32>
      %mul3A_699 = arith.constant 16 : i32
      %mul3A_700 = arith.muli %scan3A_551, %mul3A_699 : i32
      %add3A_701 = arith.constant 5376 : i32
      %add3A_702 = arith.addi %add3A_701, %mul3A_700 : i32
      %get3A_703 = arith.index_cast %add3A_702 : i32 to index
      %get3A_704 = tpu.vector_load %arg18[%get3A_703] {strides = array<i32>} : memref<8192xi32, #tpu.memory_space<vmem>>, vector<16xi32>,
      %add3A_705 = arith.addi %add3A_691, %get3A_704 : vector<16xi32>
      %mul3A_706 = arith.constant 16 : i32
      %mul3A_707 = arith.muli %scan3A_551, %mul3A_706 : i32
      %add3A_708 = arith.constant 5632 : i32
      %add3A_709 = arith.addi %add3A_708, %mul3A_707 : i32
      %get3A_710 = arith.index_cast %add3A_709 : i32 to index
      %get3A_711 = tpu.vector_load %arg18[%get3A_710] {strides = array<i32>} : memref<8192xi32, #tpu.memory_space<vmem>>, vector<16xi32>,
      %add3A_712 = arith.addi %add3A_698, %get3A_711 : vector<16xi32>
      %mul3A_713 = arith.constant 16 : i32
      %mul3A_714 = arith.muli %scan3A_551, %mul3A_713 : i32
      %add3A_715 = arith.constant 5888 : i32
      %add3A_716 = arith.addi %add3A_715, %mul3A_714 : i32
      %get3A_717 = arith.index_cast %add3A_716 : i32 to index
      %get3A_718 = tpu.vector_load %arg18[%get3A_717] {strides = array<i32>} : memref<8192xi32, #tpu.memory_space<vmem>>, vector<16xi32>,
      %add3A_719 = arith.addi %add3A_705, %get3A_718 : vector<16xi32>
      %mul3A_720 = arith.constant 16 : i32
      %mul3A_721 = arith.muli %scan3A_551, %mul3A_720 : i32
      %add3A_722 = arith.constant 6144 : i32
      %add3A_723 = arith.addi %add3A_722, %mul3A_721 : i32
      %get3A_724 = arith.index_cast %add3A_723 : i32 to index
      %get3A_725 = tpu.vector_load %arg18[%get3A_724] {strides = array<i32>} : memref<8192xi32, #tpu.memory_space<vmem>>, vector<16xi32>,
      %add3A_726 = arith.addi %add3A_712, %get3A_725 : vector<16xi32>
      %mul3A_727 = arith.constant 16 : i32
      %mul3A_728 = arith.muli %scan3A_551, %mul3A_727 : i32
      %add3A_729 = arith.constant 6400 : i32
      %add3A_730 = arith.addi %add3A_729, %mul3A_728 : i32
      %get3A_731 = arith.index_cast %add3A_730 : i32 to index
      %get3A_732 = tpu.vector_load %arg18[%get3A_731] {strides = array<i32>} : memref<8192xi32, #tpu.memory_space<vmem>>, vector<16xi32>,
      %add3A_733 = arith.addi %add3A_719, %get3A_732 : vector<16xi32>
      %mul3A_734 = arith.constant 16 : i32
      %mul3A_735 = arith.muli %scan3A_551, %mul3A_734 : i32
      %add3A_736 = arith.constant 6656 : i32
      %add3A_737 = arith.addi %add3A_736, %mul3A_735 : i32
      %get3A_738 = arith.index_cast %add3A_737 : i32 to index
      %get3A_739 = tpu.vector_load %arg18[%get3A_738] {strides = array<i32>} : memref<8192xi32, #tpu.memory_space<vmem>>, vector<16xi32>,
      %add3A_740 = arith.addi %add3A_726, %get3A_739 : vector<16xi32>
      %mul3A_741 = arith.constant 16 : i32
      %mul3A_742 = arith.muli %scan3A_551, %mul3A_741 : i32
      %add3A_743 = arith.constant 6912 : i32
      %add3A_744 = arith.addi %add3A_743, %mul3A_742 : i32
      %get3A_745 = arith.index_cast %add3A_744 : i32 to index
      %get3A_746 = tpu.vector_load %arg18[%get3A_745] {strides = array<i32>} : memref<8192xi32, #tpu.memory_space<vmem>>, vector<16xi32>,
      %add3A_747 = arith.addi %add3A_733, %get3A_746 : vector<16xi32>
      %mul3A_748 = arith.constant 16 : i32
      %mul3A_749 = arith.muli %scan3A_551, %mul3A_748 : i32
      %add3A_750 = arith.constant 7168 : i32
      %add3A_751 = arith.addi %add3A_750, %mul3A_749 : i32
      %get3A_752 = arith.index_cast %add3A_751 : i32 to index
      %get3A_753 = tpu.vector_load %arg18[%get3A_752] {strides = array<i32>} : memref<8192xi32, #tpu.memory_space<vmem>>, vector<16xi32>,
      %add3A_754 = arith.addi %add3A_740, %get3A_753 : vector<16xi32>
      %mul3A_755 = arith.constant 16 : i32
      %mul3A_756 = arith.muli %scan3A_551, %mul3A_755 : i32
      %add3A_757 = arith.constant 7424 : i32
      %add3A_758 = arith.addi %add3A_757, %mul3A_756 : i32
      %get3A_759 = arith.index_cast %add3A_758 : i32 to index
      %get3A_760 = tpu.vector_load %arg18[%get3A_759] {strides = array<i32>} : memref<8192xi32, #tpu.memory_space<vmem>>, vector<16xi32>,
      %add3A_761 = arith.addi %add3A_747, %get3A_760 : vector<16xi32>
      %mul3A_762 = arith.constant 16 : i32
      %mul3A_763 = arith.muli %scan3A_551, %mul3A_762 : i32
      %add3A_764 = arith.constant 7680 : i32
      %add3A_765 = arith.addi %add3A_764, %mul3A_763 : i32
      %get3A_766 = arith.index_cast %add3A_765 : i32 to index
      %get3A_767 = tpu.vector_load %arg18[%get3A_766] {strides = array<i32>} : memref<8192xi32, #tpu.memory_space<vmem>>, vector<16xi32>,
      %add3A_768 = arith.addi %add3A_754, %get3A_767 : vector<16xi32>
      %mul3A_769 = arith.constant 16 : i32
      %mul3A_770 = arith.muli %scan3A_551, %mul3A_769 : i32
      %add3A_771 = arith.constant 7936 : i32
      %add3A_772 = arith.addi %add3A_771, %mul3A_770 : i32
      %get3A_773 = arith.index_cast %add3A_772 : i32 to index
      %get3A_774 = tpu.vector_load %arg18[%get3A_773] {strides = array<i32>} : memref<8192xi32, #tpu.memory_space<vmem>>, vector<16xi32>,
      %add3A_775 = arith.addi %add3A_761, %get3A_774 : vector<16xi32>
      %mul3A_776 = arith.constant 16 : i32
      %mul3A_777 = arith.muli %scan3A_551, %mul3A_776 : i32
      %swap3A_778 = arith.index_cast %mul3A_777 : i32 to index
      %swap3A_779 = tpu.vector_load %arg19[%swap3A_778] {strides = array<i32>} : memref<512xi32, #tpu.memory_space<vmem>>, vector<16xi32>,
      tpu.vector_store %arg19[%swap3A_778], %add3A_768 {strides = array<i32>} : memref<512xi32, #tpu.memory_space<vmem>>, vector<16xi32>,
      %mul3A_780 = arith.constant 16 : i32
      %mul3A_781 = arith.muli %scan3A_551, %mul3A_780 : i32
      %add3A_782 = arith.constant 256 : i32
      %add3A_783 = arith.addi %add3A_782, %mul3A_781 : i32
      %swap3A_784 = arith.index_cast %add3A_783 : i32 to index
      %swap3A_785 = tpu.vector_load %arg19[%swap3A_784] {strides = array<i32>} : memref<512xi32, #tpu.memory_space<vmem>>, vector<16xi32>,
      tpu.vector_store %arg19[%swap3A_784], %add3A_775 {strides = array<i32>} : memref<512xi32, #tpu.memory_space<vmem>>, vector<16xi32>,
      %scan3A_786 = arith.constant 0 : i32
      scf.yield %scan3A_786 : i32
    }
    %scan3A_97 = arith.constant 16 : i32
    %scan3A_98 = arith.constant 0 : i32
    %scan3A_99 = arith.constant 16 : i32
    %scan3A_100 = arith.addi %scan3A_98, %scan3A_99 : i32
    %scan3A_101 = arith.constant 1 : i32
    %scan3A_102 = scf.for %scan3A_551 = %scan3A_98 to %scan3A_100 step %scan3A_101 iter_args(%scan3A_552 = %broadcast_in_dim3A_3) -> (vector<16xi32>)  : i32 {
      %mul3A_553 = arith.constant 16 : i32
      %mul3A_554 = arith.muli %scan3A_551, %mul3A_553 : i32
      %add3A_555 = arith.constant 0 : i32
      %add3A_556 = arith.addi %add3A_555, %mul3A_554 : i32
      %get3A = arith.index_cast %add3A_556 : i32 to index
      %get3A_557 = tpu.vector_load %arg19[%get3A] {strides = array<i32>} : memref<512xi32, #tpu.memory_space<vmem>>, vector<16xi32>,
      %add3A_558 = arith.addi %scan3A_552, %get3A_557 : vector<16xi32>
      scf.yield %add3A_558 : vector<16xi32>
    }
    %scan3A_103 = arith.constant 16 : i32
    %reduce_sum3A = arith.constant true
    %reduce_sum3A_104 = vector.broadcast %reduce_sum3A : i1 to vector<16xi1>
    %reduce_sum3A_105 = tpu.scan <sum>, %scan3A_102 masked %reduce_sum3A_104 : vector<16xi32>, vector<16xi1> -> vector<16xi32>
    %reduce_sum3A_106 = vector.extract %reduce_sum3A_105[15] : i32 from vector<16xi32>
    %scan3A_107 = arith.constant 1745 : i32
    %scan3A_108 = arith.constant 0 : i32
    %scan3A_109 = arith.constant 0 : i32
    %scan3A_110 = arith.constant 0 : i32
    %scan3A_111 = arith.constant 16 : i32
    %scan3A_112 = arith.addi %scan3A_110, %scan3A_111 : i32
    %scan3A_113 = arith.constant 1 : i32
    %scan3A_114:3 = scf.for %scan3A_551 = %scan3A_110 to %scan3A_112 step %scan3A_113 iter_args(%scan3A_552 = %broadcast_in_dim3A_3, %scan3A_553 = %scan3A_108, %scan3A_554 = %scan3A_109) -> (vector<16xi32>, i32, i32)  : i32 {
      %mul3A_555 = arith.constant 16 : i32
      %mul3A_556 = arith.muli %scan3A_551, %mul3A_555 : i32
      %get3A = arith.index_cast %mul3A_556 : i32 to index
      %get3A_557 = tpu.vector_load %arg19[%get3A] {strides = array<i32>} : memref<512xi32, #tpu.memory_space<vmem>>, vector<16xi32>,
      %cumsum3A = arith.constant true
      %cumsum3A_558 = vector.broadcast %cumsum3A : i1 to vector<16xi1>
      %cumsum3A_559 = tpu.scan <sum>, %get3A_557 masked %cumsum3A_558 : vector<16xi32>, vector<16xi1> -> vector<16xi32>
      %add3A_560 = vector.broadcast %scan3A_554 : i32 to vector<16xi32>
      %add3A_561 = arith.addi %add3A_560, %cumsum3A_559 : vector<16xi32>
      %sub3A_562 = arith.subi %add3A_561, %get3A_557 : vector<16xi32>
      %sub3A_563 = vector.broadcast %reduce_sum3A_106 : i32 to vector<16xi32>
      %sub3A_564 = arith.subi %sub3A_563, %sub3A_562 : vector<16xi32>
      %ge3A = vector.broadcast %scan3A_107 : i32 to vector<16xi32>
      %ge3A_565 = arith.cmpi sge, %sub3A_564, %ge3A : vector<16xi32>
      %all_reduce_population_count3A = tpu.all_reduce %ge3A_565 {dim = 0 : i64, kind = #tpu.reduction_kind<sum>} : vector<16xi1> -> vector<16xi32>
      %add3A_566 = arith.addi %scan3A_552, %all_reduce_population_count3A : vector<16xi32>
      %jit3A = arith.constant 0 : i32
      %broadcast_in_dim3A_567 = vector.broadcast %jit3A : i32 to vector<16xi32>
      %select_n3A = arith.select %ge3A_565, %get3A_557, %broadcast_in_dim3A_567 : vector<16xi1>, vector<16xi32>
      %reduce_sum3A_568 = arith.constant true
      %reduce_sum3A_569 = vector.broadcast %reduce_sum3A_568 : i1 to vector<16xi1>
      %reduce_sum3A_570 = tpu.scan <sum>, %select_n3A masked %reduce_sum3A_569 : vector<16xi32>, vector<16xi1> -> vector<16xi32>
      %reduce_sum3A_571 = vector.extract %reduce_sum3A_570[15] : i32 from vector<16xi32>
      %add3A_572 = arith.addi %scan3A_553, %reduce_sum3A_571 : i32
      %reduce_sum3A_573 = arith.constant true
      %reduce_sum3A_574 = vector.broadcast %reduce_sum3A_573 : i1 to vector<16xi1>
      %reduce_sum3A_575 = tpu.scan <sum>, %get3A_557 masked %reduce_sum3A_574 : vector<16xi32>, vector<16xi1> -> vector<16xi32>
      %reduce_sum3A_576 = vector.extract %reduce_sum3A_575[15] : i32 from vector<16xi32>
      %add3A_577 = arith.addi %scan3A_554, %reduce_sum3A_576 : i32
      scf.yield %add3A_566, %add3A_572, %add3A_577 : vector<16xi32>, i32, i32
    }
    %scan3A_115 = arith.constant 16 : i32
    %sub3A = arith.constant 1 : i32
    %sub3A_116 = vector.broadcast %sub3A : i32 to vector<16xi32>
    %sub3A_117 = arith.subi %scan3A_114#0, %sub3A_116 : vector<16xi32>
    %sub3A_118 = arith.subi %reduce_sum3A_106, %scan3A_114#1 : i32
    %scan3A_119 = arith.constant 1745 : i32
    %scan3A_120 = arith.constant 0 : i32
    %scan3A_121 = arith.constant 0 : i32
    %scan3A_122 = arith.constant 0 : i32
    %scan3A_123 = arith.constant 16 : i32
    %scan3A_124 = arith.addi %scan3A_122, %scan3A_123 : i32
    %scan3A_125 = arith.constant 1 : i32
    %scan3A_126:3 = scf.for %scan3A_551 = %scan3A_122 to %scan3A_124 step %scan3A_125 iter_args(%scan3A_552 = %broadcast_in_dim3A_3, %scan3A_553 = %scan3A_120, %scan3A_554 = %scan3A_121) -> (vector<16xi32>, i32, i32)  : i32 {
      %mul3A_555 = arith.constant 16 : i32
      %mul3A_556 = arith.muli %scan3A_551, %mul3A_555 : i32
      %add3A_557 = arith.constant 0 : i32
      %add3A_558 = arith.addi %add3A_557, %mul3A_556 : i32
      %get3A = arith.index_cast %add3A_558 : i32 to index
      %get3A_559 = tpu.vector_load %arg19[%get3A] {strides = array<i32>} : memref<512xi32, #tpu.memory_space<vmem>>, vector<16xi32>,
      %cumsum3A = arith.constant true
      %cumsum3A_560 = vector.broadcast %cumsum3A : i1 to vector<16xi1>
      %cumsum3A_561 = tpu.scan <sum>, %get3A_559 masked %cumsum3A_560 : vector<16xi32>, vector<16xi1> -> vector<16xi32>
      %add3A_562 = vector.broadcast %scan3A_554 : i32 to vector<16xi32>
      %add3A_563 = arith.addi %add3A_562, %cumsum3A_561 : vector<16xi32>
      %ge3A = vector.broadcast %scan3A_119 : i32 to vector<16xi32>
      %ge3A_564 = arith.cmpi sge, %add3A_563, %ge3A : vector<16xi32>
      %all_reduce_population_count3A = tpu.all_reduce %ge3A_564 {dim = 0 : i64, kind = #tpu.reduction_kind<sum>} : vector<16xi1> -> vector<16xi32>
      %add3A_565 = arith.addi %scan3A_552, %all_reduce_population_count3A : vector<16xi32>
      %jit3A = arith.constant 0 : i32
      %broadcast_in_dim3A_566 = vector.broadcast %jit3A : i32 to vector<16xi32>
      %select_n3A = arith.select %ge3A_564, %get3A_559, %broadcast_in_dim3A_566 : vector<16xi1>, vector<16xi32>
      %reduce_sum3A_567 = arith.constant true
      %reduce_sum3A_568 = vector.broadcast %reduce_sum3A_567 : i1 to vector<16xi1>
      %reduce_sum3A_569 = tpu.scan <sum>, %select_n3A masked %reduce_sum3A_568 : vector<16xi32>, vector<16xi1> -> vector<16xi32>
      %reduce_sum3A_570 = vector.extract %reduce_sum3A_569[15] : i32 from vector<16xi32>
      %add3A_571 = arith.addi %scan3A_553, %reduce_sum3A_570 : i32
      %reduce_sum3A_572 = arith.constant true
      %reduce_sum3A_573 = vector.broadcast %reduce_sum3A_572 : i1 to vector<16xi1>
      %reduce_sum3A_574 = tpu.scan <sum>, %get3A_559 masked %reduce_sum3A_573 : vector<16xi32>, vector<16xi1> -> vector<16xi32>
      %reduce_sum3A_575 = vector.extract %reduce_sum3A_574[15] : i32 from vector<16xi32>
      %add3A_576 = arith.addi %scan3A_554, %reduce_sum3A_575 : i32
      scf.yield %add3A_565, %add3A_571, %add3A_576 : vector<16xi32>, i32, i32
    }
    %scan3A_127 = arith.constant 16 : i32
    %sub3A_128 = arith.constant 256 : i32
    %sub3A_129 = vector.broadcast %sub3A_128 : i32 to vector<16xi32>
    %sub3A_130 = arith.subi %sub3A_129, %scan3A_126#0 : vector<16xi32>
    %sub3A_131 = arith.subi %reduce_sum3A_106, %scan3A_126#1 : i32
    %sub3A_132 = arith.constant 1745 : i32
    %sub3A_133 = arith.subi %sub3A_132, %sub3A_118 : i32
    %shift_left3A = arith.constant 24 : i32
    %shift_left3A_134 = vector.broadcast %shift_left3A : i32 to vector<16xi32>
    %shift_left3A_135 = arith.shli %sub3A_117, %shift_left3A_134 : vector<16xi32>
    %or3A = arith.constant 0 : i32
    %or3A_136 = vector.broadcast %or3A : i32 to vector<16xi32>
    %or3A_137 = arith.ori %or3A_136, %shift_left3A_135 : vector<16xi32>
    %sub3A_138 = arith.constant 1745 : i32
    %sub3A_139 = arith.subi %sub3A_138, %sub3A_131 : i32
    %shift_left3A_140 = arith.constant 24 : i32
    %shift_left3A_141 = vector.broadcast %shift_left3A_140 : i32 to vector<16xi32>
    %shift_left3A_142 = arith.shli %sub3A_130, %shift_left3A_141 : vector<16xi32>
    %or3A_143 = arith.constant 0 : i32
    %or3A_144 = vector.broadcast %or3A_143 : i32 to vector<16xi32>
    %or3A_145 = arith.ori %or3A_144, %shift_left3A_142 : vector<16xi32>
    %scan3A_146 = arith.constant 0 : i32
    %scan3A_147 = arith.constant 0 : i32
    %scan3A_148 = arith.constant 256 : i32
    %scan3A_149 = arith.addi %scan3A_147, %scan3A_148 : i32
    %scan3A_150 = arith.constant 1 : i32
    %scan3A_151 = scf.for %scan3A_551 = %scan3A_147 to %scan3A_149 step %scan3A_150 iter_args(%scan3A_552 = %scan3A_146) -> (i32)  : i32 {
      %mul3A_553 = arith.constant 16 : i32
      %mul3A_554 = arith.muli %scan3A_551, %mul3A_553 : i32
      %swap3A_555 = arith.index_cast %mul3A_554 : i32 to index
      %swap3A_556 = tpu.vector_load %arg15[%swap3A_555] {strides = array<i32>} : memref<4096xi32, #tpu.memory_space<vmem>>, vector<16xi32>,
      tpu.vector_store %arg15[%swap3A_555], %broadcast_in_dim3A_3 {strides = array<i32>} : memref<4096xi32, #tpu.memory_space<vmem>>, vector<16xi32>,
      %mul3A_557 = arith.constant 16 : i32
      %mul3A_558 = arith.muli %scan3A_551, %mul3A_557 : i32
      %swap3A_559 = arith.index_cast %mul3A_558 : i32 to index
      %swap3A_560 = tpu.vector_load %arg16[%swap3A_559] {strides = array<i32>} : memref<4096xi32, #tpu.memory_space<vmem>>, vector<16xi32>,
      tpu.vector_store %arg16[%swap3A_559], %broadcast_in_dim3A_3 {strides = array<i32>} : memref<4096xi32, #tpu.memory_space<vmem>>, vector<16xi32>,
      %scan3A_561 = arith.constant 0 : i32
      scf.yield %scan3A_561 : i32
    }
    %scan3A_152 = arith.constant 256 : i32
    %scan3A_153 = arith.constant -16777216 : i32
    %scan3A_154 = arith.constant 0 : i32
    %scan3A_155 = arith.constant 0 : i32
    %scan3A_156 = arith.constant 682 : i32
    %scan3A_157 = arith.addi %scan3A_155, %scan3A_156 : i32
    %scan3A_158 = arith.constant 1 : i32
    %scan3A_159 = scf.for %scan3A_551 = %scan3A_155 to %scan3A_157 step %scan3A_158 iter_args(%scan3A_552 = %scan3A_154) -> (i32)  : i32 {
      %mul3A_553 = arith.constant 16 : i32
      %mul3A_554 = arith.muli %scan3A_551, %mul3A_553 : i32
      %get3A = arith.index_cast %mul3A_554 : i32 to index
      %get3A_555 = tpu.vector_load %arg14[%get3A] {strides = array<i32>} : memref<10912xf32, #tpu.memory_space<vmem>>, vector<16xf32>,
      %bitcast_convert_type3A_556 = tpu.bitcast %get3A_555 : vector<16xf32> -> vector<16xi32>
      %shift_right_arithmetic3A = arith.constant 16 : i32
      %shift_right_arithmetic3A_557 = vector.broadcast %shift_right_arithmetic3A : i32 to vector<16xi32>
      %shift_right_arithmetic3A_558 = arith.shrsi %bitcast_convert_type3A_556, %shift_right_arithmetic3A_557 : vector<16xi32>
      %and3A = arith.constant 255 : i32
      %and3A_559 = vector.broadcast %and3A : i32 to vector<16xi32>
      %and3A_560 = arith.andi %shift_right_arithmetic3A_558, %and3A_559 : vector<16xi32>
      %mul3A_561 = arith.constant 256 : i32
      %mul3A_562 = vector.broadcast %mul3A_561 : i32 to vector<16xi32>
      %mul3A_563 = arith.muli %iota3A, %mul3A_562 : vector<16xi32>
      %add3A_564 = arith.addi %mul3A_563, %and3A_560 : vector<16xi32>
      %and3A_565 = vector.broadcast %scan3A_153 : i32 to vector<16xi32>
      %and3A_566 = arith.andi %bitcast_convert_type3A_556, %and3A_565 : vector<16xi32>
      %eq3A_567 = arith.cmpi eq, %and3A_566, %or3A_137 : vector<16xi32>
      tpu.vector_store_idx %arg15[%add3A_564], %broadcast_in_dim3A_1 masked %eq3A_567 {add = true} : memref<4096xi32, #tpu.memory_space<vmem>>[vector<16xi32>], vector<16xi32>, vector<16xi1>
      %eq3A_568 = arith.cmpi eq, %and3A_566, %or3A_145 : vector<16xi32>
      tpu.vector_store_idx %arg16[%add3A_564], %broadcast_in_dim3A_1 masked %eq3A_568 {add = true} : memref<4096xi32, #tpu.memory_space<vmem>>[vector<16xi32>], vector<16xi32>, vector<16xi1>
      %scan3A_569 = arith.constant 0 : i32
      scf.yield %scan3A_569 : i32
    }
    %scan3A_160 = arith.constant 682 : i32
    %scan3A_161 = arith.constant 0 : i32
    %scan3A_162 = arith.constant 0 : i32
    %scan3A_163 = arith.constant 16 : i32
    %scan3A_164 = arith.addi %scan3A_162, %scan3A_163 : i32
    %scan3A_165 = arith.constant 1 : i32
    %scan3A_166 = scf.for %scan3A_551 = %scan3A_162 to %scan3A_164 step %scan3A_165 iter_args(%scan3A_552 = %scan3A_161) -> (i32)  : i32 {
      %mul3A_553 = arith.constant 16 : i32
      %mul3A_554 = arith.muli %scan3A_551, %mul3A_553 : i32
      %add3A_555 = arith.constant 0 : i32
      %add3A_556 = arith.addi %add3A_555, %mul3A_554 : i32
      %get3A = arith.index_cast %add3A_556 : i32 to index
      %get3A_557 = tpu.vector_load %arg15[%get3A] {strides = array<i32>} : memref<4096xi32, #tpu.memory_space<vmem>>, vector<16xi32>,
      %add3A_558 = arith.addi %broadcast_in_dim3A_3, %get3A_557 : vector<16xi32>
      %mul3A_559 = arith.constant 16 : i32
      %mul3A_560 = arith.muli %scan3A_551, %mul3A_559 : i32
      %add3A_561 = arith.constant 0 : i32
      %add3A_562 = arith.addi %add3A_561, %mul3A_560 : i32
      %get3A_563 = arith.index_cast %add3A_562 : i32 to index
      %get3A_564 = tpu.vector_load %arg16[%get3A_563] {strides = array<i32>} : memref<4096xi32, #tpu.memory_space<vmem>>, vector<16xi32>,
      %add3A_565 = arith.addi %broadcast_in_dim3A_3, %get3A_564 : vector<16xi32>
      %mul3A_566 = arith.constant 16 : i32
      %mul3A_567 = arith.muli %scan3A_551, %mul3A_566 : i32
      %add3A_568 = arith.constant 256 : i32
      %add3A_569 = arith.addi %add3A_568, %mul3A_567 : i32
      %get3A_570 = arith.index_cast %add3A_569 : i32 to index
      %get3A_571 = tpu.vector_load %arg15[%get3A_570] {strides = array<i32>} : memref<4096xi32, #tpu.memory_space<vmem>>, vector<16xi32>,
      %add3A_572 = arith.addi %add3A_558, %get3A_571 : vector<16xi32>
      %mul3A_573 = arith.constant 16 : i32
      %mul3A_574 = arith.muli %scan3A_551, %mul3A_573 : i32
      %add3A_575 = arith.constant 256 : i32
      %add3A_576 = arith.addi %add3A_575, %mul3A_574 : i32
      %get3A_577 = arith.index_cast %add3A_576 : i32 to index
      %get3A_578 = tpu.vector_load %arg16[%get3A_577] {strides = array<i32>} : memref<4096xi32, #tpu.memory_space<vmem>>, vector<16xi32>,
      %add3A_579 = arith.addi %add3A_565, %get3A_578 : vector<16xi32>
      %mul3A_580 = arith.constant 16 : i32
      %mul3A_581 = arith.muli %scan3A_551, %mul3A_580 : i32
      %add3A_582 = arith.constant 512 : i32
      %add3A_583 = arith.addi %add3A_582, %mul3A_581 : i32
      %get3A_584 = arith.index_cast %add3A_583 : i32 to index
      %get3A_585 = tpu.vector_load %arg15[%get3A_584] {strides = array<i32>} : memref<4096xi32, #tpu.memory_space<vmem>>, vector<16xi32>,
      %add3A_586 = arith.addi %add3A_572, %get3A_585 : vector<16xi32>
      %mul3A_587 = arith.constant 16 : i32
      %mul3A_588 = arith.muli %scan3A_551, %mul3A_587 : i32
      %add3A_589 = arith.constant 512 : i32
      %add3A_590 = arith.addi %add3A_589, %mul3A_588 : i32
      %get3A_591 = arith.index_cast %add3A_590 : i32 to index
      %get3A_592 = tpu.vector_load %arg16[%get3A_591] {strides = array<i32>} : memref<4096xi32, #tpu.memory_space<vmem>>, vector<16xi32>,
      %add3A_593 = arith.addi %add3A_579, %get3A_592 : vector<16xi32>
      %mul3A_594 = arith.constant 16 : i32
      %mul3A_595 = arith.muli %scan3A_551, %mul3A_594 : i32
      %add3A_596 = arith.constant 768 : i32
      %add3A_597 = arith.addi %add3A_596, %mul3A_595 : i32
      %get3A_598 = arith.index_cast %add3A_597 : i32 to index
      %get3A_599 = tpu.vector_load %arg15[%get3A_598] {strides = array<i32>} : memref<4096xi32, #tpu.memory_space<vmem>>, vector<16xi32>,
      %add3A_600 = arith.addi %add3A_586, %get3A_599 : vector<16xi32>
      %mul3A_601 = arith.constant 16 : i32
      %mul3A_602 = arith.muli %scan3A_551, %mul3A_601 : i32
      %add3A_603 = arith.constant 768 : i32
      %add3A_604 = arith.addi %add3A_603, %mul3A_602 : i32
      %get3A_605 = arith.index_cast %add3A_604 : i32 to index
      %get3A_606 = tpu.vector_load %arg16[%get3A_605] {strides = array<i32>} : memref<4096xi32, #tpu.memory_space<vmem>>, vector<16xi32>,
      %add3A_607 = arith.addi %add3A_593, %get3A_606 : vector<16xi32>
      %mul3A_608 = arith.constant 16 : i32
      %mul3A_609 = arith.muli %scan3A_551, %mul3A_608 : i32
      %add3A_610 = arith.constant 1024 : i32
      %add3A_611 = arith.addi %add3A_610, %mul3A_609 : i32
      %get3A_612 = arith.index_cast %add3A_611 : i32 to index
      %get3A_613 = tpu.vector_load %arg15[%get3A_612] {strides = array<i32>} : memref<4096xi32, #tpu.memory_space<vmem>>, vector<16xi32>,
      %add3A_614 = arith.addi %add3A_600, %get3A_613 : vector<16xi32>
      %mul3A_615 = arith.constant 16 : i32
      %mul3A_616 = arith.muli %scan3A_551, %mul3A_615 : i32
      %add3A_617 = arith.constant 1024 : i32
      %add3A_618 = arith.addi %add3A_617, %mul3A_616 : i32
      %get3A_619 = arith.index_cast %add3A_618 : i32 to index
      %get3A_620 = tpu.vector_load %arg16[%get3A_619] {strides = array<i32>} : memref<4096xi32, #tpu.memory_space<vmem>>, vector<16xi32>,
      %add3A_621 = arith.addi %add3A_607, %get3A_620 : vector<16xi32>
      %mul3A_622 = arith.constant 16 : i32
      %mul3A_623 = arith.muli %scan3A_551, %mul3A_622 : i32
      %add3A_624 = arith.constant 1280 : i32
      %add3A_625 = arith.addi %add3A_624, %mul3A_623 : i32
      %get3A_626 = arith.index_cast %add3A_625 : i32 to index
      %get3A_627 = tpu.vector_load %arg15[%get3A_626] {strides = array<i32>} : memref<4096xi32, #tpu.memory_space<vmem>>, vector<16xi32>,
      %add3A_628 = arith.addi %add3A_614, %get3A_627 : vector<16xi32>
      %mul3A_629 = arith.constant 16 : i32
      %mul3A_630 = arith.muli %scan3A_551, %mul3A_629 : i32
      %add3A_631 = arith.constant 1280 : i32
      %add3A_632 = arith.addi %add3A_631, %mul3A_630 : i32
      %get3A_633 = arith.index_cast %add3A_632 : i32 to index
      %get3A_634 = tpu.vector_load %arg16[%get3A_633] {strides = array<i32>} : memref<4096xi32, #tpu.memory_space<vmem>>, vector<16xi32>,
      %add3A_635 = arith.addi %add3A_621, %get3A_634 : vector<16xi32>
      %mul3A_636 = arith.constant 16 : i32
      %mul3A_637 = arith.muli %scan3A_551, %mul3A_636 : i32
      %add3A_638 = arith.constant 1536 : i32
      %add3A_639 = arith.addi %add3A_638, %mul3A_637 : i32
      %get3A_640 = arith.index_cast %add3A_639 : i32 to index
      %get3A_641 = tpu.vector_load %arg15[%get3A_640] {strides = array<i32>} : memref<4096xi32, #tpu.memory_space<vmem>>, vector<16xi32>,
      %add3A_642 = arith.addi %add3A_628, %get3A_641 : vector<16xi32>
      %mul3A_643 = arith.constant 16 : i32
      %mul3A_644 = arith.muli %scan3A_551, %mul3A_643 : i32
      %add3A_645 = arith.constant 1536 : i32
      %add3A_646 = arith.addi %add3A_645, %mul3A_644 : i32
      %get3A_647 = arith.index_cast %add3A_646 : i32 to index
      %get3A_648 = tpu.vector_load %arg16[%get3A_647] {strides = array<i32>} : memref<4096xi32, #tpu.memory_space<vmem>>, vector<16xi32>,
      %add3A_649 = arith.addi %add3A_635, %get3A_648 : vector<16xi32>
      %mul3A_650 = arith.constant 16 : i32
      %mul3A_651 = arith.muli %scan3A_551, %mul3A_650 : i32
      %add3A_652 = arith.constant 1792 : i32
      %add3A_653 = arith.addi %add3A_652, %mul3A_651 : i32
      %get3A_654 = arith.index_cast %add3A_653 : i32 to index
      %get3A_655 = tpu.vector_load %arg15[%get3A_654] {strides = array<i32>} : memref<4096xi32, #tpu.memory_space<vmem>>, vector<16xi32>,
      %add3A_656 = arith.addi %add3A_642, %get3A_655 : vector<16xi32>
      %mul3A_657 = arith.constant 16 : i32
      %mul3A_658 = arith.muli %scan3A_551, %mul3A_657 : i32
      %add3A_659 = arith.constant 1792 : i32
      %add3A_660 = arith.addi %add3A_659, %mul3A_658 : i32
      %get3A_661 = arith.index_cast %add3A_660 : i32 to index
      %get3A_662 = tpu.vector_load %arg16[%get3A_661] {strides = array<i32>} : memref<4096xi32, #tpu.memory_space<vmem>>, vector<16xi32>,
      %add3A_663 = arith.addi %add3A_649, %get3A_662 : vector<16xi32>
      %mul3A_664 = arith.constant 16 : i32
      %mul3A_665 = arith.muli %scan3A_551, %mul3A_664 : i32
      %add3A_666 = arith.constant 2048 : i32
      %add3A_667 = arith.addi %add3A_666, %mul3A_665 : i32
      %get3A_668 = arith.index_cast %add3A_667 : i32 to index
      %get3A_669 = tpu.vector_load %arg15[%get3A_668] {strides = array<i32>} : memref<4096xi32, #tpu.memory_space<vmem>>, vector<16xi32>,
      %add3A_670 = arith.addi %add3A_656, %get3A_669 : vector<16xi32>
      %mul3A_671 = arith.constant 16 : i32
      %mul3A_672 = arith.muli %scan3A_551, %mul3A_671 : i32
      %add3A_673 = arith.constant 2048 : i32
      %add3A_674 = arith.addi %add3A_673, %mul3A_672 : i32
      %get3A_675 = arith.index_cast %add3A_674 : i32 to index
      %get3A_676 = tpu.vector_load %arg16[%get3A_675] {strides = array<i32>} : memref<4096xi32, #tpu.memory_space<vmem>>, vector<16xi32>,
      %add3A_677 = arith.addi %add3A_663, %get3A_676 : vector<16xi32>
      %mul3A_678 = arith.constant 16 : i32
      %mul3A_679 = arith.muli %scan3A_551, %mul3A_678 : i32
      %add3A_680 = arith.constant 2304 : i32
      %add3A_681 = arith.addi %add3A_680, %mul3A_679 : i32
      %get3A_682 = arith.index_cast %add3A_681 : i32 to index
      %get3A_683 = tpu.vector_load %arg15[%get3A_682] {strides = array<i32>} : memref<4096xi32, #tpu.memory_space<vmem>>, vector<16xi32>,
      %add3A_684 = arith.addi %add3A_670, %get3A_683 : vector<16xi32>
      %mul3A_685 = arith.constant 16 : i32
      %mul3A_686 = arith.muli %scan3A_551, %mul3A_685 : i32
      %add3A_687 = arith.constant 2304 : i32
      %add3A_688 = arith.addi %add3A_687, %mul3A_686 : i32
      %get3A_689 = arith.index_cast %add3A_688 : i32 to index
      %get3A_690 = tpu.vector_load %arg16[%get3A_689] {strides = array<i32>} : memref<4096xi32, #tpu.memory_space<vmem>>, vector<16xi32>,
      %add3A_691 = arith.addi %add3A_677, %get3A_690 : vector<16xi32>
      %mul3A_692 = arith.constant 16 : i32
      %mul3A_693 = arith.muli %scan3A_551, %mul3A_692 : i32
      %add3A_694 = arith.constant 2560 : i32
      %add3A_695 = arith.addi %add3A_694, %mul3A_693 : i32
      %get3A_696 = arith.index_cast %add3A_695 : i32 to index
      %get3A_697 = tpu.vector_load %arg15[%get3A_696] {strides = array<i32>} : memref<4096xi32, #tpu.memory_space<vmem>>, vector<16xi32>,
      %add3A_698 = arith.addi %add3A_684, %get3A_697 : vector<16xi32>
      %mul3A_699 = arith.constant 16 : i32
      %mul3A_700 = arith.muli %scan3A_551, %mul3A_699 : i32
      %add3A_701 = arith.constant 2560 : i32
      %add3A_702 = arith.addi %add3A_701, %mul3A_700 : i32
      %get3A_703 = arith.index_cast %add3A_702 : i32 to index
      %get3A_704 = tpu.vector_load %arg16[%get3A_703] {strides = array<i32>} : memref<4096xi32, #tpu.memory_space<vmem>>, vector<16xi32>,
      %add3A_705 = arith.addi %add3A_691, %get3A_704 : vector<16xi32>
      %mul3A_706 = arith.constant 16 : i32
      %mul3A_707 = arith.muli %scan3A_551, %mul3A_706 : i32
      %add3A_708 = arith.constant 2816 : i32
      %add3A_709 = arith.addi %add3A_708, %mul3A_707 : i32
      %get3A_710 = arith.index_cast %add3A_709 : i32 to index
      %get3A_711 = tpu.vector_load %arg15[%get3A_710] {strides = array<i32>} : memref<4096xi32, #tpu.memory_space<vmem>>, vector<16xi32>,
      %add3A_712 = arith.addi %add3A_698, %get3A_711 : vector<16xi32>
      %mul3A_713 = arith.constant 16 : i32
      %mul3A_714 = arith.muli %scan3A_551, %mul3A_713 : i32
      %add3A_715 = arith.constant 2816 : i32
      %add3A_716 = arith.addi %add3A_715, %mul3A_714 : i32
      %get3A_717 = arith.index_cast %add3A_716 : i32 to index
      %get3A_718 = tpu.vector_load %arg16[%get3A_717] {strides = array<i32>} : memref<4096xi32, #tpu.memory_space<vmem>>, vector<16xi32>,
      %add3A_719 = arith.addi %add3A_705, %get3A_718 : vector<16xi32>
      %mul3A_720 = arith.constant 16 : i32
      %mul3A_721 = arith.muli %scan3A_551, %mul3A_720 : i32
      %add3A_722 = arith.constant 3072 : i32
      %add3A_723 = arith.addi %add3A_722, %mul3A_721 : i32
      %get3A_724 = arith.index_cast %add3A_723 : i32 to index
      %get3A_725 = tpu.vector_load %arg15[%get3A_724] {strides = array<i32>} : memref<4096xi32, #tpu.memory_space<vmem>>, vector<16xi32>,
      %add3A_726 = arith.addi %add3A_712, %get3A_725 : vector<16xi32>
      %mul3A_727 = arith.constant 16 : i32
      %mul3A_728 = arith.muli %scan3A_551, %mul3A_727 : i32
      %add3A_729 = arith.constant 3072 : i32
      %add3A_730 = arith.addi %add3A_729, %mul3A_728 : i32
      %get3A_731 = arith.index_cast %add3A_730 : i32 to index
      %get3A_732 = tpu.vector_load %arg16[%get3A_731] {strides = array<i32>} : memref<4096xi32, #tpu.memory_space<vmem>>, vector<16xi32>,
      %add3A_733 = arith.addi %add3A_719, %get3A_732 : vector<16xi32>
      %mul3A_734 = arith.constant 16 : i32
      %mul3A_735 = arith.muli %scan3A_551, %mul3A_734 : i32
      %add3A_736 = arith.constant 3328 : i32
      %add3A_737 = arith.addi %add3A_736, %mul3A_735 : i32
      %get3A_738 = arith.index_cast %add3A_737 : i32 to index
      %get3A_739 = tpu.vector_load %arg15[%get3A_738] {strides = array<i32>} : memref<4096xi32, #tpu.memory_space<vmem>>, vector<16xi32>,
      %add3A_740 = arith.addi %add3A_726, %get3A_739 : vector<16xi32>
      %mul3A_741 = arith.constant 16 : i32
      %mul3A_742 = arith.muli %scan3A_551, %mul3A_741 : i32
      %add3A_743 = arith.constant 3328 : i32
      %add3A_744 = arith.addi %add3A_743, %mul3A_742 : i32
      %get3A_745 = arith.index_cast %add3A_744 : i32 to index
      %get3A_746 = tpu.vector_load %arg16[%get3A_745] {strides = array<i32>} : memref<4096xi32, #tpu.memory_space<vmem>>, vector<16xi32>,
      %add3A_747 = arith.addi %add3A_733, %get3A_746 : vector<16xi32>
      %mul3A_748 = arith.constant 16 : i32
      %mul3A_749 = arith.muli %scan3A_551, %mul3A_748 : i32
      %add3A_750 = arith.constant 3584 : i32
      %add3A_751 = arith.addi %add3A_750, %mul3A_749 : i32
      %get3A_752 = arith.index_cast %add3A_751 : i32 to index
      %get3A_753 = tpu.vector_load %arg15[%get3A_752] {strides = array<i32>} : memref<4096xi32, #tpu.memory_space<vmem>>, vector<16xi32>,
      %add3A_754 = arith.addi %add3A_740, %get3A_753 : vector<16xi32>
      %mul3A_755 = arith.constant 16 : i32
      %mul3A_756 = arith.muli %scan3A_551, %mul3A_755 : i32
      %add3A_757 = arith.constant 3584 : i32
      %add3A_758 = arith.addi %add3A_757, %mul3A_756 : i32
      %get3A_759 = arith.index_cast %add3A_758 : i32 to index
      %get3A_760 = tpu.vector_load %arg16[%get3A_759] {strides = array<i32>} : memref<4096xi32, #tpu.memory_space<vmem>>, vector<16xi32>,
      %add3A_761 = arith.addi %add3A_747, %get3A_760 : vector<16xi32>
      %mul3A_762 = arith.constant 16 : i32
      %mul3A_763 = arith.muli %scan3A_551, %mul3A_762 : i32
      %add3A_764 = arith.constant 3840 : i32
      %add3A_765 = arith.addi %add3A_764, %mul3A_763 : i32
      %get3A_766 = arith.index_cast %add3A_765 : i32 to index
      %get3A_767 = tpu.vector_load %arg15[%get3A_766] {strides = array<i32>} : memref<4096xi32, #tpu.memory_space<vmem>>, vector<16xi32>,
      %add3A_768 = arith.addi %add3A_754, %get3A_767 : vector<16xi32>
      %mul3A_769 = arith.constant 16 : i32
      %mul3A_770 = arith.muli %scan3A_551, %mul3A_769 : i32
      %add3A_771 = arith.constant 3840 : i32
      %add3A_772 = arith.addi %add3A_771, %mul3A_770 : i32
      %get3A_773 = arith.index_cast %add3A_772 : i32 to index
      %get3A_774 = tpu.vector_load %arg16[%get3A_773] {strides = array<i32>} : memref<4096xi32, #tpu.memory_space<vmem>>, vector<16xi32>,
      %add3A_775 = arith.addi %add3A_761, %get3A_774 : vector<16xi32>
      %mul3A_776 = arith.constant 16 : i32
      %mul3A_777 = arith.muli %scan3A_551, %mul3A_776 : i32
      %swap3A_778 = arith.index_cast %mul3A_777 : i32 to index
      %swap3A_779 = tpu.vector_load %arg17[%swap3A_778] {strides = array<i32>} : memref<512xi32, #tpu.memory_space<vmem>>, vector<16xi32>,
      tpu.vector_store %arg17[%swap3A_778], %add3A_768 {strides = array<i32>} : memref<512xi32, #tpu.memory_space<vmem>>, vector<16xi32>,
      %mul3A_780 = arith.constant 16 : i32
      %mul3A_781 = arith.muli %scan3A_551, %mul3A_780 : i32
      %add3A_782 = arith.constant 256 : i32
      %add3A_783 = arith.addi %add3A_782, %mul3A_781 : i32
      %swap3A_784 = arith.index_cast %add3A_783 : i32 to index
      %swap3A_785 = tpu.vector_load %arg17[%swap3A_784] {strides = array<i32>} : memref<512xi32, #tpu.memory_space<vmem>>, vector<16xi32>,
      tpu.vector_store %arg17[%swap3A_784], %add3A_775 {strides = array<i32>} : memref<512xi32, #tpu.memory_space<vmem>>, vector<16xi32>,
      %scan3A_786 = arith.constant 0 : i32
      scf.yield %scan3A_786 : i32
    }
    %scan3A_167 = arith.constant 16 : i32
    %mul3A_168 = arith.constant 512 : i32
    %mul3A_169 = arith.muli %arg1, %mul3A_168 : i32
    %run_scoped3A_170 = arith.constant 1 : i32
    "tpu.region"() ({
      %run_scoped3A_551 = tpu.sem_alloc : memref<!tpu.dma_semaphore, #tpu.memory_space<semaphore_mem>>
      %dma_start3A_552 = tpu.memref_slice %arg23[%run_scoped3A_170, %mul3A_169] : memref<4x8192xi32, #tpu.memory_space<vmem_shared>> -> memref<1x512xi32, #tpu.memory_space<vmem_shared>>
      %dma_start3A_553 = tpu.memref_squeeze %dma_start3A_552 : memref<1x512xi32, #tpu.memory_space<vmem_shared>> -> memref<512xi32, #tpu.memory_space<vmem_shared>>
      %dma_start3A_554 = tpu.memref_slice %arg23[%run_scoped3A_170, %mul3A_169] : memref<4x8192xi32, #tpu.memory_space<vmem_shared>> -> memref<1x512xi32, #tpu.memory_space<vmem_shared>>
      %dma_start3A_555 = tpu.memref_squeeze %dma_start3A_554 : memref<1x512xi32, #tpu.memory_space<vmem_shared>> -> memref<512xi32, #tpu.memory_space<vmem_shared>>
      tpu.enqueue_dma source(%arg17 : memref<512xi32, #tpu.memory_space<vmem>>) target(%dma_start3A_555 : memref<512xi32, #tpu.memory_space<vmem_shared>>) target_semaphore(%run_scoped3A_551 : memref<!tpu.dma_semaphore, #tpu.memory_space<semaphore_mem>>)
      %dma_wait3A = tpu.memref_slice %arg23[%run_scoped3A_170, %mul3A_169] : memref<4x8192xi32, #tpu.memory_space<vmem_shared>> -> memref<1x512xi32, #tpu.memory_space<vmem_shared>>
      %dma_wait3A_556 = tpu.memref_squeeze %dma_wait3A : memref<1x512xi32, #tpu.memory_space<vmem_shared>> -> memref<512xi32, #tpu.memory_space<vmem_shared>>
      %dma_wait3A_557 = tpu.memref_slice %arg23[%run_scoped3A_170, %mul3A_169] : memref<4x8192xi32, #tpu.memory_space<vmem_shared>> -> memref<1x512xi32, #tpu.memory_space<vmem_shared>>
      %dma_wait3A_558 = tpu.memref_squeeze %dma_wait3A_557 : memref<1x512xi32, #tpu.memory_space<vmem_shared>> -> memref<512xi32, #tpu.memory_space<vmem_shared>>
      tpu.wait_dma2 semaphore(%run_scoped3A_551 : memref<!tpu.dma_semaphore, #tpu.memory_space<semaphore_mem>>) src(%arg17 : memref<512xi32, #tpu.memory_space<vmem>>) dst(%dma_wait3A_558 : memref<512xi32, #tpu.memory_space<vmem_shared>>)
      tpu.yield
    }) : () -> ()
    %barrier3A_171 = arith.constant 0 : index
    tpu.barrier barrier_id(%barrier3A_171)
    %run_scoped3A_172 = arith.constant 1 : i32
    "tpu.region"() ({
      %run_scoped3A_551 = tpu.sem_alloc : memref<!tpu.dma_semaphore, #tpu.memory_space<semaphore_mem>>
      %dma_start3A_552 = arith.constant 0 : i32
      %dma_start3A_553 = tpu.memref_slice %arg23[%run_scoped3A_172, %dma_start3A_552] : memref<4x8192xi32, #tpu.memory_space<vmem_shared>> -> memref<1x8192xi32, #tpu.memory_space<vmem_shared>>
      %dma_start3A_554 = tpu.memref_squeeze %dma_start3A_553 : memref<1x8192xi32, #tpu.memory_space<vmem_shared>> -> memref<8192xi32, #tpu.memory_space<vmem_shared>>
      %dma_start3A_555 = arith.constant 0 : i32
      %dma_start3A_556 = tpu.memref_slice %arg23[%run_scoped3A_172, %dma_start3A_555] : memref<4x8192xi32, #tpu.memory_space<vmem_shared>> -> memref<1x8192xi32, #tpu.memory_space<vmem_shared>>
      %dma_start3A_557 = tpu.memref_squeeze %dma_start3A_556 : memref<1x8192xi32, #tpu.memory_space<vmem_shared>> -> memref<8192xi32, #tpu.memory_space<vmem_shared>>
      tpu.enqueue_dma source(%dma_start3A_557 : memref<8192xi32, #tpu.memory_space<vmem_shared>>) target(%arg18 : memref<8192xi32, #tpu.memory_space<vmem>>) target_semaphore(%run_scoped3A_551 : memref<!tpu.dma_semaphore, #tpu.memory_space<semaphore_mem>>)
      %dma_wait3A = arith.constant 0 : i32
      %dma_wait3A_558 = tpu.memref_slice %arg23[%run_scoped3A_172, %dma_wait3A] : memref<4x8192xi32, #tpu.memory_space<vmem_shared>> -> memref<1x8192xi32, #tpu.memory_space<vmem_shared>>
      %dma_wait3A_559 = tpu.memref_squeeze %dma_wait3A_558 : memref<1x8192xi32, #tpu.memory_space<vmem_shared>> -> memref<8192xi32, #tpu.memory_space<vmem_shared>>
      %dma_wait3A_560 = arith.constant 0 : i32
      %dma_wait3A_561 = tpu.memref_slice %arg23[%run_scoped3A_172, %dma_wait3A_560] : memref<4x8192xi32, #tpu.memory_space<vmem_shared>> -> memref<1x8192xi32, #tpu.memory_space<vmem_shared>>
      %dma_wait3A_562 = tpu.memref_squeeze %dma_wait3A_561 : memref<1x8192xi32, #tpu.memory_space<vmem_shared>> -> memref<8192xi32, #tpu.memory_space<vmem_shared>>
      tpu.wait_dma2 semaphore(%run_scoped3A_551 : memref<!tpu.dma_semaphore, #tpu.memory_space<semaphore_mem>>) src(%dma_wait3A_562 : memref<8192xi32, #tpu.memory_space<vmem_shared>>) dst(%arg18 : memref<8192xi32, #tpu.memory_space<vmem>>)
      tpu.yield
    }) : () -> ()
    %scan3A_173 = arith.constant 0 : i32
    %scan3A_174 = arith.constant 0 : i32
    %scan3A_175 = arith.constant 16 : i32
    %scan3A_176 = arith.addi %scan3A_174, %scan3A_175 : i32
    %scan3A_177 = arith.constant 1 : i32
    %scan3A_178 = scf.for %scan3A_551 = %scan3A_174 to %scan3A_176 step %scan3A_177 iter_args(%scan3A_552 = %scan3A_173) -> (i32)  : i32 {
      %mul3A_553 = arith.constant 16 : i32
      %mul3A_554 = arith.muli %scan3A_551, %mul3A_553 : i32
      %add3A_555 = arith.constant 0 : i32
      %add3A_556 = arith.addi %add3A_555, %mul3A_554 : i32
      %get3A = arith.index_cast %add3A_556 : i32 to index
      %get3A_557 = tpu.vector_load %arg18[%get3A] {strides = array<i32>} : memref<8192xi32, #tpu.memory_space<vmem>>, vector<16xi32>,
      %add3A_558 = arith.addi %broadcast_in_dim3A_3, %get3A_557 : vector<16xi32>
      %mul3A_559 = arith.constant 16 : i32
      %mul3A_560 = arith.muli %scan3A_551, %mul3A_559 : i32
      %add3A_561 = arith.constant 256 : i32
      %add3A_562 = arith.addi %add3A_561, %mul3A_560 : i32
      %get3A_563 = arith.index_cast %add3A_562 : i32 to index
      %get3A_564 = tpu.vector_load %arg18[%get3A_563] {strides = array<i32>} : memref<8192xi32, #tpu.memory_space<vmem>>, vector<16xi32>,
      %add3A_565 = arith.addi %broadcast_in_dim3A_3, %get3A_564 : vector<16xi32>
      %mul3A_566 = arith.constant 16 : i32
      %mul3A_567 = arith.muli %scan3A_551, %mul3A_566 : i32
      %add3A_568 = arith.constant 512 : i32
      %add3A_569 = arith.addi %add3A_568, %mul3A_567 : i32
      %get3A_570 = arith.index_cast %add3A_569 : i32 to index
      %get3A_571 = tpu.vector_load %arg18[%get3A_570] {strides = array<i32>} : memref<8192xi32, #tpu.memory_space<vmem>>, vector<16xi32>,
      %add3A_572 = arith.addi %add3A_558, %get3A_571 : vector<16xi32>
      %mul3A_573 = arith.constant 16 : i32
      %mul3A_574 = arith.muli %scan3A_551, %mul3A_573 : i32
      %add3A_575 = arith.constant 768 : i32
      %add3A_576 = arith.addi %add3A_575, %mul3A_574 : i32
      %get3A_577 = arith.index_cast %add3A_576 : i32 to index
      %get3A_578 = tpu.vector_load %arg18[%get3A_577] {strides = array<i32>} : memref<8192xi32, #tpu.memory_space<vmem>>, vector<16xi32>,
      %add3A_579 = arith.addi %add3A_565, %get3A_578 : vector<16xi32>
      %mul3A_580 = arith.constant 16 : i32
      %mul3A_581 = arith.muli %scan3A_551, %mul3A_580 : i32
      %add3A_582 = arith.constant 1024 : i32
      %add3A_583 = arith.addi %add3A_582, %mul3A_581 : i32
      %get3A_584 = arith.index_cast %add3A_583 : i32 to index
      %get3A_585 = tpu.vector_load %arg18[%get3A_584] {strides = array<i32>} : memref<8192xi32, #tpu.memory_space<vmem>>, vector<16xi32>,
      %add3A_586 = arith.addi %add3A_572, %get3A_585 : vector<16xi32>
      %mul3A_587 = arith.constant 16 : i32
      %mul3A_588 = arith.muli %scan3A_551, %mul3A_587 : i32
      %add3A_589 = arith.constant 1280 : i32
      %add3A_590 = arith.addi %add3A_589, %mul3A_588 : i32
      %get3A_591 = arith.index_cast %add3A_590 : i32 to index
      %get3A_592 = tpu.vector_load %arg18[%get3A_591] {strides = array<i32>} : memref<8192xi32, #tpu.memory_space<vmem>>, vector<16xi32>,
      %add3A_593 = arith.addi %add3A_579, %get3A_592 : vector<16xi32>
      %mul3A_594 = arith.constant 16 : i32
      %mul3A_595 = arith.muli %scan3A_551, %mul3A_594 : i32
      %add3A_596 = arith.constant 1536 : i32
      %add3A_597 = arith.addi %add3A_596, %mul3A_595 : i32
      %get3A_598 = arith.index_cast %add3A_597 : i32 to index
      %get3A_599 = tpu.vector_load %arg18[%get3A_598] {strides = array<i32>} : memref<8192xi32, #tpu.memory_space<vmem>>, vector<16xi32>,
      %add3A_600 = arith.addi %add3A_586, %get3A_599 : vector<16xi32>
      %mul3A_601 = arith.constant 16 : i32
      %mul3A_602 = arith.muli %scan3A_551, %mul3A_601 : i32
      %add3A_603 = arith.constant 1792 : i32
      %add3A_604 = arith.addi %add3A_603, %mul3A_602 : i32
      %get3A_605 = arith.index_cast %add3A_604 : i32 to index
      %get3A_606 = tpu.vector_load %arg18[%get3A_605] {strides = array<i32>} : memref<8192xi32, #tpu.memory_space<vmem>>, vector<16xi32>,
      %add3A_607 = arith.addi %add3A_593, %get3A_606 : vector<16xi32>
      %mul3A_608 = arith.constant 16 : i32
      %mul3A_609 = arith.muli %scan3A_551, %mul3A_608 : i32
      %add3A_610 = arith.constant 2048 : i32
      %add3A_611 = arith.addi %add3A_610, %mul3A_609 : i32
      %get3A_612 = arith.index_cast %add3A_611 : i32 to index
      %get3A_613 = tpu.vector_load %arg18[%get3A_612] {strides = array<i32>} : memref<8192xi32, #tpu.memory_space<vmem>>, vector<16xi32>,
      %add3A_614 = arith.addi %add3A_600, %get3A_613 : vector<16xi32>
      %mul3A_615 = arith.constant 16 : i32
      %mul3A_616 = arith.muli %scan3A_551, %mul3A_615 : i32
      %add3A_617 = arith.constant 2304 : i32
      %add3A_618 = arith.addi %add3A_617, %mul3A_616 : i32
      %get3A_619 = arith.index_cast %add3A_618 : i32 to index
      %get3A_620 = tpu.vector_load %arg18[%get3A_619] {strides = array<i32>} : memref<8192xi32, #tpu.memory_space<vmem>>, vector<16xi32>,
      %add3A_621 = arith.addi %add3A_607, %get3A_620 : vector<16xi32>
      %mul3A_622 = arith.constant 16 : i32
      %mul3A_623 = arith.muli %scan3A_551, %mul3A_622 : i32
      %add3A_624 = arith.constant 2560 : i32
      %add3A_625 = arith.addi %add3A_624, %mul3A_623 : i32
      %get3A_626 = arith.index_cast %add3A_625 : i32 to index
      %get3A_627 = tpu.vector_load %arg18[%get3A_626] {strides = array<i32>} : memref<8192xi32, #tpu.memory_space<vmem>>, vector<16xi32>,
      %add3A_628 = arith.addi %add3A_614, %get3A_627 : vector<16xi32>
      %mul3A_629 = arith.constant 16 : i32
      %mul3A_630 = arith.muli %scan3A_551, %mul3A_629 : i32
      %add3A_631 = arith.constant 2816 : i32
      %add3A_632 = arith.addi %add3A_631, %mul3A_630 : i32
      %get3A_633 = arith.index_cast %add3A_632 : i32 to index
      %get3A_634 = tpu.vector_load %arg18[%get3A_633] {strides = array<i32>} : memref<8192xi32, #tpu.memory_space<vmem>>, vector<16xi32>,
      %add3A_635 = arith.addi %add3A_621, %get3A_634 : vector<16xi32>
      %mul3A_636 = arith.constant 16 : i32
      %mul3A_637 = arith.muli %scan3A_551, %mul3A_636 : i32
      %add3A_638 = arith.constant 3072 : i32
      %add3A_639 = arith.addi %add3A_638, %mul3A_637 : i32
      %get3A_640 = arith.index_cast %add3A_639 : i32 to index
      %get3A_641 = tpu.vector_load %arg18[%get3A_640] {strides = array<i32>} : memref<8192xi32, #tpu.memory_space<vmem>>, vector<16xi32>,
      %add3A_642 = arith.addi %add3A_628, %get3A_641 : vector<16xi32>
      %mul3A_643 = arith.constant 16 : i32
      %mul3A_644 = arith.muli %scan3A_551, %mul3A_643 : i32
      %add3A_645 = arith.constant 3328 : i32
      %add3A_646 = arith.addi %add3A_645, %mul3A_644 : i32
      %get3A_647 = arith.index_cast %add3A_646 : i32 to index
      %get3A_648 = tpu.vector_load %arg18[%get3A_647] {strides = array<i32>} : memref<8192xi32, #tpu.memory_space<vmem>>, vector<16xi32>,
      %add3A_649 = arith.addi %add3A_635, %get3A_648 : vector<16xi32>
      %mul3A_650 = arith.constant 16 : i32
      %mul3A_651 = arith.muli %scan3A_551, %mul3A_650 : i32
      %add3A_652 = arith.constant 3584 : i32
      %add3A_653 = arith.addi %add3A_652, %mul3A_651 : i32
      %get3A_654 = arith.index_cast %add3A_653 : i32 to index
      %get3A_655 = tpu.vector_load %arg18[%get3A_654] {strides = array<i32>} : memref<8192xi32, #tpu.memory_space<vmem>>, vector<16xi32>,
      %add3A_656 = arith.addi %add3A_642, %get3A_655 : vector<16xi32>
      %mul3A_657 = arith.constant 16 : i32
      %mul3A_658 = arith.muli %scan3A_551, %mul3A_657 : i32
      %add3A_659 = arith.constant 3840 : i32
      %add3A_660 = arith.addi %add3A_659, %mul3A_658 : i32
      %get3A_661 = arith.index_cast %add3A_660 : i32 to index
      %get3A_662 = tpu.vector_load %arg18[%get3A_661] {strides = array<i32>} : memref<8192xi32, #tpu.memory_space<vmem>>, vector<16xi32>,
      %add3A_663 = arith.addi %add3A_649, %get3A_662 : vector<16xi32>
      %mul3A_664 = arith.constant 16 : i32
      %mul3A_665 = arith.muli %scan3A_551, %mul3A_664 : i32
      %add3A_666 = arith.constant 4096 : i32
      %add3A_667 = arith.addi %add3A_666, %mul3A_665 : i32
      %get3A_668 = arith.index_cast %add3A_667 : i32 to index
      %get3A_669 = tpu.vector_load %arg18[%get3A_668] {strides = array<i32>} : memref<8192xi32, #tpu.memory_space<vmem>>, vector<16xi32>,
      %add3A_670 = arith.addi %add3A_656, %get3A_669 : vector<16xi32>
      %mul3A_671 = arith.constant 16 : i32
      %mul3A_672 = arith.muli %scan3A_551, %mul3A_671 : i32
      %add3A_673 = arith.constant 4352 : i32
      %add3A_674 = arith.addi %add3A_673, %mul3A_672 : i32
      %get3A_675 = arith.index_cast %add3A_674 : i32 to index
      %get3A_676 = tpu.vector_load %arg18[%get3A_675] {strides = array<i32>} : memref<8192xi32, #tpu.memory_space<vmem>>, vector<16xi32>,
      %add3A_677 = arith.addi %add3A_663, %get3A_676 : vector<16xi32>
      %mul3A_678 = arith.constant 16 : i32
      %mul3A_679 = arith.muli %scan3A_551, %mul3A_678 : i32
      %add3A_680 = arith.constant 4608 : i32
      %add3A_681 = arith.addi %add3A_680, %mul3A_679 : i32
      %get3A_682 = arith.index_cast %add3A_681 : i32 to index
      %get3A_683 = tpu.vector_load %arg18[%get3A_682] {strides = array<i32>} : memref<8192xi32, #tpu.memory_space<vmem>>, vector<16xi32>,
      %add3A_684 = arith.addi %add3A_670, %get3A_683 : vector<16xi32>
      %mul3A_685 = arith.constant 16 : i32
      %mul3A_686 = arith.muli %scan3A_551, %mul3A_685 : i32
      %add3A_687 = arith.constant 4864 : i32
      %add3A_688 = arith.addi %add3A_687, %mul3A_686 : i32
      %get3A_689 = arith.index_cast %add3A_688 : i32 to index
      %get3A_690 = tpu.vector_load %arg18[%get3A_689] {strides = array<i32>} : memref<8192xi32, #tpu.memory_space<vmem>>, vector<16xi32>,
      %add3A_691 = arith.addi %add3A_677, %get3A_690 : vector<16xi32>
      %mul3A_692 = arith.constant 16 : i32
      %mul3A_693 = arith.muli %scan3A_551, %mul3A_692 : i32
      %add3A_694 = arith.constant 5120 : i32
      %add3A_695 = arith.addi %add3A_694, %mul3A_693 : i32
      %get3A_696 = arith.index_cast %add3A_695 : i32 to index
      %get3A_697 = tpu.vector_load %arg18[%get3A_696] {strides = array<i32>} : memref<8192xi32, #tpu.memory_space<vmem>>, vector<16xi32>,
      %add3A_698 = arith.addi %add3A_684, %get3A_697 : vector<16xi32>
      %mul3A_699 = arith.constant 16 : i32
      %mul3A_700 = arith.muli %scan3A_551, %mul3A_699 : i32
      %add3A_701 = arith.constant 5376 : i32
      %add3A_702 = arith.addi %add3A_701, %mul3A_700 : i32
      %get3A_703 = arith.index_cast %add3A_702 : i32 to index
      %get3A_704 = tpu.vector_load %arg18[%get3A_703] {strides = array<i32>} : memref<8192xi32, #tpu.memory_space<vmem>>, vector<16xi32>,
      %add3A_705 = arith.addi %add3A_691, %get3A_704 : vector<16xi32>
      %mul3A_706 = arith.constant 16 : i32
      %mul3A_707 = arith.muli %scan3A_551, %mul3A_706 : i32
      %add3A_708 = arith.constant 5632 : i32
      %add3A_709 = arith.addi %add3A_708, %mul3A_707 : i32
      %get3A_710 = arith.index_cast %add3A_709 : i32 to index
      %get3A_711 = tpu.vector_load %arg18[%get3A_710] {strides = array<i32>} : memref<8192xi32, #tpu.memory_space<vmem>>, vector<16xi32>,
      %add3A_712 = arith.addi %add3A_698, %get3A_711 : vector<16xi32>
      %mul3A_713 = arith.constant 16 : i32
      %mul3A_714 = arith.muli %scan3A_551, %mul3A_713 : i32
      %add3A_715 = arith.constant 5888 : i32
      %add3A_716 = arith.addi %add3A_715, %mul3A_714 : i32
      %get3A_717 = arith.index_cast %add3A_716 : i32 to index
      %get3A_718 = tpu.vector_load %arg18[%get3A_717] {strides = array<i32>} : memref<8192xi32, #tpu.memory_space<vmem>>, vector<16xi32>,
      %add3A_719 = arith.addi %add3A_705, %get3A_718 : vector<16xi32>
      %mul3A_720 = arith.constant 16 : i32
      %mul3A_721 = arith.muli %scan3A_551, %mul3A_720 : i32
      %add3A_722 = arith.constant 6144 : i32
      %add3A_723 = arith.addi %add3A_722, %mul3A_721 : i32
      %get3A_724 = arith.index_cast %add3A_723 : i32 to index
      %get3A_725 = tpu.vector_load %arg18[%get3A_724] {strides = array<i32>} : memref<8192xi32, #tpu.memory_space<vmem>>, vector<16xi32>,
      %add3A_726 = arith.addi %add3A_712, %get3A_725 : vector<16xi32>
      %mul3A_727 = arith.constant 16 : i32
      %mul3A_728 = arith.muli %scan3A_551, %mul3A_727 : i32
      %add3A_729 = arith.constant 6400 : i32
      %add3A_730 = arith.addi %add3A_729, %mul3A_728 : i32
      %get3A_731 = arith.index_cast %add3A_730 : i32 to index
      %get3A_732 = tpu.vector_load %arg18[%get3A_731] {strides = array<i32>} : memref<8192xi32, #tpu.memory_space<vmem>>, vector<16xi32>,
      %add3A_733 = arith.addi %add3A_719, %get3A_732 : vector<16xi32>
      %mul3A_734 = arith.constant 16 : i32
      %mul3A_735 = arith.muli %scan3A_551, %mul3A_734 : i32
      %add3A_736 = arith.constant 6656 : i32
      %add3A_737 = arith.addi %add3A_736, %mul3A_735 : i32
      %get3A_738 = arith.index_cast %add3A_737 : i32 to index
      %get3A_739 = tpu.vector_load %arg18[%get3A_738] {strides = array<i32>} : memref<8192xi32, #tpu.memory_space<vmem>>, vector<16xi32>,
      %add3A_740 = arith.addi %add3A_726, %get3A_739 : vector<16xi32>
      %mul3A_741 = arith.constant 16 : i32
      %mul3A_742 = arith.muli %scan3A_551, %mul3A_741 : i32
      %add3A_743 = arith.constant 6912 : i32
      %add3A_744 = arith.addi %add3A_743, %mul3A_742 : i32
      %get3A_745 = arith.index_cast %add3A_744 : i32 to index
      %get3A_746 = tpu.vector_load %arg18[%get3A_745] {strides = array<i32>} : memref<8192xi32, #tpu.memory_space<vmem>>, vector<16xi32>,
      %add3A_747 = arith.addi %add3A_733, %get3A_746 : vector<16xi32>
      %mul3A_748 = arith.constant 16 : i32
      %mul3A_749 = arith.muli %scan3A_551, %mul3A_748 : i32
      %add3A_750 = arith.constant 7168 : i32
      %add3A_751 = arith.addi %add3A_750, %mul3A_749 : i32
      %get3A_752 = arith.index_cast %add3A_751 : i32 to index
      %get3A_753 = tpu.vector_load %arg18[%get3A_752] {strides = array<i32>} : memref<8192xi32, #tpu.memory_space<vmem>>, vector<16xi32>,
      %add3A_754 = arith.addi %add3A_740, %get3A_753 : vector<16xi32>
      %mul3A_755 = arith.constant 16 : i32
      %mul3A_756 = arith.muli %scan3A_551, %mul3A_755 : i32
      %add3A_757 = arith.constant 7424 : i32
      %add3A_758 = arith.addi %add3A_757, %mul3A_756 : i32
      %get3A_759 = arith.index_cast %add3A_758 : i32 to index
      %get3A_760 = tpu.vector_load %arg18[%get3A_759] {strides = array<i32>} : memref<8192xi32, #tpu.memory_space<vmem>>, vector<16xi32>,
      %add3A_761 = arith.addi %add3A_747, %get3A_760 : vector<16xi32>
      %mul3A_762 = arith.constant 16 : i32
      %mul3A_763 = arith.muli %scan3A_551, %mul3A_762 : i32
      %add3A_764 = arith.constant 7680 : i32
      %add3A_765 = arith.addi %add3A_764, %mul3A_763 : i32
      %get3A_766 = arith.index_cast %add3A_765 : i32 to index
      %get3A_767 = tpu.vector_load %arg18[%get3A_766] {strides = array<i32>} : memref<8192xi32, #tpu.memory_space<vmem>>, vector<16xi32>,
      %add3A_768 = arith.addi %add3A_754, %get3A_767 : vector<16xi32>
      %mul3A_769 = arith.constant 16 : i32
      %mul3A_770 = arith.muli %scan3A_551, %mul3A_769 : i32
      %add3A_771 = arith.constant 7936 : i32
      %add3A_772 = arith.addi %add3A_771, %mul3A_770 : i32
      %get3A_773 = arith.index_cast %add3A_772 : i32 to index
      %get3A_774 = tpu.vector_load %arg18[%get3A_773] {strides = array<i32>} : memref<8192xi32, #tpu.memory_space<vmem>>, vector<16xi32>,
      %add3A_775 = arith.addi %add3A_761, %get3A_774 : vector<16xi32>
      %mul3A_776 = arith.constant 16 : i32
      %mul3A_777 = arith.muli %scan3A_551, %mul3A_776 : i32
      %swap3A_778 = arith.index_cast %mul3A_777 : i32 to index
      %swap3A_779 = tpu.vector_load %arg19[%swap3A_778] {strides = array<i32>} : memref<512xi32, #tpu.memory_space<vmem>>, vector<16xi32>,
      tpu.vector_store %arg19[%swap3A_778], %add3A_768 {strides = array<i32>} : memref<512xi32, #tpu.memory_space<vmem>>, vector<16xi32>,
      %mul3A_780 = arith.constant 16 : i32
      %mul3A_781 = arith.muli %scan3A_551, %mul3A_780 : i32
      %add3A_782 = arith.constant 256 : i32
      %add3A_783 = arith.addi %add3A_782, %mul3A_781 : i32
      %swap3A_784 = arith.index_cast %add3A_783 : i32 to index
      %swap3A_785 = tpu.vector_load %arg19[%swap3A_784] {strides = array<i32>} : memref<512xi32, #tpu.memory_space<vmem>>, vector<16xi32>,
      tpu.vector_store %arg19[%swap3A_784], %add3A_775 {strides = array<i32>} : memref<512xi32, #tpu.memory_space<vmem>>, vector<16xi32>,
      %scan3A_786 = arith.constant 0 : i32
      scf.yield %scan3A_786 : i32
    }
    %scan3A_179 = arith.constant 16 : i32
    %scan3A_180 = arith.constant 0 : i32
    %scan3A_181 = arith.constant 16 : i32
    %scan3A_182 = arith.addi %scan3A_180, %scan3A_181 : i32
    %scan3A_183 = arith.constant 1 : i32
    %scan3A_184 = scf.for %scan3A_551 = %scan3A_180 to %scan3A_182 step %scan3A_183 iter_args(%scan3A_552 = %broadcast_in_dim3A_3) -> (vector<16xi32>)  : i32 {
      %mul3A_553 = arith.constant 16 : i32
      %mul3A_554 = arith.muli %scan3A_551, %mul3A_553 : i32
      %add3A_555 = arith.constant 0 : i32
      %add3A_556 = arith.addi %add3A_555, %mul3A_554 : i32
      %get3A = arith.index_cast %add3A_556 : i32 to index
      %get3A_557 = tpu.vector_load %arg19[%get3A] {strides = array<i32>} : memref<512xi32, #tpu.memory_space<vmem>>, vector<16xi32>,
      %add3A_558 = arith.addi %scan3A_552, %get3A_557 : vector<16xi32>
      scf.yield %add3A_558 : vector<16xi32>
    }
    %scan3A_185 = arith.constant 16 : i32
    %reduce_sum3A_186 = arith.constant true
    %reduce_sum3A_187 = vector.broadcast %reduce_sum3A_186 : i1 to vector<16xi1>
    %reduce_sum3A_188 = tpu.scan <sum>, %scan3A_184 masked %reduce_sum3A_187 : vector<16xi32>, vector<16xi1> -> vector<16xi32>
    %reduce_sum3A_189 = vector.extract %reduce_sum3A_188[15] : i32 from vector<16xi32>
    %scan3A_190 = arith.constant 0 : i32
    %scan3A_191 = arith.constant 16 : i32
    %scan3A_192 = arith.addi %scan3A_190, %scan3A_191 : i32
    %scan3A_193 = arith.constant 1 : i32
    %scan3A_194 = scf.for %scan3A_551 = %scan3A_190 to %scan3A_192 step %scan3A_193 iter_args(%scan3A_552 = %broadcast_in_dim3A_3) -> (vector<16xi32>)  : i32 {
      %mul3A_553 = arith.constant 16 : i32
      %mul3A_554 = arith.muli %scan3A_551, %mul3A_553 : i32
      %add3A_555 = arith.constant 256 : i32
      %add3A_556 = arith.addi %add3A_555, %mul3A_554 : i32
      %get3A = arith.index_cast %add3A_556 : i32 to index
      %get3A_557 = tpu.vector_load %arg19[%get3A] {strides = array<i32>} : memref<512xi32, #tpu.memory_space<vmem>>, vector<16xi32>,
      %add3A_558 = arith.addi %scan3A_552, %get3A_557 : vector<16xi32>
      scf.yield %add3A_558 : vector<16xi32>
    }
    %scan3A_195 = arith.constant 16 : i32
    %reduce_sum3A_196 = arith.constant true
    %reduce_sum3A_197 = vector.broadcast %reduce_sum3A_196 : i1 to vector<16xi1>
    %reduce_sum3A_198 = tpu.scan <sum>, %scan3A_194 masked %reduce_sum3A_197 : vector<16xi32>, vector<16xi1> -> vector<16xi32>
    %reduce_sum3A_199 = vector.extract %reduce_sum3A_198[15] : i32 from vector<16xi32>
    %scan3A_200 = arith.constant 0 : i32
    %scan3A_201 = arith.constant 0 : i32
    %scan3A_202 = arith.constant 0 : i32
    %scan3A_203 = arith.constant 16 : i32
    %scan3A_204 = arith.addi %scan3A_202, %scan3A_203 : i32
    %scan3A_205 = arith.constant 1 : i32
    %scan3A_206:3 = scf.for %scan3A_551 = %scan3A_202 to %scan3A_204 step %scan3A_205 iter_args(%scan3A_552 = %broadcast_in_dim3A_3, %scan3A_553 = %scan3A_200, %scan3A_554 = %scan3A_201) -> (vector<16xi32>, i32, i32)  : i32 {
      %mul3A_555 = arith.constant 16 : i32
      %mul3A_556 = arith.muli %scan3A_551, %mul3A_555 : i32
      %get3A = arith.index_cast %mul3A_556 : i32 to index
      %get3A_557 = tpu.vector_load %arg19[%get3A] {strides = array<i32>} : memref<512xi32, #tpu.memory_space<vmem>>, vector<16xi32>,
      %cumsum3A = arith.constant true
      %cumsum3A_558 = vector.broadcast %cumsum3A : i1 to vector<16xi1>
      %cumsum3A_559 = tpu.scan <sum>, %get3A_557 masked %cumsum3A_558 : vector<16xi32>, vector<16xi1> -> vector<16xi32>
      %add3A_560 = vector.broadcast %scan3A_554 : i32 to vector<16xi32>
      %add3A_561 = arith.addi %add3A_560, %cumsum3A_559 : vector<16xi32>
      %sub3A_562 = arith.subi %add3A_561, %get3A_557 : vector<16xi32>
      %sub3A_563 = vector.broadcast %reduce_sum3A_189 : i32 to vector<16xi32>
      %sub3A_564 = arith.subi %sub3A_563, %sub3A_562 : vector<16xi32>
      %ge3A = vector.broadcast %sub3A_133 : i32 to vector<16xi32>
      %ge3A_565 = arith.cmpi sge, %sub3A_564, %ge3A : vector<16xi32>
      %all_reduce_population_count3A = tpu.all_reduce %ge3A_565 {dim = 0 : i64, kind = #tpu.reduction_kind<sum>} : vector<16xi1> -> vector<16xi32>
      %add3A_566 = arith.addi %scan3A_552, %all_reduce_population_count3A : vector<16xi32>
      %jit3A = arith.constant 0 : i32
      %broadcast_in_dim3A_567 = vector.broadcast %jit3A : i32 to vector<16xi32>
      %select_n3A = arith.select %ge3A_565, %get3A_557, %broadcast_in_dim3A_567 : vector<16xi1>, vector<16xi32>
      %reduce_sum3A_568 = arith.constant true
      %reduce_sum3A_569 = vector.broadcast %reduce_sum3A_568 : i1 to vector<16xi1>
      %reduce_sum3A_570 = tpu.scan <sum>, %select_n3A masked %reduce_sum3A_569 : vector<16xi32>, vector<16xi1> -> vector<16xi32>
      %reduce_sum3A_571 = vector.extract %reduce_sum3A_570[15] : i32 from vector<16xi32>
      %add3A_572 = arith.addi %scan3A_553, %reduce_sum3A_571 : i32
      %reduce_sum3A_573 = arith.constant true
      %reduce_sum3A_574 = vector.broadcast %reduce_sum3A_573 : i1 to vector<16xi1>
      %reduce_sum3A_575 = tpu.scan <sum>, %get3A_557 masked %reduce_sum3A_574 : vector<16xi32>, vector<16xi1> -> vector<16xi32>
      %reduce_sum3A_576 = vector.extract %reduce_sum3A_575[15] : i32 from vector<16xi32>
      %add3A_577 = arith.addi %scan3A_554, %reduce_sum3A_576 : i32
      scf.yield %add3A_566, %add3A_572, %add3A_577 : vector<16xi32>, i32, i32
    }
    %scan3A_207 = arith.constant 16 : i32
    %sub3A_208 = arith.constant 1 : i32
    %sub3A_209 = vector.broadcast %sub3A_208 : i32 to vector<16xi32>
    %sub3A_210 = arith.subi %scan3A_206#0, %sub3A_209 : vector<16xi32>
    %sub3A_211 = arith.subi %reduce_sum3A_189, %scan3A_206#1 : i32
    %scan3A_212 = arith.constant 0 : i32
    %scan3A_213 = arith.constant 0 : i32
    %scan3A_214 = arith.constant 0 : i32
    %scan3A_215 = arith.constant 16 : i32
    %scan3A_216 = arith.addi %scan3A_214, %scan3A_215 : i32
    %scan3A_217 = arith.constant 1 : i32
    %scan3A_218:3 = scf.for %scan3A_551 = %scan3A_214 to %scan3A_216 step %scan3A_217 iter_args(%scan3A_552 = %broadcast_in_dim3A_3, %scan3A_553 = %scan3A_212, %scan3A_554 = %scan3A_213) -> (vector<16xi32>, i32, i32)  : i32 {
      %mul3A_555 = arith.constant 16 : i32
      %mul3A_556 = arith.muli %scan3A_551, %mul3A_555 : i32
      %add3A_557 = arith.constant 256 : i32
      %add3A_558 = arith.addi %add3A_557, %mul3A_556 : i32
      %get3A = arith.index_cast %add3A_558 : i32 to index
      %get3A_559 = tpu.vector_load %arg19[%get3A] {strides = array<i32>} : memref<512xi32, #tpu.memory_space<vmem>>, vector<16xi32>,
      %cumsum3A = arith.constant true
      %cumsum3A_560 = vector.broadcast %cumsum3A : i1 to vector<16xi1>
      %cumsum3A_561 = tpu.scan <sum>, %get3A_559 masked %cumsum3A_560 : vector<16xi32>, vector<16xi1> -> vector<16xi32>
      %add3A_562 = vector.broadcast %scan3A_554 : i32 to vector<16xi32>
      %add3A_563 = arith.addi %add3A_562, %cumsum3A_561 : vector<16xi32>
      %ge3A = vector.broadcast %sub3A_139 : i32 to vector<16xi32>
      %ge3A_564 = arith.cmpi sge, %add3A_563, %ge3A : vector<16xi32>
      %all_reduce_population_count3A = tpu.all_reduce %ge3A_564 {dim = 0 : i64, kind = #tpu.reduction_kind<sum>} : vector<16xi1> -> vector<16xi32>
      %add3A_565 = arith.addi %scan3A_552, %all_reduce_population_count3A : vector<16xi32>
      %jit3A = arith.constant 0 : i32
      %broadcast_in_dim3A_566 = vector.broadcast %jit3A : i32 to vector<16xi32>
      %select_n3A = arith.select %ge3A_564, %get3A_559, %broadcast_in_dim3A_566 : vector<16xi1>, vector<16xi32>
      %reduce_sum3A_567 = arith.constant true
      %reduce_sum3A_568 = vector.broadcast %reduce_sum3A_567 : i1 to vector<16xi1>
      %reduce_sum3A_569 = tpu.scan <sum>, %select_n3A masked %reduce_sum3A_568 : vector<16xi32>, vector<16xi1> -> vector<16xi32>
      %reduce_sum3A_570 = vector.extract %reduce_sum3A_569[15] : i32 from vector<16xi32>
      %add3A_571 = arith.addi %scan3A_553, %reduce_sum3A_570 : i32
      %reduce_sum3A_572 = arith.constant true
      %reduce_sum3A_573 = vector.broadcast %reduce_sum3A_572 : i1 to vector<16xi1>
      %reduce_sum3A_574 = tpu.scan <sum>, %get3A_559 masked %reduce_sum3A_573 : vector<16xi32>, vector<16xi1> -> vector<16xi32>
      %reduce_sum3A_575 = vector.extract %reduce_sum3A_574[15] : i32 from vector<16xi32>
      %add3A_576 = arith.addi %scan3A_554, %reduce_sum3A_575 : i32
      scf.yield %add3A_565, %add3A_571, %add3A_576 : vector<16xi32>, i32, i32
    }
    %scan3A_219 = arith.constant 16 : i32
    %sub3A_220 = arith.constant 256 : i32
    %sub3A_221 = vector.broadcast %sub3A_220 : i32 to vector<16xi32>
    %sub3A_222 = arith.subi %sub3A_221, %scan3A_218#0 : vector<16xi32>
    %sub3A_223 = arith.subi %reduce_sum3A_199, %scan3A_218#1 : i32
    %sub3A_224 = arith.subi %sub3A_133, %sub3A_211 : i32
    %shift_left3A_225 = arith.constant 16 : i32
    %shift_left3A_226 = vector.broadcast %shift_left3A_225 : i32 to vector<16xi32>
    %shift_left3A_227 = arith.shli %sub3A_210, %shift_left3A_226 : vector<16xi32>
    %or3A_228 = arith.ori %or3A_137, %shift_left3A_227 : vector<16xi32>
    %sub3A_229 = arith.subi %sub3A_139, %sub3A_223 : i32
    %shift_left3A_230 = arith.constant 16 : i32
    %shift_left3A_231 = vector.broadcast %shift_left3A_230 : i32 to vector<16xi32>
    %shift_left3A_232 = arith.shli %sub3A_222, %shift_left3A_231 : vector<16xi32>
    %or3A_233 = arith.ori %or3A_145, %shift_left3A_232 : vector<16xi32>
    %scan3A_234 = arith.constant 0 : i32
    %scan3A_235 = arith.constant 0 : i32
    %scan3A_236 = arith.constant 256 : i32
    %scan3A_237 = arith.addi %scan3A_235, %scan3A_236 : i32
    %scan3A_238 = arith.constant 1 : i32
    %scan3A_239 = scf.for %scan3A_551 = %scan3A_235 to %scan3A_237 step %scan3A_238 iter_args(%scan3A_552 = %scan3A_234) -> (i32)  : i32 {
      %mul3A_553 = arith.constant 16 : i32
      %mul3A_554 = arith.muli %scan3A_551, %mul3A_553 : i32
      %swap3A_555 = arith.index_cast %mul3A_554 : i32 to index
      %swap3A_556 = tpu.vector_load %arg15[%swap3A_555] {strides = array<i32>} : memref<4096xi32, #tpu.memory_space<vmem>>, vector<16xi32>,
      tpu.vector_store %arg15[%swap3A_555], %broadcast_in_dim3A_3 {strides = array<i32>} : memref<4096xi32, #tpu.memory_space<vmem>>, vector<16xi32>,
      %mul3A_557 = arith.constant 16 : i32
      %mul3A_558 = arith.muli %scan3A_551, %mul3A_557 : i32
      %swap3A_559 = arith.index_cast %mul3A_558 : i32 to index
      %swap3A_560 = tpu.vector_load %arg16[%swap3A_559] {strides = array<i32>} : memref<4096xi32, #tpu.memory_space<vmem>>, vector<16xi32>,
      tpu.vector_store %arg16[%swap3A_559], %broadcast_in_dim3A_3 {strides = array<i32>} : memref<4096xi32, #tpu.memory_space<vmem>>, vector<16xi32>,
      %scan3A_561 = arith.constant 0 : i32
      scf.yield %scan3A_561 : i32
    }
    %scan3A_240 = arith.constant 256 : i32
    %scan3A_241 = arith.constant -65536 : i32
    %scan3A_242 = arith.constant 0 : i32
    %scan3A_243 = arith.constant 0 : i32
    %scan3A_244 = arith.constant 682 : i32
    %scan3A_245 = arith.addi %scan3A_243, %scan3A_244 : i32
    %scan3A_246 = arith.constant 1 : i32
    %scan3A_247 = scf.for %scan3A_551 = %scan3A_243 to %scan3A_245 step %scan3A_246 iter_args(%scan3A_552 = %scan3A_242) -> (i32)  : i32 {
      %mul3A_553 = arith.constant 16 : i32
      %mul3A_554 = arith.muli %scan3A_551, %mul3A_553 : i32
      %get3A = arith.index_cast %mul3A_554 : i32 to index
      %get3A_555 = tpu.vector_load %arg14[%get3A] {strides = array<i32>} : memref<10912xf32, #tpu.memory_space<vmem>>, vector<16xf32>,
      %bitcast_convert_type3A_556 = tpu.bitcast %get3A_555 : vector<16xf32> -> vector<16xi32>
      %shift_right_arithmetic3A = arith.constant 8 : i32
      %shift_right_arithmetic3A_557 = vector.broadcast %shift_right_arithmetic3A : i32 to vector<16xi32>
      %shift_right_arithmetic3A_558 = arith.shrsi %bitcast_convert_type3A_556, %shift_right_arithmetic3A_557 : vector<16xi32>
      %and3A = arith.constant 255 : i32
      %and3A_559 = vector.broadcast %and3A : i32 to vector<16xi32>
      %and3A_560 = arith.andi %shift_right_arithmetic3A_558, %and3A_559 : vector<16xi32>
      %mul3A_561 = arith.constant 256 : i32
      %mul3A_562 = vector.broadcast %mul3A_561 : i32 to vector<16xi32>
      %mul3A_563 = arith.muli %iota3A, %mul3A_562 : vector<16xi32>
      %add3A_564 = arith.addi %mul3A_563, %and3A_560 : vector<16xi32>
      %and3A_565 = vector.broadcast %scan3A_241 : i32 to vector<16xi32>
      %and3A_566 = arith.andi %bitcast_convert_type3A_556, %and3A_565 : vector<16xi32>
      %eq3A_567 = arith.cmpi eq, %and3A_566, %or3A_228 : vector<16xi32>
      tpu.vector_store_idx %arg15[%add3A_564], %broadcast_in_dim3A_1 masked %eq3A_567 {add = true} : memref<4096xi32, #tpu.memory_space<vmem>>[vector<16xi32>], vector<16xi32>, vector<16xi1>
      %eq3A_568 = arith.cmpi eq, %and3A_566, %or3A_233 : vector<16xi32>
      tpu.vector_store_idx %arg16[%add3A_564], %broadcast_in_dim3A_1 masked %eq3A_568 {add = true} : memref<4096xi32, #tpu.memory_space<vmem>>[vector<16xi32>], vector<16xi32>, vector<16xi1>
      %scan3A_569 = arith.constant 0 : i32
      scf.yield %scan3A_569 : i32
    }
    %scan3A_248 = arith.constant 682 : i32
    %scan3A_249 = arith.constant 0 : i32
    %scan3A_250 = arith.constant 0 : i32
    %scan3A_251 = arith.constant 16 : i32
    %scan3A_252 = arith.addi %scan3A_250, %scan3A_251 : i32
    %scan3A_253 = arith.constant 1 : i32
    %scan3A_254 = scf.for %scan3A_551 = %scan3A_250 to %scan3A_252 step %scan3A_253 iter_args(%scan3A_552 = %scan3A_249) -> (i32)  : i32 {
      %mul3A_553 = arith.constant 16 : i32
      %mul3A_554 = arith.muli %scan3A_551, %mul3A_553 : i32
      %add3A_555 = arith.constant 0 : i32
      %add3A_556 = arith.addi %add3A_555, %mul3A_554 : i32
      %get3A = arith.index_cast %add3A_556 : i32 to index
      %get3A_557 = tpu.vector_load %arg15[%get3A] {strides = array<i32>} : memref<4096xi32, #tpu.memory_space<vmem>>, vector<16xi32>,
      %add3A_558 = arith.addi %broadcast_in_dim3A_3, %get3A_557 : vector<16xi32>
      %mul3A_559 = arith.constant 16 : i32
      %mul3A_560 = arith.muli %scan3A_551, %mul3A_559 : i32
      %add3A_561 = arith.constant 0 : i32
      %add3A_562 = arith.addi %add3A_561, %mul3A_560 : i32
      %get3A_563 = arith.index_cast %add3A_562 : i32 to index
      %get3A_564 = tpu.vector_load %arg16[%get3A_563] {strides = array<i32>} : memref<4096xi32, #tpu.memory_space<vmem>>, vector<16xi32>,
      %add3A_565 = arith.addi %broadcast_in_dim3A_3, %get3A_564 : vector<16xi32>
      %mul3A_566 = arith.constant 16 : i32
      %mul3A_567 = arith.muli %scan3A_551, %mul3A_566 : i32
      %add3A_568 = arith.constant 256 : i32
      %add3A_569 = arith.addi %add3A_568, %mul3A_567 : i32
      %get3A_570 = arith.index_cast %add3A_569 : i32 to index
      %get3A_571 = tpu.vector_load %arg15[%get3A_570] {strides = array<i32>} : memref<4096xi32, #tpu.memory_space<vmem>>, vector<16xi32>,
      %add3A_572 = arith.addi %add3A_558, %get3A_571 : vector<16xi32>
      %mul3A_573 = arith.constant 16 : i32
      %mul3A_574 = arith.muli %scan3A_551, %mul3A_573 : i32
      %add3A_575 = arith.constant 256 : i32
      %add3A_576 = arith.addi %add3A_575, %mul3A_574 : i32
      %get3A_577 = arith.index_cast %add3A_576 : i32 to index
      %get3A_578 = tpu.vector_load %arg16[%get3A_577] {strides = array<i32>} : memref<4096xi32, #tpu.memory_space<vmem>>, vector<16xi32>,
      %add3A_579 = arith.addi %add3A_565, %get3A_578 : vector<16xi32>
      %mul3A_580 = arith.constant 16 : i32
      %mul3A_581 = arith.muli %scan3A_551, %mul3A_580 : i32
      %add3A_582 = arith.constant 512 : i32
      %add3A_583 = arith.addi %add3A_582, %mul3A_581 : i32
      %get3A_584 = arith.index_cast %add3A_583 : i32 to index
      %get3A_585 = tpu.vector_load %arg15[%get3A_584] {strides = array<i32>} : memref<4096xi32, #tpu.memory_space<vmem>>, vector<16xi32>,
      %add3A_586 = arith.addi %add3A_572, %get3A_585 : vector<16xi32>
      %mul3A_587 = arith.constant 16 : i32
      %mul3A_588 = arith.muli %scan3A_551, %mul3A_587 : i32
      %add3A_589 = arith.constant 512 : i32
      %add3A_590 = arith.addi %add3A_589, %mul3A_588 : i32
      %get3A_591 = arith.index_cast %add3A_590 : i32 to index
      %get3A_592 = tpu.vector_load %arg16[%get3A_591] {strides = array<i32>} : memref<4096xi32, #tpu.memory_space<vmem>>, vector<16xi32>,
      %add3A_593 = arith.addi %add3A_579, %get3A_592 : vector<16xi32>
      %mul3A_594 = arith.constant 16 : i32
      %mul3A_595 = arith.muli %scan3A_551, %mul3A_594 : i32
      %add3A_596 = arith.constant 768 : i32
      %add3A_597 = arith.addi %add3A_596, %mul3A_595 : i32
      %get3A_598 = arith.index_cast %add3A_597 : i32 to index
      %get3A_599 = tpu.vector_load %arg15[%get3A_598] {strides = array<i32>} : memref<4096xi32, #tpu.memory_space<vmem>>, vector<16xi32>,
      %add3A_600 = arith.addi %add3A_586, %get3A_599 : vector<16xi32>
      %mul3A_601 = arith.constant 16 : i32
      %mul3A_602 = arith.muli %scan3A_551, %mul3A_601 : i32
      %add3A_603 = arith.constant 768 : i32
      %add3A_604 = arith.addi %add3A_603, %mul3A_602 : i32
      %get3A_605 = arith.index_cast %add3A_604 : i32 to index
      %get3A_606 = tpu.vector_load %arg16[%get3A_605] {strides = array<i32>} : memref<4096xi32, #tpu.memory_space<vmem>>, vector<16xi32>,
      %add3A_607 = arith.addi %add3A_593, %get3A_606 : vector<16xi32>
      %mul3A_608 = arith.constant 16 : i32
      %mul3A_609 = arith.muli %scan3A_551, %mul3A_608 : i32
      %add3A_610 = arith.constant 1024 : i32
      %add3A_611 = arith.addi %add3A_610, %mul3A_609 : i32
      %get3A_612 = arith.index_cast %add3A_611 : i32 to index
      %get3A_613 = tpu.vector_load %arg15[%get3A_612] {strides = array<i32>} : memref<4096xi32, #tpu.memory_space<vmem>>, vector<16xi32>,
      %add3A_614 = arith.addi %add3A_600, %get3A_613 : vector<16xi32>
      %mul3A_615 = arith.constant 16 : i32
      %mul3A_616 = arith.muli %scan3A_551, %mul3A_615 : i32
      %add3A_617 = arith.constant 1024 : i32
      %add3A_618 = arith.addi %add3A_617, %mul3A_616 : i32
      %get3A_619 = arith.index_cast %add3A_618 : i32 to index
      %get3A_620 = tpu.vector_load %arg16[%get3A_619] {strides = array<i32>} : memref<4096xi32, #tpu.memory_space<vmem>>, vector<16xi32>,
      %add3A_621 = arith.addi %add3A_607, %get3A_620 : vector<16xi32>
      %mul3A_622 = arith.constant 16 : i32
      %mul3A_623 = arith.muli %scan3A_551, %mul3A_622 : i32
      %add3A_624 = arith.constant 1280 : i32
      %add3A_625 = arith.addi %add3A_624, %mul3A_623 : i32
      %get3A_626 = arith.index_cast %add3A_625 : i32 to index
      %get3A_627 = tpu.vector_load %arg15[%get3A_626] {strides = array<i32>} : memref<4096xi32, #tpu.memory_space<vmem>>, vector<16xi32>,
      %add3A_628 = arith.addi %add3A_614, %get3A_627 : vector<16xi32>
      %mul3A_629 = arith.constant 16 : i32
      %mul3A_630 = arith.muli %scan3A_551, %mul3A_629 : i32
      %add3A_631 = arith.constant 1280 : i32
      %add3A_632 = arith.addi %add3A_631, %mul3A_630 : i32
      %get3A_633 = arith.index_cast %add3A_632 : i32 to index
      %get3A_634 = tpu.vector_load %arg16[%get3A_633] {strides = array<i32>} : memref<4096xi32, #tpu.memory_space<vmem>>, vector<16xi32>,
      %add3A_635 = arith.addi %add3A_621, %get3A_634 : vector<16xi32>
      %mul3A_636 = arith.constant 16 : i32
      %mul3A_637 = arith.muli %scan3A_551, %mul3A_636 : i32
      %add3A_638 = arith.constant 1536 : i32
      %add3A_639 = arith.addi %add3A_638, %mul3A_637 : i32
      %get3A_640 = arith.index_cast %add3A_639 : i32 to index
      %get3A_641 = tpu.vector_load %arg15[%get3A_640] {strides = array<i32>} : memref<4096xi32, #tpu.memory_space<vmem>>, vector<16xi32>,
      %add3A_642 = arith.addi %add3A_628, %get3A_641 : vector<16xi32>
      %mul3A_643 = arith.constant 16 : i32
      %mul3A_644 = arith.muli %scan3A_551, %mul3A_643 : i32
      %add3A_645 = arith.constant 1536 : i32
      %add3A_646 = arith.addi %add3A_645, %mul3A_644 : i32
      %get3A_647 = arith.index_cast %add3A_646 : i32 to index
      %get3A_648 = tpu.vector_load %arg16[%get3A_647] {strides = array<i32>} : memref<4096xi32, #tpu.memory_space<vmem>>, vector<16xi32>,
      %add3A_649 = arith.addi %add3A_635, %get3A_648 : vector<16xi32>
      %mul3A_650 = arith.constant 16 : i32
      %mul3A_651 = arith.muli %scan3A_551, %mul3A_650 : i32
      %add3A_652 = arith.constant 1792 : i32
      %add3A_653 = arith.addi %add3A_652, %mul3A_651 : i32
      %get3A_654 = arith.index_cast %add3A_653 : i32 to index
      %get3A_655 = tpu.vector_load %arg15[%get3A_654] {strides = array<i32>} : memref<4096xi32, #tpu.memory_space<vmem>>, vector<16xi32>,
      %add3A_656 = arith.addi %add3A_642, %get3A_655 : vector<16xi32>
      %mul3A_657 = arith.constant 16 : i32
      %mul3A_658 = arith.muli %scan3A_551, %mul3A_657 : i32
      %add3A_659 = arith.constant 1792 : i32
      %add3A_660 = arith.addi %add3A_659, %mul3A_658 : i32
      %get3A_661 = arith.index_cast %add3A_660 : i32 to index
      %get3A_662 = tpu.vector_load %arg16[%get3A_661] {strides = array<i32>} : memref<4096xi32, #tpu.memory_space<vmem>>, vector<16xi32>,
      %add3A_663 = arith.addi %add3A_649, %get3A_662 : vector<16xi32>
      %mul3A_664 = arith.constant 16 : i32
      %mul3A_665 = arith.muli %scan3A_551, %mul3A_664 : i32
      %add3A_666 = arith.constant 2048 : i32
      %add3A_667 = arith.addi %add3A_666, %mul3A_665 : i32
      %get3A_668 = arith.index_cast %add3A_667 : i32 to index
      %get3A_669 = tpu.vector_load %arg15[%get3A_668] {strides = array<i32>} : memref<4096xi32, #tpu.memory_space<vmem>>, vector<16xi32>,
      %add3A_670 = arith.addi %add3A_656, %get3A_669 : vector<16xi32>
      %mul3A_671 = arith.constant 16 : i32
      %mul3A_672 = arith.muli %scan3A_551, %mul3A_671 : i32
      %add3A_673 = arith.constant 2048 : i32
      %add3A_674 = arith.addi %add3A_673, %mul3A_672 : i32
      %get3A_675 = arith.index_cast %add3A_674 : i32 to index
      %get3A_676 = tpu.vector_load %arg16[%get3A_675] {strides = array<i32>} : memref<4096xi32, #tpu.memory_space<vmem>>, vector<16xi32>,
      %add3A_677 = arith.addi %add3A_663, %get3A_676 : vector<16xi32>
      %mul3A_678 = arith.constant 16 : i32
      %mul3A_679 = arith.muli %scan3A_551, %mul3A_678 : i32
      %add3A_680 = arith.constant 2304 : i32
      %add3A_681 = arith.addi %add3A_680, %mul3A_679 : i32
      %get3A_682 = arith.index_cast %add3A_681 : i32 to index
      %get3A_683 = tpu.vector_load %arg15[%get3A_682] {strides = array<i32>} : memref<4096xi32, #tpu.memory_space<vmem>>, vector<16xi32>,
      %add3A_684 = arith.addi %add3A_670, %get3A_683 : vector<16xi32>
      %mul3A_685 = arith.constant 16 : i32
      %mul3A_686 = arith.muli %scan3A_551, %mul3A_685 : i32
      %add3A_687 = arith.constant 2304 : i32
      %add3A_688 = arith.addi %add3A_687, %mul3A_686 : i32
      %get3A_689 = arith.index_cast %add3A_688 : i32 to index
      %get3A_690 = tpu.vector_load %arg16[%get3A_689] {strides = array<i32>} : memref<4096xi32, #tpu.memory_space<vmem>>, vector<16xi32>,
      %add3A_691 = arith.addi %add3A_677, %get3A_690 : vector<16xi32>
      %mul3A_692 = arith.constant 16 : i32
      %mul3A_693 = arith.muli %scan3A_551, %mul3A_692 : i32
      %add3A_694 = arith.constant 2560 : i32
      %add3A_695 = arith.addi %add3A_694, %mul3A_693 : i32
      %get3A_696 = arith.index_cast %add3A_695 : i32 to index
      %get3A_697 = tpu.vector_load %arg15[%get3A_696] {strides = array<i32>} : memref<4096xi32, #tpu.memory_space<vmem>>, vector<16xi32>,
      %add3A_698 = arith.addi %add3A_684, %get3A_697 : vector<16xi32>
      %mul3A_699 = arith.constant 16 : i32
      %mul3A_700 = arith.muli %scan3A_551, %mul3A_699 : i32
      %add3A_701 = arith.constant 2560 : i32
      %add3A_702 = arith.addi %add3A_701, %mul3A_700 : i32
      %get3A_703 = arith.index_cast %add3A_702 : i32 to index
      %get3A_704 = tpu.vector_load %arg16[%get3A_703] {strides = array<i32>} : memref<4096xi32, #tpu.memory_space<vmem>>, vector<16xi32>,
      %add3A_705 = arith.addi %add3A_691, %get3A_704 : vector<16xi32>
      %mul3A_706 = arith.constant 16 : i32
      %mul3A_707 = arith.muli %scan3A_551, %mul3A_706 : i32
      %add3A_708 = arith.constant 2816 : i32
      %add3A_709 = arith.addi %add3A_708, %mul3A_707 : i32
      %get3A_710 = arith.index_cast %add3A_709 : i32 to index
      %get3A_711 = tpu.vector_load %arg15[%get3A_710] {strides = array<i32>} : memref<4096xi32, #tpu.memory_space<vmem>>, vector<16xi32>,
      %add3A_712 = arith.addi %add3A_698, %get3A_711 : vector<16xi32>
      %mul3A_713 = arith.constant 16 : i32
      %mul3A_714 = arith.muli %scan3A_551, %mul3A_713 : i32
      %add3A_715 = arith.constant 2816 : i32
      %add3A_716 = arith.addi %add3A_715, %mul3A_714 : i32
      %get3A_717 = arith.index_cast %add3A_716 : i32 to index
      %get3A_718 = tpu.vector_load %arg16[%get3A_717] {strides = array<i32>} : memref<4096xi32, #tpu.memory_space<vmem>>, vector<16xi32>,
      %add3A_719 = arith.addi %add3A_705, %get3A_718 : vector<16xi32>
      %mul3A_720 = arith.constant 16 : i32
      %mul3A_721 = arith.muli %scan3A_551, %mul3A_720 : i32
      %add3A_722 = arith.constant 3072 : i32
      %add3A_723 = arith.addi %add3A_722, %mul3A_721 : i32
      %get3A_724 = arith.index_cast %add3A_723 : i32 to index
      %get3A_725 = tpu.vector_load %arg15[%get3A_724] {strides = array<i32>} : memref<4096xi32, #tpu.memory_space<vmem>>, vector<16xi32>,
      %add3A_726 = arith.addi %add3A_712, %get3A_725 : vector<16xi32>
      %mul3A_727 = arith.constant 16 : i32
      %mul3A_728 = arith.muli %scan3A_551, %mul3A_727 : i32
      %add3A_729 = arith.constant 3072 : i32
      %add3A_730 = arith.addi %add3A_729, %mul3A_728 : i32
      %get3A_731 = arith.index_cast %add3A_730 : i32 to index
      %get3A_732 = tpu.vector_load %arg16[%get3A_731] {strides = array<i32>} : memref<4096xi32, #tpu.memory_space<vmem>>, vector<16xi32>,
      %add3A_733 = arith.addi %add3A_719, %get3A_732 : vector<16xi32>
      %mul3A_734 = arith.constant 16 : i32
      %mul3A_735 = arith.muli %scan3A_551, %mul3A_734 : i32
      %add3A_736 = arith.constant 3328 : i32
      %add3A_737 = arith.addi %add3A_736, %mul3A_735 : i32
      %get3A_738 = arith.index_cast %add3A_737 : i32 to index
      %get3A_739 = tpu.vector_load %arg15[%get3A_738] {strides = array<i32>} : memref<4096xi32, #tpu.memory_space<vmem>>, vector<16xi32>,
      %add3A_740 = arith.addi %add3A_726, %get3A_739 : vector<16xi32>
      %mul3A_741 = arith.constant 16 : i32
      %mul3A_742 = arith.muli %scan3A_551, %mul3A_741 : i32
      %add3A_743 = arith.constant 3328 : i32
      %add3A_744 = arith.addi %add3A_743, %mul3A_742 : i32
      %get3A_745 = arith.index_cast %add3A_744 : i32 to index
      %get3A_746 = tpu.vector_load %arg16[%get3A_745] {strides = array<i32>} : memref<4096xi32, #tpu.memory_space<vmem>>, vector<16xi32>,
      %add3A_747 = arith.addi %add3A_733, %get3A_746 : vector<16xi32>
      %mul3A_748 = arith.constant 16 : i32
      %mul3A_749 = arith.muli %scan3A_551, %mul3A_748 : i32
      %add3A_750 = arith.constant 3584 : i32
      %add3A_751 = arith.addi %add3A_750, %mul3A_749 : i32
      %get3A_752 = arith.index_cast %add3A_751 : i32 to index
      %get3A_753 = tpu.vector_load %arg15[%get3A_752] {strides = array<i32>} : memref<4096xi32, #tpu.memory_space<vmem>>, vector<16xi32>,
      %add3A_754 = arith.addi %add3A_740, %get3A_753 : vector<16xi32>
      %mul3A_755 = arith.constant 16 : i32
      %mul3A_756 = arith.muli %scan3A_551, %mul3A_755 : i32
      %add3A_757 = arith.constant 3584 : i32
      %add3A_758 = arith.addi %add3A_757, %mul3A_756 : i32
      %get3A_759 = arith.index_cast %add3A_758 : i32 to index
      %get3A_760 = tpu.vector_load %arg16[%get3A_759] {strides = array<i32>} : memref<4096xi32, #tpu.memory_space<vmem>>, vector<16xi32>,
      %add3A_761 = arith.addi %add3A_747, %get3A_760 : vector<16xi32>
      %mul3A_762 = arith.constant 16 : i32
      %mul3A_763 = arith.muli %scan3A_551, %mul3A_762 : i32
      %add3A_764 = arith.constant 3840 : i32
      %add3A_765 = arith.addi %add3A_764, %mul3A_763 : i32
      %get3A_766 = arith.index_cast %add3A_765 : i32 to index
      %get3A_767 = tpu.vector_load %arg15[%get3A_766] {strides = array<i32>} : memref<4096xi32, #tpu.memory_space<vmem>>, vector<16xi32>,
      %add3A_768 = arith.addi %add3A_754, %get3A_767 : vector<16xi32>
      %mul3A_769 = arith.constant 16 : i32
      %mul3A_770 = arith.muli %scan3A_551, %mul3A_769 : i32
      %add3A_771 = arith.constant 3840 : i32
      %add3A_772 = arith.addi %add3A_771, %mul3A_770 : i32
      %get3A_773 = arith.index_cast %add3A_772 : i32 to index
      %get3A_774 = tpu.vector_load %arg16[%get3A_773] {strides = array<i32>} : memref<4096xi32, #tpu.memory_space<vmem>>, vector<16xi32>,
      %add3A_775 = arith.addi %add3A_761, %get3A_774 : vector<16xi32>
      %mul3A_776 = arith.constant 16 : i32
      %mul3A_777 = arith.muli %scan3A_551, %mul3A_776 : i32
      %swap3A_778 = arith.index_cast %mul3A_777 : i32 to index
      %swap3A_779 = tpu.vector_load %arg17[%swap3A_778] {strides = array<i32>} : memref<512xi32, #tpu.memory_space<vmem>>, vector<16xi32>,
      tpu.vector_store %arg17[%swap3A_778], %add3A_768 {strides = array<i32>} : memref<512xi32, #tpu.memory_space<vmem>>, vector<16xi32>,
      %mul3A_780 = arith.constant 16 : i32
      %mul3A_781 = arith.muli %scan3A_551, %mul3A_780 : i32
      %add3A_782 = arith.constant 256 : i32
      %add3A_783 = arith.addi %add3A_782, %mul3A_781 : i32
      %swap3A_784 = arith.index_cast %add3A_783 : i32 to index
      %swap3A_785 = tpu.vector_load %arg17[%swap3A_784] {strides = array<i32>} : memref<512xi32, #tpu.memory_space<vmem>>, vector<16xi32>,
      tpu.vector_store %arg17[%swap3A_784], %add3A_775 {strides = array<i32>} : memref<512xi32, #tpu.memory_space<vmem>>, vector<16xi32>,
      %scan3A_786 = arith.constant 0 : i32
      scf.yield %scan3A_786 : i32
    }
    %scan3A_255 = arith.constant 16 : i32
    %mul3A_256 = arith.constant 512 : i32
    %mul3A_257 = arith.muli %arg1, %mul3A_256 : i32
    %run_scoped3A_258 = arith.constant 2 : i32
    "tpu.region"() ({
      %run_scoped3A_551 = tpu.sem_alloc : memref<!tpu.dma_semaphore, #tpu.memory_space<semaphore_mem>>
      %dma_start3A_552 = tpu.memref_slice %arg23[%run_scoped3A_258, %mul3A_257] : memref<4x8192xi32, #tpu.memory_space<vmem_shared>> -> memref<1x512xi32, #tpu.memory_space<vmem_shared>>
      %dma_start3A_553 = tpu.memref_squeeze %dma_start3A_552 : memref<1x512xi32, #tpu.memory_space<vmem_shared>> -> memref<512xi32, #tpu.memory_space<vmem_shared>>
      %dma_start3A_554 = tpu.memref_slice %arg23[%run_scoped3A_258, %mul3A_257] : memref<4x8192xi32, #tpu.memory_space<vmem_shared>> -> memref<1x512xi32, #tpu.memory_space<vmem_shared>>
      %dma_start3A_555 = tpu.memref_squeeze %dma_start3A_554 : memref<1x512xi32, #tpu.memory_space<vmem_shared>> -> memref<512xi32, #tpu.memory_space<vmem_shared>>
      tpu.enqueue_dma source(%arg17 : memref<512xi32, #tpu.memory_space<vmem>>) target(%dma_start3A_555 : memref<512xi32, #tpu.memory_space<vmem_shared>>) target_semaphore(%run_scoped3A_551 : memref<!tpu.dma_semaphore, #tpu.memory_space<semaphore_mem>>)
      %dma_wait3A = tpu.memref_slice %arg23[%run_scoped3A_258, %mul3A_257] : memref<4x8192xi32, #tpu.memory_space<vmem_shared>> -> memref<1x512xi32, #tpu.memory_space<vmem_shared>>
      %dma_wait3A_556 = tpu.memref_squeeze %dma_wait3A : memref<1x512xi32, #tpu.memory_space<vmem_shared>> -> memref<512xi32, #tpu.memory_space<vmem_shared>>
      %dma_wait3A_557 = tpu.memref_slice %arg23[%run_scoped3A_258, %mul3A_257] : memref<4x8192xi32, #tpu.memory_space<vmem_shared>> -> memref<1x512xi32, #tpu.memory_space<vmem_shared>>
      %dma_wait3A_558 = tpu.memref_squeeze %dma_wait3A_557 : memref<1x512xi32, #tpu.memory_space<vmem_shared>> -> memref<512xi32, #tpu.memory_space<vmem_shared>>
      tpu.wait_dma2 semaphore(%run_scoped3A_551 : memref<!tpu.dma_semaphore, #tpu.memory_space<semaphore_mem>>) src(%arg17 : memref<512xi32, #tpu.memory_space<vmem>>) dst(%dma_wait3A_558 : memref<512xi32, #tpu.memory_space<vmem_shared>>)
      tpu.yield
    }) : () -> ()
    %barrier3A_259 = arith.constant 0 : index
    tpu.barrier barrier_id(%barrier3A_259)
    %run_scoped3A_260 = arith.constant 2 : i32
    "tpu.region"() ({
      %run_scoped3A_551 = tpu.sem_alloc : memref<!tpu.dma_semaphore, #tpu.memory_space<semaphore_mem>>
      %dma_start3A_552 = arith.constant 0 : i32
      %dma_start3A_553 = tpu.memref_slice %arg23[%run_scoped3A_260, %dma_start3A_552] : memref<4x8192xi32, #tpu.memory_space<vmem_shared>> -> memref<1x8192xi32, #tpu.memory_space<vmem_shared>>
      %dma_start3A_554 = tpu.memref_squeeze %dma_start3A_553 : memref<1x8192xi32, #tpu.memory_space<vmem_shared>> -> memref<8192xi32, #tpu.memory_space<vmem_shared>>
      %dma_start3A_555 = arith.constant 0 : i32
      %dma_start3A_556 = tpu.memref_slice %arg23[%run_scoped3A_260, %dma_start3A_555] : memref<4x8192xi32, #tpu.memory_space<vmem_shared>> -> memref<1x8192xi32, #tpu.memory_space<vmem_shared>>
      %dma_start3A_557 = tpu.memref_squeeze %dma_start3A_556 : memref<1x8192xi32, #tpu.memory_space<vmem_shared>> -> memref<8192xi32, #tpu.memory_space<vmem_shared>>
      tpu.enqueue_dma source(%dma_start3A_557 : memref<8192xi32, #tpu.memory_space<vmem_shared>>) target(%arg18 : memref<8192xi32, #tpu.memory_space<vmem>>) target_semaphore(%run_scoped3A_551 : memref<!tpu.dma_semaphore, #tpu.memory_space<semaphore_mem>>)
      %dma_wait3A = arith.constant 0 : i32
      %dma_wait3A_558 = tpu.memref_slice %arg23[%run_scoped3A_260, %dma_wait3A] : memref<4x8192xi32, #tpu.memory_space<vmem_shared>> -> memref<1x8192xi32, #tpu.memory_space<vmem_shared>>
      %dma_wait3A_559 = tpu.memref_squeeze %dma_wait3A_558 : memref<1x8192xi32, #tpu.memory_space<vmem_shared>> -> memref<8192xi32, #tpu.memory_space<vmem_shared>>
      %dma_wait3A_560 = arith.constant 0 : i32
      %dma_wait3A_561 = tpu.memref_slice %arg23[%run_scoped3A_260, %dma_wait3A_560] : memref<4x8192xi32, #tpu.memory_space<vmem_shared>> -> memref<1x8192xi32, #tpu.memory_space<vmem_shared>>
      %dma_wait3A_562 = tpu.memref_squeeze %dma_wait3A_561 : memref<1x8192xi32, #tpu.memory_space<vmem_shared>> -> memref<8192xi32, #tpu.memory_space<vmem_shared>>
      tpu.wait_dma2 semaphore(%run_scoped3A_551 : memref<!tpu.dma_semaphore, #tpu.memory_space<semaphore_mem>>) src(%dma_wait3A_562 : memref<8192xi32, #tpu.memory_space<vmem_shared>>) dst(%arg18 : memref<8192xi32, #tpu.memory_space<vmem>>)
      tpu.yield
    }) : () -> ()
    %scan3A_261 = arith.constant 0 : i32
    %scan3A_262 = arith.constant 0 : i32
    %scan3A_263 = arith.constant 16 : i32
    %scan3A_264 = arith.addi %scan3A_262, %scan3A_263 : i32
    %scan3A_265 = arith.constant 1 : i32
    %scan3A_266 = scf.for %scan3A_551 = %scan3A_262 to %scan3A_264 step %scan3A_265 iter_args(%scan3A_552 = %scan3A_261) -> (i32)  : i32 {
      %mul3A_553 = arith.constant 16 : i32
      %mul3A_554 = arith.muli %scan3A_551, %mul3A_553 : i32
      %add3A_555 = arith.constant 0 : i32
      %add3A_556 = arith.addi %add3A_555, %mul3A_554 : i32
      %get3A = arith.index_cast %add3A_556 : i32 to index
      %get3A_557 = tpu.vector_load %arg18[%get3A] {strides = array<i32>} : memref<8192xi32, #tpu.memory_space<vmem>>, vector<16xi32>,
      %add3A_558 = arith.addi %broadcast_in_dim3A_3, %get3A_557 : vector<16xi32>
      %mul3A_559 = arith.constant 16 : i32
      %mul3A_560 = arith.muli %scan3A_551, %mul3A_559 : i32
      %add3A_561 = arith.constant 256 : i32
      %add3A_562 = arith.addi %add3A_561, %mul3A_560 : i32
      %get3A_563 = arith.index_cast %add3A_562 : i32 to index
      %get3A_564 = tpu.vector_load %arg18[%get3A_563] {strides = array<i32>} : memref<8192xi32, #tpu.memory_space<vmem>>, vector<16xi32>,
      %add3A_565 = arith.addi %broadcast_in_dim3A_3, %get3A_564 : vector<16xi32>
      %mul3A_566 = arith.constant 16 : i32
      %mul3A_567 = arith.muli %scan3A_551, %mul3A_566 : i32
      %add3A_568 = arith.constant 512 : i32
      %add3A_569 = arith.addi %add3A_568, %mul3A_567 : i32
      %get3A_570 = arith.index_cast %add3A_569 : i32 to index
      %get3A_571 = tpu.vector_load %arg18[%get3A_570] {strides = array<i32>} : memref<8192xi32, #tpu.memory_space<vmem>>, vector<16xi32>,
      %add3A_572 = arith.addi %add3A_558, %get3A_571 : vector<16xi32>
      %mul3A_573 = arith.constant 16 : i32
      %mul3A_574 = arith.muli %scan3A_551, %mul3A_573 : i32
      %add3A_575 = arith.constant 768 : i32
      %add3A_576 = arith.addi %add3A_575, %mul3A_574 : i32
      %get3A_577 = arith.index_cast %add3A_576 : i32 to index
      %get3A_578 = tpu.vector_load %arg18[%get3A_577] {strides = array<i32>} : memref<8192xi32, #tpu.memory_space<vmem>>, vector<16xi32>,
      %add3A_579 = arith.addi %add3A_565, %get3A_578 : vector<16xi32>
      %mul3A_580 = arith.constant 16 : i32
      %mul3A_581 = arith.muli %scan3A_551, %mul3A_580 : i32
      %add3A_582 = arith.constant 1024 : i32
      %add3A_583 = arith.addi %add3A_582, %mul3A_581 : i32
      %get3A_584 = arith.index_cast %add3A_583 : i32 to index
      %get3A_585 = tpu.vector_load %arg18[%get3A_584] {strides = array<i32>} : memref<8192xi32, #tpu.memory_space<vmem>>, vector<16xi32>,
      %add3A_586 = arith.addi %add3A_572, %get3A_585 : vector<16xi32>
      %mul3A_587 = arith.constant 16 : i32
      %mul3A_588 = arith.muli %scan3A_551, %mul3A_587 : i32
      %add3A_589 = arith.constant 1280 : i32
      %add3A_590 = arith.addi %add3A_589, %mul3A_588 : i32
      %get3A_591 = arith.index_cast %add3A_590 : i32 to index
      %get3A_592 = tpu.vector_load %arg18[%get3A_591] {strides = array<i32>} : memref<8192xi32, #tpu.memory_space<vmem>>, vector<16xi32>,
      %add3A_593 = arith.addi %add3A_579, %get3A_592 : vector<16xi32>
      %mul3A_594 = arith.constant 16 : i32
      %mul3A_595 = arith.muli %scan3A_551, %mul3A_594 : i32
      %add3A_596 = arith.constant 1536 : i32
      %add3A_597 = arith.addi %add3A_596, %mul3A_595 : i32
      %get3A_598 = arith.index_cast %add3A_597 : i32 to index
      %get3A_599 = tpu.vector_load %arg18[%get3A_598] {strides = array<i32>} : memref<8192xi32, #tpu.memory_space<vmem>>, vector<16xi32>,
      %add3A_600 = arith.addi %add3A_586, %get3A_599 : vector<16xi32>
      %mul3A_601 = arith.constant 16 : i32
      %mul3A_602 = arith.muli %scan3A_551, %mul3A_601 : i32
      %add3A_603 = arith.constant 1792 : i32
      %add3A_604 = arith.addi %add3A_603, %mul3A_602 : i32
      %get3A_605 = arith.index_cast %add3A_604 : i32 to index
      %get3A_606 = tpu.vector_load %arg18[%get3A_605] {strides = array<i32>} : memref<8192xi32, #tpu.memory_space<vmem>>, vector<16xi32>,
      %add3A_607 = arith.addi %add3A_593, %get3A_606 : vector<16xi32>
      %mul3A_608 = arith.constant 16 : i32
      %mul3A_609 = arith.muli %scan3A_551, %mul3A_608 : i32
      %add3A_610 = arith.constant 2048 : i32
      %add3A_611 = arith.addi %add3A_610, %mul3A_609 : i32
      %get3A_612 = arith.index_cast %add3A_611 : i32 to index
      %get3A_613 = tpu.vector_load %arg18[%get3A_612] {strides = array<i32>} : memref<8192xi32, #tpu.memory_space<vmem>>, vector<16xi32>,
      %add3A_614 = arith.addi %add3A_600, %get3A_613 : vector<16xi32>
      %mul3A_615 = arith.constant 16 : i32
      %mul3A_616 = arith.muli %scan3A_551, %mul3A_615 : i32
      %add3A_617 = arith.constant 2304 : i32
      %add3A_618 = arith.addi %add3A_617, %mul3A_616 : i32
      %get3A_619 = arith.index_cast %add3A_618 : i32 to index
      %get3A_620 = tpu.vector_load %arg18[%get3A_619] {strides = array<i32>} : memref<8192xi32, #tpu.memory_space<vmem>>, vector<16xi32>,
      %add3A_621 = arith.addi %add3A_607, %get3A_620 : vector<16xi32>
      %mul3A_622 = arith.constant 16 : i32
      %mul3A_623 = arith.muli %scan3A_551, %mul3A_622 : i32
      %add3A_624 = arith.constant 2560 : i32
      %add3A_625 = arith.addi %add3A_624, %mul3A_623 : i32
      %get3A_626 = arith.index_cast %add3A_625 : i32 to index
      %get3A_627 = tpu.vector_load %arg18[%get3A_626] {strides = array<i32>} : memref<8192xi32, #tpu.memory_space<vmem>>, vector<16xi32>,
      %add3A_628 = arith.addi %add3A_614, %get3A_627 : vector<16xi32>
      %mul3A_629 = arith.constant 16 : i32
      %mul3A_630 = arith.muli %scan3A_551, %mul3A_629 : i32
      %add3A_631 = arith.constant 2816 : i32
      %add3A_632 = arith.addi %add3A_631, %mul3A_630 : i32
      %get3A_633 = arith.index_cast %add3A_632 : i32 to index
      %get3A_634 = tpu.vector_load %arg18[%get3A_633] {strides = array<i32>} : memref<8192xi32, #tpu.memory_space<vmem>>, vector<16xi32>,
      %add3A_635 = arith.addi %add3A_621, %get3A_634 : vector<16xi32>
      %mul3A_636 = arith.constant 16 : i32
      %mul3A_637 = arith.muli %scan3A_551, %mul3A_636 : i32
      %add3A_638 = arith.constant 3072 : i32
      %add3A_639 = arith.addi %add3A_638, %mul3A_637 : i32
      %get3A_640 = arith.index_cast %add3A_639 : i32 to index
      %get3A_641 = tpu.vector_load %arg18[%get3A_640] {strides = array<i32>} : memref<8192xi32, #tpu.memory_space<vmem>>, vector<16xi32>,
      %add3A_642 = arith.addi %add3A_628, %get3A_641 : vector<16xi32>
      %mul3A_643 = arith.constant 16 : i32
      %mul3A_644 = arith.muli %scan3A_551, %mul3A_643 : i32
      %add3A_645 = arith.constant 3328 : i32
      %add3A_646 = arith.addi %add3A_645, %mul3A_644 : i32
      %get3A_647 = arith.index_cast %add3A_646 : i32 to index
      %get3A_648 = tpu.vector_load %arg18[%get3A_647] {strides = array<i32>} : memref<8192xi32, #tpu.memory_space<vmem>>, vector<16xi32>,
      %add3A_649 = arith.addi %add3A_635, %get3A_648 : vector<16xi32>
      %mul3A_650 = arith.constant 16 : i32
      %mul3A_651 = arith.muli %scan3A_551, %mul3A_650 : i32
      %add3A_652 = arith.constant 3584 : i32
      %add3A_653 = arith.addi %add3A_652, %mul3A_651 : i32
      %get3A_654 = arith.index_cast %add3A_653 : i32 to index
      %get3A_655 = tpu.vector_load %arg18[%get3A_654] {strides = array<i32>} : memref<8192xi32, #tpu.memory_space<vmem>>, vector<16xi32>,
      %add3A_656 = arith.addi %add3A_642, %get3A_655 : vector<16xi32>
      %mul3A_657 = arith.constant 16 : i32
      %mul3A_658 = arith.muli %scan3A_551, %mul3A_657 : i32
      %add3A_659 = arith.constant 3840 : i32
      %add3A_660 = arith.addi %add3A_659, %mul3A_658 : i32
      %get3A_661 = arith.index_cast %add3A_660 : i32 to index
      %get3A_662 = tpu.vector_load %arg18[%get3A_661] {strides = array<i32>} : memref<8192xi32, #tpu.memory_space<vmem>>, vector<16xi32>,
      %add3A_663 = arith.addi %add3A_649, %get3A_662 : vector<16xi32>
      %mul3A_664 = arith.constant 16 : i32
      %mul3A_665 = arith.muli %scan3A_551, %mul3A_664 : i32
      %add3A_666 = arith.constant 4096 : i32
      %add3A_667 = arith.addi %add3A_666, %mul3A_665 : i32
      %get3A_668 = arith.index_cast %add3A_667 : i32 to index
      %get3A_669 = tpu.vector_load %arg18[%get3A_668] {strides = array<i32>} : memref<8192xi32, #tpu.memory_space<vmem>>, vector<16xi32>,
      %add3A_670 = arith.addi %add3A_656, %get3A_669 : vector<16xi32>
      %mul3A_671 = arith.constant 16 : i32
      %mul3A_672 = arith.muli %scan3A_551, %mul3A_671 : i32
      %add3A_673 = arith.constant 4352 : i32
      %add3A_674 = arith.addi %add3A_673, %mul3A_672 : i32
      %get3A_675 = arith.index_cast %add3A_674 : i32 to index
      %get3A_676 = tpu.vector_load %arg18[%get3A_675] {strides = array<i32>} : memref<8192xi32, #tpu.memory_space<vmem>>, vector<16xi32>,
      %add3A_677 = arith.addi %add3A_663, %get3A_676 : vector<16xi32>
      %mul3A_678 = arith.constant 16 : i32
      %mul3A_679 = arith.muli %scan3A_551, %mul3A_678 : i32
      %add3A_680 = arith.constant 4608 : i32
      %add3A_681 = arith.addi %add3A_680, %mul3A_679 : i32
      %get3A_682 = arith.index_cast %add3A_681 : i32 to index
      %get3A_683 = tpu.vector_load %arg18[%get3A_682] {strides = array<i32>} : memref<8192xi32, #tpu.memory_space<vmem>>, vector<16xi32>,
      %add3A_684 = arith.addi %add3A_670, %get3A_683 : vector<16xi32>
      %mul3A_685 = arith.constant 16 : i32
      %mul3A_686 = arith.muli %scan3A_551, %mul3A_685 : i32
      %add3A_687 = arith.constant 4864 : i32
      %add3A_688 = arith.addi %add3A_687, %mul3A_686 : i32
      %get3A_689 = arith.index_cast %add3A_688 : i32 to index
      %get3A_690 = tpu.vector_load %arg18[%get3A_689] {strides = array<i32>} : memref<8192xi32, #tpu.memory_space<vmem>>, vector<16xi32>,
      %add3A_691 = arith.addi %add3A_677, %get3A_690 : vector<16xi32>
      %mul3A_692 = arith.constant 16 : i32
      %mul3A_693 = arith.muli %scan3A_551, %mul3A_692 : i32
      %add3A_694 = arith.constant 5120 : i32
      %add3A_695 = arith.addi %add3A_694, %mul3A_693 : i32
      %get3A_696 = arith.index_cast %add3A_695 : i32 to index
      %get3A_697 = tpu.vector_load %arg18[%get3A_696] {strides = array<i32>} : memref<8192xi32, #tpu.memory_space<vmem>>, vector<16xi32>,
      %add3A_698 = arith.addi %add3A_684, %get3A_697 : vector<16xi32>
      %mul3A_699 = arith.constant 16 : i32
      %mul3A_700 = arith.muli %scan3A_551, %mul3A_699 : i32
      %add3A_701 = arith.constant 5376 : i32
      %add3A_702 = arith.addi %add3A_701, %mul3A_700 : i32
      %get3A_703 = arith.index_cast %add3A_702 : i32 to index
      %get3A_704 = tpu.vector_load %arg18[%get3A_703] {strides = array<i32>} : memref<8192xi32, #tpu.memory_space<vmem>>, vector<16xi32>,
      %add3A_705 = arith.addi %add3A_691, %get3A_704 : vector<16xi32>
      %mul3A_706 = arith.constant 16 : i32
      %mul3A_707 = arith.muli %scan3A_551, %mul3A_706 : i32
      %add3A_708 = arith.constant 5632 : i32
      %add3A_709 = arith.addi %add3A_708, %mul3A_707 : i32
      %get3A_710 = arith.index_cast %add3A_709 : i32 to index
      %get3A_711 = tpu.vector_load %arg18[%get3A_710] {strides = array<i32>} : memref<8192xi32, #tpu.memory_space<vmem>>, vector<16xi32>,
      %add3A_712 = arith.addi %add3A_698, %get3A_711 : vector<16xi32>
      %mul3A_713 = arith.constant 16 : i32
      %mul3A_714 = arith.muli %scan3A_551, %mul3A_713 : i32
      %add3A_715 = arith.constant 5888 : i32
      %add3A_716 = arith.addi %add3A_715, %mul3A_714 : i32
      %get3A_717 = arith.index_cast %add3A_716 : i32 to index
      %get3A_718 = tpu.vector_load %arg18[%get3A_717] {strides = array<i32>} : memref<8192xi32, #tpu.memory_space<vmem>>, vector<16xi32>,
      %add3A_719 = arith.addi %add3A_705, %get3A_718 : vector<16xi32>
      %mul3A_720 = arith.constant 16 : i32
      %mul3A_721 = arith.muli %scan3A_551, %mul3A_720 : i32
      %add3A_722 = arith.constant 6144 : i32
      %add3A_723 = arith.addi %add3A_722, %mul3A_721 : i32
      %get3A_724 = arith.index_cast %add3A_723 : i32 to index
      %get3A_725 = tpu.vector_load %arg18[%get3A_724] {strides = array<i32>} : memref<8192xi32, #tpu.memory_space<vmem>>, vector<16xi32>,
      %add3A_726 = arith.addi %add3A_712, %get3A_725 : vector<16xi32>
      %mul3A_727 = arith.constant 16 : i32
      %mul3A_728 = arith.muli %scan3A_551, %mul3A_727 : i32
      %add3A_729 = arith.constant 6400 : i32
      %add3A_730 = arith.addi %add3A_729, %mul3A_728 : i32
      %get3A_731 = arith.index_cast %add3A_730 : i32 to index
      %get3A_732 = tpu.vector_load %arg18[%get3A_731] {strides = array<i32>} : memref<8192xi32, #tpu.memory_space<vmem>>, vector<16xi32>,
      %add3A_733 = arith.addi %add3A_719, %get3A_732 : vector<16xi32>
      %mul3A_734 = arith.constant 16 : i32
      %mul3A_735 = arith.muli %scan3A_551, %mul3A_734 : i32
      %add3A_736 = arith.constant 6656 : i32
      %add3A_737 = arith.addi %add3A_736, %mul3A_735 : i32
      %get3A_738 = arith.index_cast %add3A_737 : i32 to index
      %get3A_739 = tpu.vector_load %arg18[%get3A_738] {strides = array<i32>} : memref<8192xi32, #tpu.memory_space<vmem>>, vector<16xi32>,
      %add3A_740 = arith.addi %add3A_726, %get3A_739 : vector<16xi32>
      %mul3A_741 = arith.constant 16 : i32
      %mul3A_742 = arith.muli %scan3A_551, %mul3A_741 : i32
      %add3A_743 = arith.constant 6912 : i32
      %add3A_744 = arith.addi %add3A_743, %mul3A_742 : i32
      %get3A_745 = arith.index_cast %add3A_744 : i32 to index
      %get3A_746 = tpu.vector_load %arg18[%get3A_745] {strides = array<i32>} : memref<8192xi32, #tpu.memory_space<vmem>>, vector<16xi32>,
      %add3A_747 = arith.addi %add3A_733, %get3A_746 : vector<16xi32>
      %mul3A_748 = arith.constant 16 : i32
      %mul3A_749 = arith.muli %scan3A_551, %mul3A_748 : i32
      %add3A_750 = arith.constant 7168 : i32
      %add3A_751 = arith.addi %add3A_750, %mul3A_749 : i32
      %get3A_752 = arith.index_cast %add3A_751 : i32 to index
      %get3A_753 = tpu.vector_load %arg18[%get3A_752] {strides = array<i32>} : memref<8192xi32, #tpu.memory_space<vmem>>, vector<16xi32>,
      %add3A_754 = arith.addi %add3A_740, %get3A_753 : vector<16xi32>
      %mul3A_755 = arith.constant 16 : i32
      %mul3A_756 = arith.muli %scan3A_551, %mul3A_755 : i32
      %add3A_757 = arith.constant 7424 : i32
      %add3A_758 = arith.addi %add3A_757, %mul3A_756 : i32
      %get3A_759 = arith.index_cast %add3A_758 : i32 to index
      %get3A_760 = tpu.vector_load %arg18[%get3A_759] {strides = array<i32>} : memref<8192xi32, #tpu.memory_space<vmem>>, vector<16xi32>,
      %add3A_761 = arith.addi %add3A_747, %get3A_760 : vector<16xi32>
      %mul3A_762 = arith.constant 16 : i32
      %mul3A_763 = arith.muli %scan3A_551, %mul3A_762 : i32
      %add3A_764 = arith.constant 7680 : i32
      %add3A_765 = arith.addi %add3A_764, %mul3A_763 : i32
      %get3A_766 = arith.index_cast %add3A_765 : i32 to index
      %get3A_767 = tpu.vector_load %arg18[%get3A_766] {strides = array<i32>} : memref<8192xi32, #tpu.memory_space<vmem>>, vector<16xi32>,
      %add3A_768 = arith.addi %add3A_754, %get3A_767 : vector<16xi32>
      %mul3A_769 = arith.constant 16 : i32
      %mul3A_770 = arith.muli %scan3A_551, %mul3A_769 : i32
      %add3A_771 = arith.constant 7936 : i32
      %add3A_772 = arith.addi %add3A_771, %mul3A_770 : i32
      %get3A_773 = arith.index_cast %add3A_772 : i32 to index
      %get3A_774 = tpu.vector_load %arg18[%get3A_773] {strides = array<i32>} : memref<8192xi32, #tpu.memory_space<vmem>>, vector<16xi32>,
      %add3A_775 = arith.addi %add3A_761, %get3A_774 : vector<16xi32>
      %mul3A_776 = arith.constant 16 : i32
      %mul3A_777 = arith.muli %scan3A_551, %mul3A_776 : i32
      %swap3A_778 = arith.index_cast %mul3A_777 : i32 to index
      %swap3A_779 = tpu.vector_load %arg19[%swap3A_778] {strides = array<i32>} : memref<512xi32, #tpu.memory_space<vmem>>, vector<16xi32>,
      tpu.vector_store %arg19[%swap3A_778], %add3A_768 {strides = array<i32>} : memref<512xi32, #tpu.memory_space<vmem>>, vector<16xi32>,
      %mul3A_780 = arith.constant 16 : i32
      %mul3A_781 = arith.muli %scan3A_551, %mul3A_780 : i32
      %add3A_782 = arith.constant 256 : i32
      %add3A_783 = arith.addi %add3A_782, %mul3A_781 : i32
      %swap3A_784 = arith.index_cast %add3A_783 : i32 to index
      %swap3A_785 = tpu.vector_load %arg19[%swap3A_784] {strides = array<i32>} : memref<512xi32, #tpu.memory_space<vmem>>, vector<16xi32>,
      tpu.vector_store %arg19[%swap3A_784], %add3A_775 {strides = array<i32>} : memref<512xi32, #tpu.memory_space<vmem>>, vector<16xi32>,
      %scan3A_786 = arith.constant 0 : i32
      scf.yield %scan3A_786 : i32
    }
    %scan3A_267 = arith.constant 16 : i32
    %scan3A_268 = arith.constant 0 : i32
    %scan3A_269 = arith.constant 16 : i32
    %scan3A_270 = arith.addi %scan3A_268, %scan3A_269 : i32
    %scan3A_271 = arith.constant 1 : i32
    %scan3A_272 = scf.for %scan3A_551 = %scan3A_268 to %scan3A_270 step %scan3A_271 iter_args(%scan3A_552 = %broadcast_in_dim3A_3) -> (vector<16xi32>)  : i32 {
      %mul3A_553 = arith.constant 16 : i32
      %mul3A_554 = arith.muli %scan3A_551, %mul3A_553 : i32
      %add3A_555 = arith.constant 0 : i32
      %add3A_556 = arith.addi %add3A_555, %mul3A_554 : i32
      %get3A = arith.index_cast %add3A_556 : i32 to index
      %get3A_557 = tpu.vector_load %arg19[%get3A] {strides = array<i32>} : memref<512xi32, #tpu.memory_space<vmem>>, vector<16xi32>,
      %add3A_558 = arith.addi %scan3A_552, %get3A_557 : vector<16xi32>
      scf.yield %add3A_558 : vector<16xi32>
    }
    %scan3A_273 = arith.constant 16 : i32
    %reduce_sum3A_274 = arith.constant true
    %reduce_sum3A_275 = vector.broadcast %reduce_sum3A_274 : i1 to vector<16xi1>
    %reduce_sum3A_276 = tpu.scan <sum>, %scan3A_272 masked %reduce_sum3A_275 : vector<16xi32>, vector<16xi1> -> vector<16xi32>
    %reduce_sum3A_277 = vector.extract %reduce_sum3A_276[15] : i32 from vector<16xi32>
    %scan3A_278 = arith.constant 0 : i32
    %scan3A_279 = arith.constant 16 : i32
    %scan3A_280 = arith.addi %scan3A_278, %scan3A_279 : i32
    %scan3A_281 = arith.constant 1 : i32
    %scan3A_282 = scf.for %scan3A_551 = %scan3A_278 to %scan3A_280 step %scan3A_281 iter_args(%scan3A_552 = %broadcast_in_dim3A_3) -> (vector<16xi32>)  : i32 {
      %mul3A_553 = arith.constant 16 : i32
      %mul3A_554 = arith.muli %scan3A_551, %mul3A_553 : i32
      %add3A_555 = arith.constant 256 : i32
      %add3A_556 = arith.addi %add3A_555, %mul3A_554 : i32
      %get3A = arith.index_cast %add3A_556 : i32 to index
      %get3A_557 = tpu.vector_load %arg19[%get3A] {strides = array<i32>} : memref<512xi32, #tpu.memory_space<vmem>>, vector<16xi32>,
      %add3A_558 = arith.addi %scan3A_552, %get3A_557 : vector<16xi32>
      scf.yield %add3A_558 : vector<16xi32>
    }
    %scan3A_283 = arith.constant 16 : i32
    %reduce_sum3A_284 = arith.constant true
    %reduce_sum3A_285 = vector.broadcast %reduce_sum3A_284 : i1 to vector<16xi1>
    %reduce_sum3A_286 = tpu.scan <sum>, %scan3A_282 masked %reduce_sum3A_285 : vector<16xi32>, vector<16xi1> -> vector<16xi32>
    %reduce_sum3A_287 = vector.extract %reduce_sum3A_286[15] : i32 from vector<16xi32>
    %scan3A_288 = arith.constant 0 : i32
    %scan3A_289 = arith.constant 0 : i32
    %scan3A_290 = arith.constant 0 : i32
    %scan3A_291 = arith.constant 16 : i32
    %scan3A_292 = arith.addi %scan3A_290, %scan3A_291 : i32
    %scan3A_293 = arith.constant 1 : i32
    %scan3A_294:3 = scf.for %scan3A_551 = %scan3A_290 to %scan3A_292 step %scan3A_293 iter_args(%scan3A_552 = %broadcast_in_dim3A_3, %scan3A_553 = %scan3A_288, %scan3A_554 = %scan3A_289) -> (vector<16xi32>, i32, i32)  : i32 {
      %mul3A_555 = arith.constant 16 : i32
      %mul3A_556 = arith.muli %scan3A_551, %mul3A_555 : i32
      %get3A = arith.index_cast %mul3A_556 : i32 to index
      %get3A_557 = tpu.vector_load %arg19[%get3A] {strides = array<i32>} : memref<512xi32, #tpu.memory_space<vmem>>, vector<16xi32>,
      %cumsum3A = arith.constant true
      %cumsum3A_558 = vector.broadcast %cumsum3A : i1 to vector<16xi1>
      %cumsum3A_559 = tpu.scan <sum>, %get3A_557 masked %cumsum3A_558 : vector<16xi32>, vector<16xi1> -> vector<16xi32>
      %add3A_560 = vector.broadcast %scan3A_554 : i32 to vector<16xi32>
      %add3A_561 = arith.addi %add3A_560, %cumsum3A_559 : vector<16xi32>
      %sub3A_562 = arith.subi %add3A_561, %get3A_557 : vector<16xi32>
      %sub3A_563 = vector.broadcast %reduce_sum3A_277 : i32 to vector<16xi32>
      %sub3A_564 = arith.subi %sub3A_563, %sub3A_562 : vector<16xi32>
      %ge3A = vector.broadcast %sub3A_224 : i32 to vector<16xi32>
      %ge3A_565 = arith.cmpi sge, %sub3A_564, %ge3A : vector<16xi32>
      %all_reduce_population_count3A = tpu.all_reduce %ge3A_565 {dim = 0 : i64, kind = #tpu.reduction_kind<sum>} : vector<16xi1> -> vector<16xi32>
      %add3A_566 = arith.addi %scan3A_552, %all_reduce_population_count3A : vector<16xi32>
      %jit3A = arith.constant 0 : i32
      %broadcast_in_dim3A_567 = vector.broadcast %jit3A : i32 to vector<16xi32>
      %select_n3A = arith.select %ge3A_565, %get3A_557, %broadcast_in_dim3A_567 : vector<16xi1>, vector<16xi32>
      %reduce_sum3A_568 = arith.constant true
      %reduce_sum3A_569 = vector.broadcast %reduce_sum3A_568 : i1 to vector<16xi1>
      %reduce_sum3A_570 = tpu.scan <sum>, %select_n3A masked %reduce_sum3A_569 : vector<16xi32>, vector<16xi1> -> vector<16xi32>
      %reduce_sum3A_571 = vector.extract %reduce_sum3A_570[15] : i32 from vector<16xi32>
      %add3A_572 = arith.addi %scan3A_553, %reduce_sum3A_571 : i32
      %reduce_sum3A_573 = arith.constant true
      %reduce_sum3A_574 = vector.broadcast %reduce_sum3A_573 : i1 to vector<16xi1>
      %reduce_sum3A_575 = tpu.scan <sum>, %get3A_557 masked %reduce_sum3A_574 : vector<16xi32>, vector<16xi1> -> vector<16xi32>
      %reduce_sum3A_576 = vector.extract %reduce_sum3A_575[15] : i32 from vector<16xi32>
      %add3A_577 = arith.addi %scan3A_554, %reduce_sum3A_576 : i32
      scf.yield %add3A_566, %add3A_572, %add3A_577 : vector<16xi32>, i32, i32
    }
    %scan3A_295 = arith.constant 16 : i32
    %sub3A_296 = arith.constant 1 : i32
    %sub3A_297 = vector.broadcast %sub3A_296 : i32 to vector<16xi32>
    %sub3A_298 = arith.subi %scan3A_294#0, %sub3A_297 : vector<16xi32>
    %sub3A_299 = arith.subi %reduce_sum3A_277, %scan3A_294#1 : i32
    %scan3A_300 = arith.constant 0 : i32
    %scan3A_301 = arith.constant 0 : i32
    %scan3A_302 = arith.constant 0 : i32
    %scan3A_303 = arith.constant 16 : i32
    %scan3A_304 = arith.addi %scan3A_302, %scan3A_303 : i32
    %scan3A_305 = arith.constant 1 : i32
    %scan3A_306:3 = scf.for %scan3A_551 = %scan3A_302 to %scan3A_304 step %scan3A_305 iter_args(%scan3A_552 = %broadcast_in_dim3A_3, %scan3A_553 = %scan3A_300, %scan3A_554 = %scan3A_301) -> (vector<16xi32>, i32, i32)  : i32 {
      %mul3A_555 = arith.constant 16 : i32
      %mul3A_556 = arith.muli %scan3A_551, %mul3A_555 : i32
      %add3A_557 = arith.constant 256 : i32
      %add3A_558 = arith.addi %add3A_557, %mul3A_556 : i32
      %get3A = arith.index_cast %add3A_558 : i32 to index
      %get3A_559 = tpu.vector_load %arg19[%get3A] {strides = array<i32>} : memref<512xi32, #tpu.memory_space<vmem>>, vector<16xi32>,
      %cumsum3A = arith.constant true
      %cumsum3A_560 = vector.broadcast %cumsum3A : i1 to vector<16xi1>
      %cumsum3A_561 = tpu.scan <sum>, %get3A_559 masked %cumsum3A_560 : vector<16xi32>, vector<16xi1> -> vector<16xi32>
      %add3A_562 = vector.broadcast %scan3A_554 : i32 to vector<16xi32>
      %add3A_563 = arith.addi %add3A_562, %cumsum3A_561 : vector<16xi32>
      %ge3A = vector.broadcast %sub3A_229 : i32 to vector<16xi32>
      %ge3A_564 = arith.cmpi sge, %add3A_563, %ge3A : vector<16xi32>
      %all_reduce_population_count3A = tpu.all_reduce %ge3A_564 {dim = 0 : i64, kind = #tpu.reduction_kind<sum>} : vector<16xi1> -> vector<16xi32>
      %add3A_565 = arith.addi %scan3A_552, %all_reduce_population_count3A : vector<16xi32>
      %jit3A = arith.constant 0 : i32
      %broadcast_in_dim3A_566 = vector.broadcast %jit3A : i32 to vector<16xi32>
      %select_n3A = arith.select %ge3A_564, %get3A_559, %broadcast_in_dim3A_566 : vector<16xi1>, vector<16xi32>
      %reduce_sum3A_567 = arith.constant true
      %reduce_sum3A_568 = vector.broadcast %reduce_sum3A_567 : i1 to vector<16xi1>
      %reduce_sum3A_569 = tpu.scan <sum>, %select_n3A masked %reduce_sum3A_568 : vector<16xi32>, vector<16xi1> -> vector<16xi32>
      %reduce_sum3A_570 = vector.extract %reduce_sum3A_569[15] : i32 from vector<16xi32>
      %add3A_571 = arith.addi %scan3A_553, %reduce_sum3A_570 : i32
      %reduce_sum3A_572 = arith.constant true
      %reduce_sum3A_573 = vector.broadcast %reduce_sum3A_572 : i1 to vector<16xi1>
      %reduce_sum3A_574 = tpu.scan <sum>, %get3A_559 masked %reduce_sum3A_573 : vector<16xi32>, vector<16xi1> -> vector<16xi32>
      %reduce_sum3A_575 = vector.extract %reduce_sum3A_574[15] : i32 from vector<16xi32>
      %add3A_576 = arith.addi %scan3A_554, %reduce_sum3A_575 : i32
      scf.yield %add3A_565, %add3A_571, %add3A_576 : vector<16xi32>, i32, i32
    }
    %scan3A_307 = arith.constant 16 : i32
    %sub3A_308 = arith.constant 256 : i32
    %sub3A_309 = vector.broadcast %sub3A_308 : i32 to vector<16xi32>
    %sub3A_310 = arith.subi %sub3A_309, %scan3A_306#0 : vector<16xi32>
    %sub3A_311 = arith.subi %reduce_sum3A_287, %scan3A_306#1 : i32
    %sub3A_312 = arith.subi %sub3A_224, %sub3A_299 : i32
    %shift_left3A_313 = arith.constant 8 : i32
    %shift_left3A_314 = vector.broadcast %shift_left3A_313 : i32 to vector<16xi32>
    %shift_left3A_315 = arith.shli %sub3A_298, %shift_left3A_314 : vector<16xi32>
    %or3A_316 = arith.ori %or3A_228, %shift_left3A_315 : vector<16xi32>
    %sub3A_317 = arith.subi %sub3A_229, %sub3A_311 : i32
    %shift_left3A_318 = arith.constant 8 : i32
    %shift_left3A_319 = vector.broadcast %shift_left3A_318 : i32 to vector<16xi32>
    %shift_left3A_320 = arith.shli %sub3A_310, %shift_left3A_319 : vector<16xi32>
    %or3A_321 = arith.ori %or3A_233, %shift_left3A_320 : vector<16xi32>
    %scan3A_322 = arith.constant 0 : i32
    %scan3A_323 = arith.constant 0 : i32
    %scan3A_324 = arith.constant 256 : i32
    %scan3A_325 = arith.addi %scan3A_323, %scan3A_324 : i32
    %scan3A_326 = arith.constant 1 : i32
    %scan3A_327 = scf.for %scan3A_551 = %scan3A_323 to %scan3A_325 step %scan3A_326 iter_args(%scan3A_552 = %scan3A_322) -> (i32)  : i32 {
      %mul3A_553 = arith.constant 16 : i32
      %mul3A_554 = arith.muli %scan3A_551, %mul3A_553 : i32
      %swap3A_555 = arith.index_cast %mul3A_554 : i32 to index
      %swap3A_556 = tpu.vector_load %arg15[%swap3A_555] {strides = array<i32>} : memref<4096xi32, #tpu.memory_space<vmem>>, vector<16xi32>,
      tpu.vector_store %arg15[%swap3A_555], %broadcast_in_dim3A_3 {strides = array<i32>} : memref<4096xi32, #tpu.memory_space<vmem>>, vector<16xi32>,
      %mul3A_557 = arith.constant 16 : i32
      %mul3A_558 = arith.muli %scan3A_551, %mul3A_557 : i32
      %swap3A_559 = arith.index_cast %mul3A_558 : i32 to index
      %swap3A_560 = tpu.vector_load %arg16[%swap3A_559] {strides = array<i32>} : memref<4096xi32, #tpu.memory_space<vmem>>, vector<16xi32>,
      tpu.vector_store %arg16[%swap3A_559], %broadcast_in_dim3A_3 {strides = array<i32>} : memref<4096xi32, #tpu.memory_space<vmem>>, vector<16xi32>,
      %scan3A_561 = arith.constant 0 : i32
      scf.yield %scan3A_561 : i32
    }
    %scan3A_328 = arith.constant 256 : i32
    %scan3A_329 = arith.constant -256 : i32
    %scan3A_330 = arith.constant 0 : i32
    %scan3A_331 = arith.constant 0 : i32
    %scan3A_332 = arith.constant 682 : i32
    %scan3A_333 = arith.addi %scan3A_331, %scan3A_332 : i32
    %scan3A_334 = arith.constant 1 : i32
    %scan3A_335 = scf.for %scan3A_551 = %scan3A_331 to %scan3A_333 step %scan3A_334 iter_args(%scan3A_552 = %scan3A_330) -> (i32)  : i32 {
      %mul3A_553 = arith.constant 16 : i32
      %mul3A_554 = arith.muli %scan3A_551, %mul3A_553 : i32
      %get3A = arith.index_cast %mul3A_554 : i32 to index
      %get3A_555 = tpu.vector_load %arg14[%get3A] {strides = array<i32>} : memref<10912xf32, #tpu.memory_space<vmem>>, vector<16xf32>,
      %bitcast_convert_type3A_556 = tpu.bitcast %get3A_555 : vector<16xf32> -> vector<16xi32>
      %shift_right_arithmetic3A = arith.constant 0 : i32
      %shift_right_arithmetic3A_557 = vector.broadcast %shift_right_arithmetic3A : i32 to vector<16xi32>
      %shift_right_arithmetic3A_558 = arith.shrsi %bitcast_convert_type3A_556, %shift_right_arithmetic3A_557 : vector<16xi32>
      %and3A = arith.constant 255 : i32
      %and3A_559 = vector.broadcast %and3A : i32 to vector<16xi32>
      %and3A_560 = arith.andi %shift_right_arithmetic3A_558, %and3A_559 : vector<16xi32>
      %mul3A_561 = arith.constant 256 : i32
      %mul3A_562 = vector.broadcast %mul3A_561 : i32 to vector<16xi32>
      %mul3A_563 = arith.muli %iota3A, %mul3A_562 : vector<16xi32>
      %add3A_564 = arith.addi %mul3A_563, %and3A_560 : vector<16xi32>
      %and3A_565 = vector.broadcast %scan3A_329 : i32 to vector<16xi32>
      %and3A_566 = arith.andi %bitcast_convert_type3A_556, %and3A_565 : vector<16xi32>
      %eq3A_567 = arith.cmpi eq, %and3A_566, %or3A_316 : vector<16xi32>
      tpu.vector_store_idx %arg15[%add3A_564], %broadcast_in_dim3A_1 masked %eq3A_567 {add = true} : memref<4096xi32, #tpu.memory_space<vmem>>[vector<16xi32>], vector<16xi32>, vector<16xi1>
      %eq3A_568 = arith.cmpi eq, %and3A_566, %or3A_321 : vector<16xi32>
      tpu.vector_store_idx %arg16[%add3A_564], %broadcast_in_dim3A_1 masked %eq3A_568 {add = true} : memref<4096xi32, #tpu.memory_space<vmem>>[vector<16xi32>], vector<16xi32>, vector<16xi1>
      %scan3A_569 = arith.constant 0 : i32
      scf.yield %scan3A_569 : i32
    }
    %scan3A_336 = arith.constant 682 : i32
    %scan3A_337 = arith.constant 0 : i32
    %scan3A_338 = arith.constant 0 : i32
    %scan3A_339 = arith.constant 16 : i32
    %scan3A_340 = arith.addi %scan3A_338, %scan3A_339 : i32
    %scan3A_341 = arith.constant 1 : i32
    %scan3A_342 = scf.for %scan3A_551 = %scan3A_338 to %scan3A_340 step %scan3A_341 iter_args(%scan3A_552 = %scan3A_337) -> (i32)  : i32 {
      %mul3A_553 = arith.constant 16 : i32
      %mul3A_554 = arith.muli %scan3A_551, %mul3A_553 : i32
      %add3A_555 = arith.constant 0 : i32
      %add3A_556 = arith.addi %add3A_555, %mul3A_554 : i32
      %get3A = arith.index_cast %add3A_556 : i32 to index
      %get3A_557 = tpu.vector_load %arg15[%get3A] {strides = array<i32>} : memref<4096xi32, #tpu.memory_space<vmem>>, vector<16xi32>,
      %add3A_558 = arith.addi %broadcast_in_dim3A_3, %get3A_557 : vector<16xi32>
      %mul3A_559 = arith.constant 16 : i32
      %mul3A_560 = arith.muli %scan3A_551, %mul3A_559 : i32
      %add3A_561 = arith.constant 0 : i32
      %add3A_562 = arith.addi %add3A_561, %mul3A_560 : i32
      %get3A_563 = arith.index_cast %add3A_562 : i32 to index
      %get3A_564 = tpu.vector_load %arg16[%get3A_563] {strides = array<i32>} : memref<4096xi32, #tpu.memory_space<vmem>>, vector<16xi32>,
      %add3A_565 = arith.addi %broadcast_in_dim3A_3, %get3A_564 : vector<16xi32>
      %mul3A_566 = arith.constant 16 : i32
      %mul3A_567 = arith.muli %scan3A_551, %mul3A_566 : i32
      %add3A_568 = arith.constant 256 : i32
      %add3A_569 = arith.addi %add3A_568, %mul3A_567 : i32
      %get3A_570 = arith.index_cast %add3A_569 : i32 to index
      %get3A_571 = tpu.vector_load %arg15[%get3A_570] {strides = array<i32>} : memref<4096xi32, #tpu.memory_space<vmem>>, vector<16xi32>,
      %add3A_572 = arith.addi %add3A_558, %get3A_571 : vector<16xi32>
      %mul3A_573 = arith.constant 16 : i32
      %mul3A_574 = arith.muli %scan3A_551, %mul3A_573 : i32
      %add3A_575 = arith.constant 256 : i32
      %add3A_576 = arith.addi %add3A_575, %mul3A_574 : i32
      %get3A_577 = arith.index_cast %add3A_576 : i32 to index
      %get3A_578 = tpu.vector_load %arg16[%get3A_577] {strides = array<i32>} : memref<4096xi32, #tpu.memory_space<vmem>>, vector<16xi32>,
      %add3A_579 = arith.addi %add3A_565, %get3A_578 : vector<16xi32>
      %mul3A_580 = arith.constant 16 : i32
      %mul3A_581 = arith.muli %scan3A_551, %mul3A_580 : i32
      %add3A_582 = arith.constant 512 : i32
      %add3A_583 = arith.addi %add3A_582, %mul3A_581 : i32
      %get3A_584 = arith.index_cast %add3A_583 : i32 to index
      %get3A_585 = tpu.vector_load %arg15[%get3A_584] {strides = array<i32>} : memref<4096xi32, #tpu.memory_space<vmem>>, vector<16xi32>,
      %add3A_586 = arith.addi %add3A_572, %get3A_585 : vector<16xi32>
      %mul3A_587 = arith.constant 16 : i32
      %mul3A_588 = arith.muli %scan3A_551, %mul3A_587 : i32
      %add3A_589 = arith.constant 512 : i32
      %add3A_590 = arith.addi %add3A_589, %mul3A_588 : i32
      %get3A_591 = arith.index_cast %add3A_590 : i32 to index
      %get3A_592 = tpu.vector_load %arg16[%get3A_591] {strides = array<i32>} : memref<4096xi32, #tpu.memory_space<vmem>>, vector<16xi32>,
      %add3A_593 = arith.addi %add3A_579, %get3A_592 : vector<16xi32>
      %mul3A_594 = arith.constant 16 : i32
      %mul3A_595 = arith.muli %scan3A_551, %mul3A_594 : i32
      %add3A_596 = arith.constant 768 : i32
      %add3A_597 = arith.addi %add3A_596, %mul3A_595 : i32
      %get3A_598 = arith.index_cast %add3A_597 : i32 to index
      %get3A_599 = tpu.vector_load %arg15[%get3A_598] {strides = array<i32>} : memref<4096xi32, #tpu.memory_space<vmem>>, vector<16xi32>,
      %add3A_600 = arith.addi %add3A_586, %get3A_599 : vector<16xi32>
      %mul3A_601 = arith.constant 16 : i32
      %mul3A_602 = arith.muli %scan3A_551, %mul3A_601 : i32
      %add3A_603 = arith.constant 768 : i32
      %add3A_604 = arith.addi %add3A_603, %mul3A_602 : i32
      %get3A_605 = arith.index_cast %add3A_604 : i32 to index
      %get3A_606 = tpu.vector_load %arg16[%get3A_605] {strides = array<i32>} : memref<4096xi32, #tpu.memory_space<vmem>>, vector<16xi32>,
      %add3A_607 = arith.addi %add3A_593, %get3A_606 : vector<16xi32>
      %mul3A_608 = arith.constant 16 : i32
      %mul3A_609 = arith.muli %scan3A_551, %mul3A_608 : i32
      %add3A_610 = arith.constant 1024 : i32
      %add3A_611 = arith.addi %add3A_610, %mul3A_609 : i32
      %get3A_612 = arith.index_cast %add3A_611 : i32 to index
      %get3A_613 = tpu.vector_load %arg15[%get3A_612] {strides = array<i32>} : memref<4096xi32, #tpu.memory_space<vmem>>, vector<16xi32>,
      %add3A_614 = arith.addi %add3A_600, %get3A_613 : vector<16xi32>
      %mul3A_615 = arith.constant 16 : i32
      %mul3A_616 = arith.muli %scan3A_551, %mul3A_615 : i32
      %add3A_617 = arith.constant 1024 : i32
      %add3A_618 = arith.addi %add3A_617, %mul3A_616 : i32
      %get3A_619 = arith.index_cast %add3A_618 : i32 to index
      %get3A_620 = tpu.vector_load %arg16[%get3A_619] {strides = array<i32>} : memref<4096xi32, #tpu.memory_space<vmem>>, vector<16xi32>,
      %add3A_621 = arith.addi %add3A_607, %get3A_620 : vector<16xi32>
      %mul3A_622 = arith.constant 16 : i32
      %mul3A_623 = arith.muli %scan3A_551, %mul3A_622 : i32
      %add3A_624 = arith.constant 1280 : i32
      %add3A_625 = arith.addi %add3A_624, %mul3A_623 : i32
      %get3A_626 = arith.index_cast %add3A_625 : i32 to index
      %get3A_627 = tpu.vector_load %arg15[%get3A_626] {strides = array<i32>} : memref<4096xi32, #tpu.memory_space<vmem>>, vector<16xi32>,
      %add3A_628 = arith.addi %add3A_614, %get3A_627 : vector<16xi32>
      %mul3A_629 = arith.constant 16 : i32
      %mul3A_630 = arith.muli %scan3A_551, %mul3A_629 : i32
      %add3A_631 = arith.constant 1280 : i32
      %add3A_632 = arith.addi %add3A_631, %mul3A_630 : i32
      %get3A_633 = arith.index_cast %add3A_632 : i32 to index
      %get3A_634 = tpu.vector_load %arg16[%get3A_633] {strides = array<i32>} : memref<4096xi32, #tpu.memory_space<vmem>>, vector<16xi32>,
      %add3A_635 = arith.addi %add3A_621, %get3A_634 : vector<16xi32>
      %mul3A_636 = arith.constant 16 : i32
      %mul3A_637 = arith.muli %scan3A_551, %mul3A_636 : i32
      %add3A_638 = arith.constant 1536 : i32
      %add3A_639 = arith.addi %add3A_638, %mul3A_637 : i32
      %get3A_640 = arith.index_cast %add3A_639 : i32 to index
      %get3A_641 = tpu.vector_load %arg15[%get3A_640] {strides = array<i32>} : memref<4096xi32, #tpu.memory_space<vmem>>, vector<16xi32>,
      %add3A_642 = arith.addi %add3A_628, %get3A_641 : vector<16xi32>
      %mul3A_643 = arith.constant 16 : i32
      %mul3A_644 = arith.muli %scan3A_551, %mul3A_643 : i32
      %add3A_645 = arith.constant 1536 : i32
      %add3A_646 = arith.addi %add3A_645, %mul3A_644 : i32
      %get3A_647 = arith.index_cast %add3A_646 : i32 to index
      %get3A_648 = tpu.vector_load %arg16[%get3A_647] {strides = array<i32>} : memref<4096xi32, #tpu.memory_space<vmem>>, vector<16xi32>,
      %add3A_649 = arith.addi %add3A_635, %get3A_648 : vector<16xi32>
      %mul3A_650 = arith.constant 16 : i32
      %mul3A_651 = arith.muli %scan3A_551, %mul3A_650 : i32
      %add3A_652 = arith.constant 1792 : i32
      %add3A_653 = arith.addi %add3A_652, %mul3A_651 : i32
      %get3A_654 = arith.index_cast %add3A_653 : i32 to index
      %get3A_655 = tpu.vector_load %arg15[%get3A_654] {strides = array<i32>} : memref<4096xi32, #tpu.memory_space<vmem>>, vector<16xi32>,
      %add3A_656 = arith.addi %add3A_642, %get3A_655 : vector<16xi32>
      %mul3A_657 = arith.constant 16 : i32
      %mul3A_658 = arith.muli %scan3A_551, %mul3A_657 : i32
      %add3A_659 = arith.constant 1792 : i32
      %add3A_660 = arith.addi %add3A_659, %mul3A_658 : i32
      %get3A_661 = arith.index_cast %add3A_660 : i32 to index
      %get3A_662 = tpu.vector_load %arg16[%get3A_661] {strides = array<i32>} : memref<4096xi32, #tpu.memory_space<vmem>>, vector<16xi32>,
      %add3A_663 = arith.addi %add3A_649, %get3A_662 : vector<16xi32>
      %mul3A_664 = arith.constant 16 : i32
      %mul3A_665 = arith.muli %scan3A_551, %mul3A_664 : i32
      %add3A_666 = arith.constant 2048 : i32
      %add3A_667 = arith.addi %add3A_666, %mul3A_665 : i32
      %get3A_668 = arith.index_cast %add3A_667 : i32 to index
      %get3A_669 = tpu.vector_load %arg15[%get3A_668] {strides = array<i32>} : memref<4096xi32, #tpu.memory_space<vmem>>, vector<16xi32>,
      %add3A_670 = arith.addi %add3A_656, %get3A_669 : vector<16xi32>
      %mul3A_671 = arith.constant 16 : i32
      %mul3A_672 = arith.muli %scan3A_551, %mul3A_671 : i32
      %add3A_673 = arith.constant 2048 : i32
      %add3A_674 = arith.addi %add3A_673, %mul3A_672 : i32
      %get3A_675 = arith.index_cast %add3A_674 : i32 to index
      %get3A_676 = tpu.vector_load %arg16[%get3A_675] {strides = array<i32>} : memref<4096xi32, #tpu.memory_space<vmem>>, vector<16xi32>,
      %add3A_677 = arith.addi %add3A_663, %get3A_676 : vector<16xi32>
      %mul3A_678 = arith.constant 16 : i32
      %mul3A_679 = arith.muli %scan3A_551, %mul3A_678 : i32
      %add3A_680 = arith.constant 2304 : i32
      %add3A_681 = arith.addi %add3A_680, %mul3A_679 : i32
      %get3A_682 = arith.index_cast %add3A_681 : i32 to index
      %get3A_683 = tpu.vector_load %arg15[%get3A_682] {strides = array<i32>} : memref<4096xi32, #tpu.memory_space<vmem>>, vector<16xi32>,
      %add3A_684 = arith.addi %add3A_670, %get3A_683 : vector<16xi32>
      %mul3A_685 = arith.constant 16 : i32
      %mul3A_686 = arith.muli %scan3A_551, %mul3A_685 : i32
      %add3A_687 = arith.constant 2304 : i32
      %add3A_688 = arith.addi %add3A_687, %mul3A_686 : i32
      %get3A_689 = arith.index_cast %add3A_688 : i32 to index
      %get3A_690 = tpu.vector_load %arg16[%get3A_689] {strides = array<i32>} : memref<4096xi32, #tpu.memory_space<vmem>>, vector<16xi32>,
      %add3A_691 = arith.addi %add3A_677, %get3A_690 : vector<16xi32>
      %mul3A_692 = arith.constant 16 : i32
      %mul3A_693 = arith.muli %scan3A_551, %mul3A_692 : i32
      %add3A_694 = arith.constant 2560 : i32
      %add3A_695 = arith.addi %add3A_694, %mul3A_693 : i32
      %get3A_696 = arith.index_cast %add3A_695 : i32 to index
      %get3A_697 = tpu.vector_load %arg15[%get3A_696] {strides = array<i32>} : memref<4096xi32, #tpu.memory_space<vmem>>, vector<16xi32>,
      %add3A_698 = arith.addi %add3A_684, %get3A_697 : vector<16xi32>
      %mul3A_699 = arith.constant 16 : i32
      %mul3A_700 = arith.muli %scan3A_551, %mul3A_699 : i32
      %add3A_701 = arith.constant 2560 : i32
      %add3A_702 = arith.addi %add3A_701, %mul3A_700 : i32
      %get3A_703 = arith.index_cast %add3A_702 : i32 to index
      %get3A_704 = tpu.vector_load %arg16[%get3A_703] {strides = array<i32>} : memref<4096xi32, #tpu.memory_space<vmem>>, vector<16xi32>,
      %add3A_705 = arith.addi %add3A_691, %get3A_704 : vector<16xi32>
      %mul3A_706 = arith.constant 16 : i32
      %mul3A_707 = arith.muli %scan3A_551, %mul3A_706 : i32
      %add3A_708 = arith.constant 2816 : i32
      %add3A_709 = arith.addi %add3A_708, %mul3A_707 : i32
      %get3A_710 = arith.index_cast %add3A_709 : i32 to index
      %get3A_711 = tpu.vector_load %arg15[%get3A_710] {strides = array<i32>} : memref<4096xi32, #tpu.memory_space<vmem>>, vector<16xi32>,
      %add3A_712 = arith.addi %add3A_698, %get3A_711 : vector<16xi32>
      %mul3A_713 = arith.constant 16 : i32
      %mul3A_714 = arith.muli %scan3A_551, %mul3A_713 : i32
      %add3A_715 = arith.constant 2816 : i32
      %add3A_716 = arith.addi %add3A_715, %mul3A_714 : i32
      %get3A_717 = arith.index_cast %add3A_716 : i32 to index
      %get3A_718 = tpu.vector_load %arg16[%get3A_717] {strides = array<i32>} : memref<4096xi32, #tpu.memory_space<vmem>>, vector<16xi32>,
      %add3A_719 = arith.addi %add3A_705, %get3A_718 : vector<16xi32>
      %mul3A_720 = arith.constant 16 : i32
      %mul3A_721 = arith.muli %scan3A_551, %mul3A_720 : i32
      %add3A_722 = arith.constant 3072 : i32
      %add3A_723 = arith.addi %add3A_722, %mul3A_721 : i32
      %get3A_724 = arith.index_cast %add3A_723 : i32 to index
      %get3A_725 = tpu.vector_load %arg15[%get3A_724] {strides = array<i32>} : memref<4096xi32, #tpu.memory_space<vmem>>, vector<16xi32>,
      %add3A_726 = arith.addi %add3A_712, %get3A_725 : vector<16xi32>
      %mul3A_727 = arith.constant 16 : i32
      %mul3A_728 = arith.muli %scan3A_551, %mul3A_727 : i32
      %add3A_729 = arith.constant 3072 : i32
      %add3A_730 = arith.addi %add3A_729, %mul3A_728 : i32
      %get3A_731 = arith.index_cast %add3A_730 : i32 to index
      %get3A_732 = tpu.vector_load %arg16[%get3A_731] {strides = array<i32>} : memref<4096xi32, #tpu.memory_space<vmem>>, vector<16xi32>,
      %add3A_733 = arith.addi %add3A_719, %get3A_732 : vector<16xi32>
      %mul3A_734 = arith.constant 16 : i32
      %mul3A_735 = arith.muli %scan3A_551, %mul3A_734 : i32
      %add3A_736 = arith.constant 3328 : i32
      %add3A_737 = arith.addi %add3A_736, %mul3A_735 : i32
      %get3A_738 = arith.index_cast %add3A_737 : i32 to index
      %get3A_739 = tpu.vector_load %arg15[%get3A_738] {strides = array<i32>} : memref<4096xi32, #tpu.memory_space<vmem>>, vector<16xi32>,
      %add3A_740 = arith.addi %add3A_726, %get3A_739 : vector<16xi32>
      %mul3A_741 = arith.constant 16 : i32
      %mul3A_742 = arith.muli %scan3A_551, %mul3A_741 : i32
      %add3A_743 = arith.constant 3328 : i32
      %add3A_744 = arith.addi %add3A_743, %mul3A_742 : i32
      %get3A_745 = arith.index_cast %add3A_744 : i32 to index
      %get3A_746 = tpu.vector_load %arg16[%get3A_745] {strides = array<i32>} : memref<4096xi32, #tpu.memory_space<vmem>>, vector<16xi32>,
      %add3A_747 = arith.addi %add3A_733, %get3A_746 : vector<16xi32>
      %mul3A_748 = arith.constant 16 : i32
      %mul3A_749 = arith.muli %scan3A_551, %mul3A_748 : i32
      %add3A_750 = arith.constant 3584 : i32
      %add3A_751 = arith.addi %add3A_750, %mul3A_749 : i32
      %get3A_752 = arith.index_cast %add3A_751 : i32 to index
      %get3A_753 = tpu.vector_load %arg15[%get3A_752] {strides = array<i32>} : memref<4096xi32, #tpu.memory_space<vmem>>, vector<16xi32>,
      %add3A_754 = arith.addi %add3A_740, %get3A_753 : vector<16xi32>
      %mul3A_755 = arith.constant 16 : i32
      %mul3A_756 = arith.muli %scan3A_551, %mul3A_755 : i32
      %add3A_757 = arith.constant 3584 : i32
      %add3A_758 = arith.addi %add3A_757, %mul3A_756 : i32
      %get3A_759 = arith.index_cast %add3A_758 : i32 to index
      %get3A_760 = tpu.vector_load %arg16[%get3A_759] {strides = array<i32>} : memref<4096xi32, #tpu.memory_space<vmem>>, vector<16xi32>,
      %add3A_761 = arith.addi %add3A_747, %get3A_760 : vector<16xi32>
      %mul3A_762 = arith.constant 16 : i32
      %mul3A_763 = arith.muli %scan3A_551, %mul3A_762 : i32
      %add3A_764 = arith.constant 3840 : i32
      %add3A_765 = arith.addi %add3A_764, %mul3A_763 : i32
      %get3A_766 = arith.index_cast %add3A_765 : i32 to index
      %get3A_767 = tpu.vector_load %arg15[%get3A_766] {strides = array<i32>} : memref<4096xi32, #tpu.memory_space<vmem>>, vector<16xi32>,
      %add3A_768 = arith.addi %add3A_754, %get3A_767 : vector<16xi32>
      %mul3A_769 = arith.constant 16 : i32
      %mul3A_770 = arith.muli %scan3A_551, %mul3A_769 : i32
      %add3A_771 = arith.constant 3840 : i32
      %add3A_772 = arith.addi %add3A_771, %mul3A_770 : i32
      %get3A_773 = arith.index_cast %add3A_772 : i32 to index
      %get3A_774 = tpu.vector_load %arg16[%get3A_773] {strides = array<i32>} : memref<4096xi32, #tpu.memory_space<vmem>>, vector<16xi32>,
      %add3A_775 = arith.addi %add3A_761, %get3A_774 : vector<16xi32>
      %mul3A_776 = arith.constant 16 : i32
      %mul3A_777 = arith.muli %scan3A_551, %mul3A_776 : i32
      %swap3A_778 = arith.index_cast %mul3A_777 : i32 to index
      %swap3A_779 = tpu.vector_load %arg17[%swap3A_778] {strides = array<i32>} : memref<512xi32, #tpu.memory_space<vmem>>, vector<16xi32>,
      tpu.vector_store %arg17[%swap3A_778], %add3A_768 {strides = array<i32>} : memref<512xi32, #tpu.memory_space<vmem>>, vector<16xi32>,
      %mul3A_780 = arith.constant 16 : i32
      %mul3A_781 = arith.muli %scan3A_551, %mul3A_780 : i32
      %add3A_782 = arith.constant 256 : i32
      %add3A_783 = arith.addi %add3A_782, %mul3A_781 : i32
      %swap3A_784 = arith.index_cast %add3A_783 : i32 to index
      %swap3A_785 = tpu.vector_load %arg17[%swap3A_784] {strides = array<i32>} : memref<512xi32, #tpu.memory_space<vmem>>, vector<16xi32>,
      tpu.vector_store %arg17[%swap3A_784], %add3A_775 {strides = array<i32>} : memref<512xi32, #tpu.memory_space<vmem>>, vector<16xi32>,
      %scan3A_786 = arith.constant 0 : i32
      scf.yield %scan3A_786 : i32
    }
    %scan3A_343 = arith.constant 16 : i32
    %mul3A_344 = arith.constant 512 : i32
    %mul3A_345 = arith.muli %arg1, %mul3A_344 : i32
    %run_scoped3A_346 = arith.constant 3 : i32
    "tpu.region"() ({
      %run_scoped3A_551 = tpu.sem_alloc : memref<!tpu.dma_semaphore, #tpu.memory_space<semaphore_mem>>
      %dma_start3A_552 = tpu.memref_slice %arg23[%run_scoped3A_346, %mul3A_345] : memref<4x8192xi32, #tpu.memory_space<vmem_shared>> -> memref<1x512xi32, #tpu.memory_space<vmem_shared>>
      %dma_start3A_553 = tpu.memref_squeeze %dma_start3A_552 : memref<1x512xi32, #tpu.memory_space<vmem_shared>> -> memref<512xi32, #tpu.memory_space<vmem_shared>>
      %dma_start3A_554 = tpu.memref_slice %arg23[%run_scoped3A_346, %mul3A_345] : memref<4x8192xi32, #tpu.memory_space<vmem_shared>> -> memref<1x512xi32, #tpu.memory_space<vmem_shared>>
      %dma_start3A_555 = tpu.memref_squeeze %dma_start3A_554 : memref<1x512xi32, #tpu.memory_space<vmem_shared>> -> memref<512xi32, #tpu.memory_space<vmem_shared>>
      tpu.enqueue_dma source(%arg17 : memref<512xi32, #tpu.memory_space<vmem>>) target(%dma_start3A_555 : memref<512xi32, #tpu.memory_space<vmem_shared>>) target_semaphore(%run_scoped3A_551 : memref<!tpu.dma_semaphore, #tpu.memory_space<semaphore_mem>>)
      %dma_wait3A = tpu.memref_slice %arg23[%run_scoped3A_346, %mul3A_345] : memref<4x8192xi32, #tpu.memory_space<vmem_shared>> -> memref<1x512xi32, #tpu.memory_space<vmem_shared>>
      %dma_wait3A_556 = tpu.memref_squeeze %dma_wait3A : memref<1x512xi32, #tpu.memory_space<vmem_shared>> -> memref<512xi32, #tpu.memory_space<vmem_shared>>
      %dma_wait3A_557 = tpu.memref_slice %arg23[%run_scoped3A_346, %mul3A_345] : memref<4x8192xi32, #tpu.memory_space<vmem_shared>> -> memref<1x512xi32, #tpu.memory_space<vmem_shared>>
      %dma_wait3A_558 = tpu.memref_squeeze %dma_wait3A_557 : memref<1x512xi32, #tpu.memory_space<vmem_shared>> -> memref<512xi32, #tpu.memory_space<vmem_shared>>
      tpu.wait_dma2 semaphore(%run_scoped3A_551 : memref<!tpu.dma_semaphore, #tpu.memory_space<semaphore_mem>>) src(%arg17 : memref<512xi32, #tpu.memory_space<vmem>>) dst(%dma_wait3A_558 : memref<512xi32, #tpu.memory_space<vmem_shared>>)
      tpu.yield
    }) : () -> ()
    %barrier3A_347 = arith.constant 0 : index
    tpu.barrier barrier_id(%barrier3A_347)
    %run_scoped3A_348 = arith.constant 3 : i32
    "tpu.region"() ({
      %run_scoped3A_551 = tpu.sem_alloc : memref<!tpu.dma_semaphore, #tpu.memory_space<semaphore_mem>>
      %dma_start3A_552 = arith.constant 0 : i32
      %dma_start3A_553 = tpu.memref_slice %arg23[%run_scoped3A_348, %dma_start3A_552] : memref<4x8192xi32, #tpu.memory_space<vmem_shared>> -> memref<1x8192xi32, #tpu.memory_space<vmem_shared>>
      %dma_start3A_554 = tpu.memref_squeeze %dma_start3A_553 : memref<1x8192xi32, #tpu.memory_space<vmem_shared>> -> memref<8192xi32, #tpu.memory_space<vmem_shared>>
      %dma_start3A_555 = arith.constant 0 : i32
      %dma_start3A_556 = tpu.memref_slice %arg23[%run_scoped3A_348, %dma_start3A_555] : memref<4x8192xi32, #tpu.memory_space<vmem_shared>> -> memref<1x8192xi32, #tpu.memory_space<vmem_shared>>
      %dma_start3A_557 = tpu.memref_squeeze %dma_start3A_556 : memref<1x8192xi32, #tpu.memory_space<vmem_shared>> -> memref<8192xi32, #tpu.memory_space<vmem_shared>>
      tpu.enqueue_dma source(%dma_start3A_557 : memref<8192xi32, #tpu.memory_space<vmem_shared>>) target(%arg18 : memref<8192xi32, #tpu.memory_space<vmem>>) target_semaphore(%run_scoped3A_551 : memref<!tpu.dma_semaphore, #tpu.memory_space<semaphore_mem>>)
      %dma_wait3A = arith.constant 0 : i32
      %dma_wait3A_558 = tpu.memref_slice %arg23[%run_scoped3A_348, %dma_wait3A] : memref<4x8192xi32, #tpu.memory_space<vmem_shared>> -> memref<1x8192xi32, #tpu.memory_space<vmem_shared>>
      %dma_wait3A_559 = tpu.memref_squeeze %dma_wait3A_558 : memref<1x8192xi32, #tpu.memory_space<vmem_shared>> -> memref<8192xi32, #tpu.memory_space<vmem_shared>>
      %dma_wait3A_560 = arith.constant 0 : i32
      %dma_wait3A_561 = tpu.memref_slice %arg23[%run_scoped3A_348, %dma_wait3A_560] : memref<4x8192xi32, #tpu.memory_space<vmem_shared>> -> memref<1x8192xi32, #tpu.memory_space<vmem_shared>>
      %dma_wait3A_562 = tpu.memref_squeeze %dma_wait3A_561 : memref<1x8192xi32, #tpu.memory_space<vmem_shared>> -> memref<8192xi32, #tpu.memory_space<vmem_shared>>
      tpu.wait_dma2 semaphore(%run_scoped3A_551 : memref<!tpu.dma_semaphore, #tpu.memory_space<semaphore_mem>>) src(%dma_wait3A_562 : memref<8192xi32, #tpu.memory_space<vmem_shared>>) dst(%arg18 : memref<8192xi32, #tpu.memory_space<vmem>>)
      tpu.yield
    }) : () -> ()
    %scan3A_349 = arith.constant 0 : i32
    %scan3A_350 = arith.constant 0 : i32
    %scan3A_351 = arith.constant 16 : i32
    %scan3A_352 = arith.addi %scan3A_350, %scan3A_351 : i32
    %scan3A_353 = arith.constant 1 : i32
    %scan3A_354 = scf.for %scan3A_551 = %scan3A_350 to %scan3A_352 step %scan3A_353 iter_args(%scan3A_552 = %scan3A_349) -> (i32)  : i32 {
      %mul3A_553 = arith.constant 16 : i32
      %mul3A_554 = arith.muli %scan3A_551, %mul3A_553 : i32
      %add3A_555 = arith.constant 0 : i32
      %add3A_556 = arith.addi %add3A_555, %mul3A_554 : i32
      %get3A = arith.index_cast %add3A_556 : i32 to index
      %get3A_557 = tpu.vector_load %arg18[%get3A] {strides = array<i32>} : memref<8192xi32, #tpu.memory_space<vmem>>, vector<16xi32>,
      %add3A_558 = arith.addi %broadcast_in_dim3A_3, %get3A_557 : vector<16xi32>
      %mul3A_559 = arith.constant 16 : i32
      %mul3A_560 = arith.muli %scan3A_551, %mul3A_559 : i32
      %add3A_561 = arith.constant 256 : i32
      %add3A_562 = arith.addi %add3A_561, %mul3A_560 : i32
      %get3A_563 = arith.index_cast %add3A_562 : i32 to index
      %get3A_564 = tpu.vector_load %arg18[%get3A_563] {strides = array<i32>} : memref<8192xi32, #tpu.memory_space<vmem>>, vector<16xi32>,
      %add3A_565 = arith.addi %broadcast_in_dim3A_3, %get3A_564 : vector<16xi32>
      %mul3A_566 = arith.constant 16 : i32
      %mul3A_567 = arith.muli %scan3A_551, %mul3A_566 : i32
      %add3A_568 = arith.constant 512 : i32
      %add3A_569 = arith.addi %add3A_568, %mul3A_567 : i32
      %get3A_570 = arith.index_cast %add3A_569 : i32 to index
      %get3A_571 = tpu.vector_load %arg18[%get3A_570] {strides = array<i32>} : memref<8192xi32, #tpu.memory_space<vmem>>, vector<16xi32>,
      %add3A_572 = arith.addi %add3A_558, %get3A_571 : vector<16xi32>
      %mul3A_573 = arith.constant 16 : i32
      %mul3A_574 = arith.muli %scan3A_551, %mul3A_573 : i32
      %add3A_575 = arith.constant 768 : i32
      %add3A_576 = arith.addi %add3A_575, %mul3A_574 : i32
      %get3A_577 = arith.index_cast %add3A_576 : i32 to index
      %get3A_578 = tpu.vector_load %arg18[%get3A_577] {strides = array<i32>} : memref<8192xi32, #tpu.memory_space<vmem>>, vector<16xi32>,
      %add3A_579 = arith.addi %add3A_565, %get3A_578 : vector<16xi32>
      %mul3A_580 = arith.constant 16 : i32
      %mul3A_581 = arith.muli %scan3A_551, %mul3A_580 : i32
      %add3A_582 = arith.constant 1024 : i32
      %add3A_583 = arith.addi %add3A_582, %mul3A_581 : i32
      %get3A_584 = arith.index_cast %add3A_583 : i32 to index
      %get3A_585 = tpu.vector_load %arg18[%get3A_584] {strides = array<i32>} : memref<8192xi32, #tpu.memory_space<vmem>>, vector<16xi32>,
      %add3A_586 = arith.addi %add3A_572, %get3A_585 : vector<16xi32>
      %mul3A_587 = arith.constant 16 : i32
      %mul3A_588 = arith.muli %scan3A_551, %mul3A_587 : i32
      %add3A_589 = arith.constant 1280 : i32
      %add3A_590 = arith.addi %add3A_589, %mul3A_588 : i32
      %get3A_591 = arith.index_cast %add3A_590 : i32 to index
      %get3A_592 = tpu.vector_load %arg18[%get3A_591] {strides = array<i32>} : memref<8192xi32, #tpu.memory_space<vmem>>, vector<16xi32>,
      %add3A_593 = arith.addi %add3A_579, %get3A_592 : vector<16xi32>
      %mul3A_594 = arith.constant 16 : i32
      %mul3A_595 = arith.muli %scan3A_551, %mul3A_594 : i32
      %add3A_596 = arith.constant 1536 : i32
      %add3A_597 = arith.addi %add3A_596, %mul3A_595 : i32
      %get3A_598 = arith.index_cast %add3A_597 : i32 to index
      %get3A_599 = tpu.vector_load %arg18[%get3A_598] {strides = array<i32>} : memref<8192xi32, #tpu.memory_space<vmem>>, vector<16xi32>,
      %add3A_600 = arith.addi %add3A_586, %get3A_599 : vector<16xi32>
      %mul3A_601 = arith.constant 16 : i32
      %mul3A_602 = arith.muli %scan3A_551, %mul3A_601 : i32
      %add3A_603 = arith.constant 1792 : i32
      %add3A_604 = arith.addi %add3A_603, %mul3A_602 : i32
      %get3A_605 = arith.index_cast %add3A_604 : i32 to index
      %get3A_606 = tpu.vector_load %arg18[%get3A_605] {strides = array<i32>} : memref<8192xi32, #tpu.memory_space<vmem>>, vector<16xi32>,
      %add3A_607 = arith.addi %add3A_593, %get3A_606 : vector<16xi32>
      %mul3A_608 = arith.constant 16 : i32
      %mul3A_609 = arith.muli %scan3A_551, %mul3A_608 : i32
      %add3A_610 = arith.constant 2048 : i32
      %add3A_611 = arith.addi %add3A_610, %mul3A_609 : i32
      %get3A_612 = arith.index_cast %add3A_611 : i32 to index
      %get3A_613 = tpu.vector_load %arg18[%get3A_612] {strides = array<i32>} : memref<8192xi32, #tpu.memory_space<vmem>>, vector<16xi32>,
      %add3A_614 = arith.addi %add3A_600, %get3A_613 : vector<16xi32>
      %mul3A_615 = arith.constant 16 : i32
      %mul3A_616 = arith.muli %scan3A_551, %mul3A_615 : i32
      %add3A_617 = arith.constant 2304 : i32
      %add3A_618 = arith.addi %add3A_617, %mul3A_616 : i32
      %get3A_619 = arith.index_cast %add3A_618 : i32 to index
      %get3A_620 = tpu.vector_load %arg18[%get3A_619] {strides = array<i32>} : memref<8192xi32, #tpu.memory_space<vmem>>, vector<16xi32>,
      %add3A_621 = arith.addi %add3A_607, %get3A_620 : vector<16xi32>
      %mul3A_622 = arith.constant 16 : i32
      %mul3A_623 = arith.muli %scan3A_551, %mul3A_622 : i32
      %add3A_624 = arith.constant 2560 : i32
      %add3A_625 = arith.addi %add3A_624, %mul3A_623 : i32
      %get3A_626 = arith.index_cast %add3A_625 : i32 to index
      %get3A_627 = tpu.vector_load %arg18[%get3A_626] {strides = array<i32>} : memref<8192xi32, #tpu.memory_space<vmem>>, vector<16xi32>,
      %add3A_628 = arith.addi %add3A_614, %get3A_627 : vector<16xi32>
      %mul3A_629 = arith.constant 16 : i32
      %mul3A_630 = arith.muli %scan3A_551, %mul3A_629 : i32
      %add3A_631 = arith.constant 2816 : i32
      %add3A_632 = arith.addi %add3A_631, %mul3A_630 : i32
      %get3A_633 = arith.index_cast %add3A_632 : i32 to index
      %get3A_634 = tpu.vector_load %arg18[%get3A_633] {strides = array<i32>} : memref<8192xi32, #tpu.memory_space<vmem>>, vector<16xi32>,
      %add3A_635 = arith.addi %add3A_621, %get3A_634 : vector<16xi32>
      %mul3A_636 = arith.constant 16 : i32
      %mul3A_637 = arith.muli %scan3A_551, %mul3A_636 : i32
      %add3A_638 = arith.constant 3072 : i32
      %add3A_639 = arith.addi %add3A_638, %mul3A_637 : i32
      %get3A_640 = arith.index_cast %add3A_639 : i32 to index
      %get3A_641 = tpu.vector_load %arg18[%get3A_640] {strides = array<i32>} : memref<8192xi32, #tpu.memory_space<vmem>>, vector<16xi32>,
      %add3A_642 = arith.addi %add3A_628, %get3A_641 : vector<16xi32>
      %mul3A_643 = arith.constant 16 : i32
      %mul3A_644 = arith.muli %scan3A_551, %mul3A_643 : i32
      %add3A_645 = arith.constant 3328 : i32
      %add3A_646 = arith.addi %add3A_645, %mul3A_644 : i32
      %get3A_647 = arith.index_cast %add3A_646 : i32 to index
      %get3A_648 = tpu.vector_load %arg18[%get3A_647] {strides = array<i32>} : memref<8192xi32, #tpu.memory_space<vmem>>, vector<16xi32>,
      %add3A_649 = arith.addi %add3A_635, %get3A_648 : vector<16xi32>
      %mul3A_650 = arith.constant 16 : i32
      %mul3A_651 = arith.muli %scan3A_551, %mul3A_650 : i32
      %add3A_652 = arith.constant 3584 : i32
      %add3A_653 = arith.addi %add3A_652, %mul3A_651 : i32
      %get3A_654 = arith.index_cast %add3A_653 : i32 to index
      %get3A_655 = tpu.vector_load %arg18[%get3A_654] {strides = array<i32>} : memref<8192xi32, #tpu.memory_space<vmem>>, vector<16xi32>,
      %add3A_656 = arith.addi %add3A_642, %get3A_655 : vector<16xi32>
      %mul3A_657 = arith.constant 16 : i32
      %mul3A_658 = arith.muli %scan3A_551, %mul3A_657 : i32
      %add3A_659 = arith.constant 3840 : i32
      %add3A_660 = arith.addi %add3A_659, %mul3A_658 : i32
      %get3A_661 = arith.index_cast %add3A_660 : i32 to index
      %get3A_662 = tpu.vector_load %arg18[%get3A_661] {strides = array<i32>} : memref<8192xi32, #tpu.memory_space<vmem>>, vector<16xi32>,
      %add3A_663 = arith.addi %add3A_649, %get3A_662 : vector<16xi32>
      %mul3A_664 = arith.constant 16 : i32
      %mul3A_665 = arith.muli %scan3A_551, %mul3A_664 : i32
      %add3A_666 = arith.constant 4096 : i32
      %add3A_667 = arith.addi %add3A_666, %mul3A_665 : i32
      %get3A_668 = arith.index_cast %add3A_667 : i32 to index
      %get3A_669 = tpu.vector_load %arg18[%get3A_668] {strides = array<i32>} : memref<8192xi32, #tpu.memory_space<vmem>>, vector<16xi32>,
      %add3A_670 = arith.addi %add3A_656, %get3A_669 : vector<16xi32>
      %mul3A_671 = arith.constant 16 : i32
      %mul3A_672 = arith.muli %scan3A_551, %mul3A_671 : i32
      %add3A_673 = arith.constant 4352 : i32
      %add3A_674 = arith.addi %add3A_673, %mul3A_672 : i32
      %get3A_675 = arith.index_cast %add3A_674 : i32 to index
      %get3A_676 = tpu.vector_load %arg18[%get3A_675] {strides = array<i32>} : memref<8192xi32, #tpu.memory_space<vmem>>, vector<16xi32>,
      %add3A_677 = arith.addi %add3A_663, %get3A_676 : vector<16xi32>
      %mul3A_678 = arith.constant 16 : i32
      %mul3A_679 = arith.muli %scan3A_551, %mul3A_678 : i32
      %add3A_680 = arith.constant 4608 : i32
      %add3A_681 = arith.addi %add3A_680, %mul3A_679 : i32
      %get3A_682 = arith.index_cast %add3A_681 : i32 to index
      %get3A_683 = tpu.vector_load %arg18[%get3A_682] {strides = array<i32>} : memref<8192xi32, #tpu.memory_space<vmem>>, vector<16xi32>,
      %add3A_684 = arith.addi %add3A_670, %get3A_683 : vector<16xi32>
      %mul3A_685 = arith.constant 16 : i32
      %mul3A_686 = arith.muli %scan3A_551, %mul3A_685 : i32
      %add3A_687 = arith.constant 4864 : i32
      %add3A_688 = arith.addi %add3A_687, %mul3A_686 : i32
      %get3A_689 = arith.index_cast %add3A_688 : i32 to index
      %get3A_690 = tpu.vector_load %arg18[%get3A_689] {strides = array<i32>} : memref<8192xi32, #tpu.memory_space<vmem>>, vector<16xi32>,
      %add3A_691 = arith.addi %add3A_677, %get3A_690 : vector<16xi32>
      %mul3A_692 = arith.constant 16 : i32
      %mul3A_693 = arith.muli %scan3A_551, %mul3A_692 : i32
      %add3A_694 = arith.constant 5120 : i32
      %add3A_695 = arith.addi %add3A_694, %mul3A_693 : i32
      %get3A_696 = arith.index_cast %add3A_695 : i32 to index
      %get3A_697 = tpu.vector_load %arg18[%get3A_696] {strides = array<i32>} : memref<8192xi32, #tpu.memory_space<vmem>>, vector<16xi32>,
      %add3A_698 = arith.addi %add3A_684, %get3A_697 : vector<16xi32>
      %mul3A_699 = arith.constant 16 : i32
      %mul3A_700 = arith.muli %scan3A_551, %mul3A_699 : i32
      %add3A_701 = arith.constant 5376 : i32
      %add3A_702 = arith.addi %add3A_701, %mul3A_700 : i32
      %get3A_703 = arith.index_cast %add3A_702 : i32 to index
      %get3A_704 = tpu.vector_load %arg18[%get3A_703] {strides = array<i32>} : memref<8192xi32, #tpu.memory_space<vmem>>, vector<16xi32>,
      %add3A_705 = arith.addi %add3A_691, %get3A_704 : vector<16xi32>
      %mul3A_706 = arith.constant 16 : i32
      %mul3A_707 = arith.muli %scan3A_551, %mul3A_706 : i32
      %add3A_708 = arith.constant 5632 : i32
      %add3A_709 = arith.addi %add3A_708, %mul3A_707 : i32
      %get3A_710 = arith.index_cast %add3A_709 : i32 to index
      %get3A_711 = tpu.vector_load %arg18[%get3A_710] {strides = array<i32>} : memref<8192xi32, #tpu.memory_space<vmem>>, vector<16xi32>,
      %add3A_712 = arith.addi %add3A_698, %get3A_711 : vector<16xi32>
      %mul3A_713 = arith.constant 16 : i32
      %mul3A_714 = arith.muli %scan3A_551, %mul3A_713 : i32
      %add3A_715 = arith.constant 5888 : i32
      %add3A_716 = arith.addi %add3A_715, %mul3A_714 : i32
      %get3A_717 = arith.index_cast %add3A_716 : i32 to index
      %get3A_718 = tpu.vector_load %arg18[%get3A_717] {strides = array<i32>} : memref<8192xi32, #tpu.memory_space<vmem>>, vector<16xi32>,
      %add3A_719 = arith.addi %add3A_705, %get3A_718 : vector<16xi32>
      %mul3A_720 = arith.constant 16 : i32
      %mul3A_721 = arith.muli %scan3A_551, %mul3A_720 : i32
      %add3A_722 = arith.constant 6144 : i32
      %add3A_723 = arith.addi %add3A_722, %mul3A_721 : i32
      %get3A_724 = arith.index_cast %add3A_723 : i32 to index
      %get3A_725 = tpu.vector_load %arg18[%get3A_724] {strides = array<i32>} : memref<8192xi32, #tpu.memory_space<vmem>>, vector<16xi32>,
      %add3A_726 = arith.addi %add3A_712, %get3A_725 : vector<16xi32>
      %mul3A_727 = arith.constant 16 : i32
      %mul3A_728 = arith.muli %scan3A_551, %mul3A_727 : i32
      %add3A_729 = arith.constant 6400 : i32
      %add3A_730 = arith.addi %add3A_729, %mul3A_728 : i32
      %get3A_731 = arith.index_cast %add3A_730 : i32 to index
      %get3A_732 = tpu.vector_load %arg18[%get3A_731] {strides = array<i32>} : memref<8192xi32, #tpu.memory_space<vmem>>, vector<16xi32>,
      %add3A_733 = arith.addi %add3A_719, %get3A_732 : vector<16xi32>
      %mul3A_734 = arith.constant 16 : i32
      %mul3A_735 = arith.muli %scan3A_551, %mul3A_734 : i32
      %add3A_736 = arith.constant 6656 : i32
      %add3A_737 = arith.addi %add3A_736, %mul3A_735 : i32
      %get3A_738 = arith.index_cast %add3A_737 : i32 to index
      %get3A_739 = tpu.vector_load %arg18[%get3A_738] {strides = array<i32>} : memref<8192xi32, #tpu.memory_space<vmem>>, vector<16xi32>,
      %add3A_740 = arith.addi %add3A_726, %get3A_739 : vector<16xi32>
      %mul3A_741 = arith.constant 16 : i32
      %mul3A_742 = arith.muli %scan3A_551, %mul3A_741 : i32
      %add3A_743 = arith.constant 6912 : i32
      %add3A_744 = arith.addi %add3A_743, %mul3A_742 : i32
      %get3A_745 = arith.index_cast %add3A_744 : i32 to index
      %get3A_746 = tpu.vector_load %arg18[%get3A_745] {strides = array<i32>} : memref<8192xi32, #tpu.memory_space<vmem>>, vector<16xi32>,
      %add3A_747 = arith.addi %add3A_733, %get3A_746 : vector<16xi32>
      %mul3A_748 = arith.constant 16 : i32
      %mul3A_749 = arith.muli %scan3A_551, %mul3A_748 : i32
      %add3A_750 = arith.constant 7168 : i32
      %add3A_751 = arith.addi %add3A_750, %mul3A_749 : i32
      %get3A_752 = arith.index_cast %add3A_751 : i32 to index
      %get3A_753 = tpu.vector_load %arg18[%get3A_752] {strides = array<i32>} : memref<8192xi32, #tpu.memory_space<vmem>>, vector<16xi32>,
      %add3A_754 = arith.addi %add3A_740, %get3A_753 : vector<16xi32>
      %mul3A_755 = arith.constant 16 : i32
      %mul3A_756 = arith.muli %scan3A_551, %mul3A_755 : i32
      %add3A_757 = arith.constant 7424 : i32
      %add3A_758 = arith.addi %add3A_757, %mul3A_756 : i32
      %get3A_759 = arith.index_cast %add3A_758 : i32 to index
      %get3A_760 = tpu.vector_load %arg18[%get3A_759] {strides = array<i32>} : memref<8192xi32, #tpu.memory_space<vmem>>, vector<16xi32>,
      %add3A_761 = arith.addi %add3A_747, %get3A_760 : vector<16xi32>
      %mul3A_762 = arith.constant 16 : i32
      %mul3A_763 = arith.muli %scan3A_551, %mul3A_762 : i32
      %add3A_764 = arith.constant 7680 : i32
      %add3A_765 = arith.addi %add3A_764, %mul3A_763 : i32
      %get3A_766 = arith.index_cast %add3A_765 : i32 to index
      %get3A_767 = tpu.vector_load %arg18[%get3A_766] {strides = array<i32>} : memref<8192xi32, #tpu.memory_space<vmem>>, vector<16xi32>,
      %add3A_768 = arith.addi %add3A_754, %get3A_767 : vector<16xi32>
      %mul3A_769 = arith.constant 16 : i32
      %mul3A_770 = arith.muli %scan3A_551, %mul3A_769 : i32
      %add3A_771 = arith.constant 7936 : i32
      %add3A_772 = arith.addi %add3A_771, %mul3A_770 : i32
      %get3A_773 = arith.index_cast %add3A_772 : i32 to index
      %get3A_774 = tpu.vector_load %arg18[%get3A_773] {strides = array<i32>} : memref<8192xi32, #tpu.memory_space<vmem>>, vector<16xi32>,
      %add3A_775 = arith.addi %add3A_761, %get3A_774 : vector<16xi32>
      %mul3A_776 = arith.constant 16 : i32
      %mul3A_777 = arith.muli %scan3A_551, %mul3A_776 : i32
      %swap3A_778 = arith.index_cast %mul3A_777 : i32 to index
      %swap3A_779 = tpu.vector_load %arg19[%swap3A_778] {strides = array<i32>} : memref<512xi32, #tpu.memory_space<vmem>>, vector<16xi32>,
      tpu.vector_store %arg19[%swap3A_778], %add3A_768 {strides = array<i32>} : memref<512xi32, #tpu.memory_space<vmem>>, vector<16xi32>,
      %mul3A_780 = arith.constant 16 : i32
      %mul3A_781 = arith.muli %scan3A_551, %mul3A_780 : i32
      %add3A_782 = arith.constant 256 : i32
      %add3A_783 = arith.addi %add3A_782, %mul3A_781 : i32
      %swap3A_784 = arith.index_cast %add3A_783 : i32 to index
      %swap3A_785 = tpu.vector_load %arg19[%swap3A_784] {strides = array<i32>} : memref<512xi32, #tpu.memory_space<vmem>>, vector<16xi32>,
      tpu.vector_store %arg19[%swap3A_784], %add3A_775 {strides = array<i32>} : memref<512xi32, #tpu.memory_space<vmem>>, vector<16xi32>,
      %scan3A_786 = arith.constant 0 : i32
      scf.yield %scan3A_786 : i32
    }
    %scan3A_355 = arith.constant 16 : i32
    %scan3A_356 = arith.constant 0 : i32
    %scan3A_357 = arith.constant 16 : i32
    %scan3A_358 = arith.addi %scan3A_356, %scan3A_357 : i32
    %scan3A_359 = arith.constant 1 : i32
    %scan3A_360 = scf.for %scan3A_551 = %scan3A_356 to %scan3A_358 step %scan3A_359 iter_args(%scan3A_552 = %broadcast_in_dim3A_3) -> (vector<16xi32>)  : i32 {
      %mul3A_553 = arith.constant 16 : i32
      %mul3A_554 = arith.muli %scan3A_551, %mul3A_553 : i32
      %add3A_555 = arith.constant 0 : i32
      %add3A_556 = arith.addi %add3A_555, %mul3A_554 : i32
      %get3A = arith.index_cast %add3A_556 : i32 to index
      %get3A_557 = tpu.vector_load %arg19[%get3A] {strides = array<i32>} : memref<512xi32, #tpu.memory_space<vmem>>, vector<16xi32>,
      %add3A_558 = arith.addi %scan3A_552, %get3A_557 : vector<16xi32>
      scf.yield %add3A_558 : vector<16xi32>
    }
    %scan3A_361 = arith.constant 16 : i32
    %reduce_sum3A_362 = arith.constant true
    %reduce_sum3A_363 = vector.broadcast %reduce_sum3A_362 : i1 to vector<16xi1>
    %reduce_sum3A_364 = tpu.scan <sum>, %scan3A_360 masked %reduce_sum3A_363 : vector<16xi32>, vector<16xi1> -> vector<16xi32>
    %reduce_sum3A_365 = vector.extract %reduce_sum3A_364[15] : i32 from vector<16xi32>
    %scan3A_366 = arith.constant 0 : i32
    %scan3A_367 = arith.constant 16 : i32
    %scan3A_368 = arith.addi %scan3A_366, %scan3A_367 : i32
    %scan3A_369 = arith.constant 1 : i32
    %scan3A_370 = scf.for %scan3A_551 = %scan3A_366 to %scan3A_368 step %scan3A_369 iter_args(%scan3A_552 = %broadcast_in_dim3A_3) -> (vector<16xi32>)  : i32 {
      %mul3A_553 = arith.constant 16 : i32
      %mul3A_554 = arith.muli %scan3A_551, %mul3A_553 : i32
      %add3A_555 = arith.constant 256 : i32
      %add3A_556 = arith.addi %add3A_555, %mul3A_554 : i32
      %get3A = arith.index_cast %add3A_556 : i32 to index
      %get3A_557 = tpu.vector_load %arg19[%get3A] {strides = array<i32>} : memref<512xi32, #tpu.memory_space<vmem>>, vector<16xi32>,
      %add3A_558 = arith.addi %scan3A_552, %get3A_557 : vector<16xi32>
      scf.yield %add3A_558 : vector<16xi32>
    }
    %scan3A_371 = arith.constant 16 : i32
    %reduce_sum3A_372 = arith.constant true
    %reduce_sum3A_373 = vector.broadcast %reduce_sum3A_372 : i1 to vector<16xi1>
    %reduce_sum3A_374 = tpu.scan <sum>, %scan3A_370 masked %reduce_sum3A_373 : vector<16xi32>, vector<16xi1> -> vector<16xi32>
    %reduce_sum3A_375 = vector.extract %reduce_sum3A_374[15] : i32 from vector<16xi32>
    %scan3A_376 = arith.constant 0 : i32
    %scan3A_377 = arith.constant 0 : i32
    %scan3A_378 = arith.constant 0 : i32
    %scan3A_379 = arith.constant 16 : i32
    %scan3A_380 = arith.addi %scan3A_378, %scan3A_379 : i32
    %scan3A_381 = arith.constant 1 : i32
    %scan3A_382:3 = scf.for %scan3A_551 = %scan3A_378 to %scan3A_380 step %scan3A_381 iter_args(%scan3A_552 = %broadcast_in_dim3A_3, %scan3A_553 = %scan3A_376, %scan3A_554 = %scan3A_377) -> (vector<16xi32>, i32, i32)  : i32 {
      %mul3A_555 = arith.constant 16 : i32
      %mul3A_556 = arith.muli %scan3A_551, %mul3A_555 : i32
      %get3A = arith.index_cast %mul3A_556 : i32 to index
      %get3A_557 = tpu.vector_load %arg19[%get3A] {strides = array<i32>} : memref<512xi32, #tpu.memory_space<vmem>>, vector<16xi32>,
      %cumsum3A = arith.constant true
      %cumsum3A_558 = vector.broadcast %cumsum3A : i1 to vector<16xi1>
      %cumsum3A_559 = tpu.scan <sum>, %get3A_557 masked %cumsum3A_558 : vector<16xi32>, vector<16xi1> -> vector<16xi32>
      %add3A_560 = vector.broadcast %scan3A_554 : i32 to vector<16xi32>
      %add3A_561 = arith.addi %add3A_560, %cumsum3A_559 : vector<16xi32>
      %sub3A_562 = arith.subi %add3A_561, %get3A_557 : vector<16xi32>
      %sub3A_563 = vector.broadcast %reduce_sum3A_365 : i32 to vector<16xi32>
      %sub3A_564 = arith.subi %sub3A_563, %sub3A_562 : vector<16xi32>
      %ge3A = vector.broadcast %sub3A_312 : i32 to vector<16xi32>
      %ge3A_565 = arith.cmpi sge, %sub3A_564, %ge3A : vector<16xi32>
      %all_reduce_population_count3A = tpu.all_reduce %ge3A_565 {dim = 0 : i64, kind = #tpu.reduction_kind<sum>} : vector<16xi1> -> vector<16xi32>
      %add3A_566 = arith.addi %scan3A_552, %all_reduce_population_count3A : vector<16xi32>
      %jit3A = arith.constant 0 : i32
      %broadcast_in_dim3A_567 = vector.broadcast %jit3A : i32 to vector<16xi32>
      %select_n3A = arith.select %ge3A_565, %get3A_557, %broadcast_in_dim3A_567 : vector<16xi1>, vector<16xi32>
      %reduce_sum3A_568 = arith.constant true
      %reduce_sum3A_569 = vector.broadcast %reduce_sum3A_568 : i1 to vector<16xi1>
      %reduce_sum3A_570 = tpu.scan <sum>, %select_n3A masked %reduce_sum3A_569 : vector<16xi32>, vector<16xi1> -> vector<16xi32>
      %reduce_sum3A_571 = vector.extract %reduce_sum3A_570[15] : i32 from vector<16xi32>
      %add3A_572 = arith.addi %scan3A_553, %reduce_sum3A_571 : i32
      %reduce_sum3A_573 = arith.constant true
      %reduce_sum3A_574 = vector.broadcast %reduce_sum3A_573 : i1 to vector<16xi1>
      %reduce_sum3A_575 = tpu.scan <sum>, %get3A_557 masked %reduce_sum3A_574 : vector<16xi32>, vector<16xi1> -> vector<16xi32>
      %reduce_sum3A_576 = vector.extract %reduce_sum3A_575[15] : i32 from vector<16xi32>
      %add3A_577 = arith.addi %scan3A_554, %reduce_sum3A_576 : i32
      scf.yield %add3A_566, %add3A_572, %add3A_577 : vector<16xi32>, i32, i32
    }
    %scan3A_383 = arith.constant 16 : i32
    %sub3A_384 = arith.constant 1 : i32
    %sub3A_385 = vector.broadcast %sub3A_384 : i32 to vector<16xi32>
    %sub3A_386 = arith.subi %scan3A_382#0, %sub3A_385 : vector<16xi32>
    %sub3A_387 = arith.subi %reduce_sum3A_365, %scan3A_382#1 : i32
    %scan3A_388 = arith.constant 0 : i32
    %scan3A_389 = arith.constant 0 : i32
    %scan3A_390 = arith.constant 0 : i32
    %scan3A_391 = arith.constant 16 : i32
    %scan3A_392 = arith.addi %scan3A_390, %scan3A_391 : i32
    %scan3A_393 = arith.constant 1 : i32
    %scan3A_394:3 = scf.for %scan3A_551 = %scan3A_390 to %scan3A_392 step %scan3A_393 iter_args(%scan3A_552 = %broadcast_in_dim3A_3, %scan3A_553 = %scan3A_388, %scan3A_554 = %scan3A_389) -> (vector<16xi32>, i32, i32)  : i32 {
      %mul3A_555 = arith.constant 16 : i32
      %mul3A_556 = arith.muli %scan3A_551, %mul3A_555 : i32
      %add3A_557 = arith.constant 256 : i32
      %add3A_558 = arith.addi %add3A_557, %mul3A_556 : i32
      %get3A = arith.index_cast %add3A_558 : i32 to index
      %get3A_559 = tpu.vector_load %arg19[%get3A] {strides = array<i32>} : memref<512xi32, #tpu.memory_space<vmem>>, vector<16xi32>,
      %cumsum3A = arith.constant true
      %cumsum3A_560 = vector.broadcast %cumsum3A : i1 to vector<16xi1>
      %cumsum3A_561 = tpu.scan <sum>, %get3A_559 masked %cumsum3A_560 : vector<16xi32>, vector<16xi1> -> vector<16xi32>
      %add3A_562 = vector.broadcast %scan3A_554 : i32 to vector<16xi32>
      %add3A_563 = arith.addi %add3A_562, %cumsum3A_561 : vector<16xi32>
      %ge3A = vector.broadcast %sub3A_317 : i32 to vector<16xi32>
      %ge3A_564 = arith.cmpi sge, %add3A_563, %ge3A : vector<16xi32>
      %all_reduce_population_count3A = tpu.all_reduce %ge3A_564 {dim = 0 : i64, kind = #tpu.reduction_kind<sum>} : vector<16xi1> -> vector<16xi32>
      %add3A_565 = arith.addi %scan3A_552, %all_reduce_population_count3A : vector<16xi32>
      %jit3A = arith.constant 0 : i32
      %broadcast_in_dim3A_566 = vector.broadcast %jit3A : i32 to vector<16xi32>
      %select_n3A = arith.select %ge3A_564, %get3A_559, %broadcast_in_dim3A_566 : vector<16xi1>, vector<16xi32>
      %reduce_sum3A_567 = arith.constant true
      %reduce_sum3A_568 = vector.broadcast %reduce_sum3A_567 : i1 to vector<16xi1>
      %reduce_sum3A_569 = tpu.scan <sum>, %select_n3A masked %reduce_sum3A_568 : vector<16xi32>, vector<16xi1> -> vector<16xi32>
      %reduce_sum3A_570 = vector.extract %reduce_sum3A_569[15] : i32 from vector<16xi32>
      %add3A_571 = arith.addi %scan3A_553, %reduce_sum3A_570 : i32
      %reduce_sum3A_572 = arith.constant true
      %reduce_sum3A_573 = vector.broadcast %reduce_sum3A_572 : i1 to vector<16xi1>
      %reduce_sum3A_574 = tpu.scan <sum>, %get3A_559 masked %reduce_sum3A_573 : vector<16xi32>, vector<16xi1> -> vector<16xi32>
      %reduce_sum3A_575 = vector.extract %reduce_sum3A_574[15] : i32 from vector<16xi32>
      %add3A_576 = arith.addi %scan3A_554, %reduce_sum3A_575 : i32
      scf.yield %add3A_565, %add3A_571, %add3A_576 : vector<16xi32>, i32, i32
    }
    %scan3A_395 = arith.constant 16 : i32
    %sub3A_396 = arith.constant 256 : i32
    %sub3A_397 = vector.broadcast %sub3A_396 : i32 to vector<16xi32>
    %sub3A_398 = arith.subi %sub3A_397, %scan3A_394#0 : vector<16xi32>
    %sub3A_399 = arith.subi %reduce_sum3A_375, %scan3A_394#1 : i32
    %sub3A_400 = arith.subi %sub3A_312, %sub3A_387 : i32
    %shift_left3A_401 = arith.constant 0 : i32
    %shift_left3A_402 = vector.broadcast %shift_left3A_401 : i32 to vector<16xi32>
    %shift_left3A_403 = arith.shli %sub3A_386, %shift_left3A_402 : vector<16xi32>
    %or3A_404 = arith.ori %or3A_316, %shift_left3A_403 : vector<16xi32>
    %sub3A_405 = arith.subi %sub3A_317, %sub3A_399 : i32
    %shift_left3A_406 = arith.constant 0 : i32
    %shift_left3A_407 = vector.broadcast %shift_left3A_406 : i32 to vector<16xi32>
    %shift_left3A_408 = arith.shli %sub3A_398, %shift_left3A_407 : vector<16xi32>
    %or3A_409 = arith.ori %or3A_321, %shift_left3A_408 : vector<16xi32>
    %scan3A_410 = arith.constant 0 : i32
    %scan3A_411 = arith.constant 682 : i32
    %scan3A_412 = arith.addi %scan3A_410, %scan3A_411 : i32
    %scan3A_413 = arith.constant 1 : i32
    %scan3A_414:4 = scf.for %scan3A_551 = %scan3A_410 to %scan3A_412 step %scan3A_413 iter_args(%scan3A_552 = %broadcast_in_dim3A_3, %scan3A_553 = %broadcast_in_dim3A_3, %scan3A_554 = %broadcast_in_dim3A_5, %scan3A_555 = %broadcast_in_dim3A_5) -> (vector<16xi32>, vector<16xi32>, vector<16xf32>, vector<16xf32>)  : i32 {
      %mul3A_556 = arith.constant 16 : i32
      %mul3A_557 = arith.muli %scan3A_551, %mul3A_556 : i32
      %get3A = arith.index_cast %mul3A_557 : i32 to index
      %get3A_558 = tpu.vector_load %arg14[%get3A] {strides = array<i32>} : memref<10912xf32, #tpu.memory_space<vmem>>, vector<16xf32>,
      %bitcast_convert_type3A_559 = tpu.bitcast %get3A_558 : vector<16xf32> -> vector<16xi32>
      %eq3A_560 = arith.cmpi eq, %bitcast_convert_type3A_559, %or3A_404 : vector<16xi32>
      %convert_element_type3A_561 = arith.extui %eq3A_560 : vector<16xi1> to vector<16xi32>
      %add3A_562 = arith.addi %scan3A_552, %convert_element_type3A_561 : vector<16xi32>
      %eq3A_563 = arith.cmpi eq, %bitcast_convert_type3A_559, %or3A_409 : vector<16xi32>
      %convert_element_type3A_564 = arith.extui %eq3A_563 : vector<16xi1> to vector<16xi32>
      %add3A_565 = arith.addi %scan3A_553, %convert_element_type3A_564 : vector<16xi32>
      %gt3A = arith.cmpi sgt, %bitcast_convert_type3A_559, %or3A_404 : vector<16xi32>
      %jit3A = arith.constant 0.000000e+00 : f32
      %broadcast_in_dim3A_566 = vector.broadcast %jit3A : f32 to vector<16xf32>
      %select_n3A = arith.select %gt3A, %get3A_558, %broadcast_in_dim3A_566 : vector<16xi1>, vector<16xf32>
      %add3A_567 = arith.addf %scan3A_554, %select_n3A : vector<16xf32>
      %add3A_568 = arith.addf %scan3A_555, %get3A_558 : vector<16xf32>
      scf.yield %add3A_562, %add3A_565, %add3A_567, %add3A_568 : vector<16xi32>, vector<16xi32>, vector<16xf32>, vector<16xf32>
    }
    %scan3A_415 = arith.constant 682 : i32
    %reduce_sum3A_416 = arith.constant true
    %reduce_sum3A_417 = vector.broadcast %reduce_sum3A_416 : i1 to vector<16xi1>
    %reduce_sum3A_418 = tpu.scan <sum>, %scan3A_414#0 masked %reduce_sum3A_417 : vector<16xi32>, vector<16xi1> -> vector<16xi32>
    %reduce_sum3A_419 = vector.extract %reduce_sum3A_418[15] : i32 from vector<16xi32>
    %convert_element_type3A = arith.sitofp %reduce_sum3A_419 : i32 to f32
    %reduce_sum3A_420 = arith.constant true
    %reduce_sum3A_421 = vector.broadcast %reduce_sum3A_420 : i1 to vector<16xi1>
    %reduce_sum3A_422 = tpu.scan <sum>, %scan3A_414#1 masked %reduce_sum3A_421 : vector<16xi32>, vector<16xi1> -> vector<16xi32>
    %reduce_sum3A_423 = vector.extract %reduce_sum3A_422[15] : i32 from vector<16xi32>
    %convert_element_type3A_424 = arith.sitofp %reduce_sum3A_423 : i32 to f32
    %reduce_sum3A_425 = arith.constant true
    %reduce_sum3A_426 = vector.broadcast %reduce_sum3A_425 : i1 to vector<16xi1>
    %reduce_sum3A_427 = tpu.scan <sum>, %scan3A_414#2 masked %reduce_sum3A_426 : vector<16xf32>, vector<16xi1> -> vector<16xf32>
    %reduce_sum3A_428 = vector.extract %reduce_sum3A_427[15] : f32 from vector<16xf32>
    %reduce_sum3A_429 = arith.constant true
    %reduce_sum3A_430 = vector.broadcast %reduce_sum3A_429 : i1 to vector<16xi1>
    %reduce_sum3A_431 = tpu.scan <sum>, %scan3A_414#3 masked %reduce_sum3A_430 : vector<16xf32>, vector<16xi1> -> vector<16xf32>
    %reduce_sum3A_432 = vector.extract %reduce_sum3A_431[15] : f32 from vector<16xf32>
    %eq3A = arith.constant 0 : i32
    %eq3A_433 = vector.broadcast %eq3A : i32 to vector<16xi32>
    %eq3A_434 = arith.cmpi eq, %iota3A, %eq3A_433 : vector<16xi32>
    %convert_element_type3A_435 = arith.extui %eq3A_434 : vector<16xi1> to vector<16xi32>
    %convert_element_type3A_436 = arith.sitofp %convert_element_type3A_435 : vector<16xi32> to vector<16xf32>
    %mul3A_437 = vector.broadcast %convert_element_type3A : f32 to vector<16xf32>
    %mul3A_438 = arith.mulf %mul3A_437, %convert_element_type3A_436 : vector<16xf32>
    %eq3A_439 = arith.constant 1 : i32
    %eq3A_440 = vector.broadcast %eq3A_439 : i32 to vector<16xi32>
    %eq3A_441 = arith.cmpi eq, %iota3A, %eq3A_440 : vector<16xi32>
    %convert_element_type3A_442 = arith.extui %eq3A_441 : vector<16xi1> to vector<16xi32>
    %convert_element_type3A_443 = arith.sitofp %convert_element_type3A_442 : vector<16xi32> to vector<16xf32>
    %mul3A_444 = vector.broadcast %convert_element_type3A_424 : f32 to vector<16xf32>
    %mul3A_445 = arith.mulf %mul3A_444, %convert_element_type3A_443 : vector<16xf32>
    %add3A_446 = arith.addf %mul3A_438, %mul3A_445 : vector<16xf32>
    %eq3A_447 = arith.constant 2 : i32
    %eq3A_448 = vector.broadcast %eq3A_447 : i32 to vector<16xi32>
    %eq3A_449 = arith.cmpi eq, %iota3A, %eq3A_448 : vector<16xi32>
    %convert_element_type3A_450 = arith.extui %eq3A_449 : vector<16xi1> to vector<16xi32>
    %convert_element_type3A_451 = arith.sitofp %convert_element_type3A_450 : vector<16xi32> to vector<16xf32>
    %mul3A_452 = vector.broadcast %reduce_sum3A_428 : f32 to vector<16xf32>
    %mul3A_453 = arith.mulf %mul3A_452, %convert_element_type3A_451 : vector<16xf32>
    %add3A_454 = arith.addf %add3A_446, %mul3A_453 : vector<16xf32>
    %eq3A_455 = arith.constant 3 : i32
    %eq3A_456 = vector.broadcast %eq3A_455 : i32 to vector<16xi32>
    %eq3A_457 = arith.cmpi eq, %iota3A, %eq3A_456 : vector<16xi32>
    %convert_element_type3A_458 = arith.extui %eq3A_457 : vector<16xi1> to vector<16xi32>
    %convert_element_type3A_459 = arith.sitofp %convert_element_type3A_458 : vector<16xi32> to vector<16xf32>
    %mul3A_460 = vector.broadcast %reduce_sum3A_432 : f32 to vector<16xf32>
    %mul3A_461 = arith.mulf %mul3A_460, %convert_element_type3A_459 : vector<16xf32>
    %add3A_462 = arith.addf %add3A_454, %mul3A_461 : vector<16xf32>
    %swap3A = arith.constant 0 : index
    %swap3A_463 = tpu.vector_load %arg20[%swap3A] {strides = array<i32>} : memref<16xf32, #tpu.memory_space<vmem>>, vector<16xf32>,
    tpu.vector_store %arg20[%swap3A], %add3A_462 {strides = array<i32>} : memref<16xf32, #tpu.memory_space<vmem>>, vector<16xf32>,
    %mul3A_464 = arith.constant 16 : i32
    %mul3A_465 = arith.muli %arg1, %mul3A_464 : i32
    "tpu.region"() ({
      %run_scoped3A_551 = tpu.sem_alloc : memref<!tpu.dma_semaphore, #tpu.memory_space<semaphore_mem>>
      %dma_start3A_552 = tpu.memref_slice %arg24[%mul3A_465] : memref<256xf32, #tpu.memory_space<vmem_shared>> -> memref<16xf32, #tpu.memory_space<vmem_shared>>
      %dma_start3A_553 = tpu.memref_slice %arg24[%mul3A_465] : memref<256xf32, #tpu.memory_space<vmem_shared>> -> memref<16xf32, #tpu.memory_space<vmem_shared>>
      tpu.enqueue_dma source(%arg20 : memref<16xf32, #tpu.memory_space<vmem>>) target(%dma_start3A_553 : memref<16xf32, #tpu.memory_space<vmem_shared>>) target_semaphore(%run_scoped3A_551 : memref<!tpu.dma_semaphore, #tpu.memory_space<semaphore_mem>>)
      %dma_wait3A = tpu.memref_slice %arg24[%mul3A_465] : memref<256xf32, #tpu.memory_space<vmem_shared>> -> memref<16xf32, #tpu.memory_space<vmem_shared>>
      %dma_wait3A_554 = tpu.memref_slice %arg24[%mul3A_465] : memref<256xf32, #tpu.memory_space<vmem_shared>> -> memref<16xf32, #tpu.memory_space<vmem_shared>>
      tpu.wait_dma2 semaphore(%run_scoped3A_551 : memref<!tpu.dma_semaphore, #tpu.memory_space<semaphore_mem>>) src(%arg20 : memref<16xf32, #tpu.memory_space<vmem>>) dst(%dma_wait3A_554 : memref<16xf32, #tpu.memory_space<vmem_shared>>)
      tpu.yield
    }) : () -> ()
    %barrier3A_466 = arith.constant 0 : index
    tpu.barrier barrier_id(%barrier3A_466)
    "tpu.region"() ({
      %run_scoped3A_551 = tpu.sem_alloc : memref<!tpu.dma_semaphore, #tpu.memory_space<semaphore_mem>>
      tpu.enqueue_dma source(%arg24 : memref<256xf32, #tpu.memory_space<vmem_shared>>) target(%arg21 : memref<256xf32, #tpu.memory_space<vmem>>) target_semaphore(%run_scoped3A_551 : memref<!tpu.dma_semaphore, #tpu.memory_space<semaphore_mem>>)
      tpu.wait_dma2 semaphore(%run_scoped3A_551 : memref<!tpu.dma_semaphore, #tpu.memory_space<semaphore_mem>>) src(%arg24 : memref<256xf32, #tpu.memory_space<vmem_shared>>) dst(%arg21 : memref<256xf32, #tpu.memory_space<vmem>>)
      tpu.yield
    }) : () -> ()
    %mul3A_467 = arith.constant 16 : i32
    %mul3A_468 = vector.broadcast %mul3A_467 : i32 to vector<16xi32>
    %mul3A_469 = arith.muli %iota3A, %mul3A_468 : vector<16xi32>
    %gather3A = tpu.vector_load_idx %arg21[%mul3A_469] : memref<256xf32, #tpu.memory_space<vmem>>[vector<16xi32>], vector<16xf32>,
    %mul3A_470 = arith.constant 16 : i32
    %mul3A_471 = vector.broadcast %mul3A_470 : i32 to vector<16xi32>
    %mul3A_472 = arith.muli %iota3A, %mul3A_471 : vector<16xi32>
    %add3A_473 = arith.constant 1 : i32
    %add3A_474 = vector.broadcast %add3A_473 : i32 to vector<16xi32>
    %add3A_475 = arith.addi %mul3A_472, %add3A_474 : vector<16xi32>
    %gather3A_476 = tpu.vector_load_idx %arg21[%add3A_475] : memref<256xf32, #tpu.memory_space<vmem>>[vector<16xi32>], vector<16xf32>,
    %mul3A_477 = arith.constant 16 : i32
    %mul3A_478 = vector.broadcast %mul3A_477 : i32 to vector<16xi32>
    %mul3A_479 = arith.muli %iota3A, %mul3A_478 : vector<16xi32>
    %add3A_480 = arith.constant 2 : i32
    %add3A_481 = vector.broadcast %add3A_480 : i32 to vector<16xi32>
    %add3A_482 = arith.addi %mul3A_479, %add3A_481 : vector<16xi32>
    %gather3A_483 = tpu.vector_load_idx %arg21[%add3A_482] : memref<256xf32, #tpu.memory_space<vmem>>[vector<16xi32>], vector<16xf32>,
    %mul3A_484 = arith.constant 16 : i32
    %mul3A_485 = vector.broadcast %mul3A_484 : i32 to vector<16xi32>
    %mul3A_486 = arith.muli %iota3A, %mul3A_485 : vector<16xi32>
    %add3A_487 = arith.constant 3 : i32
    %add3A_488 = vector.broadcast %add3A_487 : i32 to vector<16xi32>
    %add3A_489 = arith.addi %mul3A_486, %add3A_488 : vector<16xi32>
    %gather3A_490 = tpu.vector_load_idx %arg21[%add3A_489] : memref<256xf32, #tpu.memory_space<vmem>>[vector<16xi32>], vector<16xf32>,
    %lt3A = vector.broadcast %arg1 : i32 to vector<16xi32>
    %lt3A_491 = arith.cmpi slt, %iota3A, %lt3A : vector<16xi32>
    %convert_element_type3A_492 = arith.extui %lt3A_491 : vector<16xi1> to vector<16xi32>
    %convert_element_type3A_493 = arith.sitofp %convert_element_type3A_492 : vector<16xi32> to vector<16xf32>
    %mul3A_494 = arith.mulf %gather3A, %convert_element_type3A_493 : vector<16xf32>
    %reduce_sum3A_495 = arith.constant true
    %reduce_sum3A_496 = vector.broadcast %reduce_sum3A_495 : i1 to vector<16xi1>
    %reduce_sum3A_497 = tpu.scan <sum>, %mul3A_494 masked %reduce_sum3A_496 : vector<16xf32>, vector<16xi1> -> vector<16xf32>
    %reduce_sum3A_498 = vector.extract %reduce_sum3A_497[15] : f32 from vector<16xf32>
    %mul3A_499 = arith.mulf %gather3A_476, %convert_element_type3A_493 : vector<16xf32>
    %reduce_sum3A_500 = arith.constant true
    %reduce_sum3A_501 = vector.broadcast %reduce_sum3A_500 : i1 to vector<16xi1>
    %reduce_sum3A_502 = tpu.scan <sum>, %mul3A_499 masked %reduce_sum3A_501 : vector<16xf32>, vector<16xi1> -> vector<16xf32>
    %reduce_sum3A_503 = vector.extract %reduce_sum3A_502[15] : f32 from vector<16xf32>
    %convert_element_type3A_504 = arith.sitofp %sub3A_400 : i32 to f32
    %sub3A_505 = arith.subf %convert_element_type3A_504, %reduce_sum3A_498 : f32
    %convert_element_type3A_506 = arith.fptosi %sub3A_505 : f32 to i32
    %convert_element_type3A_507 = arith.sitofp %sub3A_405 : i32 to f32
    %sub3A_508 = arith.subf %convert_element_type3A_507, %reduce_sum3A_503 : f32
    %convert_element_type3A_509 = arith.fptosi %sub3A_508 : f32 to i32
    %reduce_sum3A_510 = arith.constant true
    %reduce_sum3A_511 = vector.broadcast %reduce_sum3A_510 : i1 to vector<16xi1>
    %reduce_sum3A_512 = tpu.scan <sum>, %gather3A_483 masked %reduce_sum3A_511 : vector<16xf32>, vector<16xi1> -> vector<16xf32>
    %reduce_sum3A_513 = vector.extract %reduce_sum3A_512[15] : f32 from vector<16xf32>
    %reduce_sum3A_514 = arith.constant true
    %reduce_sum3A_515 = vector.broadcast %reduce_sum3A_514 : i1 to vector<16xi1>
    %reduce_sum3A_516 = tpu.scan <sum>, %gather3A_490 masked %reduce_sum3A_515 : vector<16xf32>, vector<16xi1> -> vector<16xf32>
    %reduce_sum3A_517 = vector.extract %reduce_sum3A_516[15] : f32 from vector<16xf32>
    %bitcast_convert_type3A = tpu.bitcast %or3A_404 : vector<16xi32> -> vector<16xf32>
    %convert_element_type3A_518 = arith.sitofp %sub3A_400 : i32 to f32
    %mul3A_519 = vector.broadcast %convert_element_type3A_518 : f32 to vector<16xf32>
    %mul3A_520 = arith.mulf %mul3A_519, %bitcast_convert_type3A : vector<16xf32>
    %add3A_521 = vector.broadcast %reduce_sum3A_513 : f32 to vector<16xf32>
    %add3A_522 = arith.addf %add3A_521, %mul3A_520 : vector<16xf32>
    %mul3A_523 = arith.constant 5.72763929E-6 : f32
    %mul3A_524 = arith.mulf %reduce_sum3A_517, %mul3A_523 : f32
    %eq3A_525 = arith.constant 0 : i32
    %eq3A_526 = vector.broadcast %eq3A_525 : i32 to vector<16xi32>
    %eq3A_527 = arith.cmpi eq, %iota3A, %eq3A_526 : vector<16xi32>
    %convert_element_type3A_528 = arith.extui %eq3A_527 : vector<16xi1> to vector<16xi32>
    %convert_element_type3A_529 = arith.sitofp %convert_element_type3A_528 : vector<16xi32> to vector<16xf32>
    %mul3A_530 = arith.mulf %add3A_522, %convert_element_type3A_529 : vector<16xf32>
    %eq3A_531 = arith.constant 1 : i32
    %eq3A_532 = vector.broadcast %eq3A_531 : i32 to vector<16xi32>
    %eq3A_533 = arith.cmpi eq, %iota3A, %eq3A_532 : vector<16xi32>
    %convert_element_type3A_534 = arith.extui %eq3A_533 : vector<16xi1> to vector<16xi32>
    %convert_element_type3A_535 = arith.sitofp %convert_element_type3A_534 : vector<16xi32> to vector<16xf32>
    %mul3A_536 = vector.broadcast %mul3A_524 : f32 to vector<16xf32>
    %mul3A_537 = arith.mulf %mul3A_536, %convert_element_type3A_535 : vector<16xf32>
    %add3A_538 = arith.addf %mul3A_530, %mul3A_537 : vector<16xf32>
    %swap3A_539 = arith.constant 0 : index
    %swap3A_540 = tpu.vector_load %arg22[%swap3A_539] {strides = array<i32>} : memref<16xf32, #tpu.memory_space<vmem>>, vector<16xf32>,
    tpu.vector_store %arg22[%swap3A_539], %add3A_538 {strides = array<i32>} : memref<16xf32, #tpu.memory_space<vmem>>, vector<16xf32>,
    %eq3A_541 = arith.constant 0 : i32
    %eq3A_542 = arith.cmpi eq, %arg1, %eq3A_541 : i32
    %convert_element_type3A_543 = arith.extui %eq3A_542 : i1 to i32
    %cond3A = arith.constant 0 : i32
    %cond3A_544 = arith.cmpi ne, %convert_element_type3A_543, %cond3A : i32
    scf.if %cond3A_544 {
      "tpu.region"() ({
        %run_scoped3A_551 = tpu.sem_alloc : memref<!tpu.dma_semaphore, #tpu.memory_space<semaphore_mem>>
        tpu.enqueue_dma source(%arg22 : memref<16xf32, #tpu.memory_space<vmem>>) target(%arg7 : memref<16xf32, #tpu.memory_space<hbm>>) target_semaphore(%run_scoped3A_551 : memref<!tpu.dma_semaphore, #tpu.memory_space<semaphore_mem>>)
        tpu.wait_dma2 semaphore(%run_scoped3A_551 : memref<!tpu.dma_semaphore, #tpu.memory_space<semaphore_mem>>) src(%arg22 : memref<16xf32, #tpu.memory_space<vmem>>) dst(%arg7 : memref<16xf32, #tpu.memory_space<hbm>>)
        tpu.yield
      }) : () -> ()
    } else {
    }
    %scan3A_545 = arith.constant 0 : i32
    %scan3A_546 = arith.constant 682 : i32
    %scan3A_547 = arith.addi %scan3A_545, %scan3A_546 : i32
    %scan3A_548 = arith.constant 1 : i32
    %scan3A_549:2 = scf.for %scan3A_551 = %scan3A_545 to %scan3A_547 step %scan3A_548 iter_args(%scan3A_552 = %broadcast_in_dim3A_3, %scan3A_553 = %broadcast_in_dim3A_3) -> (vector<16xi32>, vector<16xi32>)  : i32 {
      %mul3A_554 = arith.constant 16 : i32
      %mul3A_555 = arith.muli %scan3A_551, %mul3A_554 : i32
      %get3A = arith.index_cast %mul3A_555 : i32 to index
      %get3A_556 = tpu.vector_load %arg14[%get3A] {strides = array<i32>} : memref<10912xf32, #tpu.memory_space<vmem>>, vector<16xf32>,
      %bitcast_convert_type3A_557 = tpu.bitcast %get3A_556 : vector<16xf32> -> vector<16xi32>
      %eq3A_558 = arith.cmpi eq, %bitcast_convert_type3A_557, %or3A_404 : vector<16xi32>
      %eq3A_559 = arith.cmpi eq, %bitcast_convert_type3A_557, %or3A_409 : vector<16xi32>
      %convert_element_type3A_560 = arith.extui %eq3A_558 : vector<16xi1> to vector<16xi32>
      %cumsum3A = arith.constant true
      %cumsum3A_561 = vector.broadcast %cumsum3A : i1 to vector<16xi1>
      %cumsum3A_562 = tpu.scan <sum>, %convert_element_type3A_560 masked %cumsum3A_561 : vector<16xi32>, vector<16xi1> -> vector<16xi32>
      %convert_element_type3A_563 = arith.extui %eq3A_559 : vector<16xi1> to vector<16xi32>
      %cumsum3A_564 = arith.constant true
      %cumsum3A_565 = vector.broadcast %cumsum3A_564 : i1 to vector<16xi1>
      %cumsum3A_566 = tpu.scan <sum>, %convert_element_type3A_563 masked %cumsum3A_565 : vector<16xi32>, vector<16xi1> -> vector<16xi32>
      %gt3A = arith.cmpi sgt, %bitcast_convert_type3A_557, %or3A_404 : vector<16xi32>
      %add3A_567 = arith.addi %scan3A_552, %cumsum3A_562 : vector<16xi32>
      %le3A = vector.broadcast %convert_element_type3A_506 : i32 to vector<16xi32>
      %le3A_568 = arith.cmpi sle, %add3A_567, %le3A : vector<16xi32>
      %and3A = arith.andi %eq3A_558, %le3A_568 : vector<16xi1>
      %or3A_569 = arith.ori %gt3A, %and3A : vector<16xi1>
      %lt3A_570 = arith.cmpi slt, %bitcast_convert_type3A_557, %or3A_409 : vector<16xi32>
      %add3A_571 = arith.addi %scan3A_553, %cumsum3A_566 : vector<16xi32>
      %le3A_572 = vector.broadcast %convert_element_type3A_509 : i32 to vector<16xi32>
      %le3A_573 = arith.cmpi sle, %add3A_571, %le3A_572 : vector<16xi32>
      %and3A_574 = arith.andi %eq3A_559, %le3A_573 : vector<16xi1>
      %or3A_575 = arith.ori %lt3A_570, %and3A_574 : vector<16xi1>
      %not3A = arith.constant dense<true> : vector<16xi1>
      %not3A_576 = arith.xori %or3A_575, %not3A : vector<16xi1>
      %and3A_577 = arith.andi %or3A_569, %not3A_576 : vector<16xi1>
      %convert_element_type3A_578 = arith.extui %and3A_577 : vector<16xi1> to vector<16xi32>
      %convert_element_type3A_579 = arith.sitofp %convert_element_type3A_578 : vector<16xi32> to vector<16xf32>
      %mul3A_580 = arith.constant 16 : i32
      %mul3A_581 = arith.muli %scan3A_551, %mul3A_580 : i32
      %swap3A_582 = arith.index_cast %mul3A_581 : i32 to index
      %swap3A_583 = tpu.vector_load %arg13[%swap3A_582] {strides = array<i32>} : memref<10912xf32, #tpu.memory_space<vmem>>, vector<16xf32>,
      tpu.vector_store %arg13[%swap3A_582], %convert_element_type3A_579 {strides = array<i32>} : memref<10912xf32, #tpu.memory_space<vmem>>, vector<16xf32>,
      %convert_element_type3A_584 = arith.extui %or3A_575 : vector<16xi1> to vector<16xi32>
      %convert_element_type3A_585 = arith.sitofp %convert_element_type3A_584 : vector<16xi32> to vector<16xf32>
      %mul3A_586 = arith.constant 16 : i32
      %mul3A_587 = arith.muli %scan3A_551, %mul3A_586 : i32
      %swap3A_588 = arith.index_cast %mul3A_587 : i32 to index
      %swap3A_589 = tpu.vector_load %arg12[%swap3A_588] {strides = array<i32>} : memref<10912xf32, #tpu.memory_space<vmem>>, vector<16xf32>,
      tpu.vector_store %arg12[%swap3A_588], %convert_element_type3A_585 {strides = array<i32>} : memref<10912xf32, #tpu.memory_space<vmem>>, vector<16xf32>,
      %all_reduce_population_count3A = tpu.all_reduce %eq3A_558 {dim = 0 : i64, kind = #tpu.reduction_kind<sum>} : vector<16xi1> -> vector<16xi32>
      %add3A_590 = arith.addi %scan3A_552, %all_reduce_population_count3A : vector<16xi32>
      %all_reduce_population_count3A_591 = tpu.all_reduce %eq3A_559 {dim = 0 : i64, kind = #tpu.reduction_kind<sum>} : vector<16xi1> -> vector<16xi32>
      %add3A_592 = arith.addi %scan3A_553, %all_reduce_population_count3A_591 : vector<16xi32>
      scf.yield %add3A_590, %add3A_592 : vector<16xi32>, vector<16xi32>
    }
    %scan3A_550 = arith.constant 682 : i32
    "tpu.region"() ({
      %run_scoped3A_551 = tpu.sem_alloc : memref<!tpu.dma_semaphore, #tpu.memory_space<semaphore_mem>>
      %dma_start3A_552 = tpu.memref_slice %arg5[%mul3A_0] : memref<174592xf32, #tpu.memory_space<hbm>> -> memref<10912xf32, #tpu.memory_space<hbm>>
      %dma_start3A_553 = tpu.memref_slice %arg5[%mul3A_0] : memref<174592xf32, #tpu.memory_space<hbm>> -> memref<10912xf32, #tpu.memory_space<hbm>>
      tpu.enqueue_dma source(%arg13 : memref<10912xf32, #tpu.memory_space<vmem>>) target(%dma_start3A_553 : memref<10912xf32, #tpu.memory_space<hbm>>) target_semaphore(%run_scoped3A_551 : memref<!tpu.dma_semaphore, #tpu.memory_space<semaphore_mem>>)
      %dma_wait3A = tpu.memref_slice %arg5[%mul3A_0] : memref<174592xf32, #tpu.memory_space<hbm>> -> memref<10912xf32, #tpu.memory_space<hbm>>
      %dma_wait3A_554 = tpu.memref_slice %arg5[%mul3A_0] : memref<174592xf32, #tpu.memory_space<hbm>> -> memref<10912xf32, #tpu.memory_space<hbm>>
      tpu.wait_dma2 semaphore(%run_scoped3A_551 : memref<!tpu.dma_semaphore, #tpu.memory_space<semaphore_mem>>) src(%arg13 : memref<10912xf32, #tpu.memory_space<vmem>>) dst(%dma_wait3A_554 : memref<10912xf32, #tpu.memory_space<hbm>>)
      tpu.yield
    }) : () -> ()
    "tpu.region"() ({
      %run_scoped3A_551 = tpu.sem_alloc : memref<!tpu.dma_semaphore, #tpu.memory_space<semaphore_mem>>
      %dma_start3A_552 = tpu.memref_slice %arg6[%mul3A_0] : memref<174592xf32, #tpu.memory_space<hbm>> -> memref<10912xf32, #tpu.memory_space<hbm>>
      %dma_start3A_553 = tpu.memref_slice %arg6[%mul3A_0] : memref<174592xf32, #tpu.memory_space<hbm>> -> memref<10912xf32, #tpu.memory_space<hbm>>
      tpu.enqueue_dma source(%arg12 : memref<10912xf32, #tpu.memory_space<vmem>>) target(%dma_start3A_553 : memref<10912xf32, #tpu.memory_space<hbm>>) target_semaphore(%run_scoped3A_551 : memref<!tpu.dma_semaphore, #tpu.memory_space<semaphore_mem>>)
      %dma_wait3A = tpu.memref_slice %arg6[%mul3A_0] : memref<174592xf32, #tpu.memory_space<hbm>> -> memref<10912xf32, #tpu.memory_space<hbm>>
      %dma_wait3A_554 = tpu.memref_slice %arg6[%mul3A_0] : memref<174592xf32, #tpu.memory_space<hbm>> -> memref<10912xf32, #tpu.memory_space<hbm>>
      tpu.wait_dma2 semaphore(%run_scoped3A_551 : memref<!tpu.dma_semaphore, #tpu.memory_space<semaphore_mem>>) src(%arg12 : memref<10912xf32, #tpu.memory_space<vmem>>) dst(%dma_wait3A_554 : memref<10912xf32, #tpu.memory_space<hbm>>)
      tpu.yield
    }) : () -> ()
    return
  }
}

</mosaic_0001>

<sc_bundles>
// kernel: kernel.3.cloned.1.call-start
scs
__scs_entry_jumppad:
0x0: {  	(pc) =	sbr.rel $0x88, $3  }
0x1: {  	(tag) =	ssettag $0x0;
	lr =	simm.s32 $0x1  }
0x2: {  	[smem:$0x3F9F] =	sst lr;
	_ =	strace $0xD0000000  }
0x3: {  	_ = 	snop  }
0x4: {  	_ = 	snop  }
0x5: {  	_ = 	snop  }
0x6: {  	_ = 	snop  }
0x7: {  	_ = 	snop  }
__scs_overlays_trampoline_lowered:
0x8: {  	[smem:$0x3FAE] =	sst s0  }
0x9: {  	[smem:$0x3FAF] =	sst s1  }
0xa: {  	[smem:$0x3FB0] =	sst s2  }
0xb: {  	[smem:$0x3FB1] =	sst s3  }
0xc: {  	[smem:$0x3FB2] =	sst s4  }
0xd: {  	[smem:$0x3FB3] =	sst s5  }
0xe: {  	[smem:$0x3FB4] =	sst s6  }
0xf: {  	[smem:$0x3FB5] =	sst s7  }
0x10: {  	[smem:$0x3FB6] =	sst s8  }
0x11: {  	[smem:$0x3FB7] =	sst s9;
	s0 =	simm.s32 @!p0 $0x0  }
0x12: {  	s1 =	sld [smem:$0x3F9D];
	s0 =	simm.s32 @p0 $0x1  }
0x13: {  	[smem:$0x3FB8] =	sst s0;
	s0 =	simm.s32 @!p1 $0x0  }
0x14: {  	s2 =	sld [smem:$0x3F9C];
	s0 =	simm.s32 @p1 $0x1  }
0x15: {  	[smem:$0x3FB9] =	sst s0;
	s0 =	simm.s32 @!p2 $0x0  }
0x16: {  	s3 =	sld [smem:$0x3FDB];
	s0 =	simm.s32 @p2 $0x1  }
0x17: {  	s4 =	simm.s32 $0x1BF5;
	[smem:$0x3FBB] =	sst s0  }
0x18: {  	s0 =	sld [smem:$0x3F9E];
	_ =	swait.ge [sflag:s4], $0x0  }
0x19: {  	s7 =	sld [smem:$0x3F9F]  }
0x1a: {  	s8 =	sadd.s32 $0xFFFFE003, lr  }
0x1b: {  	s9 =	sadd.s32 $0xFFFFFEF7, lr;
	s5 =	simm.s32 $0xFFFFFFFF;
	p2 =	slt.u32 s8, $0xFFFFF086  }
0x1c: {  	p1 =	slt.u32 s9, $0xF7A;
	s5 =	simm.s32 @!p2 $0x0  }
0x1d: {  	s5 =	simm.s32 @p1 $0x1;
	p0 =	seq.s32 s7, s2  }
0x1e: {  	s7 =	smul.u32 @!p0 $0xF7A, s2;
	p2 =	seq.s32 @!p0 s5, $0x0  }
0x1f: {  	s9 =	smul.u32 $0xF7A, s1;
	s8 =	simm.s32 @!p0 $0x1BF5;
	p2 =	por !p2, p0  }
0x20: {  	[sflag:s8] =	ssyncset.s32 @!p0 $0xFFFFF086;
	s6 =	sadd.s32 @!p0 s3, s7;
	s7 =	simm.s32 @!p0 $0x108  }
0x21: {  	s3 =	sadd.s32 s3, s9;
	s6 =	sadd.s32 @!p0 $0x88, s6;
	s7 =	simm.s32 @p2 $0x1082  }
0x22: {  	[simem:s7], [sflag:s8] =	dma.local @!p0 [hbm:s6], $0xF7A  }
0x23: {  	s9 =	sor.u32 $0xD0000000, s2;
	s6 =	simm.s32 $0x108;
	_ =	swait.ge @!p0 [sflag:s8], $0x0  }
0x24: {  	s3 =	sadd.s32 $0x88, s3;
	s6 =	simm.s32 @!p1 $0x1082;
	[sflag:s4] =	ssyncset.s32 $0xFFFFF086  }
0x25: {  	[simem:s6], [sflag:s4] =	dma.local [hbm:s3], $0xF7A  }
0x26: {  	[smem:$0x3F9F] =	sst s1;
	(tag) =	ssettag s2;
	_ =	strace s9  }
0x27: {  	s1 =	sld [smem:$0x3FAF]  }
0x28: {  	s2 =	sld [smem:$0x3FB0]  }
0x29: {  	s4 =	sld [smem:$0x3FB2]  }
0x2a: {  	p0 =	seq.s32 s5, $0x0;
	s5 =	sld [smem:$0x3FB3]  }
0x2b: {  	s6 =	sld [smem:$0x3FB4]  }
0x2c: {  	s7 =	sld [smem:$0x3FB5]  }
0x2d: {  	s3 =	simm.s32 $0x108;
	s8 =	sld [smem:$0x3FB6]  }
0x2e: {  	s3 =	simm.s32 @!p0 $0x1082;
	s9 =	sld [smem:$0x3FB7]  }
0x2f: {  	lr =	sadd.s32 s0, s3;
	s0 =	sld [smem:$0x3FAE]  }
0x30: {  	s3 =	sld [smem:$0x3FB1]  }
0x31: {  	[smem:$0x3FBA] =	sst s10  }
0x32: {  	s10 =	sld [smem:$0x3FB8];
	_ =	sdelay $0x3  }
0x33: {  	p0 =	seq.s32 s10, $0x1;
	s10 =	sld [smem:$0x3FBA];
	_ =	sdelay $0x3  }
0x34: {  	[smem:$0x3FBA] =	sst s10  }
0x35: {  	s10 =	sld [smem:$0x3FB9];
	_ =	sdelay $0x3  }
0x36: {  	p1 =	seq.s32 s10, $0x1;
	s10 =	sld [smem:$0x3FBA];
	_ =	sdelay $0x3  }
0x37: {  	[smem:$0x3FBA] =	sst s10  }
0x38: {  	s10 =	sld [smem:$0x3FBB]  }
0x39: {  	_ = 	snop;
	(pc) =	sbr.ind lr, $3  }
0x3a: {  	_ = 	snop  }
0x3b: {  	_ = 	snop  }
0x3c: {  	p2 =	seq.s32 s10, $0x1;
	s10 =	sld [smem:$0x3FBA]  }
0x3d: {  	_ =	shalt  }
0x3e: {  	_ =	shalt  }
0x3f: {  	_ =	shalt  }
0x40: {  	_ =	shalt  }
0x41: {  	_ =	shalt  }
0x42: {  	_ =	shalt  }
0x43: {  	_ =	shalt  }
0x44: {  	_ =	shalt  }
0x45: {  	_ =	shalt  }
0x46: {  	_ =	shalt  }
0x47: {  	_ =	shalt  }
0x48: {  	_ =	shalt  }
0x49: {  	_ =	shalt  }
0x4a: {  	_ =	shalt  }
0x4b: {  	_ =	shalt  }
0x4c: {  	_ =	shalt  }
0x4d: {  	_ =	shalt  }
0x4e: {  	_ =	shalt  }
0x4f: {  	_ =	shalt  }
0x50: {  	_ =	shalt  }
0x51: {  	_ =	shalt  }
0x52: {  	_ =	shalt  }
0x53: {  	_ =	shalt  }
0x54: {  	_ =	shalt  }
0x55: {  	_ =	shalt  }
0x56: {  	_ =	shalt  }
0x57: {  	_ =	shalt  }
0x58: {  	_ =	shalt  }
0x59: {  	_ =	shalt  }
0x5a: {  	_ =	shalt  }
0x5b: {  	_ =	shalt  }
0x5c: {  	_ =	shalt  }
0x5d: {  	_ =	shalt  }
0x5e: {  	_ =	shalt  }
0x5f: {  	_ =	shalt  }
0x60: {  	_ =	shalt  }
0x61: {  	_ =	shalt  }
0x62: {  	_ =	shalt  }
0x63: {  	_ =	shalt  }
0x64: {  	_ =	shalt  }
0x65: {  	_ =	shalt  }
0x66: {  	_ =	shalt  }
0x67: {  	_ =	shalt  }
0x68: {  	_ =	shalt  }
0x69: {  	_ =	shalt  }
0x6a: {  	_ =	shalt  }
0x6b: {  	_ =	shalt  }
0x6c: {  	_ =	shalt  }
0x6d: {  	_ =	shalt  }
0x6e: {  	_ =	shalt  }
0x6f: {  	_ =	shalt  }
0x70: {  	_ =	shalt  }
0x71: {  	_ =	shalt  }
0x72: {  	_ =	shalt  }
0x73: {  	_ =	shalt  }
0x74: {  	_ =	shalt  }
0x75: {  	_ =	shalt  }
0x76: {  	_ =	shalt  }
0x77: {  	_ =	shalt  }
0x78: {  	_ =	shalt  }
0x79: {  	_ =	shalt  }
0x7a: {  	_ =	shalt  }
0x7b: {  	_ =	shalt  }
0x7c: {  	_ =	shalt  }
0x7d: {  	_ =	shalt  }
0x7e: {  	_ =	shalt  }
0x7f: {  	_ =	shalt  }
0x80: {  	_ =	shalt  }
0x81: {  	_ =	shalt  }
0x82: {  	_ =	shalt  }
0x83: {  	_ =	shalt  }
0x84: {  	_ =	shalt  }
0x85: {  	_ =	shalt  }
0x86: {  	_ =	shalt  }
0x87: {  	_ =	shalt  }
.Lfunc_end0:
.L_simem_size_0:
called_computation_lowered:
.L_overlay_start_0:
0x88: {  	s0 =	sld [smem:$0x3FD9]  }
0x89: {  	s1 =	sld [smem:$0x3FFE];
	_ =	sdelay $0x3  }
0x8a: {  	s0 =	sadd.s32 s1, s0  }
0x8b: {  	[smem:$0x3FC6] =	sst s0  }
0x8c: {  	_ = 	snop  }
0x8d: {  	s0 =	sld [smem:$0x3FD0];
	_ =	sdelay $0x2  }
0x8e: {  	s13 =	simm.s32 $0xA;
	s2 =	simm.s32 $0x10  }
0x8f: {  	[smem:s2], [sflag:s13] =	dma.local [hbm:s0], $0x1  }
0x90: {  	_ =	swait.eq [sflag:s13], $0x1  }
0x91: {  	s14 =	sld [smem:$0x10];
	[sflag:s13] =	ssyncset.done $0x0  }
0x92: {  	s15 =	sld [smem:$0x12];
	[sflag:s13] =	ssyncadd.s32 $0xFFFFFFFF  }
0x93: {  	s16 =	sld [smem:$0x15];
	(tm) =	ssettm $0x1  }
0x94: {  	s3 =	sld [smem:$0x3FFB];
	_ =	sdelay $0x3  }
0x95: {  	_ =	strace s3  }
0x96: {  	s3 =	sld [smem:$0x3FFC];
	_ =	sdelay $0x3  }
0x97: {  	_ =	strace s3  }
0x98: {  	s3 =	sld [smem:$0x3FFD];
	_ =	sdelay $0x3  }
0x99: {  	_ =	strace s3  }
0x9a: {  	_ =	strace $0x8FFFFFFF  }
0x9b: {  	s17 =	sld [smem:$0x3FDB];
	_ =	sdelay $0x1  }
0x9c: {  	s4 =	simm.s32 $_scs_section_size  }
0x9d: {  	s5 =	simm.s32 $_size__tile_overlayer_lowered;
	s6 =	simm.s32 $_tile_overlayer_lowered  }
0x9e: {  	s20 =	simm.s32 $0x1BFF;
	s19 =	sshll.u32 s6, $0x1;
	s3 =	sadd.s32 s4, s17  }
0x9f: {  	s7 =	simm.s32 $0x0;
	s18 =	sshll.u32 s5, $0x1;
	s5 =	sadd.s32 s19, s3  }
0xa0: {  	[timem:s7], [sflag:s20] =	dma.local [hbm:s5], s18  }
0xa1: {  	_ =	swait.ge [sflag:s20], s18  }
0xa2: {  	s4 =	ssub.s32 $0x0, s18;
	[sflag:s20] =	ssyncset.done $0x0  }
0xa3: {  	[sflag:s20] =	ssyncadd.s32 s4;
	_ =	sdelay $0x1  }
0xa4: {  	s21 =	simm.s32 $0x1B8B  }
0xa5: {  	_ =	swait.ge [sflag:s21], $0x1  }
0xa6: {  	[sflag:s21] =	ssyncset.done $0x0  }
0xa7: {  	s23 =	simm.s32 $0x1B8E;
	s22 =	sld [smem:$0x3FFE];
	[sflag:s21] =	ssyncadd.s32 $0xFFFFFFFF  }
0xa8: {  	s24 =	simm.s32 $execute0_lowered;
	[smem:$0x3FD2] =	sst s23  }
0xa9: {  	s5 =	sshll.u32 s24, $0x1;
	_ =	strace $0x80000046;
	[dreg:$0x1] =	wrdreg $0xFFFFFFFF  }
0xaa: {  	s25 =	simm.s32 $_size_execute0_lowered;
	s3 =	sadd.s32 s3, s5;
	[dreg:$0x0] =	wrdreg $0x0  }
0xab: {  	s5 =	sshll.u32 s25, $0x1;
	[dreg:$0x2] =	wrdreg s3  }
0xac: {  	[dreg:$0x3] =	wrdreg s5  }
0xad: {  	[dreg:$0x4] =	wrdreg $0xC0  }
0xae: {  	_ =	task [dreg:s7], $0x5FFFF  }
0xaf: {  	[dreg:$0x1] =	wrdreg $0xFFFFFFFF  }
0xb0: {  	[dreg:$0x0] =	wrdreg $0x60  }
0xb1: {  	[dreg:$0x2] =	wrdreg s22  }
0xb2: {  	[dreg:$0x3] =	wrdreg s16  }
0xb3: {  	[dreg:$0x4] =	wrdreg s15  }
0xb4: {  	[dreg:$0x5] =	wrdreg s14  }
0xb5: {  	[dreg:$0x6] =	wrdreg $0xF3000  }
0xb6: {  	[dreg:$0x7] =	wrdreg $0xFB000  }
0xb7: {  	[dreg:$0x8] =	wrdreg $0x9  }
0xb8: {  	_ =	task.clear_ibuf [dreg:s7], $0x9FFFF;
	_ =	strace $0x90000046  }
0xb9: {  	s26 =	simm.s32 $0x9;
	_ =	strace $0x80000048  }
0xba: {  	_ =	swait.ge [sflag:s26], $0x1  }
0xbb: {  	[sflag:s26] =	ssyncadd.s32 $0xFFFFFFFF  }
0xbc: {  	_ =	strace $0x90000048  }
0xbd: {  	_ =	sfence  }
0xbe: {  	s28 =	sld [smem:$0x0];
	_ =	sdelay $0x1  }
0xbf: {  	s29 =	srdreg.scid  }
0xc0: {  	s30 =	sshll.u32 s29, $0xD;
	s31 =	sshrl.u32 s29, $0x2  }
0xc1: {  	s1 =	sand.u32 $0x1, s29;
	s2 =	sand.u32 $0x4000, s30;
	s0 =	sadd.s32 s31, s28  }
0xc2: {  	s1 =	sor.u32 s2, s1;
	s0 =	sshll.u32 s0, $0x11  }
0xc3: {  	s0 =	sor.u32 s0, s1  }
0xc4: {  	s0 =	sadd.s32 $0x8F2B, s0  }
0xc5: {  	[sflag:s0] =	ssyncadd.remote.s32 $0x1  }
0xc6: {  	_ =	sfence.sel $0xFFFF  }
0xc7: {  	[dreg:$0x0] =	wrdreg $0xFFFFFFFF;
	(pc) =	sbr.abs _section_cstart, $3  }
0xc8: {  	[dreg:$0x1] =	wrdreg $0xFFFFFFFF  }
0xc9: {  	_ =	task.clear_ibuf [dreg:s7], $0x2FFFF;
	_ =	strace $0x9FFFFFFF  }
0xca: {  	(tm) =	ssettm $0x7FFFFFFF  }
0xcb: {  	_ =	shalt  }
tec
execute0_lowered:
.L_overlay_start_1:
0x0: {  	(tag) =	ssettag $0x1  }
0x1: {  	s3 =	rddreg [dreg:$0x0]  }
0x2: {  	s2 =	rddreg [dreg:$0x1]  }
0x3: {  	s8 =	rddreg [dreg:$0x2]  }
0x4: {  	s4 =	rddreg [dreg:$0x3]  }
0x5: {  	s7 =	rddreg [dreg:$0x4]  }
0x6: {  	s6 =	rddreg [dreg:$0x5]  }
0x7: {  	s5 =	stileid.u32;
	s0 =	rddreg [dreg:$0x6];
	s10 =	simm.s32 $0x0  }
0x8: {  	s11 =	simm.s32 $0x2C00;
	s13 =	simm.s32 $0x5;
	s17 =	simm.s32 $0x8200  }
0x9: {  	s18 =	simm.s32 $0x82B0;
	s19 =	simm.s32 $0x8360;
	s20 =	simm.s32 $0x8410  }
0xa: {  	s21 =	simm.s32 $0x1;
	s22 =	simm.s32 $0x2;
	s9 =	smul.u32 $0x2AA0, s5  }
0xb: {  	s23 =	simm.s32 $0x3;
	s24 =	simm.s32 $0x4;
	s25 =	simm.s32 $0x2100  }
0xc: {  	s26 =	simm.s32 $0x0;
	[smem:$0x7FF] =	sst s10;
	s1 =	sshrl.u32 s9, $0x3  }
0xd: {  	s12 =	smul.u32 $0x2AA00, s5;
	_ =	strace $0x80000047;
	s2 =	sadd.s32 s2, s1  }
0xe: {  	[tilespmem:s11], [sflag:$0x5] =	stream.linear.gather [hbm4b:s2+s10], $0x2AA0, $0x38;
	[tilespmem:$0xFB10] =	vst v63  }
0xf: {  	s14 =	smul.u32 $0x5540, s5;
	s12 =	sshrl.u32 s12, $0x3;
	_ =	swait.ge [sflag:s13], $0x2AA0  }
0x10: {  	s16 =	sadd.s32 $0x420, s9;
	s11 =	sadd.s32 $0x2AAA00, s3;
	[sflag:s13] =	ssyncset.done $0x0  }
0x11: {  	s14 =	sadd.s32 s11, s14;
	s15 =	sadd.s32 s11, s12;
	[sflag:s13] =	ssyncadd.s32 $0xFFFFD560  }
0x12: {  	[tilespmem:s10], [sflag:$0x1] =	stream.linear.gather [hbm4b:s14+s10], $0xB00, $0x38;
	[tilespmem:$0xFB10] =	vst v63  }
.Ltmp0:
0x13: {  	s12 =	simm.s32 $0xB00;
	s31 =	sadd.s32 $0x160, s15;
	(pc) =	sbr.rel .LBB2_1-.Ltmp0, $4  }
0x14: {  	[tilespmem:s12], [sflag:$0x2] =	stream.linear.gather [hbm4b:s31+s10], $0xB00, $0x38;
	[tilespmem:$0xFB10] =	vst v63  }
0x15: {  	v0 =	vlaneseq.u32;
	s2 =	sadd.s32 $0xA00, s3;
	s15 =	sadd.s32 $0x2C0, s15;
	s14 =	simm.s32 $0x1600  }
0x16: {  	v0 =	vmul.u32 $0x10, v0;
	[tilespmem:s14], [sflag:$0x3] =	stream.linear.gather [hbm4b:s15+s10], $0xB00, $0x38;
	[tilespmem:$0xFB10] =	vst v63  }
0x17: {  	s3 =	sadd.s32 $0x6000, s3;
	s13 =	sadd.s32 $0x2C0, s9;
	s15 =	sadd.s32 $0x370, s9  }
.LBB2_12:
0x18: {  	v6 =	vor.u32 v0, v6;
	v1 =	vmax.f32 v7, v1  }
0x19: {  	v52 =	vor.u32 $0x1, v6;
	v1 =	vmax.f32 v1, v2  }
0x1a: {  	v1 =	vmax.f32 v1, v3  }
0x1b: {  	v2 =	vor.u32 $0x2, v6;
	v1 =	vmax.f32 v1, v4  }
0x1c: {  	s28 =	sadd.s32 $0x10, s28;
	v3 =	vor.u32 $0x3, v6;
	v1 =	vmax.f32 v1, v5  }
0x1d: {  	v53 =	vor.u32 $0x4, v6;
	[tilespmem:s28+$0x0] =	vst v1  }
0x1e: {  	v54 =	vor.u32 $0x5, v6;
	v1 =	vld.idx.msk [tilespmem:v52+s25+$0x0], $0xffff  }
0x1f: {  	v8 =	vor.u32 $0x6, v6;
	v55 =	vld.idx.msk [tilespmem:v6+s25+$0x0], $0xffff  }
0x20: {  	v9 =	vor.u32 $0x7, v6;
	v2 =	vld.idx.msk [tilespmem:v2+s25+$0x0], $0xffff  }
0x21: {  	v10 =	vor.u32 $0x8, v6;
	v3 =	vld.idx.msk [tilespmem:v3+s25+$0x0], $0xffff  }
0x22: {  	v11 =	vor.u32 $0x9, v6;
	v4 =	vld.idx.msk [tilespmem:v53+s25+$0x0], $0xffff  }
0x23: {  	v12 =	vor.u32 $0xA, v6;
	v5 =	vld.idx.msk [tilespmem:v54+s25+$0x0], $0xffff  }
0x24: {  	v13 =	vor.u32 $0xB, v6;
	v8 =	vld.idx.msk [tilespmem:v8+s25+$0x0], $0xffff;
	v1 =	vmax.f32 v55, v1  }
0x25: {  	v57 =	vor.u32 $0xC, v6;
	v56 =	vld.idx.msk [tilespmem:v9+s25+$0x0], $0xffff;
	v1 =	vmax.f32 v1, v2  }
0x26: {  	v58 =	vor.u32 $0xD, v6;
	v2 =	vld.idx.msk [tilespmem:v10+s25+$0x0], $0xffff;
	v1 =	vmax.f32 v1, v3  }
0x27: {  	v59 =	vor.u32 $0xE, v6;
	v3 =	vld.idx.msk [tilespmem:v11+s25+$0x0], $0xffff;
	v1 =	vmax.f32 v1, v4  }
0x28: {  	v60 =	vld.idx.msk [tilespmem:v12+s25+$0x0], $0xffff;
	v6 =	vor.u32 $0xF, v6;
	v1 =	vmax.f32 v1, v5  }
0x29: {  	v61 =	vld.idx.msk [tilespmem:v13+s25+$0x0], $0xffff;
	v1 =	vmax.f32 v1, v8  }
0x2a: {  	v62 =	vld.idx.msk [tilespmem:v57+s25+$0x0], $0xffff;
	v1 =	vmax.f32 v1, v56  }
0x2b: {  	v63 =	vld.idx.msk [tilespmem:v58+s25+$0x0], $0xffff;
	v1 =	vmax.f32 v1, v2  }
0x2c: {  	v2 =	vld.idx.msk [tilespmem:v59+s25+$0x0], $0xffff;
	v1 =	vmax.f32 v1, v3  }
0x2d: {  	v3 =	vld.idx.msk [tilespmem:v6+s25+$0x0], $0xffff;
	v1 =	vmax.f32 v1, v60  }
0x2e: {  	v1 =	vmax.f32 v1, v61  }
0x2f: {  	v1 =	vmax.f32 v1, v62  }
0x30: {  	v1 =	vmax.f32 v1, v63  }
0x31: {  	v1 =	vmax.f32 v1, v2  }
0x32: {  	s28 =	sadd.s32 $0x10, s28;
	v1 =	vmax.f32 v1, v3  }
0x33: {  	[tilespmem:s28+$0x0] =	vst v1  }
.LBB2_13:
0x34: {  	s26 =	sadd.s32 $0x1, s26  }
0x35: {  	p0 =	sne.s32 s26, $0x10  }
.Ltmp1:
0x36: {  	_ = 	snop;
	(pc) =	sbr.rel @!p0 .LBB2_14-.Ltmp1, $3  }
0x37: {  	_ =	sdelay $0x1  }
0x38: {  	s17 =	sadd.s32 $0x2C0, s17  }
0x39: {  	s18 =	sadd.s32 $0x2C0, s18;
	s19 =	sadd.s32 $0x2C0, s19;
	s20 =	sadd.s32 $0x2C0, s20  }
.LBB2_1:
0x3a: {  	s28 =	sshllo.u32 s26, $0x2  }
0x3b: {  	p0 =	sgt.u32 s28, $0x3D  }
0x3c: {  	s28 =	smul.u32 @!p0 $0xB0, s28  }
0x3d: {  	v1 =	vmov s10  }
0x3e: {  	v1 =	vshll.u32 v1, $0x4;
	s28 =	sadd.s32 @!p0 s9, s28  }
0x3f: {  	v1 =	vor.u32 v0, v1;
	s28 =	sshll.u32 @!p0 s28, $0x1  }
0x40: {  	s29 =	simm.s32 @!p0 $0x0;
	s30 =	simm.s32 @!p0 $0x2100;
	v2 =	vor.u32 $0x1, v1;
	s28 =	sadd.s32 @!p0 s11, s28  }
0x41: {  	[tilespmem:s30], [sflag:$0x4] =	stream.linear.gather @!p0 [hbm4b:s28+s29], $0xB00, $0x38;
	[tilespmem:$0xFB10] =	vst v63  }
0x42: {  	v3 =	vor.u32 $0x2, v1;
	_ =	swait.ge [sflag:s21], $0xB00  }
0x43: {  	v4 =	vor.u32 $0x3, v1;
	[sflag:s21] =	ssyncset.done $0x0  }
0x44: {  	v5 =	vor.u32 $0x4, v1;
	[sflag:s21] =	ssyncadd.s32 $0xFFFFF500  }
0x45: {  	v6 =	vor.u32 $0x5, v1;
	v2 =	vld.idx.msk [tilespmem:v2+s10+$0x0], $0xffff  }
0x46: {  	v8 =	vor.u32 $0x6, v1;
	v7 =	vld.idx.msk [tilespmem:v1+s10+$0x0], $0xffff  }
0x47: {  	v9 =	vor.u32 $0x7, v1;
	v3 =	vld.idx.msk [tilespmem:v3+s10+$0x0], $0xffff  }
0x48: {  	v10 =	vor.u32 $0x8, v1;
	v4 =	vld.idx.msk [tilespmem:v4+s10+$0x0], $0xffff  }
0x49: {  	v11 =	vor.u32 $0x9, v1;
	v5 =	vld.idx.msk [tilespmem:v5+s10+$0x0], $0xffff  }
0x4a: {  	v12 =	vor.u32 $0xA, v1;
	v6 =	vld.idx.msk [tilespmem:v6+s10+$0x0], $0xffff  }
0x4b: {  	v13 =	vor.u32 $0xB, v1;
	v8 =	vld.idx.msk [tilespmem:v8+s10+$0x0], $0xffff;
	v2 =	vmax.f32 v7, v2  }
0x4c: {  	v53 =	vor.u32 $0xC, v1;
	v7 =	vld.idx.msk [tilespmem:v9+s10+$0x0], $0xffff;
	v2 =	vmax.f32 v2, v3  }
0x4d: {  	v54 =	vor.u32 $0xD, v1;
	v3 =	vld.idx.msk [tilespmem:v10+s10+$0x0], $0xffff;
	v2 =	vmax.f32 v2, v4  }
0x4e: {  	v55 =	vor.u32 $0xE, v1;
	v4 =	vld.idx.msk [tilespmem:v11+s10+$0x0], $0xffff;
	v2 =	vmax.f32 v2, v5  }
0x4f: {  	v1 =	vor.u32 $0xF, v1;
	v5 =	vld.idx.msk [tilespmem:v12+s10+$0x0], $0xffff;
	v2 =	vmax.f32 v2, v6  }
0x50: {  	v6 =	vld.idx.msk [tilespmem:v13+s10+$0x0], $0xffff;
	v2 =	vmax.f32 v2, v8  }
0x51: {  	v8 =	vld.idx.msk [tilespmem:v53+s10+$0x0], $0xffff;
	v2 =	vmax.f32 v2, v7  }
0x52: {  	s28 =	simm.s32 $0x10;
	v7 =	vld.idx.msk [tilespmem:v54+s10+$0x0], $0xffff;
	v2 =	vmax.f32 v2, v3  }
0x53: {  	v56 =	vmov s28;
	v3 =	vld.idx.msk [tilespmem:v55+s10+$0x0], $0xffff;
	v2 =	vmax.f32 v2, v4  }
0x54: {  	v1 =	vld.idx.msk [tilespmem:v1+s10+$0x0], $0xffff;
	v4 =	vshll.u32 v56, $0x4;
	v2 =	vmax.f32 v2, v5  }
0x55: {  	v4 =	vor.u32 v0, v4;
	v2 =	vmax.f32 v2, v6  }
0x56: {  	v5 =	vor.u32 $0x1, v4;
	v2 =	vmax.f32 v2, v8  }
0x57: {  	v2 =	vmax.f32 v2, v7  }
0x58: {  	v6 =	vor.u32 $0x2, v4;
	v2 =	vmax.f32 v2, v3  }
0x59: {  	v3 =	vor.u32 $0x3, v4;
	v1 =	vmax.f32 v2, v1  }
0x5a: {  	v2 =	vor.u32 $0x4, v4;
	[tilespmem:s17+$0x0] =	vst v1  }
0x5b: {  	v1 =	vld.idx.msk [tilespmem:v5+s10+$0x0], $0xffff;
	v5 =	vor.u32 $0x5, v4  }
0x5c: {  	v8 =	vor.u32 $0x6, v4;
	v7 =	vld.idx.msk [tilespmem:v4+s10+$0x0], $0xffff  }
0x5d: {  	v57 =	vor.u32 $0x7, v4;
	v6 =	vld.idx.msk [tilespmem:v6+s10+$0x0], $0xffff  }
0x5e: {  	v58 =	vor.u32 $0x8, v4;
	v3 =	vld.idx.msk [tilespmem:v3+s10+$0x0], $0xffff  }
0x5f: {  	v59 =	vor.u32 $0x9, v4;
	v2 =	vld.idx.msk [tilespmem:v2+s10+$0x0], $0xffff  }
0x60: {  	v60 =	vor.u32 $0xA, v4;
	v5 =	vld.idx.msk [tilespmem:v5+s10+$0x0], $0xffff  }
0x61: {  	v61 =	vor.u32 $0xB, v4;
	v8 =	vld.idx.msk [tilespmem:v8+s10+$0x0], $0xffff;
	v1 =	vmax.f32 v7, v1  }
0x62: {  	v62 =	vor.u32 $0xC, v4;
	v7 =	vld.idx.msk [tilespmem:v57+s10+$0x0], $0xffff;
	v1 =	vmax.f32 v1, v6  }
0x63: {  	v63 =	vor.u32 $0xD, v4;
	v6 =	vld.idx.msk [tilespmem:v58+s10+$0x0], $0xffff;
	v1 =	vmax.f32 v1, v3  }
0x64: {  	v14 =	vor.u32 $0xE, v4;
	v11 =	vld.idx.msk [tilespmem:v59+s10+$0x0], $0xffff;
	v1 =	vmax.f32 v1, v2  }
0x65: {  	v15 =	vor.u32 $0xF, v4;
	v12 =	vld.idx.msk [tilespmem:v60+s10+$0x0], $0xffff;
	v2 =	vmax.f32 v1, v5  }
0x66: {  	v1 =	vld.idx.msk [tilespmem:v61+s10+$0x0], $0xffff;
	v3 =	vmax.f32 v2, v8  }
0x67: {  	v2 =	vld.idx.msk [tilespmem:v62+s10+$0x0], $0xffff;
	v4 =	vmax.f32 v3, v7  }
0x68: {  	s28 =	simm.s32 $0x20;
	v3 =	vld.idx.msk [tilespmem:v63+s10+$0x0], $0xffff;
	v5 =	vmax.f32 v4, v6  }
0x69: {  	v4 =	vld.idx.msk [tilespmem:v14+s10+$0x0], $0xffff;
	v6 =	vmov s28;
	v7 =	vmax.f32 v5, v11  }
0x6a: {  	s30 =	simm.s32 $0x30;
	s29 =	smov.u32 s17;
	s28 =	sshll.u32 s26, $0x2;
	v5 =	vld.idx.msk [tilespmem:v15+s10+$0x0], $0xffff;
	v6 =	vshll.u32 v6, $0x4;
	v7 =	vmax.f32 v7, v12  }
.LBB2_2:
0x6b: {  	p1 =	sne.s32 s30, $0xA0;
	v6 =	vor.u32 v0, v6;
	v1 =	vmax.f32 v7, v1  }
0x6c: {  	v7 =	vor.u32 $0x1, v6;
	v1 =	vmax.f32 v1, v2  }
0x6d: {  	v1 =	vmax.f32 v1, v3  }
0x6e: {  	v2 =	vor.u32 $0x2, v6;
	v1 =	vmax.f32 v1, v4  }
0x6f: {  	s29 =	sadd.s32 $0x10, s29;
	v3 =	vor.u32 $0x3, v6;
	v1 =	vmax.f32 v1, v5  }
0x70: {  	v4 =	vor.u32 $0x4, v6;
	[tilespmem:s29+$0x0] =	vst v1  }
0x71: {  	v5 =	vor.u32 $0x5, v6;
	v1 =	vld.idx.msk [tilespmem:v7+s10+$0x0], $0xffff  }
0x72: {  	v8 =	vor.u32 $0x6, v6;
	v7 =	vld.idx.msk [tilespmem:v6+s10+$0x0], $0xffff  }
0x73: {  	v9 =	vor.u32 $0x7, v6;
	v2 =	vld.idx.msk [tilespmem:v2+s10+$0x0], $0xffff  }
0x74: {  	v10 =	vor.u32 $0x8, v6;
	v3 =	vld.idx.msk [tilespmem:v3+s10+$0x0], $0xffff  }
0x75: {  	v11 =	vor.u32 $0x9, v6;
	v4 =	vld.idx.msk [tilespmem:v4+s10+$0x0], $0xffff  }
0x76: {  	v12 =	vor.u32 $0xA, v6;
	v5 =	vld.idx.msk [tilespmem:v5+s10+$0x0], $0xffff  }
0x77: {  	v13 =	vor.u32 $0xB, v6;
	v8 =	vld.idx.msk [tilespmem:v8+s10+$0x0], $0xffff  }
0x78: {  	v1 =	vmax.f32 v7, v1;
	v7 =	vld.idx.msk [tilespmem:v9+s10+$0x0], $0xffff;
	v9 =	vor.u32 $0xC, v6  }
0x79: {  	v14 =	vor.u32 $0xD, v6;
	v1 =	vmax.f32 v1, v2;
	v10 =	vld.idx.msk [tilespmem:v10+s10+$0x0], $0xffff  }
0x7a: {  	v15 =	vor.u32 $0xE, v6;
	v1 =	vmax.f32 v1, v3;
	v11 =	vld.idx.msk [tilespmem:v11+s10+$0x0], $0xffff  }
0x7b: {  	v6 =	vor.u32 $0xF, v6;
	v1 =	vmax.f32 v1, v4;
	v12 =	vld.idx.msk [tilespmem:v12+s10+$0x0], $0xffff  }
0x7c: {  	v2 =	vmax.f32 v1, v5;
	v1 =	vld.idx.msk [tilespmem:v13+s10+$0x0], $0xffff  }
.Ltmp2:
0x7d: {  	v3 =	vmax.f32 v2, v8;
	v2 =	vld.idx.msk [tilespmem:v9+s10+$0x0], $0xffff;
	(pc) =	sbr.rel @p1 .LBB2_2-.Ltmp2, $4  }
0x7e: {  	v4 =	vmax.f32 v3, v7;
	v3 =	vld.idx.msk [tilespmem:v14+s10+$0x0], $0xffff  }
0x7f: {  	v5 =	vmax.f32 v4, v10;
	v4 =	vld.idx.msk [tilespmem:v15+s10+$0x0], $0xffff  }
0x80: {  	v7 =	vmov s30;
	v8 =	vmax.f32 v5, v11;
	v5 =	vld.idx.msk [tilespmem:v6+s10+$0x0], $0xffff  }
0x81: {  	s30 =	sadd.s32 $0x10, s30;
	v6 =	vshll.u32 v7, $0x4;
	v7 =	vmax.f32 v8, v12  }
0x82: {  	v6 =	vor.u32 v0, v6;
	v1 =	vmax.f32 v7, v1  }
0x83: {  	v7 =	vor.u32 $0x1, v6;
	v1 =	vmax.f32 v1, v2  }
0x84: {  	v1 =	vmax.f32 v1, v3  }
0x85: {  	v2 =	vor.u32 $0x2, v6;
	v1 =	vmax.f32 v1, v4  }
0x86: {  	s30 =	sadd.s32 $0x10, s29;
	v3 =	vor.u32 $0x3, v6;
	v1 =	vmax.f32 v1, v5  }
0x87: {  	v4 =	vor.u32 $0x4, v6;
	[tilespmem:s30+$0x0] =	vst v1  }
0x88: {  	v5 =	vor.u32 $0x5, v6;
	v1 =	vld.idx.msk [tilespmem:v7+s10+$0x0], $0xffff  }
0x89: {  	v8 =	vor.u32 $0x6, v6;
	v7 =	vld.idx.msk [tilespmem:v6+s10+$0x0], $0xffff  }
0x8a: {  	v9 =	vor.u32 $0x7, v6;
	v2 =	vld.idx.msk [tilespmem:v2+s10+$0x0], $0xffff  }
0x8b: {  	v10 =	vor.u32 $0x8, v6;
	v3 =	vld.idx.msk [tilespmem:v3+s10+$0x0], $0xffff  }
0x8c: {  	v11 =	vor.u32 $0x9, v6;
	v4 =	vld.idx.msk [tilespmem:v4+s10+$0x0], $0xffff  }
0x8d: {  	v12 =	vor.u32 $0xA, v6;
	v5 =	vld.idx.msk [tilespmem:v5+s10+$0x0], $0xffff  }
0x8e: {  	v13 =	vor.u32 $0xB, v6;
	v8 =	vld.idx.msk [tilespmem:v8+s10+$0x0], $0xffff;
	v1 =	vmax.f32 v7, v1  }
0x8f: {  	v45 =	vor.u32 $0xC, v6;
	v7 =	vld.idx.msk [tilespmem:v9+s10+$0x0], $0xffff;
	v1 =	vmax.f32 v1, v2  }
0x90: {  	v46 =	vor.u32 $0xD, v6;
	v2 =	vld.idx.msk [tilespmem:v10+s10+$0x0], $0xffff;
	v1 =	vmax.f32 v1, v3  }
0x91: {  	v47 =	vor.u32 $0xE, v6;
	v3 =	vld.idx.msk [tilespmem:v11+s10+$0x0], $0xffff;
	v1 =	vmax.f32 v1, v4  }
0x92: {  	v6 =	vor.u32 $0xF, v6;
	v4 =	vld.idx.msk [tilespmem:v12+s10+$0x0], $0xffff;
	v1 =	vmax.f32 v1, v5  }
0x93: {  	v5 =	vld.idx.msk [tilespmem:v13+s10+$0x0], $0xffff;
	v1 =	vmax.f32 v1, v8  }
0x94: {  	v8 =	vld.idx.msk [tilespmem:v45+s10+$0x0], $0xffff;
	v1 =	vmax.f32 v1, v7  }
0x95: {  	v7 =	vld.idx.msk [tilespmem:v46+s10+$0x0], $0xffff;
	v1 =	vmax.f32 v1, v2  }
0x96: {  	v2 =	vld.idx.msk [tilespmem:v47+s10+$0x0], $0xffff;
	v1 =	vmax.f32 v1, v3  }
0x97: {  	v3 =	vld.idx.msk [tilespmem:v6+s10+$0x0], $0xffff;
	v1 =	vmax.f32 v1, v4  }
0x98: {  	p1 =	seq.s32 s26, $0xF;
	v1 =	vmax.f32 v1, v5  }
0x99: {  	s31 =	simm.s32 $0x0;
	s29 =	smul.u32 @!p1 $0x2C0, s26;
	v1 =	vmax.f32 v1, v8  }
0x9a: {  	v4 =	vmov s31;
	v1 =	vmax.f32 v1, v7  }
0x9b: {  	s31 =	sadd.s32 @!p1 s29, s13;
	v1 =	vmax.f32 v1, v2;
	v2 =	vshll.u32 v4, $0x4  }
0x9c: {  	s30 =	sadd.s32 $0x10, s30;
	s31 =	sshll.u32 @!p1 s31, $0x1;
	v1 =	vmax.f32 v1, v3;
	v2 =	vor.u32 v0, v2  }
0x9d: {  	[tilespmem:s30+$0x0] =	vst v1;
	s30 =	sadd.s32 @!p1 s11, s31;
	s31 =	simm.s32 @!p1 $0x0;
	v1 =	vor.u32 $0x1, v2  }
0x9e: {  	[tilespmem:s31], [sflag:$0x1] =	stream.linear.gather @!p1 [hbm4b:s30+s31], $0xB00, $0x38;
	[tilespmem:$0xFB10] =	vst v63  }
0x9f: {  	v3 =	vor.u32 $0x2, v2;
	_ =	swait.ge [sflag:s22], $0xB00  }
0xa0: {  	v4 =	vor.u32 $0x3, v2;
	[sflag:s22] =	ssyncset.done $0x0  }
0xa1: {  	v5 =	vor.u32 $0x4, v2;
	[sflag:s22] =	ssyncadd.s32 $0xFFFFF500  }
0xa2: {  	v6 =	vor.u32 $0x5, v2;
	v1 =	vld.idx.msk [tilespmem:v1+s12+$0x0], $0xffff  }
0xa3: {  	v8 =	vor.u32 $0x6, v2;
	v7 =	vld.idx.msk [tilespmem:v2+s12+$0x0], $0xffff  }
0xa4: {  	v48 =	vor.u32 $0x7, v2;
	v3 =	vld.idx.msk [tilespmem:v3+s12+$0x0], $0xffff  }
0xa5: {  	v49 =	vor.u32 $0x8, v2;
	v4 =	vld.idx.msk [tilespmem:v4+s12+$0x0], $0xffff  }
0xa6: {  	v50 =	vor.u32 $0x9, v2;
	v5 =	vld.idx.msk [tilespmem:v5+s12+$0x0], $0xffff  }
0xa7: {  	v51 =	vor.u32 $0xA, v2;
	v6 =	vld.idx.msk [tilespmem:v6+s12+$0x0], $0xffff  }
0xa8: {  	v52 =	vor.u32 $0xB, v2;
	v8 =	vld.idx.msk [tilespmem:v8+s12+$0x0], $0xffff;
	v1 =	vmax.f32 v7, v1  }
0xa9: {  	v53 =	vor.u32 $0xC, v2;
	v7 =	vld.idx.msk [tilespmem:v48+s12+$0x0], $0xffff;
	v1 =	vmax.f32 v1, v3  }
0xaa: {  	v54 =	vor.u32 $0xD, v2;
	v3 =	vld.idx.msk [tilespmem:v49+s12+$0x0], $0xffff;
	v1 =	vmax.f32 v1, v4  }
0xab: {  	v55 =	vor.u32 $0xE, v2;
	v4 =	vld.idx.msk [tilespmem:v50+s12+$0x0], $0xffff;
	v1 =	vmax.f32 v1, v5  }
0xac: {  	v2 =	vor.u32 $0xF, v2;
	v5 =	vld.idx.msk [tilespmem:v51+s12+$0x0], $0xffff;
	v1 =	vmax.f32 v1, v6  }
0xad: {  	v6 =	vld.idx.msk [tilespmem:v52+s12+$0x0], $0xffff;
	v1 =	vmax.f32 v1, v8  }
0xae: {  	v8 =	vld.idx.msk [tilespmem:v53+s12+$0x0], $0xffff;
	v1 =	vmax.f32 v1, v7  }
0xaf: {  	s30 =	simm.s32 $0x10;
	v7 =	vld.idx.msk [tilespmem:v54+s12+$0x0], $0xffff;
	v1 =	vmax.f32 v1, v3  }
0xb0: {  	v56 =	vmov s30;
	v3 =	vld.idx.msk [tilespmem:v55+s12+$0x0], $0xffff;
	v1 =	vmax.f32 v1, v4  }
0xb1: {  	v2 =	vld.idx.msk [tilespmem:v2+s12+$0x0], $0xffff;
	v4 =	vshll.u32 v56, $0x4;
	v1 =	vmax.f32 v1, v5  }
0xb2: {  	v4 =	vor.u32 v0, v4;
	v1 =	vmax.f32 v1, v6  }
0xb3: {  	v5 =	vor.u32 $0x1, v4;
	v1 =	vmax.f32 v1, v8  }
0xb4: {  	v1 =	vmax.f32 v1, v7  }
0xb5: {  	v6 =	vor.u32 $0x2, v4;
	v1 =	vmax.f32 v1, v3  }
0xb6: {  	v3 =	vor.u32 $0x3, v4;
	v1 =	vmax.f32 v1, v2  }
0xb7: {  	v2 =	vor.u32 $0x4, v4;
	[tilespmem:s18+$0x0] =	vst v1  }
0xb8: {  	v1 =	vld.idx.msk [tilespmem:v5+s12+$0x0], $0xffff;
	v5 =	vor.u32 $0x5, v4  }
0xb9: {  	v8 =	vor.u32 $0x6, v4;
	v7 =	vld.idx.msk [tilespmem:v4+s12+$0x0], $0xffff  }
0xba: {  	v57 =	vor.u32 $0x7, v4;
	v6 =	vld.idx.msk [tilespmem:v6+s12+$0x0], $0xffff  }
0xbb: {  	v58 =	vor.u32 $0x8, v4;
	v3 =	vld.idx.msk [tilespmem:v3+s12+$0x0], $0xffff  }
0xbc: {  	v59 =	vor.u32 $0x9, v4;
	v2 =	vld.idx.msk [tilespmem:v2+s12+$0x0], $0xffff  }
0xbd: {  	v60 =	vor.u32 $0xA, v4;
	v5 =	vld.idx.msk [tilespmem:v5+s12+$0x0], $0xffff  }
0xbe: {  	v61 =	vor.u32 $0xB, v4;
	v8 =	vld.idx.msk [tilespmem:v8+s12+$0x0], $0xffff;
	v1 =	vmax.f32 v7, v1  }
0xbf: {  	v62 =	vor.u32 $0xC, v4;
	v7 =	vld.idx.msk [tilespmem:v57+s12+$0x0], $0xffff;
	v1 =	vmax.f32 v1, v6  }
0xc0: {  	v63 =	vor.u32 $0xD, v4;
	v6 =	vld.idx.msk [tilespmem:v58+s12+$0x0], $0xffff;
	v1 =	vmax.f32 v1, v3  }
0xc1: {  	v14 =	vor.u32 $0xE, v4;
	v11 =	vld.idx.msk [tilespmem:v59+s12+$0x0], $0xffff;
	v1 =	vmax.f32 v1, v2  }
0xc2: {  	v15 =	vor.u32 $0xF, v4;
	v12 =	vld.idx.msk [tilespmem:v60+s12+$0x0], $0xffff;
	v2 =	vmax.f32 v1, v5  }
0xc3: {  	v1 =	vld.idx.msk [tilespmem:v61+s12+$0x0], $0xffff;
	v3 =	vmax.f32 v2, v8  }
0xc4: {  	v2 =	vld.idx.msk [tilespmem:v62+s12+$0x0], $0xffff;
	v4 =	vmax.f32 v3, v7  }
0xc5: {  	s30 =	simm.s32 $0x20;
	v3 =	vld.idx.msk [tilespmem:v63+s12+$0x0], $0xffff;
	v5 =	vmax.f32 v4, v6  }
0xc6: {  	v4 =	vld.idx.msk [tilespmem:v14+s12+$0x0], $0xffff;
	v6 =	vmov s30;
	v7 =	vmax.f32 v5, v11  }
0xc7: {  	s31 =	simm.s32 $0x30;
	s30 =	smov.u32 s18;
	v5 =	vld.idx.msk [tilespmem:v15+s12+$0x0], $0xffff;
	v6 =	vshll.u32 v6, $0x4;
	v7 =	vmax.f32 v7, v12  }
.LBB2_4:
0xc8: {  	p2 =	sne.s32 s31, $0xA0;
	v6 =	vor.u32 v0, v6;
	v1 =	vmax.f32 v7, v1  }
0xc9: {  	v7 =	vor.u32 $0x1, v6;
	v1 =	vmax.f32 v1, v2  }
0xca: {  	v1 =	vmax.f32 v1, v3  }
0xcb: {  	v2 =	vor.u32 $0x2, v6;
	v1 =	vmax.f32 v1, v4  }
0xcc: {  	s30 =	sadd.s32 $0x10, s30;
	v3 =	vor.u32 $0x3, v6;
	v1 =	vmax.f32 v1, v5  }
0xcd: {  	v4 =	vor.u32 $0x4, v6;
	[tilespmem:s30+$0x0] =	vst v1  }
0xce: {  	v5 =	vor.u32 $0x5, v6;
	v1 =	vld.idx.msk [tilespmem:v7+s12+$0x0], $0xffff  }
0xcf: {  	v8 =	vor.u32 $0x6, v6;
	v7 =	vld.idx.msk [tilespmem:v6+s12+$0x0], $0xffff  }
0xd0: {  	v9 =	vor.u32 $0x7, v6;
	v2 =	vld.idx.msk [tilespmem:v2+s12+$0x0], $0xffff  }
0xd1: {  	v10 =	vor.u32 $0x8, v6;
	v3 =	vld.idx.msk [tilespmem:v3+s12+$0x0], $0xffff  }
0xd2: {  	v11 =	vor.u32 $0x9, v6;
	v4 =	vld.idx.msk [tilespmem:v4+s12+$0x0], $0xffff  }
0xd3: {  	v12 =	vor.u32 $0xA, v6;
	v5 =	vld.idx.msk [tilespmem:v5+s12+$0x0], $0xffff  }
0xd4: {  	v13 =	vor.u32 $0xB, v6;
	v8 =	vld.idx.msk [tilespmem:v8+s12+$0x0], $0xffff  }
0xd5: {  	v1 =	vmax.f32 v7, v1;
	v7 =	vld.idx.msk [tilespmem:v9+s12+$0x0], $0xffff;
	v9 =	vor.u32 $0xC, v6  }
0xd6: {  	v14 =	vor.u32 $0xD, v6;
	v1 =	vmax.f32 v1, v2;
	v10 =	vld.idx.msk [tilespmem:v10+s12+$0x0], $0xffff  }
0xd7: {  	v15 =	vor.u32 $0xE, v6;
	v1 =	vmax.f32 v1, v3;
	v11 =	vld.idx.msk [tilespmem:v11+s12+$0x0], $0xffff  }
0xd8: {  	v6 =	vor.u32 $0xF, v6;
	v1 =	vmax.f32 v1, v4;
	v12 =	vld.idx.msk [tilespmem:v12+s12+$0x0], $0xffff  }
0xd9: {  	v2 =	vmax.f32 v1, v5;
	v1 =	vld.idx.msk [tilespmem:v13+s12+$0x0], $0xffff  }
.Ltmp3:
0xda: {  	v3 =	vmax.f32 v2, v8;
	v2 =	vld.idx.msk [tilespmem:v9+s12+$0x0], $0xffff;
	(pc) =	sbr.rel @p2 .LBB2_4-.Ltmp3, $4  }
0xdb: {  	v4 =	vmax.f32 v3, v7;
	v3 =	vld.idx.msk [tilespmem:v14+s12+$0x0], $0xffff  }
0xdc: {  	v5 =	vmax.f32 v4, v10;
	v4 =	vld.idx.msk [tilespmem:v15+s12+$0x0], $0xffff  }
0xdd: {  	v7 =	vmov s31;
	v8 =	vmax.f32 v5, v11;
	v5 =	vld.idx.msk [tilespmem:v6+s12+$0x0], $0xffff  }
0xde: {  	s31 =	sadd.s32 $0x10, s31;
	v6 =	vshll.u32 v7, $0x4;
	v7 =	vmax.f32 v8, v12  }
0xdf: {  	v6 =	vor.u32 v0, v6;
	v1 =	vmax.f32 v7, v1  }
0xe0: {  	v52 =	vor.u32 $0x1, v6;
	v1 =	vmax.f32 v1, v2  }
0xe1: {  	v1 =	vmax.f32 v1, v3  }
0xe2: {  	v2 =	vor.u32 $0x2, v6;
	v1 =	vmax.f32 v1, v4  }
0xe3: {  	s30 =	sadd.s32 $0x10, s30;
	v3 =	vor.u32 $0x3, v6;
	v1 =	vmax.f32 v1, v5  }
0xe4: {  	v53 =	vor.u32 $0x4, v6;
	[tilespmem:s30+$0x0] =	vst v1  }
0xe5: {  	v54 =	vor.u32 $0x5, v6;
	v1 =	vld.idx.msk [tilespmem:v52+s12+$0x0], $0xffff  }
0xe6: {  	v8 =	vor.u32 $0x6, v6;
	v55 =	vld.idx.msk [tilespmem:v6+s12+$0x0], $0xffff  }
0xe7: {  	v9 =	vor.u32 $0x7, v6;
	v2 =	vld.idx.msk [tilespmem:v2+s12+$0x0], $0xffff  }
0xe8: {  	v10 =	vor.u32 $0x8, v6;
	v3 =	vld.idx.msk [tilespmem:v3+s12+$0x0], $0xffff  }
0xe9: {  	v11 =	vor.u32 $0x9, v6;
	v4 =	vld.idx.msk [tilespmem:v53+s12+$0x0], $0xffff  }
0xea: {  	v12 =	vor.u32 $0xA, v6;
	v5 =	vld.idx.msk [tilespmem:v54+s12+$0x0], $0xffff  }
0xeb: {  	v13 =	vor.u32 $0xB, v6;
	v8 =	vld.idx.msk [tilespmem:v8+s12+$0x0], $0xffff;
	v1 =	vmax.f32 v55, v1  }
0xec: {  	v57 =	vor.u32 $0xC, v6;
	v56 =	vld.idx.msk [tilespmem:v9+s12+$0x0], $0xffff;
	v1 =	vmax.f32 v1, v2  }
0xed: {  	v58 =	vor.u32 $0xD, v6;
	v2 =	vld.idx.msk [tilespmem:v10+s12+$0x0], $0xffff;
	v1 =	vmax.f32 v1, v3  }
0xee: {  	v59 =	vor.u32 $0xE, v6;
	v3 =	vld.idx.msk [tilespmem:v11+s12+$0x0], $0xffff;
	v1 =	vmax.f32 v1, v4  }
0xef: {  	v60 =	vld.idx.msk [tilespmem:v12+s12+$0x0], $0xffff;
	v6 =	vor.u32 $0xF, v6;
	v1 =	vmax.f32 v1, v5  }
0xf0: {  	v61 =	vld.idx.msk [tilespmem:v13+s12+$0x0], $0xffff;
	v1 =	vmax.f32 v1, v8  }
0xf1: {  	v62 =	vld.idx.msk [tilespmem:v57+s12+$0x0], $0xffff;
	v1 =	vmax.f32 v1, v56  }
0xf2: {  	v63 =	vld.idx.msk [tilespmem:v58+s12+$0x0], $0xffff;
	v1 =	vmax.f32 v1, v2  }
0xf3: {  	v2 =	vld.idx.msk [tilespmem:v59+s12+$0x0], $0xffff;
	v1 =	vmax.f32 v1, v3  }
0xf4: {  	v3 =	vld.idx.msk [tilespmem:v6+s12+$0x0], $0xffff;
	v1 =	vmax.f32 v1, v60  }
0xf5: {  	v1 =	vmax.f32 v1, v61  }
0xf6: {  	v1 =	vmax.f32 v1, v62  }
0xf7: {  	v1 =	vmax.f32 v1, v63  }
0xf8: {  	s29 =	sadd.s32 @!p1 s29, s15;
	v1 =	vmax.f32 v1, v2  }
0xf9: {  	s28 =	sor.u32 $0x2, s28;
	s29 =	sshll.u32 @!p1 s29, $0x1;
	s30 =	sadd.s32 $0x10, s30;
	v1 =	vmax.f32 v1, v3  }
0xfa: {  	s31 =	simm.s32 @!p1 $0xB00;
	s29 =	sadd.s32 @!p1 s11, s29;
	[tilespmem:s30+$0x0] =	vst v1;
	s30 =	simm.s32 @!p1 $0x0  }
0xfb: {  	[tilespmem:s31], [sflag:$0x2] =	stream.linear.gather @!p1 [hbm4b:s29+s30], $0xB00, $0x38;
	[tilespmem:$0xFB10] =	vst v63  }
0xfc: {  	p1 =	sgt.u32 s28, $0x3D  }
.Ltmp4:
0xfd: {  	_ = 	snop;
	(pc) =	sbr.rel @p1 .LBB2_9-.Ltmp4, $1  }
0xfe: {  	_ =	sdelay $0x3  }
0xff: {  	s28 =	simm.s32 $0x0  }
0x100: {  	v1 =	vmov s28  }
0x101: {  	v1 =	vshll.u32 v1, $0x4  }
0x102: {  	v1 =	vor.u32 v0, v1  }
0x103: {  	v2 =	vor.u32 $0x1, v1  }
0x104: {  	_ =	swait.ge [sflag:s23], $0xB00;
	v3 =	vor.u32 $0x2, v1  }
0x105: {  	[sflag:s23] =	ssyncset.done $0x0;
	v4 =	vor.u32 $0x3, v1  }
0x106: {  	[sflag:s23] =	ssyncadd.s32 $0xFFFFF500;
	v5 =	vor.u32 $0x4, v1  }
0x107: {  	v6 =	vor.u32 $0x5, v1;
	v7 =	vld.idx.msk [tilespmem:v1+s14+$0x0], $0xffff  }
0x108: {  	v8 =	vor.u32 $0x6, v1;
	v2 =	vld.idx.msk [tilespmem:v2+s14+$0x0], $0xffff  }
0x109: {  	v9 =	vor.u32 $0x7, v1;
	v3 =	vld.idx.msk [tilespmem:v3+s14+$0x0], $0xffff  }
0x10a: {  	v10 =	vor.u32 $0x8, v1;
	v4 =	vld.idx.msk [tilespmem:v4+s14+$0x0], $0xffff  }
0x10b: {  	v11 =	vor.u32 $0x9, v1;
	v5 =	vld.idx.msk [tilespmem:v5+s14+$0x0], $0xffff  }
0x10c: {  	v12 =	vor.u32 $0xA, v1;
	v6 =	vld.idx.msk [tilespmem:v6+s14+$0x0], $0xffff  }
0x10d: {  	v13 =	vor.u32 $0xB, v1;
	v8 =	vld.idx.msk [tilespmem:v8+s14+$0x0], $0xffff;
	v2 =	vmax.f32 v7, v2  }
0x10e: {  	v53 =	vor.u32 $0xC, v1;
	v7 =	vld.idx.msk [tilespmem:v9+s14+$0x0], $0xffff;
	v2 =	vmax.f32 v2, v3  }
0x10f: {  	v54 =	vor.u32 $0xD, v1;
	v3 =	vld.idx.msk [tilespmem:v10+s14+$0x0], $0xffff;
	v2 =	vmax.f32 v2, v4  }
0x110: {  	v55 =	vor.u32 $0xE, v1;
	v4 =	vld.idx.msk [tilespmem:v11+s14+$0x0], $0xffff;
	v2 =	vmax.f32 v2, v5  }
0x111: {  	v1 =	vor.u32 $0xF, v1;
	v5 =	vld.idx.msk [tilespmem:v12+s14+$0x0], $0xffff;
	v2 =	vmax.f32 v2, v6  }
0x112: {  	v6 =	vld.idx.msk [tilespmem:v13+s14+$0x0], $0xffff;
	v2 =	vmax.f32 v2, v8  }
0x113: {  	v8 =	vld.idx.msk [tilespmem:v53+s14+$0x0], $0xffff;
	v2 =	vmax.f32 v2, v7  }
0x114: {  	s28 =	simm.s32 $0x10;
	v7 =	vld.idx.msk [tilespmem:v54+s14+$0x0], $0xffff;
	v2 =	vmax.f32 v2, v3  }
0x115: {  	v56 =	vmov s28;
	v3 =	vld.idx.msk [tilespmem:v55+s14+$0x0], $0xffff;
	v2 =	vmax.f32 v2, v4  }
0x116: {  	v1 =	vld.idx.msk [tilespmem:v1+s14+$0x0], $0xffff;
	v4 =	vshll.u32 v56, $0x4;
	v2 =	vmax.f32 v2, v5  }
0x117: {  	v4 =	vor.u32 v0, v4;
	v2 =	vmax.f32 v2, v6  }
0x118: {  	v5 =	vor.u32 $0x1, v4;
	v2 =	vmax.f32 v2, v8  }
0x119: {  	v2 =	vmax.f32 v2, v7  }
0x11a: {  	v6 =	vor.u32 $0x2, v4;
	v2 =	vmax.f32 v2, v3  }
0x11b: {  	v3 =	vor.u32 $0x3, v4;
	v1 =	vmax.f32 v2, v1  }
0x11c: {  	v2 =	vor.u32 $0x4, v4;
	[tilespmem:s19+$0x0] =	vst v1  }
0x11d: {  	v1 =	vld.idx.msk [tilespmem:v5+s14+$0x0], $0xffff;
	v5 =	vor.u32 $0x5, v4  }
0x11e: {  	v8 =	vor.u32 $0x6, v4;
	v7 =	vld.idx.msk [tilespmem:v4+s14+$0x0], $0xffff  }
0x11f: {  	v57 =	vor.u32 $0x7, v4;
	v6 =	vld.idx.msk [tilespmem:v6+s14+$0x0], $0xffff  }
0x120: {  	v58 =	vor.u32 $0x8, v4;
	v3 =	vld.idx.msk [tilespmem:v3+s14+$0x0], $0xffff  }
0x121: {  	v59 =	vor.u32 $0x9, v4;
	v2 =	vld.idx.msk [tilespmem:v2+s14+$0x0], $0xffff  }
0x122: {  	v60 =	vor.u32 $0xA, v4;
	v5 =	vld.idx.msk [tilespmem:v5+s14+$0x0], $0xffff  }
0x123: {  	v61 =	vor.u32 $0xB, v4;
	v8 =	vld.idx.msk [tilespmem:v8+s14+$0x0], $0xffff;
	v1 =	vmax.f32 v7, v1  }
0x124: {  	v62 =	vor.u32 $0xC, v4;
	v7 =	vld.idx.msk [tilespmem:v57+s14+$0x0], $0xffff;
	v1 =	vmax.f32 v1, v6  }
0x125: {  	v63 =	vor.u32 $0xD, v4;
	v6 =	vld.idx.msk [tilespmem:v58+s14+$0x0], $0xffff;
	v1 =	vmax.f32 v1, v3  }
0x126: {  	v14 =	vor.u32 $0xE, v4;
	v11 =	vld.idx.msk [tilespmem:v59+s14+$0x0], $0xffff;
	v1 =	vmax.f32 v1, v2  }
0x127: {  	v15 =	vor.u32 $0xF, v4;
	v12 =	vld.idx.msk [tilespmem:v60+s14+$0x0], $0xffff;
	v2 =	vmax.f32 v1, v5  }
0x128: {  	v1 =	vld.idx.msk [tilespmem:v61+s14+$0x0], $0xffff;
	v3 =	vmax.f32 v2, v8  }
0x129: {  	v2 =	vld.idx.msk [tilespmem:v62+s14+$0x0], $0xffff;
	v4 =	vmax.f32 v3, v7  }
0x12a: {  	s28 =	simm.s32 $0x20;
	v3 =	vld.idx.msk [tilespmem:v63+s14+$0x0], $0xffff;
	v5 =	vmax.f32 v4, v6  }
0x12b: {  	v4 =	vld.idx.msk [tilespmem:v14+s14+$0x0], $0xffff;
	v6 =	vmov s28;
	v7 =	vmax.f32 v5, v11  }
0x12c: {  	s29 =	simm.s32 $0x30;
	s28 =	smov.u32 s19;
	v5 =	vld.idx.msk [tilespmem:v15+s14+$0x0], $0xffff;
	v6 =	vshll.u32 v6, $0x4;
	v7 =	vmax.f32 v7, v12  }
.LBB2_7:
0x12d: {  	p1 =	sne.s32 s29, $0xA0;
	v6 =	vor.u32 v0, v6;
	v1 =	vmax.f32 v7, v1  }
0x12e: {  	v7 =	vor.u32 $0x1, v6;
	v1 =	vmax.f32 v1, v2  }
0x12f: {  	v1 =	vmax.f32 v1, v3  }
0x130: {  	v2 =	vor.u32 $0x2, v6;
	v1 =	vmax.f32 v1, v4  }
0x131: {  	s28 =	sadd.s32 $0x10, s28;
	v3 =	vor.u32 $0x3, v6;
	v1 =	vmax.f32 v1, v5  }
0x132: {  	v4 =	vor.u32 $0x4, v6;
	[tilespmem:s28+$0x0] =	vst v1  }
0x133: {  	v5 =	vor.u32 $0x5, v6;
	v1 =	vld.idx.msk [tilespmem:v7+s14+$0x0], $0xffff  }
0x134: {  	v8 =	vor.u32 $0x6, v6;
	v7 =	vld.idx.msk [tilespmem:v6+s14+$0x0], $0xffff  }
0x135: {  	v9 =	vor.u32 $0x7, v6;
	v2 =	vld.idx.msk [tilespmem:v2+s14+$0x0], $0xffff  }
0x136: {  	v10 =	vor.u32 $0x8, v6;
	v3 =	vld.idx.msk [tilespmem:v3+s14+$0x0], $0xffff  }
0x137: {  	v11 =	vor.u32 $0x9, v6;
	v4 =	vld.idx.msk [tilespmem:v4+s14+$0x0], $0xffff  }
0x138: {  	v12 =	vor.u32 $0xA, v6;
	v5 =	vld.idx.msk [tilespmem:v5+s14+$0x0], $0xffff  }
0x139: {  	v13 =	vor.u32 $0xB, v6;
	v8 =	vld.idx.msk [tilespmem:v8+s14+$0x0], $0xffff  }
0x13a: {  	v1 =	vmax.f32 v7, v1;
	v7 =	vld.idx.msk [tilespmem:v9+s14+$0x0], $0xffff;
	v9 =	vor.u32 $0xC, v6  }
0x13b: {  	v14 =	vor.u32 $0xD, v6;
	v1 =	vmax.f32 v1, v2;
	v10 =	vld.idx.msk [tilespmem:v10+s14+$0x0], $0xffff  }
0x13c: {  	v15 =	vor.u32 $0xE, v6;
	v1 =	vmax.f32 v1, v3;
	v11 =	vld.idx.msk [tilespmem:v11+s14+$0x0], $0xffff  }
0x13d: {  	v6 =	vor.u32 $0xF, v6;
	v1 =	vmax.f32 v1, v4;
	v12 =	vld.idx.msk [tilespmem:v12+s14+$0x0], $0xffff  }
0x13e: {  	v2 =	vmax.f32 v1, v5;
	v1 =	vld.idx.msk [tilespmem:v13+s14+$0x0], $0xffff  }
.Ltmp5:
0x13f: {  	v3 =	vmax.f32 v2, v8;
	v2 =	vld.idx.msk [tilespmem:v9+s14+$0x0], $0xffff;
	(pc) =	sbr.rel @p1 .LBB2_7-.Ltmp5, $4  }
0x140: {  	v4 =	vmax.f32 v3, v7;
	v3 =	vld.idx.msk [tilespmem:v14+s14+$0x0], $0xffff  }
0x141: {  	v5 =	vmax.f32 v4, v10;
	v4 =	vld.idx.msk [tilespmem:v15+s14+$0x0], $0xffff  }
0x142: {  	v7 =	vmov s29;
	v8 =	vmax.f32 v5, v11;
	v5 =	vld.idx.msk [tilespmem:v6+s14+$0x0], $0xffff  }
0x143: {  	s29 =	sadd.s32 $0x10, s29;
	v6 =	vshll.u32 v7, $0x4;
	v7 =	vmax.f32 v8, v12  }
0x144: {  	v6 =	vor.u32 v0, v6;
	v1 =	vmax.f32 v7, v1  }
0x145: {  	v52 =	vor.u32 $0x1, v6;
	v1 =	vmax.f32 v1, v2  }
0x146: {  	v1 =	vmax.f32 v1, v3  }
0x147: {  	v2 =	vor.u32 $0x2, v6;
	v1 =	vmax.f32 v1, v4  }
0x148: {  	s28 =	sadd.s32 $0x10, s28;
	v3 =	vor.u32 $0x3, v6;
	v1 =	vmax.f32 v1, v5  }
0x149: {  	v53 =	vor.u32 $0x4, v6;
	[tilespmem:s28+$0x0] =	vst v1  }
0x14a: {  	v54 =	vor.u32 $0x5, v6;
	v1 =	vld.idx.msk [tilespmem:v52+s14+$0x0], $0xffff  }
0x14b: {  	v8 =	vor.u32 $0x6, v6;
	v55 =	vld.idx.msk [tilespmem:v6+s14+$0x0], $0xffff  }
0x14c: {  	v9 =	vor.u32 $0x7, v6;
	v2 =	vld.idx.msk [tilespmem:v2+s14+$0x0], $0xffff  }
0x14d: {  	v10 =	vor.u32 $0x8, v6;
	v3 =	vld.idx.msk [tilespmem:v3+s14+$0x0], $0xffff  }
0x14e: {  	v11 =	vor.u32 $0x9, v6;
	v4 =	vld.idx.msk [tilespmem:v53+s14+$0x0], $0xffff  }
0x14f: {  	v12 =	vor.u32 $0xA, v6;
	v5 =	vld.idx.msk [tilespmem:v54+s14+$0x0], $0xffff  }
0x150: {  	v13 =	vor.u32 $0xB, v6;
	v8 =	vld.idx.msk [tilespmem:v8+s14+$0x0], $0xffff;
	v1 =	vmax.f32 v55, v1  }
0x151: {  	v57 =	vor.u32 $0xC, v6;
	v56 =	vld.idx.msk [tilespmem:v9+s14+$0x0], $0xffff;
	v1 =	vmax.f32 v1, v2  }
0x152: {  	v58 =	vor.u32 $0xD, v6;
	v2 =	vld.idx.msk [tilespmem:v10+s14+$0x0], $0xffff;
	v1 =	vmax.f32 v1, v3  }
0x153: {  	v59 =	vor.u32 $0xE, v6;
	v3 =	vld.idx.msk [tilespmem:v11+s14+$0x0], $0xffff;
	v1 =	vmax.f32 v1, v4  }
0x154: {  	v60 =	vld.idx.msk [tilespmem:v12+s14+$0x0], $0xffff;
	v6 =	vor.u32 $0xF, v6;
	v1 =	vmax.f32 v1, v5  }
0x155: {  	v61 =	vld.idx.msk [tilespmem:v13+s14+$0x0], $0xffff;
	v1 =	vmax.f32 v1, v8  }
0x156: {  	v62 =	vld.idx.msk [tilespmem:v57+s14+$0x0], $0xffff;
	v1 =	vmax.f32 v1, v56  }
0x157: {  	v63 =	vld.idx.msk [tilespmem:v58+s14+$0x0], $0xffff;
	v1 =	vmax.f32 v1, v2  }
0x158: {  	v2 =	vld.idx.msk [tilespmem:v59+s14+$0x0], $0xffff;
	v1 =	vmax.f32 v1, v3  }
0x159: {  	v3 =	vld.idx.msk [tilespmem:v6+s14+$0x0], $0xffff;
	v1 =	vmax.f32 v1, v60  }
0x15a: {  	v1 =	vmax.f32 v1, v61  }
0x15b: {  	v1 =	vmax.f32 v1, v62  }
0x15c: {  	v1 =	vmax.f32 v1, v63  }
0x15d: {  	v1 =	vmax.f32 v1, v2  }
0x15e: {  	s28 =	sadd.s32 $0x10, s28;
	v1 =	vmax.f32 v1, v3  }
0x15f: {  	[tilespmem:s28+$0x0] =	vst v1  }
.LBB2_9:
0x160: {  	p1 =	sgt.u32 s26, $0xD  }
0x161: {  	s28 =	smul.u32 @!p1 $0x2C0, s26  }
.Ltmp6:
0x162: {  	_ = 	snop;
	(pc) =	sbr.rel @p0 .LBB2_13-.Ltmp6, $4  }
0x163: {  	s28 =	sadd.s32 @!p1 s28, s16  }
0x164: {  	s28 =	sshll.u32 @!p1 s28, $0x1  }
0x165: {  	s29 =	simm.s32 @!p1 $0x0;
	s30 =	simm.s32 @!p1 $0x1600;
	s28 =	sadd.s32 @!p1 s11, s28  }
0x166: {  	[tilespmem:s30], [sflag:$0x3] =	stream.linear.gather @!p1 [hbm4b:s28+s29], $0xB00, $0x38;
	[tilespmem:$0xFB10] =	vst v63  }
0x167: {  	s28 =	simm.s32 $0x0  }
0x168: {  	v1 =	vmov s28  }
0x169: {  	v1 =	vshll.u32 v1, $0x4  }
0x16a: {  	v1 =	vor.u32 v0, v1  }
0x16b: {  	v2 =	vor.u32 $0x1, v1  }
0x16c: {  	_ =	swait.ge [sflag:s24], $0xB00;
	v3 =	vor.u32 $0x2, v1  }
0x16d: {  	[sflag:s24] =	ssyncset.done $0x0;
	v4 =	vor.u32 $0x3, v1  }
0x16e: {  	[sflag:s24] =	ssyncadd.s32 $0xFFFFF500;
	v5 =	vor.u32 $0x4, v1  }
0x16f: {  	v6 =	vor.u32 $0x5, v1;
	v7 =	vld.idx.msk [tilespmem:v1+s25+$0x0], $0xffff  }
0x170: {  	v8 =	vor.u32 $0x6, v1;
	v2 =	vld.idx.msk [tilespmem:v2+s25+$0x0], $0xffff  }
0x171: {  	v9 =	vor.u32 $0x7, v1;
	v3 =	vld.idx.msk [tilespmem:v3+s25+$0x0], $0xffff  }
0x172: {  	v10 =	vor.u32 $0x8, v1;
	v4 =	vld.idx.msk [tilespmem:v4+s25+$0x0], $0xffff  }
0x173: {  	v11 =	vor.u32 $0x9, v1;
	v5 =	vld.idx.msk [tilespmem:v5+s25+$0x0], $0xffff  }
0x174: {  	v12 =	vor.u32 $0xA, v1;
	v6 =	vld.idx.msk [tilespmem:v6+s25+$0x0], $0xffff  }
0x175: {  	v13 =	vor.u32 $0xB, v1;
	v8 =	vld.idx.msk [tilespmem:v8+s25+$0x0], $0xffff;
	v2 =	vmax.f32 v7, v2  }
0x176: {  	v53 =	vor.u32 $0xC, v1;
	v7 =	vld.idx.msk [tilespmem:v9+s25+$0x0], $0xffff;
	v2 =	vmax.f32 v2, v3  }
0x177: {  	v54 =	vor.u32 $0xD, v1;
	v3 =	vld.idx.msk [tilespmem:v10+s25+$0x0], $0xffff;
	v2 =	vmax.f32 v2, v4  }
0x178: {  	v55 =	vor.u32 $0xE, v1;
	v4 =	vld.idx.msk [tilespmem:v11+s25+$0x0], $0xffff;
	v2 =	vmax.f32 v2, v5  }
0x179: {  	v1 =	vor.u32 $0xF, v1;
	v5 =	vld.idx.msk [tilespmem:v12+s25+$0x0], $0xffff;
	v2 =	vmax.f32 v2, v6  }
0x17a: {  	v6 =	vld.idx.msk [tilespmem:v13+s25+$0x0], $0xffff;
	v2 =	vmax.f32 v2, v8  }
0x17b: {  	v8 =	vld.idx.msk [tilespmem:v53+s25+$0x0], $0xffff;
	v2 =	vmax.f32 v2, v7  }
0x17c: {  	s28 =	simm.s32 $0x10;
	v7 =	vld.idx.msk [tilespmem:v54+s25+$0x0], $0xffff;
	v2 =	vmax.f32 v2, v3  }
0x17d: {  	v56 =	vmov s28;
	v3 =	vld.idx.msk [tilespmem:v55+s25+$0x0], $0xffff;
	v2 =	vmax.f32 v2, v4  }
0x17e: {  	v1 =	vld.idx.msk [tilespmem:v1+s25+$0x0], $0xffff;
	v4 =	vshll.u32 v56, $0x4;
	v2 =	vmax.f32 v2, v5  }
0x17f: {  	v4 =	vor.u32 v0, v4;
	v2 =	vmax.f32 v2, v6  }
0x180: {  	v5 =	vor.u32 $0x1, v4;
	v2 =	vmax.f32 v2, v8  }
0x181: {  	v2 =	vmax.f32 v2, v7  }
0x182: {  	v6 =	vor.u32 $0x2, v4;
	v2 =	vmax.f32 v2, v3  }
0x183: {  	v3 =	vor.u32 $0x3, v4;
	v1 =	vmax.f32 v2, v1  }
0x184: {  	v2 =	vor.u32 $0x4, v4;
	[tilespmem:s20+$0x0] =	vst v1  }
0x185: {  	v1 =	vld.idx.msk [tilespmem:v5+s25+$0x0], $0xffff;
	v5 =	vor.u32 $0x5, v4  }
0x186: {  	v8 =	vor.u32 $0x6, v4;
	v7 =	vld.idx.msk [tilespmem:v4+s25+$0x0], $0xffff  }
0x187: {  	v57 =	vor.u32 $0x7, v4;
	v6 =	vld.idx.msk [tilespmem:v6+s25+$0x0], $0xffff  }
0x188: {  	v58 =	vor.u32 $0x8, v4;
	v3 =	vld.idx.msk [tilespmem:v3+s25+$0x0], $0xffff  }
0x189: {  	v59 =	vor.u32 $0x9, v4;
	v2 =	vld.idx.msk [tilespmem:v2+s25+$0x0], $0xffff  }
0x18a: {  	v60 =	vor.u32 $0xA, v4;
	v5 =	vld.idx.msk [tilespmem:v5+s25+$0x0], $0xffff  }
0x18b: {  	v61 =	vor.u32 $0xB, v4;
	v8 =	vld.idx.msk [tilespmem:v8+s25+$0x0], $0xffff;
	v1 =	vmax.f32 v7, v1  }
0x18c: {  	v62 =	vor.u32 $0xC, v4;
	v7 =	vld.idx.msk [tilespmem:v57+s25+$0x0], $0xffff;
	v1 =	vmax.f32 v1, v6  }
0x18d: {  	v63 =	vor.u32 $0xD, v4;
	v6 =	vld.idx.msk [tilespmem:v58+s25+$0x0], $0xffff;
	v1 =	vmax.f32 v1, v3  }
0x18e: {  	v14 =	vor.u32 $0xE, v4;
	v11 =	vld.idx.msk [tilespmem:v59+s25+$0x0], $0xffff;
	v1 =	vmax.f32 v1, v2  }
0x18f: {  	v15 =	vor.u32 $0xF, v4;
	v12 =	vld.idx.msk [tilespmem:v60+s25+$0x0], $0xffff;
	v2 =	vmax.f32 v1, v5  }
0x190: {  	v1 =	vld.idx.msk [tilespmem:v61+s25+$0x0], $0xffff;
	v3 =	vmax.f32 v2, v8  }
0x191: {  	v2 =	vld.idx.msk [tilespmem:v62+s25+$0x0], $0xffff;
	v4 =	vmax.f32 v3, v7  }
0x192: {  	s28 =	simm.s32 $0x20;
	v3 =	vld.idx.msk [tilespmem:v63+s25+$0x0], $0xffff;
	v5 =	vmax.f32 v4, v6  }
0x193: {  	v4 =	vld.idx.msk [tilespmem:v14+s25+$0x0], $0xffff;
	v6 =	vmov s28;
	v7 =	vmax.f32 v5, v11  }
0x194: {  	s29 =	simm.s32 $0x30;
	s28 =	smov.u32 s20;
	v5 =	vld.idx.msk [tilespmem:v15+s25+$0x0], $0xffff;
	v6 =	vshll.u32 v6, $0x4;
	v7 =	vmax.f32 v7, v12  }
.LBB2_11:
0x195: {  	p0 =	sne.s32 s29, $0xA0;
	v6 =	vor.u32 v0, v6;
	v1 =	vmax.f32 v7, v1  }
0x196: {  	v7 =	vor.u32 $0x1, v6;
	v1 =	vmax.f32 v1, v2  }
0x197: {  	v1 =	vmax.f32 v1, v3  }
0x198: {  	v2 =	vor.u32 $0x2, v6;
	v1 =	vmax.f32 v1, v4  }
0x199: {  	s28 =	sadd.s32 $0x10, s28;
	v3 =	vor.u32 $0x3, v6;
	v1 =	vmax.f32 v1, v5  }
0x19a: {  	v4 =	vor.u32 $0x4, v6;
	[tilespmem:s28+$0x0] =	vst v1  }
0x19b: {  	v5 =	vor.u32 $0x5, v6;
	v1 =	vld.idx.msk [tilespmem:v7+s25+$0x0], $0xffff  }
0x19c: {  	v8 =	vor.u32 $0x6, v6;
	v7 =	vld.idx.msk [tilespmem:v6+s25+$0x0], $0xffff  }
0x19d: {  	v9 =	vor.u32 $0x7, v6;
	v2 =	vld.idx.msk [tilespmem:v2+s25+$0x0], $0xffff  }
0x19e: {  	v10 =	vor.u32 $0x8, v6;
	v3 =	vld.idx.msk [tilespmem:v3+s25+$0x0], $0xffff  }
0x19f: {  	v11 =	vor.u32 $0x9, v6;
	v4 =	vld.idx.msk [tilespmem:v4+s25+$0x0], $0xffff  }
0x1a0: {  	v12 =	vor.u32 $0xA, v6;
	v5 =	vld.idx.msk [tilespmem:v5+s25+$0x0], $0xffff  }
0x1a1: {  	v13 =	vor.u32 $0xB, v6;
	v8 =	vld.idx.msk [tilespmem:v8+s25+$0x0], $0xffff  }
0x1a2: {  	v1 =	vmax.f32 v7, v1;
	v7 =	vld.idx.msk [tilespmem:v9+s25+$0x0], $0xffff;
	v9 =	vor.u32 $0xC, v6  }
0x1a3: {  	v14 =	vor.u32 $0xD, v6;
	v1 =	vmax.f32 v1, v2;
	v10 =	vld.idx.msk [tilespmem:v10+s25+$0x0], $0xffff  }
0x1a4: {  	v15 =	vor.u32 $0xE, v6;
	v1 =	vmax.f32 v1, v3;
	v11 =	vld.idx.msk [tilespmem:v11+s25+$0x0], $0xffff  }
0x1a5: {  	v6 =	vor.u32 $0xF, v6;
	v1 =	vmax.f32 v1, v4;
	v12 =	vld.idx.msk [tilespmem:v12+s25+$0x0], $0xffff  }
0x1a6: {  	v2 =	vmax.f32 v1, v5;
	v1 =	vld.idx.msk [tilespmem:v13+s25+$0x0], $0xffff  }
.Ltmp7:
0x1a7: {  	v3 =	vmax.f32 v2, v8;
	v2 =	vld.idx.msk [tilespmem:v9+s25+$0x0], $0xffff;
	(pc) =	sbr.rel @p0 .LBB2_11-.Ltmp7, $4  }
0x1a8: {  	v4 =	vmax.f32 v3, v7;
	v3 =	vld.idx.msk [tilespmem:v14+s25+$0x0], $0xffff  }
0x1a9: {  	v5 =	vmax.f32 v4, v10;
	v4 =	vld.idx.msk [tilespmem:v15+s25+$0x0], $0xffff  }
0x1aa: {  	v7 =	vmov s29;
	v8 =	vmax.f32 v5, v11;
	v5 =	vld.idx.msk [tilespmem:v6+s25+$0x0], $0xffff  }
0x1ab: {  	s29 =	sadd.s32 $0x10, s29;
	v6 =	vshll.u32 v7, $0x4;
	v7 =	vmax.f32 v8, v12  }
.Ltmp8:
0x1ac: {  	_ = 	snop;
	(pc) =	sbr.rel .LBB2_12-.Ltmp8, $1  }
0x1ad: {  	_ =	sdelay $0x3  }
.LBB2_14:
0x1ae: {  	s9 =	simm.s32 $0x0  }
0x1af: {  	v0 =	vld [tilespmem:s9+$0x8200];
	_ =	sdelay $0x4  }
0x1b0: {  	v1 =	vld [tilespmem:s9+$0x8210];
	v0 =	vsub.f32 $0.0e+00, v0  }
0x1b1: {  	v2 =	vld [tilespmem:s9+$0x2C00]  }
0x1b2: {  	v3 =	vld [tilespmem:s9+$0x2C10];
	v0 =	vmul.f32 $1.442695020e+00, v0;
	_ =	sdelay $0x1  }
0x1b3: {  	(erf) = vpow2.f32 v0  }
0x1b4: {  	v0 =	vsub.f32 $0.0e+00, v1  }
0x1b5: {  	v1 =	vsub.f32 $0.0e+00, v2  }
0x1b6: {  	v2 =	vsub.f32 $0.0e+00, v3;
	v0 =	vmul.f32 $1.442695020e+00, v0  }
0x1b7: {  	v1 =	vmul.f32 $1.442695020e+00, v1  }
0x1b8: {  	v2 =	vmul.f32 $1.442695020e+00, v2;
	(erf) = vpow2.f32 v0  }
0x1b9: {  	(erf) = vpow2.f32 v1  }
0x1ba: {  	(erf) = vpow2.f32 v2;
	_ =	sdelay $0x1  }
0x1bb: {  	v0 =	vpop (erf)  }
0x1bc: {  	v0 =	vadd.f32 $1.000000000e+00, v0;
	_ =	sdelay $0x3  }
0x1bd: {  	(erf) = vrcp.f32 v0;
	v0 =	vpop (erf)  }
0x1be: {  	v0 =	vadd.f32 $1.000000000e+00, v0;
	v1 =	vpop (erf)  }
0x1bf: {  	v1 =	vadd.f32 $1.000000000e+00, v1;
	v2 =	vpop (erf)  }
0x1c0: {  	v2 =	vadd.f32 $1.000000000e+00, v2;
	(erf) = vrcp.f32 v0  }
0x1c1: {  	(erf) = vrcp.f32 v1  }
0x1c2: {  	(erf) = vrcp.f32 v2;
	_ =	sdelay $0x5  }
0x1c3: {  	s10 =	simm.s32 $0x80;
	s11 =	simm.s32 $0x100;
	v0 =	vpop (erf)  }
.LBB2_15:
0x1c4: {  	p0 =	sne.s32 s11, $0xAA00;
	s12 =	sshra.s32 s10, $0x2;
	[tilespmem:s9+$0x8200] =	vst v0;
	v1 =	vpop (erf);
	s10 =	smov.u32 s11  }
0x1c5: {  	v2 =	vld [tilespmem:s12+$0x8200];
	[tilespmem:s9+$0x8210] =	vst v1;
	v3 =	vpop (erf)  }
0x1c6: {  	v4 =	vld [tilespmem:s12+$0x8210];
	v0 =	vmul.f32 v3, v0;
	v3 =	vpop (erf)  }
0x1c7: {  	v5 =	vld [tilespmem:s12+$0x2C00];
	v1 =	vmul.f32 v3, v1  }
0x1c8: {  	v3 =	vld [tilespmem:s12+$0x2C10];
	[tilespmem:s9+$0x5700] =	vst v0  }
0x1c9: {  	[tilespmem:s9+$0x5710] =	vst v1;
	s9 =	smov.u32 s12  }
0x1ca: {  	v0 =	vsub.f32 $0.0e+00, v2  }
0x1cb: {  	v1 =	vsub.f32 $0.0e+00, v4  }
0x1cc: {  	v0 =	vmul.f32 $1.442695020e+00, v0;
	v2 =	vsub.f32 $0.0e+00, v5  }
0x1cd: {  	v1 =	vmul.f32 $1.442695020e+00, v1;
	v3 =	vsub.f32 $0.0e+00, v3  }
0x1ce: {  	v2 =	vmul.f32 $1.442695020e+00, v2;
	(erf) = vpow2.f32 v0  }
0x1cf: {  	v0 =	vmul.f32 $1.442695020e+00, v3;
	(erf) = vpow2.f32 v1  }
0x1d0: {  	(erf) = vpow2.f32 v2  }
0x1d1: {  	(erf) = vpow2.f32 v0;
	_ =	sdelay $0x5  }
0x1d2: {  	v0 =	vpop (erf)  }
0x1d3: {  	v3 =	vadd.f32 $1.000000000e+00, v0;
	v1 =	vpop (erf)  }
0x1d4: {  	v1 =	vadd.f32 $1.000000000e+00, v1;
	v2 =	vpop (erf)  }
0x1d5: {  	v2 =	vadd.f32 $1.000000000e+00, v2;
	(erf) = vrcp.f32 v3;
	v0 =	vpop (erf)  }
0x1d6: {  	v0 =	vadd.f32 $1.000000000e+00, v0;
	(erf) = vrcp.f32 v1  }
0x1d7: {  	(erf) = vrcp.f32 v2  }
0x1d8: {  	(erf) = vrcp.f32 v0;
	_ =	sdelay $0x1  }
.Ltmp9:
0x1d9: {  	(pc) =	sbr.rel @p0 .LBB2_15-.Ltmp9, $2  }
0x1da: {  	_ =	sdelay $0x2  }
0x1db: {  	s11 =	sadd.s32 $0x80, s11;
	v0 =	vpop (erf)  }
0x1dc: {  	s10 =	sshra.s32 s10, $0x2;
	[tilespmem:s9+$0x8200] =	vst v0;
	v1 =	vpop (erf)  }
0x1dd: {  	v2 =	vld [tilespmem:s10+$0x8200];
	[tilespmem:s9+$0x8210] =	vst v1  }
0x1de: {  	v3 =	vld [tilespmem:s10+$0x8210]  }
0x1df: {  	v4 =	vld [tilespmem:s10+$0x2C00]  }
0x1e0: {  	v5 =	vld [tilespmem:s10+$0x2C10];
	_ =	sdelay $0x1  }
0x1e1: {  	v2 =	vsub.f32 $0.0e+00, v2  }
0x1e2: {  	v3 =	vsub.f32 $0.0e+00, v3  }
0x1e3: {  	v4 =	vsub.f32 $0.0e+00, v4;
	v2 =	vmul.f32 $1.442695020e+00, v2  }
0x1e4: {  	v5 =	vsub.f32 $0.0e+00, v5;
	v3 =	vmul.f32 $1.442695020e+00, v3  }
0x1e5: {  	v4 =	vmul.f32 $1.442695020e+00, v4;
	(erf) = vpow2.f32 v2  }
0x1e6: {  	v2 =	vmul.f32 $1.442695020e+00, v5;
	(erf) = vpow2.f32 v3  }
0x1e7: {  	(erf) = vpow2.f32 v4  }
0x1e8: {  	(erf) = vpow2.f32 v2;
	_ =	sdelay $0x3  }
0x1e9: {  	v2 =	vpop (erf)  }
0x1ea: {  	v3 =	vpop (erf)  }
0x1eb: {  	v61 =	vpop (erf)  }
0x1ec: {  	v4 =	vadd.f32 $1.000000000e+00, v61;
	v62 =	vpop (erf)  }
0x1ed: {  	v5 =	vadd.f32 $1.000000000e+00, v62;
	v6 =	vpop (erf)  }
0x1ee: {  	v6 =	vadd.f32 $1.000000000e+00, v6;
	(erf) = vrcp.f32 v4;
	v63 =	vpop (erf)  }
0x1ef: {  	(erf) = vrcp.f32 v5;
	v4 =	vadd.f32 $1.000000000e+00, v63  }
0x1f0: {  	(erf) = vrcp.f32 v6  }
0x1f1: {  	(erf) = vrcp.f32 v4;
	_ =	sdelay $0x2  }
0x1f2: {  	v0 =	vmul.f32 v2, v0  }
0x1f3: {  	v1 =	vmul.f32 v3, v1;
	_ =	sdelay $0x1  }
0x1f4: {  	v2 =	vpop (erf)  }
0x1f5: {  	[tilespmem:s9+$0x5700] =	vst v0;
	v0 =	vpop (erf)  }
0x1f6: {  	[tilespmem:s9+$0x5710] =	vst v1;
	v1 =	vpop (erf)  }
0x1f7: {  	[tilespmem:s10+$0x8200] =	vst v2;
	v1 =	vmul.f32 v1, v2;
	v2 =	vpop (erf)  }
0x1f8: {  	[tilespmem:s10+$0x8210] =	vst v0;
	v0 =	vmul.f32 v2, v0  }
0x1f9: {  	s29 =	sadd.s32 s8, s1;
	[tilespmem:s10+$0x5700] =	vst v1  }
0x1fa: {  	s8 =	simm.s32 $0x0;
	s30 =	simm.s32 $0x5700;
	s31 =	simm.s32 $0x5;
	[tilespmem:s10+$0x5710] =	vst v0  }
0x1fb: {  	[hbm4b:s29+s8] =	stream.linear.scatter [tilespmem:s30], [sflag:$0x5], $0x2AA0, $0x38;
	[tilespmem:$0xFB10] =	vst v63  }
0x1fc: {  	_ =	swait.ge [sflag:s31], $0x2AA0  }
0x1fd: {  	[sflag:s31] =	ssyncset.done $0x0  }
0x1fe: {  	v0 =	vimm.s32 $0x0;
	[sflag:s31] =	ssyncadd.s32 $0xFFFFD560  }
.LBB2_17:
0x1ff: {  	p0 =	sne.s32 s8, $0x3FC0  }
.Ltmp10:
0x200: {  	_ = 	snop;
	(pc) =	sbr.rel @p0 .LBB2_17-.Ltmp10, $4  }
0x201: {  	_ = 	snop  }
0x202: {  	s9 =	sshra.s32 s8, $0x2  }
0x203: {  	[tilespmem:s9+$0xAD00] =	vst v0  }
0x204: {  	s8 =	sadd.s32 $0x40, s8;
	[tilespmem:s9+$0xBD00] =	vst v0  }
0x205: {  	v0 =	vlaneseq.u32  }
0x206: {  	s8 =	simm.s32 $0xAD00;
	s10 =	simm.s32 $0x0;
	s9 =	simm.s32 $0x40;
	v1 =	vmul.u32 $0x100, v0;
	v0 =	vimm.s32 $0x1  }
.LBB2_19:
0x207: {  	p0 =	sne.s32 s9, $0xAA40;
	v2 =	vld [tilespmem:s10+$0x8200];
	_ =	sdelay $0x4  }
0x208: {  	v2 =	vshrl.u32 v2, $0x18  }
0x209: {  	v3 =	vand.u32 $0x80, v2  }
0x20a: {  	v2 =	vand.u32 $0x7F, v2;
	v3 =	vor.u32 v1, v3  }
0x20b: {  	v2 =	vor.u32 v2, v3  }
.Ltmp11:
0x20c: {  	(pc) =	sbr.rel @p0 .LBB2_19-.Ltmp11, $2  }
0x20d: {  	_ =	sdelay $0x2  }
0x20e: {  	s10 =	sshra.s32 s9, $0x2;
	s9 =	sadd.s32 $0x40, s9;
	[tilespmem:v2+s8+$0x0] =	vst.idx.add.s32.msk $0xffff, v0  }
0x20f: {  	v2 =	vld [tilespmem:s10+$0x8200];
	_ =	sdelay $0x4  }
0x210: {  	v2 =	vshrl.u32 v2, $0x18  }
0x211: {  	v3 =	vand.u32 $0x80, v2  }
0x212: {  	v2 =	vand.u32 $0x7F, v2;
	v1 =	vor.u32 v1, v3  }
0x213: {  	v1 =	vor.u32 v2, v1;
	_ =	sdelay $0x4  }
0x214: {  	[tilespmem:v1+s8+$0x0] =	vst.idx.add.s32.msk $0xffff, v0;
	s8 =	simm.s32 $0x0  }
0x215: {  	v0 =	vld [tilespmem:s8+$0xBD00]  }
0x216: {  	v1 =	vld [tilespmem:s8+$0xBE00]  }
0x217: {  	v2 =	vld [tilespmem:s8+$0xBF00]  }
0x218: {  	v3 =	vld [tilespmem:s8+$0xC000]  }
0x219: {  	v4 =	vld [tilespmem:s8+$0xC100]  }
0x21a: {  	v5 =	vld [tilespmem:s8+$0xC200]  }
0x21b: {  	v6 =	vld [tilespmem:s8+$0xC300]  }
0x21c: {  	v0 =	vadd.s32 v0, v1;
	v1 =	vld [tilespmem:s8+$0xC400]  }
0x21d: {  	v0 =	vadd.s32 v2, v0;
	v2 =	vld [tilespmem:s8+$0xC500]  }
0x21e: {  	v0 =	vadd.s32 v3, v0;
	v3 =	vld [tilespmem:s8+$0xC600]  }
0x21f: {  	v0 =	vadd.s32 v4, v0;
	v4 =	vld [tilespmem:s8+$0xC700]  }
0x220: {  	v0 =	vadd.s32 v5, v0;
	v5 =	vld [tilespmem:s8+$0xC800]  }
0x221: {  	v0 =	vadd.s32 v6, v0;
	v6 =	vld [tilespmem:s8+$0xC900]  }
0x222: {  	v0 =	vadd.s32 v1, v0;
	v1 =	vld [tilespmem:s8+$0xCA00]  }
0x223: {  	v0 =	vadd.s32 v2, v0;
	v2 =	vld [tilespmem:s8+$0xCB00]  }
0x224: {  	v0 =	vadd.s32 v3, v0;
	v3 =	vld [tilespmem:s8+$0xCC00]  }
0x225: {  	v0 =	vadd.s32 v4, v0;
	v4 =	vld [tilespmem:s8+$0xAD00]  }
0x226: {  	v0 =	vadd.s32 v5, v0;
	v5 =	vld [tilespmem:s8+$0xAE00]  }
0x227: {  	v0 =	vadd.s32 v6, v0;
	v6 =	vld [tilespmem:s8+$0xAF00]  }
0x228: {  	v0 =	vadd.s32 v1, v0;
	v1 =	vld [tilespmem:s8+$0xB000]  }
0x229: {  	v0 =	vadd.s32 v2, v0;
	v2 =	vld [tilespmem:s8+$0xB100]  }
0x22a: {  	v0 =	vadd.s32 v3, v0;
	v3 =	vld [tilespmem:s8+$0xB200]  }
0x22b: {  	[tilespmem:s8+$0xCE00] =	vst v0;
	v0 =	vadd.s32 v4, v5;
	v4 =	vld [tilespmem:s8+$0xB300]  }
0x22c: {  	v5 =	vld [tilespmem:s8+$0xB400];
	v0 =	vadd.s32 v6, v0  }
0x22d: {  	v6 =	vld [tilespmem:s8+$0xB500];
	v0 =	vadd.s32 v1, v0  }
0x22e: {  	v7 =	vld [tilespmem:s8+$0xB600];
	v0 =	vadd.s32 v2, v0  }
0x22f: {  	v8 =	vld [tilespmem:s8+$0xB700];
	v0 =	vadd.s32 v3, v0  }
0x230: {  	v9 =	vld [tilespmem:s8+$0xB800];
	v0 =	vadd.s32 v4, v0  }
0x231: {  	v1 =	vld [tilespmem:s8+$0xB900];
	v0 =	vadd.s32 v5, v0  }
0x232: {  	v2 =	vld [tilespmem:s8+$0xBA00];
	v0 =	vadd.s32 v6, v0  }
0x233: {  	v3 =	vld [tilespmem:s8+$0xBB00];
	v0 =	vadd.s32 v7, v0  }
0x234: {  	s10 =	simm.s32 $0x10;
	v4 =	vld [tilespmem:s8+$0xBC00];
	v5 =	vadd.s32 v8, v0  }
0x235: {  	s9 =	simm.s32 $0x80;
	v0 =	vld [tilespmem:s10+$0xBD00];
	v5 =	vadd.s32 v9, v5  }
.LBB2_21:
0x236: {  	p0 =	sne.s32 s9, $0x3C0;
	v6 =	vld [tilespmem:s10+$0xBE00];
	v1 =	vadd.s32 v1, v5  }
0x237: {  	v5 =	vld [tilespmem:s10+$0xBF00];
	v1 =	vadd.s32 v2, v1  }
0x238: {  	v2 =	vld [tilespmem:s10+$0xC000];
	v1 =	vadd.s32 v3, v1  }
0x239: {  	v3 =	vld [tilespmem:s10+$0xC100];
	v1 =	vadd.s32 v4, v1  }
0x23a: {  	v4 =	vld [tilespmem:s10+$0xC200];
	[tilespmem:s8+$0xCD00] =	vst v1;
	s8 =	smov.u32 s10  }
0x23b: {  	v0 =	vadd.s32 v0, v6;
	v1 =	vld [tilespmem:s8+$0xC300]  }
0x23c: {  	v0 =	vadd.s32 v5, v0;
	v5 =	vld [tilespmem:s8+$0xC400]  }
0x23d: {  	v0 =	vadd.s32 v2, v0;
	v2 =	vld [tilespmem:s8+$0xC500]  }
0x23e: {  	v0 =	vadd.s32 v3, v0;
	v3 =	vld [tilespmem:s8+$0xC600]  }
0x23f: {  	v0 =	vadd.s32 v4, v0;
	v4 =	vld [tilespmem:s8+$0xC700]  }
0x240: {  	v0 =	vadd.s32 v1, v0;
	v1 =	vld [tilespmem:s8+$0xC800]  }
0x241: {  	v0 =	vadd.s32 v5, v0;
	v5 =	vld [tilespmem:s8+$0xC900]  }
0x242: {  	v0 =	vadd.s32 v2, v0;
	v2 =	vld [tilespmem:s8+$0xCA00]  }
0x243: {  	v0 =	vadd.s32 v3, v0;
	v3 =	vld [tilespmem:s8+$0xCB00]  }
0x244: {  	v0 =	vadd.s32 v4, v0;
	v4 =	vld [tilespmem:s8+$0xCC00]  }
0x245: {  	v6 =	vld [tilespmem:s8+$0xAD00];
	v0 =	vadd.s32 v1, v0  }
0x246: {  	v1 =	vld [tilespmem:s8+$0xAE00];
	v0 =	vadd.s32 v5, v0  }
0x247: {  	v5 =	vld [tilespmem:s8+$0xAF00];
	v0 =	vadd.s32 v2, v0  }
0x248: {  	v2 =	vld [tilespmem:s8+$0xB000];
	v0 =	vadd.s32 v3, v0  }
0x249: {  	v3 =	vld [tilespmem:s8+$0xB100];
	v0 =	vadd.s32 v4, v0  }
0x24a: {  	v4 =	vld [tilespmem:s8+$0xB200];
	[tilespmem:s8+$0xCE00] =	vst v0  }
0x24b: {  	v0 =	vadd.s32 v6, v1;
	v1 =	vld [tilespmem:s8+$0xB300]  }
0x24c: {  	v0 =	vadd.s32 v5, v0;
	v5 =	vld [tilespmem:s8+$0xB400]  }
0x24d: {  	v0 =	vadd.s32 v2, v0;
	v2 =	vld [tilespmem:s8+$0xB500]  }
0x24e: {  	v0 =	vadd.s32 v3, v0;
	v3 =	vld [tilespmem:s8+$0xB600]  }
0x24f: {  	v0 =	vadd.s32 v4, v0;
	v4 =	vld [tilespmem:s8+$0xB700]  }
0x250: {  	v0 =	vadd.s32 v1, v0;
	v6 =	vld [tilespmem:s8+$0xB800]  }
.Ltmp12:
0x251: {  	v0 =	vadd.s32 v5, v0;
	v1 =	vld [tilespmem:s8+$0xB900];
	(pc) =	sbr.rel @p0 .LBB2_21-.Ltmp12, $4  }
0x252: {  	v0 =	vadd.s32 v2, v0;
	v2 =	vld [tilespmem:s8+$0xBA00]  }
0x253: {  	v0 =	vadd.s32 v3, v0;
	v3 =	vld [tilespmem:s8+$0xBB00]  }
0x254: {  	s10 =	sshra.s32 s9, $0x2;
	v5 =	vadd.s32 v4, v0;
	v4 =	vld [tilespmem:s8+$0xBC00]  }
0x255: {  	s9 =	sadd.s32 $0x40, s9;
	v0 =	vld [tilespmem:s10+$0xBD00];
	v5 =	vadd.s32 v6, v5  }
0x256: {  	v6 =	vld [tilespmem:s10+$0xBE00];
	v1 =	vadd.s32 v1, v5  }
0x257: {  	v5 =	vld [tilespmem:s10+$0xBF00];
	v1 =	vadd.s32 v2, v1  }
0x258: {  	v2 =	vld [tilespmem:s10+$0xC000];
	v1 =	vadd.s32 v3, v1  }
0x259: {  	v3 =	vld [tilespmem:s10+$0xC100];
	v1 =	vadd.s32 v4, v1  }
0x25a: {  	v4 =	vld [tilespmem:s10+$0xC200];
	[tilespmem:s8+$0xCD00] =	vst v1  }
0x25b: {  	v1 =	vld [tilespmem:s10+$0xC300]  }
0x25c: {  	v0 =	vadd.s32 v0, v6;
	v6 =	vld [tilespmem:s10+$0xC400]  }
0x25d: {  	v0 =	vadd.s32 v5, v0;
	v5 =	vld [tilespmem:s10+$0xC500]  }
0x25e: {  	v0 =	vadd.s32 v2, v0;
	v2 =	vld [tilespmem:s10+$0xC600]  }
0x25f: {  	v0 =	vadd.s32 v3, v0;
	v3 =	vld [tilespmem:s10+$0xC700]  }
0x260: {  	v0 =	vadd.s32 v4, v0;
	v4 =	vld [tilespmem:s10+$0xC800]  }
0x261: {  	v0 =	vadd.s32 v1, v0;
	v1 =	vld [tilespmem:s10+$0xC900]  }
0x262: {  	v0 =	vadd.s32 v6, v0;
	v6 =	vld [tilespmem:s10+$0xCA00]  }
0x263: {  	v0 =	vadd.s32 v5, v0;
	v5 =	vld [tilespmem:s10+$0xCB00]  }
0x264: {  	v0 =	vadd.s32 v2, v0;
	v2 =	vld [tilespmem:s10+$0xCC00]  }
0x265: {  	v0 =	vadd.s32 v3, v0;
	v3 =	vld [tilespmem:s10+$0xAD00]  }
0x266: {  	v0 =	vadd.s32 v4, v0;
	v4 =	vld [tilespmem:s10+$0xAE00]  }
0x267: {  	v0 =	vadd.s32 v1, v0;
	v1 =	vld [tilespmem:s10+$0xAF00]  }
0x268: {  	v0 =	vadd.s32 v6, v0;
	v6 =	vld [tilespmem:s10+$0xB000]  }
0x269: {  	v0 =	vadd.s32 v5, v0;
	v5 =	vld [tilespmem:s10+$0xB100]  }
0x26a: {  	v0 =	vadd.s32 v2, v0;
	v2 =	vld [tilespmem:s10+$0xB200]  }
0x26b: {  	[tilespmem:s10+$0xCE00] =	vst v0;
	v0 =	vadd.s32 v3, v4;
	v3 =	vld [tilespmem:s10+$0xB300]  }
0x26c: {  	v0 =	vadd.s32 v1, v0;
	v1 =	vld [tilespmem:s10+$0xB400]  }
0x26d: {  	v4 =	vld [tilespmem:s10+$0xB500];
	v0 =	vadd.s32 v6, v0  }
0x26e: {  	v0 =	vadd.s32 v5, v0;
	v5 =	vld [tilespmem:s10+$0xB600]  }
0x26f: {  	v0 =	vadd.s32 v2, v0;
	v2 =	vld [tilespmem:s10+$0xB700]  }
0x270: {  	v0 =	vadd.s32 v3, v0;
	v3 =	vld [tilespmem:s10+$0xB800]  }
0x271: {  	v0 =	vadd.s32 v1, v0;
	v1 =	vld [tilespmem:s10+$0xB900]  }
0x272: {  	v0 =	vadd.s32 v4, v0;
	v4 =	vld [tilespmem:s10+$0xBA00]  }
0x273: {  	v0 =	vadd.s32 v5, v0;
	v5 =	vld [tilespmem:s10+$0xBB00]  }
0x274: {  	v0 =	vadd.s32 v2, v0;
	v2 =	vld [tilespmem:s10+$0xBC00]  }
0x275: {  	v0 =	vadd.s32 v3, v0  }
0x276: {  	v0 =	vadd.s32 v1, v0  }
0x277: {  	v0 =	vadd.s32 v4, v0  }
0x278: {  	v0 =	vadd.s32 v5, v0  }
0x279: {  	s28 =	sshll.u32 s5, $0xB;
	s9 =	simm.s32 $0x80;
	s29 =	simm.s32 $0x200;
	v0 =	vadd.s32 v2, v0  }
0x27a: {  	s11 =	simm.s32 $0xCD00;
	s30 =	simm.s32 $0x5;
	s8 =	sadd.s32 s28, s7;
	[tilespmem:s10+$0xCD00] =	vst v0  }
0x27b: {  	[spmem:s8] =	stream.strided.scatter [tilespmem:s11], [sflag:$0x5], $0x200, s29, s9, $0x38;
	[tilespmem:$0xFB10] =	vst v63  }
0x27c: {  	_ =	swait.ge [sflag:s30], $0x200  }
0x27d: {  	[sflag:s30] =	ssyncset.done $0x0  }
0x27e: {  	[sflag:s30] =	ssyncadd.s32 $0xFFFFFE00  }
0x27f: {  	s12 =	simm.s32 $0xCF00;
	[bflag:$0x0] =	sbarrier.arrive $0xFFFF  }
0x280: {  	[tilespmem:s12], [sflag:$0x5] =	stream.strided.gather [spmem:s7], $0x2000, s29, s9, $0x38;
	[tilespmem:$0xFB10] =	vst v63  }
0x281: {  	_ =	swait.ge [sflag:s30], $0x2000  }
0x282: {  	[sflag:s30] =	ssyncset.done $0x0  }
0x283: {  	s11 =	simm.s32 $0xD000;
	[sflag:s30] =	ssyncadd.s32 $0xFFFFE000  }
0x284: {  	s31 =	simm.s32 $0x0;
	v14 =	vld [tilespmem:s11+$0x0]  }
0x285: {  	s10 =	sand.u32 $0xF0, s31;
	v12 =	vld [tilespmem:s11+$0xFFFFFF00]  }
0x286: {  	v0 =	vld [tilespmem:s10+$0xE300]  }
0x287: {  	v1 =	vld [tilespmem:s10+$0xDE00]  }
0x288: {  	v2 =	vld [tilespmem:s10+$0xDC00]  }
0x289: {  	v3 =	vld [tilespmem:s10+$0xDD00]  }
0x28a: {  	v6 =	vld [tilespmem:s10+$0xD800]  }
0x28b: {  	v5 =	vld [tilespmem:s10+$0xDA00]  }
0x28c: {  	v9 =	vld [tilespmem:s10+$0xD900]  }
0x28d: {  	v7 =	vld [tilespmem:s10+$0xDB00]  }
0x28e: {  	v11 =	vld [tilespmem:s10+$0xD700]  }
0x28f: {  	v13 =	vld [tilespmem:s10+$0xD600]  }
0x290: {  	v15 =	vld [tilespmem:s10+$0xD400]  }
0x291: {  	v16 =	vld [tilespmem:s10+$0xD500]  }
0x292: {  	v18 =	vld [tilespmem:s10+$0xD300]  }
0x293: {  	v17 =	vld [tilespmem:s10+$0xD100]  }
0x294: {  	v19 =	vld [tilespmem:s10+$0xD200]  }
0x295: {  	v4 =	vld [tilespmem:s10+$0xE400]  }
0x296: {  	v8 =	vld [tilespmem:s10+$0xE200]  }
0x297: {  	v10 =	vld [tilespmem:s10+$0xE000]  }
0x298: {  	v20 =	vadd.s32 v12, v17;
	v12 =	vld [tilespmem:s10+$0xDF00]  }
0x299: {  	s13 =	simm.s32 $0x10;
	s12 =	simm.s32 $0xF000;
	s9 =	simm.s32 $0xF000;
	v17 =	vadd.s32 v14, v19;
	v14 =	vld [tilespmem:s10+$0xE100];
	v18 =	vadd.s32 v18, v20  }
.LBB2_23:
0x29a: {  	p0 =	sne.s32 s13, $0xF0;
	v19 =	vld [tilespmem:s10+$0xE600];
	s12 =	sadd.s32 $0x10, s12;
	s11 =	sadd.s32 $0x10, s11  }
0x29b: {  	v15 =	vadd.s32 v15, v17;
	v16 =	vadd.s32 v16, v18;
	s14 =	smov.u32 s13;
	s13 =	sadd.s32 $0x10, s13;
	v17 =	vld [tilespmem:s10+$0xE500]  }
0x29c: {  	v13 =	vadd.s32 v13, v15;
	v11 =	vadd.s32 v11, v16;
	v15 =	vld [tilespmem:s10+$0xE700]  }
0x29d: {  	v6 =	vadd.s32 v6, v13;
	v9 =	vadd.s32 v9, v11;
	v11 =	vld [tilespmem:s10+$0xE800]  }
0x29e: {  	v5 =	vadd.s32 v5, v6;
	v6 =	vadd.s32 v7, v9;
	v7 =	vld [tilespmem:s10+$0xE900]  }
0x29f: {  	v2 =	vadd.s32 v2, v5;
	v3 =	vadd.s32 v3, v6;
	v5 =	vld [tilespmem:s10+$0xEA00]  }
0x2a0: {  	v1 =	vadd.s32 v1, v2;
	v2 =	vadd.s32 v12, v3;
	v3 =	vld [tilespmem:s10+$0xEB00]  }
0x2a1: {  	v1 =	vadd.s32 v10, v1;
	v2 =	vadd.s32 v14, v2;
	v6 =	vld [tilespmem:s10+$0xEC00]  }
0x2a2: {  	v1 =	vadd.s32 v8, v1;
	v0 =	vadd.s32 v0, v2;
	v2 =	vld [tilespmem:s10+$0xED00]  }
0x2a3: {  	v1 =	vadd.s32 v4, v1;
	v0 =	vadd.s32 v17, v0;
	v4 =	vld [tilespmem:s10+$0xEE00]  }
0x2a4: {  	v1 =	vadd.s32 v19, v1;
	v0 =	vadd.s32 v15, v0  }
0x2a5: {  	v1 =	vadd.s32 v11, v1;
	v0 =	vadd.s32 v7, v0  }
0x2a6: {  	v1 =	vadd.s32 v5, v1;
	v0 =	vadd.s32 v3, v0  }
0x2a7: {  	v1 =	vadd.s32 v6, v1;
	v0 =	vadd.s32 v2, v0  }
0x2a8: {  	v1 =	vadd.s32 v4, v1;
	[tilespmem:s9+$0xFFFFFF00] =	vst v0  }
0x2a9: {  	[tilespmem:s9+$0x0] =	vst v1;
	s9 =	smov.u32 s12  }
0x2aa: {  	v14 =	vld [tilespmem:s11+$0x0]  }
0x2ab: {  	s10 =	sand.u32 $0xF0, s14;
	v12 =	vld [tilespmem:s11+$0xFFFFFF00]  }
0x2ac: {  	v0 =	vld [tilespmem:s10+$0xE300]  }
0x2ad: {  	v1 =	vld [tilespmem:s10+$0xDE00]  }
0x2ae: {  	v2 =	vld [tilespmem:s10+$0xDC00]  }
0x2af: {  	v3 =	vld [tilespmem:s10+$0xDD00]  }
0x2b0: {  	v6 =	vld [tilespmem:s10+$0xD800]  }
0x2b1: {  	v5 =	vld [tilespmem:s10+$0xDA00]  }
0x2b2: {  	v9 =	vld [tilespmem:s10+$0xD900]  }
0x2b3: {  	v7 =	vld [tilespmem:s10+$0xDB00]  }
0x2b4: {  	v11 =	vld [tilespmem:s10+$0xD700]  }
0x2b5: {  	v13 =	vld [tilespmem:s10+$0xD600]  }
0x2b6: {  	v15 =	vld [tilespmem:s10+$0xD400]  }
0x2b7: {  	v16 =	vld [tilespmem:s10+$0xD500]  }
0x2b8: {  	v18 =	vld [tilespmem:s10+$0xD300]  }
0x2b9: {  	v17 =	vld [tilespmem:s10+$0xD100]  }
0x2ba: {  	v19 =	vld [tilespmem:s10+$0xD200]  }
.Ltmp13:
0x2bb: {  	v4 =	vld [tilespmem:s10+$0xE400];
	(pc) =	sbr.rel @p0 .LBB2_23-.Ltmp13, $4  }
0x2bc: {  	v8 =	vld [tilespmem:s10+$0xE200]  }
0x2bd: {  	v10 =	vld [tilespmem:s10+$0xE000]  }
0x2be: {  	v20 =	vadd.s32 v12, v17;
	v12 =	vld [tilespmem:s10+$0xDF00]  }
0x2bf: {  	v17 =	vadd.s32 v14, v19;
	v18 =	vadd.s32 v18, v20;
	v14 =	vld [tilespmem:s10+$0xE100]  }
0x2c0: {  	v19 =	vld [tilespmem:s10+$0xE600]  }
0x2c1: {  	v15 =	vadd.s32 v15, v17;
	v16 =	vadd.s32 v16, v18;
	v57 =	vld [tilespmem:s10+$0xE500]  }
0x2c2: {  	v58 =	vld [tilespmem:s10+$0xE700];
	v13 =	vadd.s32 v13, v15;
	v11 =	vadd.s32 v11, v16  }
0x2c3: {  	v6 =	vadd.s32 v6, v13;
	v9 =	vadd.s32 v9, v11;
	v11 =	vld [tilespmem:s10+$0xE800]  }
0x2c4: {  	v5 =	vadd.s32 v5, v6;
	v6 =	vadd.s32 v7, v9;
	v7 =	vld [tilespmem:s10+$0xE900]  }
0x2c5: {  	v2 =	vadd.s32 v2, v5;
	v3 =	vadd.s32 v3, v6;
	v5 =	vld [tilespmem:s10+$0xEA00]  }
0x2c6: {  	v6 =	vld [tilespmem:s10+$0xEC00];
	v1 =	vadd.s32 v1, v2;
	v2 =	vadd.s32 v12, v3  }
0x2c7: {  	v3 =	vld [tilespmem:s10+$0xEB00];
	v1 =	vadd.s32 v10, v1;
	v2 =	vadd.s32 v14, v2  }
0x2c8: {  	v1 =	vadd.s32 v8, v1;
	v0 =	vadd.s32 v0, v2;
	v2 =	vld [tilespmem:s10+$0xED00]  }
0x2c9: {  	v1 =	vadd.s32 v4, v1;
	v0 =	vadd.s32 v57, v0;
	v4 =	vld [tilespmem:s10+$0xEE00]  }
0x2ca: {  	v1 =	vadd.s32 v19, v1;
	v0 =	vadd.s32 v58, v0  }
0x2cb: {  	v1 =	vadd.s32 v11, v1;
	v0 =	vadd.s32 v7, v0  }
0x2cc: {  	v1 =	vadd.s32 v5, v1;
	v0 =	vadd.s32 v3, v0  }
0x2cd: {  	v1 =	vadd.s32 v6, v1;
	v0 =	vadd.s32 v2, v0  }
0x2ce: {  	v1 =	vadd.s32 v4, v1;
	[tilespmem:s9+$0xFFFFFF00] =	vst v0  }
0x2cf: {  	[tilespmem:s9+$0x0] =	vst v1  }
0x2d0: {  	v0 =	vld [tilespmem:$0xEF00]  }
0x2d1: {  	v1 =	vld [tilespmem:$0xEF10]  }
0x2d2: {  	v2 =	vld [tilespmem:$0xEF20]  }
0x2d3: {  	v3 =	vld [tilespmem:$0xEF30]  }
0x2d4: {  	v4 =	vld [tilespmem:$0xEF40]  }
0x2d5: {  	v5 =	vld [tilespmem:$0xEF50]  }
0x2d6: {  	v0 =	vadd.s32 v0, v1;
	v1 =	vld [tilespmem:$0xEF60]  }
0x2d7: {  	v0 =	vadd.s32 v0, v2;
	v2 =	vld [tilespmem:$0xEF70]  }
0x2d8: {  	v0 =	vadd.s32 v0, v3;
	v3 =	vld [tilespmem:$0xEF80]  }
0x2d9: {  	v0 =	vadd.s32 v0, v4;
	v4 =	vld [tilespmem:$0xEF90]  }
0x2da: {  	v0 =	vadd.s32 v0, v5;
	v5 =	vld [tilespmem:$0xEFA0]  }
0x2db: {  	v0 =	vadd.s32 v0, v1;
	v1 =	vld [tilespmem:$0xEFB0]  }
0x2dc: {  	v0 =	vadd.s32 v0, v2;
	v2 =	vld [tilespmem:$0xEFC0]  }
0x2dd: {  	v0 =	vadd.s32 v0, v3;
	v3 =	vld [tilespmem:$0xEFD0]  }
0x2de: {  	v0 =	vadd.s32 v0, v4;
	v4 =	vld [tilespmem:$0xEFE0]  }
0x2df: {  	v0 =	vadd.s32 v0, v5;
	v5 =	vld [tilespmem:$0xEFF0]  }
0x2e0: {  	s14 =	simm.s32 $0x0;
	v0 =	vadd.s32 v0, v1  }
0x2e1: {  	v6 =	vld [tilespmem:s14+$0xEF00];
	v0 =	vadd.s32 v0, v2  }
0x2e2: {  	v0 =	vadd.s32 v0, v3  }
0x2e3: {  	s12 =	simm.s32 $0x10;
	v0 =	vadd.s32 v0, v4  }
0x2e4: {  	v3 =	vld [tilespmem:s12+$0xEF00];
	v0 =	vadd.s32 v0, v5  }
0x2e5: {  	(xrf0) =	vadd.scan.msk.s32 $0xffff, v0  }
0x2e6: {  	(xrf0) =	vadd.scan.msk.s32 $0xffff, v6;
	_ =	sdelay $0x2  }
0x2e7: {  	s10 =	simm.s32 $0x20;
	(xrf0) =	vadd.scan.msk.s32 $0xffff, v3  }
0x2e8: {  	v0 =	vld [tilespmem:s10+$0xEF00]  }
0x2e9: {  	v2, _, _ =	vpop (xrf0)  }
0x2ea: {  	v4, _, _ =	vpop (xrf0)  }
0x2eb: {  	(v2sf) =	vpush v4, $0xF;
	_ =	sdelay $0x1  }
0x2ec: {  	v7, _, _ =	vpop (xrf0);
	(xrf0) =	vadd.scan.msk.s32 $0xffff, v0  }
0x2ed: {  	(v2sf) =	vpush v7, $0xF;
	_ =	sdelay $0x1  }
0x2ee: {  	s9 =	simm.s32 $0x0  }
0x2ef: {  	v1 =	vmov s9  }
0x2f0: {  	v5 =	vsub.s32 $0x0, v1  }
0x2f1: {  	s11 =	simm.s32 $0x30;
	v5 =	vbroadcast v5, $0x0;
	v1 =	vbroadcast v2, $0xF;
	v8, _, _ =	vpop (xrf0)  }
0x2f2: {  	v9 =	vld [tilespmem:s11+$0xEF00];
	(v2sf) =	vpush v8, $0xF  }
0x2f3: {  	v5 =	vadd.s32 v1, v5  }
0x2f4: {  	v5 =	vadd.s32 v6, v5  }
0x2f5: {  	v4 =	vsub.s32 v5, v4  }
0x2f6: {  	vm0 =	vgt.s32 v4, $0x6D0  }
0x2f7: {  	(xrf0) =	vadd.scan.msk.s32 $0xffff, v9;
	v4 =	vnsel vm0, $0x0, v6  }
0x2f8: {  	(xrf0) =	vadd.scan.msk.s32 $0xffff, v4;
	s13 =	spop (v2sf)  }
0x2f9: {  	s15 =	sadd.s32 $0x0, s13  }
0x2fa: {  	s13 =	simm.s32 $0x40;
	v4 =	vmov s15  }
0x2fb: {  	s16 =	spop (v2sf);
	v5 =	vld [tilespmem:s13+$0xEF00];
	v4 =	vsub.s32 $0x0, v4  }
0x2fc: {  	s17 =	sadd.s32 s15, s16;
	v4 =	vbroadcast v4, $0x0  }
0x2fd: {  	v10, _, _ =	vpop (xrf0);
	v6 =	vmov s17  }
0x2fe: {  	(v2sf) =	vpush v10, $0xF;
	v11, _, _ =	vpop (xrf0);
	v6 =	vsub.s32 $0x0, v6;
	v4 =	vadd.s32 v1, v4  }
0x2ff: {  	(v2sf) =	vpush v11, $0xF;
	s15 =	simm.s32 $0x50;
	v6 =	vbroadcast v6, $0x0;
	v11 =	vadd.s32 v3, v4  }
0x300: {  	v4 =	vld [tilespmem:s15+$0xEF00];
	(xrf0) =	vadd.scan.msk.s32 $0xffff, v5;
	v7 =	vsub.s32 v11, v7  }
0x301: {  	v6 =	vadd.s32 v1, v6;
	s18 =	spop (v2sf);
	vm1 =	vgt.s32 v7, $0x6D0  }
0x302: {  	s17 =	sadd.s32 s17, s18;
	v7 =	vadd.s32 v0, v6;
	v3 =	vnsel vm1, $0x0, v3  }
0x303: {  	(xrf0) =	vadd.scan.msk.s32 $0xffff, v3;
	v3 =	vsub.s32 v7, v8;
	v7 =	vmov s17  }
0x304: {  	vm2 =	vgt.s32 v3, $0x6D0  }
0x305: {  	(xrf0) =	vadd.scan.msk.s32 $0xffff, v4;
	v0 =	vnsel vm2, $0x0, v0  }
0x306: {  	v8 =	vmpcnt.ones.xlane vm0;
	v3 =	vsub.s32 $0x0, v7;
	(xrf0) =	vadd.scan.msk.s32 $0xffff, v0;
	v7, _, _ =	vpop (xrf0)  }
0x307: {  	s16 =	simm.s32 $0x60;
	v3 =	vbroadcast v3, $0x0;
	v0 =	vimm.s32 $0x0;
	(v2sf) =	vpush v7, $0xF  }
0x308: {  	v6 =	vld [tilespmem:s16+$0xEF00];
	v8 =	vadd.s32 v0, v8  }
0x309: {  	v11 =	vmpcnt.ones.xlane vm1;
	v3 =	vadd.s32 v1, v3  }
0x30a: {  	v3 =	vadd.s32 v9, v3;
	v59, _, _ =	vpop (xrf0)  }
0x30b: {  	v3 =	vsub.s32 v3, v10;
	v10 =	vadd.s32 v8, v11;
	(v2sf) =	vpush v59, $0xF;
	v8, _, _ =	vpop (xrf0)  }
0x30c: {  	(v2sf) =	vpush v8, $0xF;
	v63, _, _ =	vpop (xrf0)  }
0x30d: {  	s31 =	spop (v2sf);
	v60 =	vmpcnt.ones.xlane vm2;
	(xrf0) =	vadd.scan.msk.s32 $0xffff, v6;
	(v2sf) =	vpush v63, $0xF  }
0x30e: {  	s20 =	sadd.s32 s17, s31  }
0x30f: {  	s17 =	simm.s32 $0x70;
	vm15 =	vgt.s32 v3, $0x6D0;
	v3 =	vadd.s32 v10, v60;
	v10 =	vmov s20  }
0x310: {  	v10 =	vsub.s32 $0x0, v10;
	v62 =	vnsel vm15, $0x0, v9;
	v9 =	vld [tilespmem:s17+$0xEF00]  }
0x311: {  	v61 =	vmpcnt.ones.xlane vm15;
	_ =	sdelay $0x1  }
0x312: {  	s21 =	simm.s32 $0x200;
	s18 =	simm.s32 $0x0;
	s19 =	spop (v2sf);
	v11 =	vbroadcast v10, $0x0;
	(xrf0) =	vadd.scan.msk.s32 $0xffff, v62;
	v3 =	vadd.s32 v3, v61;
	v10, _, _ =	vpop (xrf0)  }
.LBB2_25:
0x313: {  	p0 =	sne.s32 s21, $0x3C0  }
0x314: {  	(xrf0) =	vadd.scan.msk.s32 $0xffff, v9;
	(v2sf) =	vpush v10, $0xF;
	v11 =	vadd.s32 v1, v11;
	s18 =	sadd.s32 s18, s19;
	v12 =	vmov v9;
	s19 =	smov.u32 s21;
	s21 =	sadd.s32 $0x40, s21  }
0x315: {  	s19 =	sshra.s32 s19, $0x2;
	v11 =	vadd.s32 v5, v11;
	s22 =	spop (v2sf)  }
.Ltmp14:
0x316: {  	v9 =	vld [tilespmem:s19+$0xEF00];
	v11 =	vsub.s32 v11, v7;
	s20 =	sadd.s32 s20, s22;
	v7 =	vmov v8;
	v8 =	vmov v10;
	(pc) =	sbr.rel @p0 .LBB2_25-.Ltmp14, $4  }
0x317: {  	v10 =	vmov s20;
	vm0 =	vgt.s32 v11, $0x6D0  }
0x318: {  	v16 =	vsub.s32 $0x0, v10;
	v13 =	vmpcnt.ones.xlane vm0;
	v15 =	vnsel vm0, $0x0, v5;
	v14, _, _ =	vpop (xrf0)  }
0x319: {  	v5 =	vmovc v4;
	v4 =	vmov v6;
	v11 =	vbroadcast v16, $0x0;
	(xrf0) =	vadd.scan.msk.s32 $0xffff, v15;
	(v2sf) =	vpush v14, $0xF;
	_ =	sdelay $0x1  }
0x31a: {  	v6 =	vmov v12;
	v10, _, _ =	vpop (xrf0);
	v3 =	vadd.s32 v3, v13;
	s19 =	spop (v2sf)  }
0x31b: {  	(v2sf) =	vpush v10, $0xF;
	_ =	sdelay $0xa  }
0x31c: {  	s22 =	spop (v2sf)  }
0x31d: {  	s21 =	spop (v2sf)  }
0x31e: {  	s22 =	sadd.s32 s20, s22;
	s23 =	spop (v2sf)  }
0x31f: {  	v11 =	vadd.s32 v1, v11;
	v12 =	vmov s22;
	s30 =	spop (v2sf)  }
0x320: {  	v11 =	vadd.s32 v5, v11;
	v12 =	vsub.s32 $0x0, v12;
	s22 =	sadd.s32 s22, s23;
	s31 =	spop (v2sf)  }
0x321: {  	(xrf0) =	vadd.scan.msk.s32 $0xffff, v9;
	v7 =	vsub.s32 v11, v7;
	v12 =	vbroadcast v12, $0x0;
	v13 =	vmov s22;
	s22 =	sadd.s32 s22, s31  }
0x322: {  	vm0 =	vgt.s32 v7, $0x6D0;
	v13 =	vsub.s32 $0x0, v13;
	v14 =	vmov s22  }
0x323: {  	v7 =	vadd.s32 v1, v12;
	v11 =	vbroadcast v13, $0x0;
	v60 =	vsub.s32 $0x0, v14  }
0x324: {  	v7 =	vadd.s32 v4, v7;
	v61 =	vbroadcast v60, $0x0  }
0x325: {  	v5 =	vnsel vm0, $0x0, v5;
	v7 =	vsub.s32 v7, v8;
	v11 =	vadd.s32 v1, v11  }
0x326: {  	v8, _, _ =	vpop (xrf0);
	vm1 =	vgt.s32 v7, $0x6D0;
	v11 =	vadd.s32 v6, v11;
	v1 =	vadd.s32 v1, v61  }
0x327: {  	(xrf0) =	vadd.scan.msk.s32 $0xffff, v5;
	v62, _, _ =	vpop (xrf0);
	v4 =	vnsel vm1, $0x0, v4;
	v7 =	vsub.s32 v11, v10;
	v10 =	vld [tilespmem:s14+$0xEF00];
	v1 =	vadd.s32 v9, v1  }
0x328: {  	(xrf0) =	vadd.scan.msk.s32 $0xffff, v4;
	vm3 =	vgt.s32 v7, $0x6D0;
	v1 =	vsub.s32 v1, v62  }
0x329: {  	v7 =	vld [tilespmem:s12+$0xEF00];
	v4 =	vnsel vm3, $0x0, v6;
	vm2 =	vgt.s32 v1, $0x6D0  }
0x32a: {  	(xrf0) =	vadd.scan.msk.s32 $0xffff, v4;
	v1 =	vnsel vm2, $0x0, v9  }
0x32b: {  	(xrf0) =	vadd.scan.msk.s32 $0xffff, v1  }
0x32c: {  	(v2sf) =	vpush v8, $0xF;
	(xrf0) =	vadd.scan.msk.s32 $0xffff, v10  }
0x32d: {  	(v2sf) =	vpush v62, $0xF;
	v1, _, _ =	vpop (xrf0)  }
0x32e: {  	(v2sf) =	vpush v1, $0xF;
	v1, _, _ =	vpop (xrf0);
	(xrf0) =	vadd.scan.msk.s32 $0xffff, v7  }
0x32f: {  	v8 =	vld [tilespmem:s10+$0xEF00]  }
0x330: {  	(v2sf) =	vpush v1, $0xF;
	v1, _, _ =	vpop (xrf0)  }
0x331: {  	(v2sf) =	vpush v1, $0xF;
	v1, _, _ =	vpop (xrf0)  }
0x332: {  	(v2sf) =	vpush v1, $0xF;
	v1, _, _ =	vpop (xrf0)  }
0x333: {  	(v2sf) =	vpush v1, $0xF  }
0x334: {  	(xrf0) =	vadd.scan.msk.s32 $0xffff, v8;
	v5, _, _ =	vpop (xrf0)  }
0x335: {  	(v2sf) =	vpush v5, $0xF;
	_ =	sdelay $0x1  }
0x336: {  	v1 =	vadd.s32 s9, v1  }
0x337: {  	v9 =	vld [tilespmem:s11+$0xEF00];
	_ =	sdelay $0x1  }
0x338: {  	vm4 =	vgt.s32 v1, $0x6D0;
	v1, _, _ =	vpop (xrf0)  }
0x339: {  	s12 =	spop (v2sf);
	(v2sf) =	vpush v1, $0xF;
	_ =	sdelay $0x1  }
0x33a: {  	s14 =	spop (v2sf);
	(xrf0) =	vadd.scan.msk.s32 $0xffff, v9;
	v4 =	vnsel vm4, $0x0, v10  }
0x33b: {  	(xrf0) =	vadd.scan.msk.s32 $0xffff, v4;
	s22 =	spop (v2sf)  }
0x33c: {  	s23 =	spop (v2sf)  }
0x33d: {  	s24 =	spop (v2sf)  }
0x33e: {  	v6 =	vld [tilespmem:s13+$0xEF00];
	s10 =	spop (v2sf)  }
0x33f: {  	s25 =	spop (v2sf)  }
0x340: {  	v4 =	vld [tilespmem:s15+$0xEF00];
	v10, _, _ =	vpop (xrf0);
	s13 =	sadd.s32 $0x0, s25  }
0x341: {  	v11, _, _ =	vpop (xrf0);
	(v2sf) =	vpush v10, $0xF;
	v5 =	vadd.s32 s13, v5;
	s26 =	spop (v2sf)  }
0x342: {  	(v2sf) =	vpush v11, $0xF;
	v11 =	vmpcnt.ones.xlane vm0;
	vm5 =	vgt.s32 v5, $0x6D0;
	s13 =	sadd.s32 s13, s26  }
0x343: {  	v63 =	vmpcnt.ones.xlane vm1;
	(xrf0) =	vadd.scan.msk.s32 $0xffff, v6;
	v7 =	vnsel vm5, $0x0, v7;
	v1 =	vadd.s32 s13, v1  }
0x344: {  	v3 =	vadd.s32 v3, v11;
	(xrf0) =	vadd.scan.msk.s32 $0xffff, v7;
	vm0 =	vgt.s32 v1, $0x6D0  }
0x345: {  	v5 =	vld [tilespmem:s16+$0xEF00];
	v1 =	vadd.s32 v3, v63;
	v3 =	vmpcnt.ones.xlane vm2;
	(xrf0) =	vadd.scan.msk.s32 $0xffff, v4;
	v8 =	vnsel vm0, $0x0, v8  }
0x346: {  	v7 =	vmpcnt.ones.xlane vm3;
	(xrf0) =	vadd.scan.msk.s32 $0xffff, v8  }
0x347: {  	s29 =	spop (v2sf)  }
0x348: {  	v1 =	vadd.s32 v1, v7;
	s13 =	sadd.s32 s13, s29  }
0x349: {  	v1 =	vadd.s32 v1, v3;
	v10 =	vadd.s32 s13, v10;
	v3, _, _ =	vpop (xrf0)  }
0x34a: {  	(xrf0) =	vadd.scan.msk.s32 $0xffff, v5;
	(v2sf) =	vpush v3, $0xF;
	v7, _, _ =	vpop (xrf0)  }
0x34b: {  	(v2sf) =	vpush v7, $0xF;
	v7, _, _ =	vpop (xrf0)  }
0x34c: {  	vm3 =	vgt.s32 v10, $0x6D0;
	(v2sf) =	vpush v7, $0xF;
	v10, _, _ =	vpop (xrf0)  }
0x34d: {  	(v2sf) =	vpush v10, $0xF;
	_ =	sdelay $0x1  }
0x34e: {  	s28 =	sadd.s32 s18, s19  }
0x34f: {  	s15 =	sadd.s32 s28, s21;
	v10, _, _ =	vpop (xrf0)  }
0x350: {  	s15 =	sadd.s32 s15, s30;
	s30 =	spop (v2sf);
	(v2sf) =	vpush v10, $0xF;
	_ =	sdelay $0x1  }
0x351: {  	vm1 =	vmmov vm4;
	v8 =	vld [tilespmem:s17+$0xEF00]  }
0x352: {  	vm1 =	vmmov vm1;
	s11 =	sadd.s32 s15, s12;
	vm2 =	vmmov vm5;
	v9 =	vnsel vm3, $0x0, v9  }
0x353: {  	vm1 =	vmmov vm1;
	s11 =	sadd.s32 s11, s22;
	vm2 =	vmmov vm2;
	(xrf0) =	vadd.scan.msk.s32 $0xffff, v9  }
0x354: {  	vm4 =	vmmov vm1;
	s11 =	sadd.s32 s11, s23;
	vm0 =	vmmov vm0;
	vm2 =	vmmov vm2;
	s12 =	sadd.s32 s13, s30  }
0x355: {  	s31 =	simm.s32 $0x80;
	s11 =	sadd.s32 s11, s24;
	vm0 =	vmmov vm0;
	vm2 =	vmmov vm2;
	v11 =	vadd.s32 s12, v3  }
0x356: {  	s10 =	sadd.s32 s11, s10;
	vm1 =	vmmov vm3;
	v9 =	vld [tilespmem:s31+$0xEF00];
	(xrf0) =	vadd.scan.msk.s32 $0xffff, v8;
	s13 =	simm.s32 $0x240;
	v3 =	vmpcnt.ones.xlane vm4;
	s11 =	spop (v2sf);
	vm3 =	vgt.s32 v11, $0x6D0  }
.LBB2_27:
0x357: {  	p0 =	sne.s32 s13, $0x3C0  }
0x358: {  	v11 =	vnsel vm3, $0x0, v6;
	v0 =	vadd.s32 v0, v3;
	s9 =	sadd.s32 s9, s11;
	v6 =	vmovc v4;
	v4 =	vmovc v5;
	v5 =	vmov v8;
	s11 =	smov.u32 s13;
	s13 =	sadd.s32 $0x40, s13  }
.Ltmp15:
0x359: {  	vm4 =	vmmov vm0;
	vm0 =	vmmov vm1;
	vm1 =	vmmov vm3;
	(xrf0) =	vadd.scan.msk.s32 $0xffff, v11;
	v3, _, _ =	vpop (xrf0);
	(pc) =	sbr.rel @p0 .LBB2_27-.Ltmp15, $4  }
0x35a: {  	s14 =	spop (v2sf);
	(v2sf) =	vpush v3, $0xF  }
0x35b: {  	s12 =	sadd.s32 s12, s14  }
0x35c: {  	v3 =	vmpcnt.ones.xlane vm2;
	s14 =	sshra.s32 s11, $0x2;
	(xrf0) =	vadd.scan.msk.s32 $0xffff, v9;
	v11 =	vadd.s32 s12, v7;
	v7 =	vmov v10;
	v10, _, _ =	vpop (xrf0);
	_ =	sdelay $0x1  }
0x35d: {  	vm2 =	vmmov vm4;
	v8 =	vmovc v9;
	(v2sf) =	vpush v10, $0xF;
	vm3 =	vgt.s32 v11, $0x6D0;
	s11 =	spop (v2sf);
	v9 =	vld [tilespmem:s14+$0xEF00]  }
0x35e: {  	_ =	sdelay $0x1  }
0x35f: {  	v11, _, _ =	vpop (xrf0)  }
0x360: {  	(v2sf) =	vpush v11, $0xF;
	v57, _, _ =	vpop (xrf0)  }
0x361: {  	(v2sf) =	vpush v57, $0xF;
	_ =	sdelay $0x7  }
0x362: {  	v6 =	vnsel vm3, $0x0, v6  }
0x363: {  	s14 =	spop (v2sf);
	(xrf0) =	vadd.scan.msk.s32 $0xffff, v6  }
0x364: {  	s15 =	spop (v2sf);
	(xrf0) =	vadd.scan.msk.s32 $0xffff, v9  }
0x365: {  	s16 =	spop (v2sf)  }
0x366: {  	s13 =	spop (v2sf)  }
0x367: {  	s12 =	sadd.s32 s12, s14;
	s22 =	spop (v2sf)  }
0x368: {  	v58 =	vadd.s32 s12, v7;
	s16 =	sadd.s32 s12, s16;
	s23 =	spop (v2sf)  }
0x369: {  	vm5 =	vgt.s32 v58, $0x6D0;
	v60 =	vadd.s32 s16, v10;
	v59, _, _ =	vpop (xrf0);
	s14 =	sadd.s32 s16, s22;
	s24 =	spop (v2sf)  }
0x36a: {  	v4 =	vnsel vm5, $0x0, v4;
	vm7 =	vgt.s32 v60, $0x6D0;
	v62, _, _ =	vpop (xrf0);
	v61 =	vadd.s32 s14, v57;
	s14 =	sadd.s32 s14, s24  }
0x36b: {  	(xrf0) =	vadd.scan.msk.s32 $0xffff, v4;
	v4 =	vnsel vm7, $0x0, v5;
	vm6 =	vgt.s32 v61, $0x6D0;
	v63 =	vadd.s32 s14, v62  }
0x36c: {  	(xrf0) =	vadd.scan.msk.s32 $0xffff, v4;
	v4 =	vnsel vm6, $0x0, v8;
	vm4 =	vgt.s32 v63, $0x6D0  }
0x36d: {  	(xrf0) =	vadd.scan.msk.s32 $0xffff, v4;
	v4 =	vnsel vm4, $0x0, v9  }
0x36e: {  	(xrf0) =	vadd.scan.msk.s32 $0xffff, v4;
	_ =	sdelay $0x1  }
0x36f: {  	(v2sf) =	vpush v59, $0xF  }
0x370: {  	(v2sf) =	vpush v62, $0xF;
	v4, _, _ =	vpop (xrf0)  }
0x371: {  	(v2sf) =	vpush v4, $0xF;
	v4, _, _ =	vpop (xrf0)  }
0x372: {  	(v2sf) =	vpush v4, $0xF;
	v4, _, _ =	vpop (xrf0)  }
0x373: {  	(v2sf) =	vpush v4, $0xF;
	v4, _, _ =	vpop (xrf0)  }
0x374: {  	(v2sf) =	vpush v4, $0xF  }
0x375: {  	vm0 =	vmmov vm0;
	vm12 =	vmmov vm3  }
0x376: {  	vm1 =	vmmov vm1;
	v0 =	vadd.s32 v0, v3;
	vm14 =	vmmov vm12  }
0x377: {  	vm0 =	vmmov vm0;
	vm13 =	vmmov vm1;
	vm1 =	vmmov vm14  }
0x378: {  	vm5 =	vmmov vm5;
	v5 =	vmpcnt.ones.xlane vm0;
	vm0 =	vmmov vm13  }
0x379: {  	vm7 =	vmmov vm7;
	v3 =	vmpcnt.ones.xlane vm0;
	vm0 =	vmmov vm5  }
0x37a: {  	vm15 =	vmmov vm1;
	vm1 =	vmmov vm7;
	vm0 =	vmmov vm0  }
0x37b: {  	vm1 =	vmmov vm1;
	vm9 =	vmmov vm4;
	v4 =	vmpcnt.ones.xlane vm2  }
0x37c: {  	s9 =	sadd.s32 s9, s11;
	vm0 =	vmmov vm0;
	vm10 =	vmmov vm1;
	vm12 =	vmmov vm9  }
0x37d: {  	s9 =	sadd.s32 s9, s15;
	vm8 =	vmmov vm6;
	vm14 =	vmmov vm12;
	v0 =	vadd.s32 v0, v4  }
0x37e: {  	s9 =	sadd.s32 s9, s13;
	s25 =	spop (v2sf);
	vm2 =	vmmov vm8;
	v4 =	vmpcnt.ones.xlane vm15;
	v0 =	vadd.s32 v0, v5  }
0x37f: {  	s9 =	sadd.s32 s9, s23;
	s26 =	spop (v2sf);
	vm11 =	vmmov vm2;
	v0 =	vadd.s32 v0, v3;
	v3 =	vmpcnt.ones.xlane vm0  }
0x380: {  	s9 =	sadd.s32 s9, s25;
	vm13 =	vmmov vm11;
	v0 =	vadd.s32 v0, v4;
	v4 =	vmpcnt.ones.xlane vm10;
	s28 =	spop (v2sf)  }
0x381: {  	vm15 =	vmmov vm14;
	v0 =	vadd.s32 v0, v3;
	v3 =	vmpcnt.ones.xlane vm13;
	s9 =	sadd.s32 s9, s28;
	s29 =	spop (v2sf)  }
0x382: {  	v0 =	vadd.s32 v0, v4;
	v4 =	vmpcnt.ones.xlane vm15;
	s9 =	sadd.s32 s9, s29;
	s30 =	spop (v2sf)  }
0x383: {  	v0 =	vadd.s32 v0, v3;
	s9 =	sadd.s32 s9, s30;
	s31 =	spop (v2sf)  }
0x384: {  	s11 =	simm.s32 $0x40;
	s12 =	simm.s32 $0x0;
	v3 =	vadd.s32 v0, v4;
	v0 =	vimm.s32 $0x0;
	s9 =	sadd.s32 s9, s31  }
.LBB2_29:
0x385: {  	p0 =	sne.s32 s11, $0x3FC0;
	[tilespmem:s12+$0xAD00] =	vst v0;
	s13 =	smov.u32 s11;
	s11 =	sadd.s32 $0x40, s11  }
.Ltmp16:
0x386: {  	[tilespmem:s12+$0xBD00] =	vst v0;
	(pc) =	sbr.rel @p0 .LBB2_29-.Ltmp16, $2  }
0x387: {  	_ =	sdelay $0x2  }
0x388: {  	s12 =	sshra.s32 s13, $0x2  }
0x389: {  	[tilespmem:s12+$0xAD00] =	vst v0;
	v1 =	vshll.u32 v1, $0x18  }
0x38a: {  	[tilespmem:s12+$0xBD00] =	vst v0;
	s13 =	simm.s32 $0x0;
	v0 =	vadd.s32 $0xFF000000, v1;
	v1 =	vshll.u32 v3, $0x18;
	v3 =	vlaneseq.u32  }
0x38b: {  	s11 =	simm.s32 $0xAD00;
	s12 =	simm.s32 $0xBD00;
	v5 =	vld [tilespmem:s13+$0x8200];
	s13 =	simm.s32 $0x40;
	v1 =	vsub.s32 $0x0, v1;
	v4 =	vmul.u32 $0x100, v3;
	v3 =	vimm.s32 $0x1  }
.LBB2_31:
0x38c: {  	p0 =	sne.s32 s13, $0xAA40;
	_ =	sdelay $0x3  }
0x38d: {  	v6 =	vshrl.u32 v5, $0x10;
	v5 =	vand.u32 $0xFF000000, v5  }
0x38e: {  	vm0 =	veq.s32 v5, v0;
	v6 =	vand.u32 $0xFF, v6;
	vm1 =	veq.s32 v5, v1  }
0x38f: {  	v5 =	vor.u32 v4, v6;
	_ =	sdelay $0x2  }
.Ltmp17:
0x390: {  	(pc) =	sbr.rel @p0 .LBB2_31-.Ltmp17, $4  }
0x391: {  	_ = 	snop  }
0x392: {  	[tilespmem:v5+s11+$0x0] =	vst.idx.add.s32.msk vm0, v3  }
0x393: {  	s14 =	sshra.s32 s13, $0x2;
	[tilespmem:v5+s12+$0x0] =	vst.idx.add.s32.msk vm1, v3  }
0x394: {  	s13 =	sadd.s32 $0x40, s13;
	v5 =	vld [tilespmem:s14+$0x8200]  }
0x395: {  	_ =	sdelay $0x3  }
0x396: {  	v6 =	vshrl.u32 v5, $0x10;
	v5 =	vand.u32 $0xFF000000, v5  }
0x397: {  	vm0 =	veq.s32 v5, v0;
	v6 =	vand.u32 $0xFF, v6  }
0x398: {  	vm1 =	veq.s32 v5, v1;
	v4 =	vor.u32 v4, v6;
	_ =	sdelay $0x4  }
0x399: {  	[tilespmem:v4+s11+$0x0] =	vst.idx.add.s32.msk vm0, v3  }
0x39a: {  	s11 =	simm.s32 $0x0;
	[tilespmem:v4+s12+$0x0] =	vst.idx.add.s32.msk vm1, v3  }
0x39b: {  	v3 =	vld [tilespmem:s11+$0xBD00]  }
0x39c: {  	v4 =	vld [tilespmem:s11+$0xBE00]  }
0x39d: {  	v5 =	vld [tilespmem:s11+$0xBF00]  }
0x39e: {  	v6 =	vld [tilespmem:s11+$0xC000]  }
0x39f: {  	v7 =	vld [tilespmem:s11+$0xC100]  }
0x3a0: {  	v8 =	vld [tilespmem:s11+$0xC200]  }
0x3a1: {  	v9 =	vld [tilespmem:s11+$0xC300]  }
0x3a2: {  	v3 =	vadd.s32 v3, v4;
	v4 =	vld [tilespmem:s11+$0xC400]  }
0x3a3: {  	v3 =	vadd.s32 v5, v3;
	v5 =	vld [tilespmem:s11+$0xC500]  }
0x3a4: {  	v3 =	vadd.s32 v6, v3;
	v6 =	vld [tilespmem:s11+$0xC600]  }
0x3a5: {  	v3 =	vadd.s32 v7, v3;
	v7 =	vld [tilespmem:s11+$0xC700]  }
0x3a6: {  	v3 =	vadd.s32 v8, v3;
	v8 =	vld [tilespmem:s11+$0xC800]  }
0x3a7: {  	v3 =	vadd.s32 v9, v3;
	v9 =	vld [tilespmem:s11+$0xC900]  }
0x3a8: {  	v3 =	vadd.s32 v4, v3;
	v4 =	vld [tilespmem:s11+$0xCA00]  }
0x3a9: {  	v3 =	vadd.s32 v5, v3;
	v5 =	vld [tilespmem:s11+$0xCB00]  }
0x3aa: {  	v3 =	vadd.s32 v6, v3;
	v6 =	vld [tilespmem:s11+$0xCC00]  }
0x3ab: {  	v3 =	vadd.s32 v7, v3;
	v7 =	vld [tilespmem:s11+$0xAD00]  }
0x3ac: {  	v3 =	vadd.s32 v8, v3;
	v8 =	vld [tilespmem:s11+$0xAE00]  }
0x3ad: {  	v3 =	vadd.s32 v9, v3;
	v9 =	vld [tilespmem:s11+$0xAF00]  }
0x3ae: {  	v3 =	vadd.s32 v4, v3;
	v4 =	vld [tilespmem:s11+$0xB000]  }
0x3af: {  	v3 =	vadd.s32 v5, v3;
	v5 =	vld [tilespmem:s11+$0xB100]  }
0x3b0: {  	v3 =	vadd.s32 v6, v3;
	v6 =	vld [tilespmem:s11+$0xB200]  }
0x3b1: {  	[tilespmem:s11+$0xCE00] =	vst v3;
	v3 =	vadd.s32 v7, v8;
	v7 =	vld [tilespmem:s11+$0xB300]  }
0x3b2: {  	v8 =	vld [tilespmem:s11+$0xB400];
	v3 =	vadd.s32 v9, v3  }
0x3b3: {  	v9 =	vld [tilespmem:s11+$0xB500];
	v3 =	vadd.s32 v4, v3  }
0x3b4: {  	v10 =	vld [tilespmem:s11+$0xB600];
	v3 =	vadd.s32 v5, v3  }
0x3b5: {  	v11 =	vld [tilespmem:s11+$0xB700];
	v3 =	vadd.s32 v6, v3  }
0x3b6: {  	v12 =	vld [tilespmem:s11+$0xB800];
	v3 =	vadd.s32 v7, v3  }
0x3b7: {  	v4 =	vld [tilespmem:s11+$0xB900];
	v3 =	vadd.s32 v8, v3  }
0x3b8: {  	v5 =	vld [tilespmem:s11+$0xBA00];
	v3 =	vadd.s32 v9, v3  }
0x3b9: {  	v6 =	vld [tilespmem:s11+$0xBB00];
	v3 =	vadd.s32 v10, v3  }
0x3ba: {  	s13 =	simm.s32 $0x10;
	v7 =	vld [tilespmem:s11+$0xBC00];
	v8 =	vadd.s32 v11, v3  }
0x3bb: {  	s12 =	simm.s32 $0x80;
	v3 =	vld [tilespmem:s13+$0xBD00];
	v8 =	vadd.s32 v12, v8  }
.LBB2_33:
0x3bc: {  	p0 =	sne.s32 s12, $0x3C0;
	v9 =	vld [tilespmem:s13+$0xBE00];
	v4 =	vadd.s32 v4, v8  }
0x3bd: {  	v8 =	vld [tilespmem:s13+$0xBF00];
	v4 =	vadd.s32 v5, v4  }
0x3be: {  	v5 =	vld [tilespmem:s13+$0xC000];
	v4 =	vadd.s32 v6, v4  }
0x3bf: {  	v6 =	vld [tilespmem:s13+$0xC100];
	v4 =	vadd.s32 v7, v4  }
0x3c0: {  	v7 =	vld [tilespmem:s13+$0xC200];
	[tilespmem:s11+$0xCD00] =	vst v4;
	s11 =	smov.u32 s13  }
0x3c1: {  	v3 =	vadd.s32 v3, v9;
	v4 =	vld [tilespmem:s11+$0xC300]  }
0x3c2: {  	v3 =	vadd.s32 v8, v3;
	v8 =	vld [tilespmem:s11+$0xC400]  }
0x3c3: {  	v3 =	vadd.s32 v5, v3;
	v5 =	vld [tilespmem:s11+$0xC500]  }
0x3c4: {  	v3 =	vadd.s32 v6, v3;
	v6 =	vld [tilespmem:s11+$0xC600]  }
0x3c5: {  	v3 =	vadd.s32 v7, v3;
	v7 =	vld [tilespmem:s11+$0xC700]  }
0x3c6: {  	v3 =	vadd.s32 v4, v3;
	v4 =	vld [tilespmem:s11+$0xC800]  }
0x3c7: {  	v3 =	vadd.s32 v8, v3;
	v8 =	vld [tilespmem:s11+$0xC900]  }
0x3c8: {  	v3 =	vadd.s32 v5, v3;
	v5 =	vld [tilespmem:s11+$0xCA00]  }
0x3c9: {  	v3 =	vadd.s32 v6, v3;
	v6 =	vld [tilespmem:s11+$0xCB00]  }
0x3ca: {  	v3 =	vadd.s32 v7, v3;
	v7 =	vld [tilespmem:s11+$0xCC00]  }
0x3cb: {  	v9 =	vld [tilespmem:s11+$0xAD00];
	v3 =	vadd.s32 v4, v3  }
0x3cc: {  	v4 =	vld [tilespmem:s11+$0xAE00];
	v3 =	vadd.s32 v8, v3  }
0x3cd: {  	v8 =	vld [tilespmem:s11+$0xAF00];
	v3 =	vadd.s32 v5, v3  }
0x3ce: {  	v5 =	vld [tilespmem:s11+$0xB000];
	v3 =	vadd.s32 v6, v3  }
0x3cf: {  	v6 =	vld [tilespmem:s11+$0xB100];
	v3 =	vadd.s32 v7, v3  }
0x3d0: {  	v7 =	vld [tilespmem:s11+$0xB200];
	[tilespmem:s11+$0xCE00] =	vst v3  }
0x3d1: {  	v3 =	vadd.s32 v9, v4;
	v4 =	vld [tilespmem:s11+$0xB300]  }
0x3d2: {  	v3 =	vadd.s32 v8, v3;
	v8 =	vld [tilespmem:s11+$0xB400]  }
0x3d3: {  	v3 =	vadd.s32 v5, v3;
	v5 =	vld [tilespmem:s11+$0xB500]  }
0x3d4: {  	v3 =	vadd.s32 v6, v3;
	v6 =	vld [tilespmem:s11+$0xB600]  }
0x3d5: {  	v3 =	vadd.s32 v7, v3;
	v7 =	vld [tilespmem:s11+$0xB700]  }
0x3d6: {  	v3 =	vadd.s32 v4, v3;
	v9 =	vld [tilespmem:s11+$0xB800]  }
.Ltmp18:
0x3d7: {  	v3 =	vadd.s32 v8, v3;
	v4 =	vld [tilespmem:s11+$0xB900];
	(pc) =	sbr.rel @p0 .LBB2_33-.Ltmp18, $4  }
0x3d8: {  	v3 =	vadd.s32 v5, v3;
	v5 =	vld [tilespmem:s11+$0xBA00]  }
0x3d9: {  	v3 =	vadd.s32 v6, v3;
	v6 =	vld [tilespmem:s11+$0xBB00]  }
0x3da: {  	s13 =	sshra.s32 s12, $0x2;
	v8 =	vadd.s32 v7, v3;
	v7 =	vld [tilespmem:s11+$0xBC00]  }
0x3db: {  	s12 =	sadd.s32 $0x40, s12;
	v3 =	vld [tilespmem:s13+$0xBD00];
	v8 =	vadd.s32 v9, v8  }
0x3dc: {  	v9 =	vld [tilespmem:s13+$0xBE00];
	v4 =	vadd.s32 v4, v8  }
0x3dd: {  	v8 =	vld [tilespmem:s13+$0xBF00];
	v4 =	vadd.s32 v5, v4  }
0x3de: {  	v5 =	vld [tilespmem:s13+$0xC000];
	v4 =	vadd.s32 v6, v4  }
0x3df: {  	v6 =	vld [tilespmem:s13+$0xC100];
	v4 =	vadd.s32 v7, v4  }
0x3e0: {  	v7 =	vld [tilespmem:s13+$0xC200];
	[tilespmem:s11+$0xCD00] =	vst v4  }
0x3e1: {  	v4 =	vld [tilespmem:s13+$0xC300]  }
0x3e2: {  	v3 =	vadd.s32 v3, v9;
	v9 =	vld [tilespmem:s13+$0xC400]  }
0x3e3: {  	v3 =	vadd.s32 v8, v3;
	v8 =	vld [tilespmem:s13+$0xC500]  }
0x3e4: {  	v3 =	vadd.s32 v5, v3;
	v5 =	vld [tilespmem:s13+$0xC600]  }
0x3e5: {  	v3 =	vadd.s32 v6, v3;
	v6 =	vld [tilespmem:s13+$0xC700]  }
0x3e6: {  	v3 =	vadd.s32 v7, v3;
	v7 =	vld [tilespmem:s13+$0xC800]  }
0x3e7: {  	v3 =	vadd.s32 v4, v3;
	v4 =	vld [tilespmem:s13+$0xC900]  }
0x3e8: {  	v3 =	vadd.s32 v9, v3;
	v9 =	vld [tilespmem:s13+$0xCA00]  }
0x3e9: {  	v3 =	vadd.s32 v8, v3;
	v8 =	vld [tilespmem:s13+$0xCB00]  }
0x3ea: {  	v3 =	vadd.s32 v5, v3;
	v5 =	vld [tilespmem:s13+$0xCC00]  }
0x3eb: {  	v3 =	vadd.s32 v6, v3;
	v6 =	vld [tilespmem:s13+$0xAD00]  }
0x3ec: {  	v3 =	vadd.s32 v7, v3;
	v7 =	vld [tilespmem:s13+$0xAE00]  }
0x3ed: {  	v3 =	vadd.s32 v4, v3;
	v4 =	vld [tilespmem:s13+$0xAF00]  }
0x3ee: {  	v3 =	vadd.s32 v9, v3;
	v9 =	vld [tilespmem:s13+$0xB000]  }
0x3ef: {  	v3 =	vadd.s32 v8, v3;
	v8 =	vld [tilespmem:s13+$0xB100]  }
0x3f0: {  	v3 =	vadd.s32 v5, v3;
	v5 =	vld [tilespmem:s13+$0xB200]  }
0x3f1: {  	[tilespmem:s13+$0xCE00] =	vst v3;
	v3 =	vadd.s32 v6, v7;
	v6 =	vld [tilespmem:s13+$0xB300]  }
0x3f2: {  	v3 =	vadd.s32 v4, v3;
	v4 =	vld [tilespmem:s13+$0xB400]  }
0x3f3: {  	v7 =	vld [tilespmem:s13+$0xB500];
	v3 =	vadd.s32 v9, v3  }
0x3f4: {  	v3 =	vadd.s32 v8, v3;
	v8 =	vld [tilespmem:s13+$0xB600]  }
0x3f5: {  	v3 =	vadd.s32 v5, v3;
	v5 =	vld [tilespmem:s13+$0xB700]  }
0x3f6: {  	v3 =	vadd.s32 v6, v3;
	v6 =	vld [tilespmem:s13+$0xB800]  }
0x3f7: {  	v3 =	vadd.s32 v4, v3;
	v4 =	vld [tilespmem:s13+$0xB900]  }
0x3f8: {  	v3 =	vadd.s32 v7, v3;
	v7 =	vld [tilespmem:s13+$0xBA00]  }
0x3f9: {  	v3 =	vadd.s32 v8, v3;
	v8 =	vld [tilespmem:s13+$0xBB00]  }
0x3fa: {  	v3 =	vadd.s32 v5, v3;
	v5 =	vld [tilespmem:s13+$0xBC00]  }
0x3fb: {  	v3 =	vadd.s32 v6, v3  }
0x3fc: {  	v3 =	vadd.s32 v4, v3  }
0x3fd: {  	v3 =	vadd.s32 v7, v3  }
0x3fe: {  	v3 =	vadd.s32 v8, v3  }
0x3ff: {  	s26 =	sadd.s32 $0x80, s8;
	s12 =	simm.s32 $0x80;
	v3 =	vadd.s32 v5, v3  }
0x400: {  	s28 =	simm.s32 $0x200;
	s14 =	simm.s32 $0xCD00;
	s29 =	simm.s32 $0x5;
	[tilespmem:s13+$0xCD00] =	vst v3  }
0x401: {  	[spmem:s26] =	stream.strided.scatter [tilespmem:s14], [sflag:$0x5], $0x200, s28, s12, $0x38;
	[tilespmem:$0xFB10] =	vst v63  }
0x402: {  	_ =	swait.ge [sflag:s29], $0x200  }
0x403: {  	[sflag:s29] =	ssyncset.done $0x0  }
0x404: {  	[sflag:s29] =	ssyncadd.s32 $0xFFFFFE00  }
0x405: {  	s30 =	sadd.s32 $0x80, s7;
	s15 =	simm.s32 $0xCF00;
	[bflag:$0x0] =	sbarrier.arrive $0xFFFF  }
0x406: {  	[tilespmem:s15], [sflag:$0x5] =	stream.strided.gather [spmem:s30], $0x2000, s28, s12, $0x38;
	[tilespmem:$0xFB10] =	vst v63  }
0x407: {  	_ =	swait.ge [sflag:s29], $0x2000  }
0x408: {  	[sflag:s29] =	ssyncset.done $0x0  }
0x409: {  	s13 =	simm.s32 $0xD000;
	[sflag:s29] =	ssyncadd.s32 $0xFFFFE000  }
0x40a: {  	s31 =	simm.s32 $0x0;
	v17 =	vld [tilespmem:s13+$0x0]  }
0x40b: {  	s12 =	sand.u32 $0xF0, s31;
	v15 =	vld [tilespmem:s13+$0xFFFFFF00]  }
0x40c: {  	v3 =	vld [tilespmem:s12+$0xE300]  }
0x40d: {  	v4 =	vld [tilespmem:s12+$0xDE00]  }
0x40e: {  	v5 =	vld [tilespmem:s12+$0xDC00]  }
0x40f: {  	v6 =	vld [tilespmem:s12+$0xDD00]  }
0x410: {  	v9 =	vld [tilespmem:s12+$0xD800]  }
0x411: {  	v8 =	vld [tilespmem:s12+$0xDA00]  }
0x412: {  	v12 =	vld [tilespmem:s12+$0xD900]  }
0x413: {  	v10 =	vld [tilespmem:s12+$0xDB00]  }
0x414: {  	v14 =	vld [tilespmem:s12+$0xD700]  }
0x415: {  	v16 =	vld [tilespmem:s12+$0xD600]  }
0x416: {  	v18 =	vld [tilespmem:s12+$0xD400]  }
0x417: {  	v19 =	vld [tilespmem:s12+$0xD500]  }
0x418: {  	v21 =	vld [tilespmem:s12+$0xD300]  }
0x419: {  	v20 =	vld [tilespmem:s12+$0xD100]  }
0x41a: {  	v22 =	vld [tilespmem:s12+$0xD200]  }
0x41b: {  	v7 =	vld [tilespmem:s12+$0xE400]  }
0x41c: {  	v11 =	vld [tilespmem:s12+$0xE200]  }
0x41d: {  	v13 =	vld [tilespmem:s12+$0xE000]  }
0x41e: {  	v23 =	vadd.s32 v15, v20;
	v15 =	vld [tilespmem:s12+$0xDF00]  }
0x41f: {  	s11 =	simm.s32 $0xF000;
	s14 =	simm.s32 $0xF000;
	s15 =	simm.s32 $0x10;
	v20 =	vadd.s32 v17, v22;
	v17 =	vld [tilespmem:s12+$0xE100];
	v21 =	vadd.s32 v21, v23  }
.LBB2_35:
0x420: {  	p0 =	sne.s32 s15, $0xF0;
	v22 =	vld [tilespmem:s12+$0xE600];
	s14 =	sadd.s32 $0x10, s14;
	s13 =	sadd.s32 $0x10, s13  }
0x421: {  	v18 =	vadd.s32 v18, v20;
	v19 =	vadd.s32 v19, v21;
	s16 =	smov.u32 s15;
	s15 =	sadd.s32 $0x10, s15;
	v20 =	vld [tilespmem:s12+$0xE500]  }
0x422: {  	v16 =	vadd.s32 v16, v18;
	v14 =	vadd.s32 v14, v19;
	v18 =	vld [tilespmem:s12+$0xE700]  }
0x423: {  	v9 =	vadd.s32 v9, v16;
	v12 =	vadd.s32 v12, v14;
	v14 =	vld [tilespmem:s12+$0xE800]  }
0x424: {  	v8 =	vadd.s32 v8, v9;
	v9 =	vadd.s32 v10, v12;
	v10 =	vld [tilespmem:s12+$0xE900]  }
0x425: {  	v5 =	vadd.s32 v5, v8;
	v6 =	vadd.s32 v6, v9;
	v8 =	vld [tilespmem:s12+$0xEA00]  }
0x426: {  	v4 =	vadd.s32 v4, v5;
	v5 =	vadd.s32 v15, v6;
	v6 =	vld [tilespmem:s12+$0xEB00]  }
0x427: {  	v4 =	vadd.s32 v13, v4;
	v5 =	vadd.s32 v17, v5;
	v9 =	vld [tilespmem:s12+$0xEC00]  }
0x428: {  	v4 =	vadd.s32 v11, v4;
	v3 =	vadd.s32 v3, v5;
	v5 =	vld [tilespmem:s12+$0xED00]  }
0x429: {  	v4 =	vadd.s32 v7, v4;
	v3 =	vadd.s32 v20, v3;
	v7 =	vld [tilespmem:s12+$0xEE00]  }
0x42a: {  	v4 =	vadd.s32 v22, v4;
	v3 =	vadd.s32 v18, v3  }
0x42b: {  	v4 =	vadd.s32 v14, v4;
	v3 =	vadd.s32 v10, v3  }
0x42c: {  	v4 =	vadd.s32 v8, v4;
	v3 =	vadd.s32 v6, v3  }
0x42d: {  	v4 =	vadd.s32 v9, v4;
	v3 =	vadd.s32 v5, v3  }
0x42e: {  	v4 =	vadd.s32 v7, v4;
	[tilespmem:s11+$0xFFFFFF00] =	vst v3  }
0x42f: {  	[tilespmem:s11+$0x0] =	vst v4;
	s11 =	smov.u32 s14  }
0x430: {  	v17 =	vld [tilespmem:s13+$0x0]  }
0x431: {  	s12 =	sand.u32 $0xF0, s16;
	v15 =	vld [tilespmem:s13+$0xFFFFFF00]  }
0x432: {  	v3 =	vld [tilespmem:s12+$0xE300]  }
0x433: {  	v4 =	vld [tilespmem:s12+$0xDE00]  }
0x434: {  	v5 =	vld [tilespmem:s12+$0xDC00]  }
0x435: {  	v6 =	vld [tilespmem:s12+$0xDD00]  }
0x436: {  	v9 =	vld [tilespmem:s12+$0xD800]  }
0x437: {  	v8 =	vld [tilespmem:s12+$0xDA00]  }
0x438: {  	v12 =	vld [tilespmem:s12+$0xD900]  }
0x439: {  	v10 =	vld [tilespmem:s12+$0xDB00]  }
0x43a: {  	v14 =	vld [tilespmem:s12+$0xD700]  }
0x43b: {  	v16 =	vld [tilespmem:s12+$0xD600]  }
0x43c: {  	v18 =	vld [tilespmem:s12+$0xD400]  }
0x43d: {  	v19 =	vld [tilespmem:s12+$0xD500]  }
0x43e: {  	v21 =	vld [tilespmem:s12+$0xD300]  }
0x43f: {  	v20 =	vld [tilespmem:s12+$0xD100]  }
0x440: {  	v22 =	vld [tilespmem:s12+$0xD200]  }
.Ltmp19:
0x441: {  	v7 =	vld [tilespmem:s12+$0xE400];
	(pc) =	sbr.rel @p0 .LBB2_35-.Ltmp19, $4  }
0x442: {  	v11 =	vld [tilespmem:s12+$0xE200]  }
0x443: {  	v13 =	vld [tilespmem:s12+$0xE000]  }
0x444: {  	v23 =	vadd.s32 v15, v20;
	v15 =	vld [tilespmem:s12+$0xDF00]  }
0x445: {  	v20 =	vadd.s32 v17, v22;
	v21 =	vadd.s32 v21, v23;
	v17 =	vld [tilespmem:s12+$0xE100]  }
0x446: {  	v22 =	vld [tilespmem:s12+$0xE600]  }
0x447: {  	v18 =	vadd.s32 v18, v20;
	v19 =	vadd.s32 v19, v21;
	v20 =	vld [tilespmem:s12+$0xE500]  }
0x448: {  	v16 =	vadd.s32 v16, v18;
	v14 =	vadd.s32 v14, v19;
	v18 =	vld [tilespmem:s12+$0xE700]  }
0x449: {  	v9 =	vadd.s32 v9, v16;
	v12 =	vadd.s32 v12, v14;
	v14 =	vld [tilespmem:s12+$0xE800]  }
0x44a: {  	v8 =	vadd.s32 v8, v9;
	v9 =	vadd.s32 v10, v12;
	v10 =	vld [tilespmem:s12+$0xE900]  }
0x44b: {  	v5 =	vadd.s32 v5, v8;
	v6 =	vadd.s32 v6, v9;
	v8 =	vld [tilespmem:s12+$0xEA00]  }
0x44c: {  	v9 =	vld [tilespmem:s12+$0xEC00];
	v4 =	vadd.s32 v4, v5;
	v5 =	vadd.s32 v15, v6  }
0x44d: {  	v6 =	vld [tilespmem:s12+$0xEB00];
	v4 =	vadd.s32 v13, v4;
	v5 =	vadd.s32 v17, v5  }
0x44e: {  	v4 =	vadd.s32 v11, v4;
	v3 =	vadd.s32 v3, v5;
	v5 =	vld [tilespmem:s12+$0xED00]  }
0x44f: {  	v4 =	vadd.s32 v7, v4;
	v3 =	vadd.s32 v20, v3;
	v7 =	vld [tilespmem:s12+$0xEE00]  }
0x450: {  	v4 =	vadd.s32 v22, v4;
	v3 =	vadd.s32 v18, v3  }
0x451: {  	v4 =	vadd.s32 v14, v4;
	v3 =	vadd.s32 v10, v3  }
0x452: {  	v4 =	vadd.s32 v8, v4;
	v3 =	vadd.s32 v6, v3  }
0x453: {  	v4 =	vadd.s32 v9, v4;
	v3 =	vadd.s32 v5, v3  }
0x454: {  	v4 =	vadd.s32 v7, v4;
	[tilespmem:s11+$0xFFFFFF00] =	vst v3  }
0x455: {  	[tilespmem:s11+$0x0] =	vst v4  }
0x456: {  	v3 =	vld [tilespmem:$0xEF00]  }
0x457: {  	v4 =	vld [tilespmem:$0xEF10]  }
0x458: {  	v5 =	vld [tilespmem:$0xEF20]  }
0x459: {  	v6 =	vld [tilespmem:$0xEF30]  }
0x45a: {  	v7 =	vld [tilespmem:$0xEF40]  }
0x45b: {  	v8 =	vld [tilespmem:$0xEF50]  }
0x45c: {  	v9 =	vld [tilespmem:$0xEF60];
	v3 =	vadd.s32 v3, v4  }
0x45d: {  	v4 =	vld [tilespmem:$0xEF70];
	v3 =	vadd.s32 v3, v5  }
0x45e: {  	v5 =	vld [tilespmem:$0xEF80];
	v3 =	vadd.s32 v3, v6  }
0x45f: {  	v6 =	vld [tilespmem:$0xEF90];
	v3 =	vadd.s32 v3, v7  }
0x460: {  	v7 =	vld [tilespmem:$0xEFA0];
	v3 =	vadd.s32 v3, v8  }
0x461: {  	v8 =	vld [tilespmem:$0xEFB0];
	v3 =	vadd.s32 v3, v9  }
0x462: {  	v9 =	vld [tilespmem:$0xEFC0];
	v3 =	vadd.s32 v3, v4  }
0x463: {  	v4 =	vld [tilespmem:$0xEFD0];
	v3 =	vadd.s32 v3, v5  }
0x464: {  	v5 =	vld [tilespmem:$0xEFE0];
	v3 =	vadd.s32 v3, v6  }
0x465: {  	v6 =	vld [tilespmem:$0xEFF0];
	v3 =	vadd.s32 v3, v7  }
0x466: {  	s22 =	simm.s32 $0x0;
	v3 =	vadd.s32 v3, v8  }
0x467: {  	v7 =	vld [tilespmem:s22+$0xEF00];
	v3 =	vadd.s32 v3, v9  }
0x468: {  	v3 =	vadd.s32 v3, v4  }
0x469: {  	s23 =	simm.s32 $0x10;
	v3 =	vadd.s32 v3, v5  }
0x46a: {  	v5 =	vld [tilespmem:s23+$0xEF00];
	v3 =	vadd.s32 v3, v6  }
0x46b: {  	(xrf0) =	vadd.scan.msk.s32 $0xffff, v3  }
0x46c: {  	(xrf0) =	vadd.scan.msk.s32 $0xffff, v7  }
0x46d: {  	(v2sf) =	vpush v2, $0xF;
	_ =	sdelay $0x1  }
0x46e: {  	(xrf0) =	vadd.scan.msk.s32 $0xffff, v5;
	_ =	sdelay $0x1  }
0x46f: {  	v2, _, _ =	vpop (xrf0)  }
0x470: {  	v6, _, _ =	vpop (xrf0)  }
0x471: {  	s24 =	simm.s32 $0x20;
	(v2sf) =	vpush v6, $0xF  }
0x472: {  	v9 =	vld [tilespmem:s24+$0xEF00]  }
0x473: {  	v8, _, _ =	vpop (xrf0)  }
0x474: {  	(v2sf) =	vpush v8, $0xF;
	_ =	sdelay $0x1  }
0x475: {  	s11 =	simm.s32 $0x0  }
0x476: {  	v3 =	vmov s11;
	(xrf0) =	vadd.scan.msk.s32 $0xffff, v9  }
0x477: {  	v3 =	vsub.s32 $0x0, v3  }
0x478: {  	s25 =	simm.s32 $0x30;
	v3 =	vbroadcast v3, $0x0;
	v4 =	vbroadcast v2, $0xF  }
0x479: {  	v10 =	vld [tilespmem:s25+$0xEF00];
	s12 =	spop (v2sf)  }
0x47a: {  	s10 =	ssub.s32 s10, s12;
	v3 =	vadd.s32 v4, v3  }
0x47b: {  	s10 =	sadd.s32 $0x6D1, s10;
	v12 =	vadd.s32 v7, v3  }
0x47c: {  	v3 =	vmov s10;
	v6 =	vsub.s32 v12, v6;
	v11, _, _ =	vpop (xrf0)  }
0x47d: {  	vm0 =	vge.s32 v6, v3;
	(v2sf) =	vpush v11, $0xF  }
0x47e: {  	(xrf0) =	vadd.scan.msk.s32 $0xffff, v10;
	v6 =	vnsel vm0, $0x0, v7  }
0x47f: {  	(xrf0) =	vadd.scan.msk.s32 $0xffff, v6;
	s13 =	spop (v2sf)  }
0x480: {  	s13 =	sadd.s32 $0x0, s13  }
0x481: {  	v6 =	vmov s13  }
0x482: {  	s14 =	spop (v2sf);
	v6 =	vsub.s32 $0x0, v6  }
0x483: {  	s15 =	simm.s32 $0x40;
	s13 =	sadd.s32 s13, s14;
	v6 =	vbroadcast v6, $0x0  }
0x484: {  	v7 =	vld [tilespmem:s15+$0xEF00];
	v12, _, _ =	vpop (xrf0);
	v14 =	vmov s13  }
0x485: {  	(v2sf) =	vpush v12, $0xF;
	v17, _, _ =	vpop (xrf0);
	v14 =	vsub.s32 $0x0, v14;
	v6 =	vadd.s32 v4, v6  }
0x486: {  	(v2sf) =	vpush v17, $0xF;
	v14 =	vbroadcast v14, $0x0;
	v17 =	vadd.s32 v5, v6  }
0x487: {  	v8 =	vsub.s32 v17, v8  }
0x488: {  	s26 =	simm.s32 $0x50;
	vm1 =	vge.s32 v8, v3;
	v8 =	vadd.s32 v4, v14  }
0x489: {  	(xrf0) =	vadd.scan.msk.s32 $0xffff, v7;
	v6 =	vld [tilespmem:s26+$0xEF00];
	v5 =	vnsel vm1, $0x0, v5;
	v14 =	vadd.s32 v9, v8  }
0x48a: {  	(xrf0) =	vadd.scan.msk.s32 $0xffff, v5;
	v5 =	vsub.s32 v14, v11  }
0x48b: {  	v13 =	vld [tilespmem:$0xF000];
	vm2 =	vge.s32 v5, v3  }
0x48c: {  	v15 =	vld [tilespmem:$0xF010];
	s29 =	spop (v2sf);
	v9 =	vnsel vm2, $0x0, v9  }
0x48d: {  	v16 =	vld [tilespmem:$0xF020];
	s13 =	sadd.s32 s13, s29  }
0x48e: {  	v20 =	vld [tilespmem:$0xF030];
	v11 =	vmov s13;
	(xrf0) =	vadd.scan.msk.s32 $0xffff, v6  }
0x48f: {  	v18 =	vld [tilespmem:$0xF040];
	v5 =	vsub.s32 $0x0, v11;
	v11 =	vmpcnt.ones.xlane vm0;
	(xrf0) =	vadd.scan.msk.s32 $0xffff, v9;
	v9, _, _ =	vpop (xrf0)  }
0x490: {  	s28 =	simm.s32 $0x60;
	v21 =	vld [tilespmem:$0xF050];
	v14 =	vimm.s32 $0x0;
	v5 =	vbroadcast v5, $0x0;
	(v2sf) =	vpush v9, $0xF  }
0x491: {  	v8 =	vld [tilespmem:s28+$0xEF00];
	v11 =	vadd.s32 v14, v11  }
0x492: {  	v22 =	vld [tilespmem:$0xF060];
	v17 =	vmpcnt.ones.xlane vm1;
	v5 =	vadd.s32 v4, v5  }
0x493: {  	v23 =	vld [tilespmem:$0xF070];
	v5 =	vadd.s32 v10, v5;
	v14, _, _ =	vpop (xrf0)  }
0x494: {  	v24 =	vld [tilespmem:$0xF080];
	v5 =	vsub.s32 v5, v12;
	v12 =	vadd.s32 v11, v17;
	(v2sf) =	vpush v14, $0xF;
	v11, _, _ =	vpop (xrf0)  }
0x495: {  	v26 =	vld [tilespmem:$0xF090];
	(v2sf) =	vpush v11, $0xF;
	v32, _, _ =	vpop (xrf0)  }
0x496: {  	v25 =	vld [tilespmem:$0xF0A0];
	s30 =	spop (v2sf);
	v19 =	vmpcnt.ones.xlane vm2;
	(xrf0) =	vadd.scan.msk.s32 $0xffff, v8;
	(v2sf) =	vpush v32, $0xF  }
0x497: {  	v27 =	vld [tilespmem:$0xF0B0];
	s13 =	sadd.s32 s13, s30  }
0x498: {  	s31 =	simm.s32 $0x70;
	v28 =	vld [tilespmem:$0xF0C0];
	vm15 =	vge.s32 v5, v3;
	v5 =	vadd.s32 v12, v19;
	v12 =	vmov s13  }
0x499: {  	v12 =	vsub.s32 $0x0, v12;
	v19 =	vnsel vm15, $0x0, v10;
	v10 =	vld [tilespmem:s31+$0xEF00]  }
0x49a: {  	v29 =	vld [tilespmem:$0xF0D0];
	v17 =	vmpcnt.ones.xlane vm15  }
0x49b: {  	v30 =	vld [tilespmem:$0xF0E0]  }
0x49c: {  	v31 =	vld [tilespmem:$0xF0F0];
	s15 =	simm.s32 $0x200;
	s14 =	spop (v2sf);
	v14 =	vbroadcast v12, $0x0;
	(xrf0) =	vadd.scan.msk.s32 $0xffff, v19;
	v5 =	vadd.s32 v5, v17;
	v12, _, _ =	vpop (xrf0)  }
.LBB2_37:
0x49d: {  	p0 =	sne.s32 s15, $0x3C0  }
0x49e: {  	(xrf0) =	vadd.scan.msk.s32 $0xffff, v10;
	(v2sf) =	vpush v12, $0xF;
	v14 =	vadd.s32 v4, v14;
	s11 =	sadd.s32 s11, s14;
	v17 =	vmov v10;
	s14 =	smov.u32 s15;
	s15 =	sadd.s32 $0x40, s15  }
0x49f: {  	s14 =	sshra.s32 s14, $0x2;
	v14 =	vadd.s32 v7, v14;
	s16 =	spop (v2sf)  }
.Ltmp20:
0x4a0: {  	v10 =	vld [tilespmem:s14+$0xEF00];
	v14 =	vsub.s32 v14, v9;
	s13 =	sadd.s32 s13, s16;
	v9 =	vmov v11;
	v11 =	vmov v12;
	(pc) =	sbr.rel @p0 .LBB2_37-.Ltmp20, $4  }
0x4a1: {  	v12 =	vmov s13;
	vm0 =	vge.s32 v14, v3  }
0x4a2: {  	v34 =	vsub.s32 $0x0, v12;
	v19 =	vmpcnt.ones.xlane vm0;
	v33 =	vnsel vm0, $0x0, v7;
	v32, _, _ =	vpop (xrf0)  }
0x4a3: {  	v7 =	vmovc v6;
	v6 =	vmov v8;
	v14 =	vbroadcast v34, $0x0;
	(xrf0) =	vadd.scan.msk.s32 $0xffff, v33;
	(v2sf) =	vpush v32, $0xF;
	_ =	sdelay $0x1  }
0x4a4: {  	v8 =	vmov v17;
	v12, _, _ =	vpop (xrf0);
	v5 =	vadd.s32 v5, v19;
	s14 =	spop (v2sf)  }
0x4a5: {  	(v2sf) =	vpush v12, $0xF;
	_ =	sdelay $0xa  }
0x4a6: {  	s15 =	spop (v2sf)  }
0x4a7: {  	s16 =	spop (v2sf)  }
0x4a8: {  	s17 =	spop (v2sf)  }
0x4a9: {  	s13 =	sadd.s32 s13, s15;
	s15 =	spop (v2sf)  }
0x4aa: {  	v14 =	vadd.s32 v4, v14;
	v17 =	vmov s13;
	s13 =	sadd.s32 s13, s17;
	s24 =	spop (v2sf)  }
0x4ab: {  	v14 =	vadd.s32 v7, v14;
	v17 =	vsub.s32 $0x0, v17;
	v19 =	vmov s13;
	s13 =	sadd.s32 s13, s24  }
0x4ac: {  	(xrf0) =	vadd.scan.msk.s32 $0xffff, v10;
	v17 =	vbroadcast v17, $0x0;
	v19 =	vsub.s32 $0x0, v19;
	v32 =	vmov s13  }
0x4ad: {  	v9 =	vsub.s32 v14, v9;
	v14 =	vbroadcast v19, $0x0;
	v19 =	vsub.s32 $0x0, v32  }
0x4ae: {  	vm0 =	vge.s32 v9, v3;
	v9 =	vadd.s32 v4, v17;
	v17 =	vbroadcast v19, $0x0  }
0x4af: {  	v9 =	vadd.s32 v6, v9  }
0x4b0: {  	v7 =	vnsel vm0, $0x0, v7;
	v9 =	vsub.s32 v9, v11;
	v14 =	vadd.s32 v4, v14;
	s13 =	simm.s32 $0x0  }
0x4b1: {  	v11, _, _ =	vpop (xrf0);
	vm1 =	vge.s32 v9, v3;
	v14 =	vadd.s32 v8, v14;
	s25 =	sand.u32 $0xF0, s13;
	v4 =	vadd.s32 v4, v17  }
0x4b2: {  	s26 =	simm.s32 $0x10;
	(xrf0) =	vadd.scan.msk.s32 $0xffff, v7;
	v6 =	vnsel vm1, $0x0, v6;
	v9 =	vsub.s32 v14, v12;
	v12 =	vld [tilespmem:s25+$0xF000];
	v4 =	vadd.s32 v10, v4;
	v17, _, _ =	vpop (xrf0)  }
0x4b3: {  	s17 =	sand.u32 $0xF0, s26;
	vm2 =	vge.s32 v9, v3;
	(xrf0) =	vadd.scan.msk.s32 $0xffff, v6;
	v4 =	vsub.s32 v4, v17  }
0x4b4: {  	v7 =	vld [tilespmem:s17+$0xF000];
	v6 =	vnsel vm2, $0x0, v8;
	vm3 =	vge.s32 v4, v3  }
0x4b5: {  	(xrf0) =	vadd.scan.msk.s32 $0xffff, v6;
	v3 =	vnsel vm3, $0x0, v10  }
0x4b6: {  	(xrf0) =	vadd.scan.msk.s32 $0xffff, v3  }
0x4b7: {  	(v2sf) =	vpush v11, $0xF;
	(xrf0) =	vadd.scan.msk.s32 $0xffff, v12  }
0x4b8: {  	s28 =	simm.s32 $0x20;
	(v2sf) =	vpush v17, $0xF;
	v3, _, _ =	vpop (xrf0)  }
0x4b9: {  	s17 =	sand.u32 $0xF0, s28;
	(v2sf) =	vpush v3, $0xF;
	v3, _, _ =	vpop (xrf0);
	(xrf0) =	vadd.scan.msk.s32 $0xffff, v7  }
0x4ba: {  	v9 =	vld [tilespmem:s17+$0xF000]  }
0x4bb: {  	(v2sf) =	vpush v3, $0xF;
	v3, _, _ =	vpop (xrf0)  }
0x4bc: {  	(v2sf) =	vpush v3, $0xF;
	v3, _, _ =	vpop (xrf0)  }
0x4bd: {  	(v2sf) =	vpush v3, $0xF;
	v3, _, _ =	vpop (xrf0)  }
0x4be: {  	(v2sf) =	vpush v3, $0xF  }
0x4bf: {  	(xrf0) =	vadd.scan.msk.s32 $0xffff, v9;
	v11, _, _ =	vpop (xrf0)  }
0x4c0: {  	(v2sf) =	vpush v11, $0xF;
	_ =	sdelay $0x1  }
0x4c1: {  	s29 =	simm.s32 $0x30;
	s9 =	ssub.s32 s9, s12;
	v3 =	vadd.s32 s13, v3  }
0x4c2: {  	s9 =	sadd.s32 $0x6D1, s9;
	s17 =	sand.u32 $0xF0, s29  }
0x4c3: {  	v4 =	vmov s9;
	v10 =	vld [tilespmem:s17+$0xF000]  }
0x4c4: {  	vm4 =	vge.s32 v3, v4;
	v3, _, _ =	vpop (xrf0)  }
0x4c5: {  	s20 =	spop (v2sf);
	(v2sf) =	vpush v3, $0xF;
	_ =	sdelay $0x1  }
0x4c6: {  	s30 =	spop (v2sf)  }
0x4c7: {  	(xrf0) =	vadd.scan.msk.s32 $0xffff, v10;
	v6 =	vnsel vm4, $0x0, v12;
	s19 =	spop (v2sf)  }
0x4c8: {  	s12 =	simm.s32 $0x40;
	(xrf0) =	vadd.scan.msk.s32 $0xffff, v6;
	s18 =	spop (v2sf)  }
0x4c9: {  	s12 =	sand.u32 $0xF0, s12;
	s31 =	spop (v2sf)  }
0x4ca: {  	s21 =	simm.s32 $0x50;
	v8 =	vld [tilespmem:s12+$0xF000];
	s12 =	spop (v2sf)  }
0x4cb: {  	s21 =	sand.u32 $0xF0, s21;
	s22 =	spop (v2sf)  }
0x4cc: {  	v6 =	vld [tilespmem:s21+$0xF000];
	s22 =	sadd.s32 $0x0, s22  }
0x4cd: {  	v12, _, _ =	vpop (xrf0);
	v11 =	vadd.s32 s22, v11;
	s23 =	spop (v2sf)  }
0x4ce: {  	v14, _, _ =	vpop (xrf0);
	(v2sf) =	vpush v12, $0xF;
	vm5 =	vge.s32 v11, v4;
	s22 =	sadd.s32 s22, s23  }
0x4cf: {  	s24 =	simm.s32 $0x60;
	(xrf0) =	vadd.scan.msk.s32 $0xffff, v8;
	(v2sf) =	vpush v14, $0xF;
	v14 =	vnsel vm5, $0x0, v7;
	v3 =	vadd.s32 s22, v3  }
0x4d0: {  	s21 =	sand.u32 $0xF0, s24;
	v11 =	vmpcnt.ones.xlane vm0;
	(xrf0) =	vadd.scan.msk.s32 $0xffff, v14;
	vm0 =	vge.s32 v3, v4  }
0x4d1: {  	v17 =	vmpcnt.ones.xlane vm1;
	v7 =	vld [tilespmem:s21+$0xF000];
	(xrf0) =	vadd.scan.msk.s32 $0xffff, v6;
	v9 =	vnsel vm0, $0x0, v9  }
0x4d2: {  	v5 =	vadd.s32 v5, v11;
	v11 =	vmpcnt.ones.xlane vm2;
	(xrf0) =	vadd.scan.msk.s32 $0xffff, v9  }
0x4d3: {  	s26 =	spop (v2sf)  }
0x4d4: {  	s28 =	sadd.s32 s22, s26  }
0x4d5: {  	v3 =	vadd.s32 v5, v17;
	v17, _, _ =	vpop (xrf0);
	v12 =	vadd.s32 s28, v12  }
0x4d6: {  	v3 =	vadd.s32 v3, v11;
	(v2sf) =	vpush v17, $0xF;
	(xrf0) =	vadd.scan.msk.s32 $0xffff, v7;
	v11, _, _ =	vpop (xrf0)  }
0x4d7: {  	(v2sf) =	vpush v11, $0xF;
	v11, _, _ =	vpop (xrf0)  }
0x4d8: {  	v5 =	vmpcnt.ones.xlane vm3;
	vm3 =	vge.s32 v12, v4;
	(v2sf) =	vpush v11, $0xF;
	v12, _, _ =	vpop (xrf0)  }
0x4d9: {  	(v2sf) =	vpush v12, $0xF;
	_ =	sdelay $0x2  }
0x4da: {  	v14, _, _ =	vpop (xrf0)  }
0x4db: {  	s11 =	sadd.s32 s11, s14;
	s25 =	simm.s32 $0x70;
	s29 =	spop (v2sf);
	(v2sf) =	vpush v14, $0xF  }
0x4dc: {  	s11 =	sadd.s32 s11, s16;
	s14 =	sand.u32 $0xF0, s25;
	vm1 =	vmmov vm4  }
0x4dd: {  	s11 =	sadd.s32 s11, s15;
	vm1 =	vmmov vm1;
	v9 =	vld [tilespmem:s14+$0xF000]  }
0x4de: {  	s11 =	sadd.s32 s11, s20;
	vm1 =	vmmov vm1;
	vm2 =	vmmov vm5;
	v10 =	vnsel vm3, $0x0, v10  }
0x4df: {  	vm4 =	vmmov vm1;
	s11 =	sadd.s32 s11, s19;
	vm2 =	vmmov vm2;
	vm0 =	vmmov vm0;
	(xrf0) =	vadd.scan.msk.s32 $0xffff, v10  }
0x4e0: {  	s30 =	simm.s32 $0x80;
	s11 =	sadd.s32 s11, s18;
	vm2 =	vmmov vm2;
	vm0 =	vmmov vm0;
	v3 =	vadd.s32 v3, v5;
	s14 =	sadd.s32 s28, s29  }
0x4e1: {  	s11 =	sadd.s32 s11, s31;
	s31 =	sand.u32 $0xF0, s30;
	v5 =	vimm.s32 $0x0;
	vm2 =	vmmov vm2;
	v17 =	vadd.s32 s14, v17  }
0x4e2: {  	s15 =	simm.s32 $0x90;
	s12 =	sadd.s32 s11, s12;
	vm1 =	vmmov vm3;
	v10 =	vmpcnt.ones.xlane vm4;
	(xrf0) =	vadd.scan.msk.s32 $0xffff, v9;
	v12 =	vld [tilespmem:s31+$0xF000];
	s11 =	spop (v2sf);
	vm3 =	vge.s32 v17, v4  }
.LBB2_39:
0x4e3: {  	p0 =	sne.s32 s15, $0xF0  }
0x4e4: {  	v17 =	vnsel vm3, $0x0, v8;
	v5 =	vadd.s32 v5, v10;
	s13 =	sadd.s32 s13, s11;
	v8 =	vmovc v6;
	v6 =	vmovc v7;
	v7 =	vmov v9;
	s11 =	smov.u32 s15;
	s15 =	sadd.s32 $0x10, s15  }
.Ltmp21:
0x4e5: {  	vm4 =	vmmov vm0;
	vm0 =	vmmov vm1;
	vm1 =	vmmov vm3;
	(xrf0) =	vadd.scan.msk.s32 $0xffff, v17;
	v9, _, _ =	vpop (xrf0);
	(pc) =	sbr.rel @p0 .LBB2_39-.Ltmp21, $4  }
0x4e6: {  	s16 =	spop (v2sf);
	(v2sf) =	vpush v9, $0xF  }
0x4e7: {  	s14 =	sadd.s32 s14, s16  }
0x4e8: {  	v10 =	vmpcnt.ones.xlane vm2;
	s16 =	sand.u32 $0xF0, s11;
	(xrf0) =	vadd.scan.msk.s32 $0xffff, v12;
	v17 =	vadd.s32 s14, v11;
	v11 =	vmov v14;
	v14, _, _ =	vpop (xrf0);
	_ =	sdelay $0x1  }
0x4e9: {  	vm2 =	vmmov vm4;
	v9 =	vmovc v12;
	(v2sf) =	vpush v14, $0xF;
	vm3 =	vge.s32 v17, v4;
	s11 =	spop (v2sf);
	v12 =	vld [tilespmem:s16+$0xF000]  }
0x4ea: {  	_ =	sdelay $0x1  }
0x4eb: {  	v17, _, _ =	vpop (xrf0)  }
0x4ec: {  	(v2sf) =	vpush v17, $0xF;
	v17, _, _ =	vpop (xrf0)  }
0x4ed: {  	(v2sf) =	vpush v17, $0xF;
	_ =	sdelay $0x7  }
0x4ee: {  	v8 =	vnsel vm3, $0x0, v8  }
0x4ef: {  	s16 =	spop (v2sf);
	(xrf0) =	vadd.scan.msk.s32 $0xffff, v8  }
0x4f0: {  	s17 =	spop (v2sf);
	(xrf0) =	vadd.scan.msk.s32 $0xffff, v12  }
0x4f1: {  	s18 =	spop (v2sf)  }
0x4f2: {  	s15 =	spop (v2sf)  }
0x4f3: {  	s14 =	sadd.s32 s14, s16;
	s22 =	spop (v2sf)  }
0x4f4: {  	v60 =	vadd.s32 s14, v11;
	s18 =	sadd.s32 s14, s18;
	s23 =	spop (v2sf)  }
0x4f5: {  	vm5 =	vge.s32 v60, v4;
	v62 =	vadd.s32 s18, v14;
	v61, _, _ =	vpop (xrf0);
	s16 =	sadd.s32 s18, s22;
	s24 =	spop (v2sf)  }
0x4f6: {  	v6 =	vnsel vm5, $0x0, v6;
	vm7 =	vge.s32 v62, v4;
	v14 =	vadd.s32 s16, v17;
	v17, _, _ =	vpop (xrf0);
	s16 =	sadd.s32 s16, s24  }
0x4f7: {  	(xrf0) =	vadd.scan.msk.s32 $0xffff, v6;
	v6 =	vnsel vm7, $0x0, v7;
	vm6 =	vge.s32 v14, v4;
	v63 =	vadd.s32 s16, v17  }
0x4f8: {  	(xrf0) =	vadd.scan.msk.s32 $0xffff, v6;
	vm4 =	vge.s32 v63, v4;
	v4 =	vnsel vm6, $0x0, v9  }
0x4f9: {  	(xrf0) =	vadd.scan.msk.s32 $0xffff, v4;
	v4 =	vnsel vm4, $0x0, v12  }
0x4fa: {  	(xrf0) =	vadd.scan.msk.s32 $0xffff, v4;
	_ =	sdelay $0x1  }
0x4fb: {  	(v2sf) =	vpush v61, $0xF  }
0x4fc: {  	(v2sf) =	vpush v17, $0xF;
	v4, _, _ =	vpop (xrf0)  }
0x4fd: {  	(v2sf) =	vpush v4, $0xF;
	v4, _, _ =	vpop (xrf0)  }
0x4fe: {  	(v2sf) =	vpush v4, $0xF;
	v4, _, _ =	vpop (xrf0)  }
0x4ff: {  	(v2sf) =	vpush v4, $0xF;
	v4, _, _ =	vpop (xrf0)  }
0x500: {  	vm12 =	vmmov vm3;
	(v2sf) =	vpush v4, $0xF  }
0x501: {  	vm1 =	vmmov vm1;
	vm14 =	vmmov vm12  }
0x502: {  	vm0 =	vmmov vm0;
	vm13 =	vmmov vm1;
	vm1 =	vmmov vm14  }
0x503: {  	vm0 =	vmmov vm0;
	vm15 =	vmmov vm1  }
0x504: {  	vm7 =	vmmov vm7;
	v6 =	vmpcnt.ones.xlane vm0;
	vm0 =	vmmov vm13  }
0x505: {  	vm5 =	vmmov vm5;
	vm1 =	vmmov vm7;
	v7 =	vmpcnt.ones.xlane vm0  }
0x506: {  	vm0 =	vmmov vm5;
	vm1 =	vmmov vm1;
	v4 =	vmpcnt.ones.xlane vm2  }
0x507: {  	v5 =	vadd.s32 v5, v10;
	vm0 =	vmmov vm0;
	vm10 =	vmmov vm1  }
0x508: {  	s11 =	sadd.s32 s13, s11;
	vm0 =	vmmov vm0;
	vm8 =	vmmov vm6;
	v4 =	vadd.s32 v5, v4  }
0x509: {  	s11 =	sadd.s32 s11, s17;
	vm9 =	vmmov vm4;
	v5 =	vmpcnt.ones.xlane vm15;
	v4 =	vadd.s32 v4, v6  }
0x50a: {  	s11 =	sadd.s32 s11, s15;
	s25 =	spop (v2sf);
	vm12 =	vmmov vm9;
	vm2 =	vmmov vm8;
	v4 =	vadd.s32 v4, v7  }
0x50b: {  	s11 =	sadd.s32 s11, s23;
	s26 =	spop (v2sf);
	vm11 =	vmmov vm2;
	v4 =	vadd.s32 v4, v5;
	v5 =	vmpcnt.ones.xlane vm0  }
0x50c: {  	s11 =	sadd.s32 s11, s25;
	vm14 =	vmmov vm12;
	vm13 =	vmmov vm11;
	v6 =	vmpcnt.ones.xlane vm10;
	s28 =	spop (v2sf)  }
0x50d: {  	vm15 =	vmmov vm14;
	v4 =	vadd.s32 v4, v5;
	v5 =	vmpcnt.ones.xlane vm13;
	s11 =	sadd.s32 s11, s28;
	s29 =	spop (v2sf)  }
0x50e: {  	v4 =	vadd.s32 v4, v6;
	v6 =	vmpcnt.ones.xlane vm15;
	s11 =	sadd.s32 s11, s29;
	s30 =	spop (v2sf)  }
0x50f: {  	v4 =	vadd.s32 v4, v5;
	s11 =	sadd.s32 s11, s30;
	s31 =	spop (v2sf)  }
0x510: {  	s13 =	simm.s32 $0x40;
	s14 =	simm.s32 $0x0;
	v5 =	vimm.s32 $0x0;
	v4 =	vadd.s32 v4, v6;
	s11 =	sadd.s32 s11, s31  }
.LBB2_41:
0x511: {  	p0 =	sne.s32 s13, $0x3FC0;
	[tilespmem:s14+$0xAD00] =	vst v5;
	s15 =	smov.u32 s13;
	s13 =	sadd.s32 $0x40, s13  }
.Ltmp22:
0x512: {  	[tilespmem:s14+$0xBD00] =	vst v5;
	(pc) =	sbr.rel @p0 .LBB2_41-.Ltmp22, $2  }
0x513: {  	_ =	sdelay $0x2  }
0x514: {  	s14 =	sshra.s32 s15, $0x2  }
0x515: {  	v3 =	vshll.u32 v3, $0x10  }
0x516: {  	[tilespmem:s14+$0xAD00] =	vst v5;
	v4 =	vshll.u32 v4, $0x10;
	v3 =	vadd.s32 $0xFFFF0000, v3  }
0x517: {  	[tilespmem:s14+$0xBD00] =	vst v5;
	s15 =	simm.s32 $0x0;
	v32 =	vor.u32 v0, v3;
	v0 =	vsub.s32 $0x1000000, v4;
	v3 =	vlaneseq.u32  }
0x518: {  	s13 =	simm.s32 $0xAD00;
	s14 =	simm.s32 $0xBD00;
	v33 =	vor.u32 v1, v0;
	v1 =	vmul.u32 $0x100, v3;
	v0 =	vimm.s32 $0x1;
	v3 =	vld [tilespmem:s15+$0x8200];
	s15 =	simm.s32 $0x40  }
.LBB2_43:
0x519: {  	p0 =	sne.s32 s15, $0xAA40;
	_ =	sdelay $0x3  }
0x51a: {  	v4 =	vshrl.u32 v3, $0x8;
	v3 =	vand.u32 $0xFFFF0000, v3  }
0x51b: {  	vm0 =	veq.s32 v3, v32;
	v4 =	vand.u32 $0xFF, v4;
	vm1 =	veq.s32 v3, v33  }
0x51c: {  	v3 =	vor.u32 v1, v4;
	_ =	sdelay $0x2  }
.Ltmp23:
0x51d: {  	(pc) =	sbr.rel @p0 .LBB2_43-.Ltmp23, $4  }
0x51e: {  	_ = 	snop  }
0x51f: {  	[tilespmem:v3+s13+$0x0] =	vst.idx.add.s32.msk vm0, v0  }
0x520: {  	s16 =	sshra.s32 s15, $0x2;
	[tilespmem:v3+s14+$0x0] =	vst.idx.add.s32.msk vm1, v0  }
0x521: {  	s15 =	sadd.s32 $0x40, s15;
	v3 =	vld [tilespmem:s16+$0x8200]  }
0x522: {  	_ =	sdelay $0x3  }
0x523: {  	v4 =	vshrl.u32 v3, $0x8;
	v3 =	vand.u32 $0xFFFF0000, v3  }
0x524: {  	vm0 =	veq.s32 v3, v32;
	v4 =	vand.u32 $0xFF, v4  }
0x525: {  	vm1 =	veq.s32 v3, v33;
	v1 =	vor.u32 v1, v4;
	_ =	sdelay $0x4  }
0x526: {  	[tilespmem:v1+s13+$0x0] =	vst.idx.add.s32.msk vm0, v0  }
0x527: {  	s13 =	simm.s32 $0x0;
	[tilespmem:v1+s14+$0x0] =	vst.idx.add.s32.msk vm1, v0  }
0x528: {  	v0 =	vld [tilespmem:s13+$0xBD00]  }
0x529: {  	v1 =	vld [tilespmem:s13+$0xBE00]  }
0x52a: {  	v3 =	vld [tilespmem:s13+$0xBF00]  }
0x52b: {  	v4 =	vld [tilespmem:s13+$0xC000]  }
0x52c: {  	v5 =	vld [tilespmem:s13+$0xC100]  }
0x52d: {  	v6 =	vld [tilespmem:s13+$0xC200]  }
0x52e: {  	v7 =	vld [tilespmem:s13+$0xC300]  }
0x52f: {  	v0 =	vadd.s32 v0, v1;
	v1 =	vld [tilespmem:s13+$0xC400]  }
0x530: {  	v0 =	vadd.s32 v3, v0;
	v3 =	vld [tilespmem:s13+$0xC500]  }
0x531: {  	v0 =	vadd.s32 v4, v0;
	v4 =	vld [tilespmem:s13+$0xC600]  }
0x532: {  	v0 =	vadd.s32 v5, v0;
	v5 =	vld [tilespmem:s13+$0xC700]  }
0x533: {  	v0 =	vadd.s32 v6, v0;
	v6 =	vld [tilespmem:s13+$0xC800]  }
0x534: {  	v0 =	vadd.s32 v7, v0;
	v7 =	vld [tilespmem:s13+$0xC900]  }
0x535: {  	v0 =	vadd.s32 v1, v0;
	v1 =	vld [tilespmem:s13+$0xCA00]  }
0x536: {  	v0 =	vadd.s32 v3, v0;
	v3 =	vld [tilespmem:s13+$0xCB00]  }
0x537: {  	v0 =	vadd.s32 v4, v0;
	v4 =	vld [tilespmem:s13+$0xCC00]  }
0x538: {  	v0 =	vadd.s32 v5, v0;
	v5 =	vld [tilespmem:s13+$0xAD00]  }
0x539: {  	v0 =	vadd.s32 v6, v0;
	v6 =	vld [tilespmem:s13+$0xAE00]  }
0x53a: {  	v0 =	vadd.s32 v7, v0;
	v7 =	vld [tilespmem:s13+$0xAF00]  }
0x53b: {  	v0 =	vadd.s32 v1, v0;
	v1 =	vld [tilespmem:s13+$0xB000]  }
0x53c: {  	v0 =	vadd.s32 v3, v0;
	v3 =	vld [tilespmem:s13+$0xB100]  }
0x53d: {  	v0 =	vadd.s32 v4, v0;
	v4 =	vld [tilespmem:s13+$0xB200]  }
0x53e: {  	[tilespmem:s13+$0xCE00] =	vst v0;
	v0 =	vadd.s32 v5, v6;
	v5 =	vld [tilespmem:s13+$0xB300]  }
0x53f: {  	v6 =	vld [tilespmem:s13+$0xB400];
	v0 =	vadd.s32 v7, v0  }
0x540: {  	v7 =	vld [tilespmem:s13+$0xB500];
	v0 =	vadd.s32 v1, v0  }
0x541: {  	v8 =	vld [tilespmem:s13+$0xB600];
	v0 =	vadd.s32 v3, v0  }
0x542: {  	v9 =	vld [tilespmem:s13+$0xB700];
	v0 =	vadd.s32 v4, v0  }
0x543: {  	v10 =	vld [tilespmem:s13+$0xB800];
	v0 =	vadd.s32 v5, v0  }
0x544: {  	v1 =	vld [tilespmem:s13+$0xB900];
	v0 =	vadd.s32 v6, v0  }
0x545: {  	v3 =	vld [tilespmem:s13+$0xBA00];
	v0 =	vadd.s32 v7, v0  }
0x546: {  	v4 =	vld [tilespmem:s13+$0xBB00];
	v0 =	vadd.s32 v8, v0  }
0x547: {  	s15 =	simm.s32 $0x10;
	v5 =	vld [tilespmem:s13+$0xBC00];
	v6 =	vadd.s32 v9, v0  }
0x548: {  	s14 =	simm.s32 $0x80;
	v0 =	vld [tilespmem:s15+$0xBD00];
	v6 =	vadd.s32 v10, v6  }
.LBB2_45:
0x549: {  	p0 =	sne.s32 s14, $0x3C0;
	v7 =	vld [tilespmem:s15+$0xBE00];
	v1 =	vadd.s32 v1, v6  }
0x54a: {  	v6 =	vld [tilespmem:s15+$0xBF00];
	v1 =	vadd.s32 v3, v1  }
0x54b: {  	v3 =	vld [tilespmem:s15+$0xC000];
	v1 =	vadd.s32 v4, v1  }
0x54c: {  	v4 =	vld [tilespmem:s15+$0xC100];
	v1 =	vadd.s32 v5, v1  }
0x54d: {  	v5 =	vld [tilespmem:s15+$0xC200];
	[tilespmem:s13+$0xCD00] =	vst v1;
	s13 =	smov.u32 s15  }
0x54e: {  	v0 =	vadd.s32 v0, v7;
	v1 =	vld [tilespmem:s13+$0xC300]  }
0x54f: {  	v0 =	vadd.s32 v6, v0;
	v6 =	vld [tilespmem:s13+$0xC400]  }
0x550: {  	v0 =	vadd.s32 v3, v0;
	v3 =	vld [tilespmem:s13+$0xC500]  }
0x551: {  	v0 =	vadd.s32 v4, v0;
	v4 =	vld [tilespmem:s13+$0xC600]  }
0x552: {  	v0 =	vadd.s32 v5, v0;
	v5 =	vld [tilespmem:s13+$0xC700]  }
0x553: {  	v0 =	vadd.s32 v1, v0;
	v1 =	vld [tilespmem:s13+$0xC800]  }
0x554: {  	v0 =	vadd.s32 v6, v0;
	v6 =	vld [tilespmem:s13+$0xC900]  }
0x555: {  	v0 =	vadd.s32 v3, v0;
	v3 =	vld [tilespmem:s13+$0xCA00]  }
0x556: {  	v0 =	vadd.s32 v4, v0;
	v4 =	vld [tilespmem:s13+$0xCB00]  }
0x557: {  	v0 =	vadd.s32 v5, v0;
	v5 =	vld [tilespmem:s13+$0xCC00]  }
0x558: {  	v7 =	vld [tilespmem:s13+$0xAD00];
	v0 =	vadd.s32 v1, v0  }
0x559: {  	v1 =	vld [tilespmem:s13+$0xAE00];
	v0 =	vadd.s32 v6, v0  }
0x55a: {  	v6 =	vld [tilespmem:s13+$0xAF00];
	v0 =	vadd.s32 v3, v0  }
0x55b: {  	v3 =	vld [tilespmem:s13+$0xB000];
	v0 =	vadd.s32 v4, v0  }
0x55c: {  	v4 =	vld [tilespmem:s13+$0xB100];
	v0 =	vadd.s32 v5, v0  }
0x55d: {  	v5 =	vld [tilespmem:s13+$0xB200];
	[tilespmem:s13+$0xCE00] =	vst v0  }
0x55e: {  	v0 =	vadd.s32 v7, v1;
	v1 =	vld [tilespmem:s13+$0xB300]  }
0x55f: {  	v0 =	vadd.s32 v6, v0;
	v6 =	vld [tilespmem:s13+$0xB400]  }
0x560: {  	v0 =	vadd.s32 v3, v0;
	v3 =	vld [tilespmem:s13+$0xB500]  }
0x561: {  	v0 =	vadd.s32 v4, v0;
	v4 =	vld [tilespmem:s13+$0xB600]  }
0x562: {  	v0 =	vadd.s32 v5, v0;
	v5 =	vld [tilespmem:s13+$0xB700]  }
0x563: {  	v0 =	vadd.s32 v1, v0;
	v7 =	vld [tilespmem:s13+$0xB800]  }
.Ltmp24:
0x564: {  	v0 =	vadd.s32 v6, v0;
	v1 =	vld [tilespmem:s13+$0xB900];
	(pc) =	sbr.rel @p0 .LBB2_45-.Ltmp24, $4  }
0x565: {  	v0 =	vadd.s32 v3, v0;
	v3 =	vld [tilespmem:s13+$0xBA00]  }
0x566: {  	v0 =	vadd.s32 v4, v0;
	v4 =	vld [tilespmem:s13+$0xBB00]  }
0x567: {  	s15 =	sshra.s32 s14, $0x2;
	v6 =	vadd.s32 v5, v0;
	v5 =	vld [tilespmem:s13+$0xBC00]  }
0x568: {  	s14 =	sadd.s32 $0x40, s14;
	v0 =	vld [tilespmem:s15+$0xBD00];
	v6 =	vadd.s32 v7, v6  }
0x569: {  	v7 =	vld [tilespmem:s15+$0xBE00];
	v1 =	vadd.s32 v1, v6  }
0x56a: {  	v6 =	vld [tilespmem:s15+$0xBF00];
	v1 =	vadd.s32 v3, v1  }
0x56b: {  	v3 =	vld [tilespmem:s15+$0xC000];
	v1 =	vadd.s32 v4, v1  }
0x56c: {  	v4 =	vld [tilespmem:s15+$0xC100];
	v1 =	vadd.s32 v5, v1  }
0x56d: {  	v5 =	vld [tilespmem:s15+$0xC200];
	[tilespmem:s13+$0xCD00] =	vst v1  }
0x56e: {  	v1 =	vld [tilespmem:s15+$0xC300]  }
0x56f: {  	v0 =	vadd.s32 v0, v7;
	v7 =	vld [tilespmem:s15+$0xC400]  }
0x570: {  	v0 =	vadd.s32 v6, v0;
	v6 =	vld [tilespmem:s15+$0xC500]  }
0x571: {  	v0 =	vadd.s32 v3, v0;
	v3 =	vld [tilespmem:s15+$0xC600]  }
0x572: {  	v0 =	vadd.s32 v4, v0;
	v4 =	vld [tilespmem:s15+$0xC700]  }
0x573: {  	v0 =	vadd.s32 v5, v0;
	v5 =	vld [tilespmem:s15+$0xC800]  }
0x574: {  	v0 =	vadd.s32 v1, v0;
	v1 =	vld [tilespmem:s15+$0xC900]  }
0x575: {  	v0 =	vadd.s32 v7, v0;
	v7 =	vld [tilespmem:s15+$0xCA00]  }
0x576: {  	v0 =	vadd.s32 v6, v0;
	v6 =	vld [tilespmem:s15+$0xCB00]  }
0x577: {  	v0 =	vadd.s32 v3, v0;
	v3 =	vld [tilespmem:s15+$0xCC00]  }
0x578: {  	v0 =	vadd.s32 v4, v0;
	v4 =	vld [tilespmem:s15+$0xAD00]  }
0x579: {  	v0 =	vadd.s32 v5, v0;
	v5 =	vld [tilespmem:s15+$0xAE00]  }
0x57a: {  	v0 =	vadd.s32 v1, v0;
	v1 =	vld [tilespmem:s15+$0xAF00]  }
0x57b: {  	v0 =	vadd.s32 v7, v0;
	v7 =	vld [tilespmem:s15+$0xB000]  }
0x57c: {  	v0 =	vadd.s32 v6, v0;
	v6 =	vld [tilespmem:s15+$0xB100]  }
0x57d: {  	v0 =	vadd.s32 v3, v0;
	v3 =	vld [tilespmem:s15+$0xB200]  }
0x57e: {  	[tilespmem:s15+$0xCE00] =	vst v0;
	v0 =	vadd.s32 v4, v5;
	v4 =	vld [tilespmem:s15+$0xB300]  }
0x57f: {  	v0 =	vadd.s32 v1, v0;
	v1 =	vld [tilespmem:s15+$0xB400]  }
0x580: {  	v5 =	vld [tilespmem:s15+$0xB500];
	v0 =	vadd.s32 v7, v0  }
0x581: {  	v0 =	vadd.s32 v6, v0;
	v6 =	vld [tilespmem:s15+$0xB600]  }
0x582: {  	v0 =	vadd.s32 v3, v0;
	v3 =	vld [tilespmem:s15+$0xB700]  }
0x583: {  	v0 =	vadd.s32 v4, v0;
	v4 =	vld [tilespmem:s15+$0xB800]  }
0x584: {  	v0 =	vadd.s32 v1, v0;
	v1 =	vld [tilespmem:s15+$0xB900]  }
0x585: {  	v0 =	vadd.s32 v5, v0;
	v5 =	vld [tilespmem:s15+$0xBA00]  }
0x586: {  	v0 =	vadd.s32 v6, v0;
	v6 =	vld [tilespmem:s15+$0xBB00]  }
0x587: {  	v0 =	vadd.s32 v3, v0;
	v3 =	vld [tilespmem:s15+$0xBC00]  }
0x588: {  	v0 =	vadd.s32 v4, v0  }
0x589: {  	v0 =	vadd.s32 v1, v0  }
0x58a: {  	v0 =	vadd.s32 v5, v0  }
0x58b: {  	v0 =	vadd.s32 v6, v0  }
0x58c: {  	s26 =	sadd.s32 $0x100, s8;
	s14 =	simm.s32 $0x80;
	v0 =	vadd.s32 v3, v0  }
0x58d: {  	s28 =	simm.s32 $0x200;
	s16 =	simm.s32 $0xCD00;
	s29 =	simm.s32 $0x5;
	[tilespmem:s15+$0xCD00] =	vst v0  }
0x58e: {  	[spmem:s26] =	stream.strided.scatter [tilespmem:s16], [sflag:$0x5], $0x200, s28, s14, $0x38;
	[tilespmem:$0xFB10] =	vst v63  }
0x58f: {  	_ =	swait.ge [sflag:s29], $0x200  }
0x590: {  	[sflag:s29] =	ssyncset.done $0x0  }
0x591: {  	[sflag:s29] =	ssyncadd.s32 $0xFFFFFE00  }
0x592: {  	s30 =	sadd.s32 $0x100, s7;
	s17 =	simm.s32 $0xCF00;
	[bflag:$0x0] =	sbarrier.arrive $0xFFFF  }
0x593: {  	[tilespmem:s17], [sflag:$0x5] =	stream.strided.gather [spmem:s30], $0x2000, s28, s14, $0x38;
	[tilespmem:$0xFB10] =	vst v63  }
0x594: {  	_ =	swait.ge [sflag:s29], $0x2000  }
0x595: {  	[sflag:s29] =	ssyncset.done $0x0  }
0x596: {  	s15 =	simm.s32 $0xD000;
	[sflag:s29] =	ssyncadd.s32 $0xFFFFE000  }
0x597: {  	s31 =	simm.s32 $0x0;
	v19 =	vld [tilespmem:s15+$0x0]  }
0x598: {  	s14 =	sand.u32 $0xF0, s31;
	v14 =	vld [tilespmem:s15+$0xFFFFFF00]  }
0x599: {  	v0 =	vld [tilespmem:s14+$0xE300]  }
0x59a: {  	v1 =	vld [tilespmem:s14+$0xDE00]  }
0x59b: {  	v3 =	vld [tilespmem:s14+$0xDC00]  }
0x59c: {  	v4 =	vld [tilespmem:s14+$0xDD00]  }
0x59d: {  	v7 =	vld [tilespmem:s14+$0xD800]  }
0x59e: {  	v6 =	vld [tilespmem:s14+$0xDA00]  }
0x59f: {  	v10 =	vld [tilespmem:s14+$0xD900]  }
0x5a0: {  	v8 =	vld [tilespmem:s14+$0xDB00]  }
0x5a1: {  	v12 =	vld [tilespmem:s14+$0xD700]  }
0x5a2: {  	v17 =	vld [tilespmem:s14+$0xD600]  }
0x5a3: {  	v34 =	vld [tilespmem:s14+$0xD400]  }
0x5a4: {  	v35 =	vld [tilespmem:s14+$0xD500]  }
0x5a5: {  	v37 =	vld [tilespmem:s14+$0xD300]  }
0x5a6: {  	v36 =	vld [tilespmem:s14+$0xD100]  }
0x5a7: {  	v38 =	vld [tilespmem:s14+$0xD200]  }
0x5a8: {  	v5 =	vld [tilespmem:s14+$0xE400]  }
0x5a9: {  	v9 =	vld [tilespmem:s14+$0xE200]  }
0x5aa: {  	v11 =	vld [tilespmem:s14+$0xE000]  }
0x5ab: {  	v39 =	vadd.s32 v14, v36;
	v14 =	vld [tilespmem:s14+$0xDF00]  }
0x5ac: {  	s13 =	simm.s32 $0xF000;
	s16 =	simm.s32 $0xF000;
	s17 =	simm.s32 $0x10;
	v36 =	vadd.s32 v19, v38;
	v19 =	vld [tilespmem:s14+$0xE100];
	v37 =	vadd.s32 v37, v39  }
.LBB2_47:
0x5ad: {  	p0 =	sne.s32 s17, $0xF0;
	v38 =	vld [tilespmem:s14+$0xE600];
	s16 =	sadd.s32 $0x10, s16;
	s15 =	sadd.s32 $0x10, s15  }
0x5ae: {  	v34 =	vadd.s32 v34, v36;
	v35 =	vadd.s32 v35, v37;
	s18 =	smov.u32 s17;
	s17 =	sadd.s32 $0x10, s17;
	v36 =	vld [tilespmem:s14+$0xE500]  }
0x5af: {  	v17 =	vadd.s32 v17, v34;
	v12 =	vadd.s32 v12, v35;
	v34 =	vld [tilespmem:s14+$0xE700]  }
0x5b0: {  	v7 =	vadd.s32 v7, v17;
	v10 =	vadd.s32 v10, v12;
	v12 =	vld [tilespmem:s14+$0xE800]  }
0x5b1: {  	v6 =	vadd.s32 v6, v7;
	v7 =	vadd.s32 v8, v10;
	v8 =	vld [tilespmem:s14+$0xE900]  }
0x5b2: {  	v3 =	vadd.s32 v3, v6;
	v4 =	vadd.s32 v4, v7;
	v6 =	vld [tilespmem:s14+$0xEA00]  }
0x5b3: {  	v1 =	vadd.s32 v1, v3;
	v3 =	vadd.s32 v14, v4;
	v4 =	vld [tilespmem:s14+$0xEB00]  }
0x5b4: {  	v1 =	vadd.s32 v11, v1;
	v3 =	vadd.s32 v19, v3;
	v7 =	vld [tilespmem:s14+$0xEC00]  }
0x5b5: {  	v1 =	vadd.s32 v9, v1;
	v0 =	vadd.s32 v0, v3;
	v3 =	vld [tilespmem:s14+$0xED00]  }
0x5b6: {  	v1 =	vadd.s32 v5, v1;
	v0 =	vadd.s32 v36, v0;
	v5 =	vld [tilespmem:s14+$0xEE00]  }
0x5b7: {  	v1 =	vadd.s32 v38, v1;
	v0 =	vadd.s32 v34, v0  }
0x5b8: {  	v1 =	vadd.s32 v12, v1;
	v0 =	vadd.s32 v8, v0  }
0x5b9: {  	v1 =	vadd.s32 v6, v1;
	v0 =	vadd.s32 v4, v0  }
0x5ba: {  	v1 =	vadd.s32 v7, v1;
	v0 =	vadd.s32 v3, v0  }
0x5bb: {  	v1 =	vadd.s32 v5, v1;
	[tilespmem:s13+$0xFFFFFF00] =	vst v0  }
0x5bc: {  	[tilespmem:s13+$0x0] =	vst v1;
	s13 =	smov.u32 s16  }
0x5bd: {  	v19 =	vld [tilespmem:s15+$0x0]  }
0x5be: {  	s14 =	sand.u32 $0xF0, s18;
	v14 =	vld [tilespmem:s15+$0xFFFFFF00]  }
0x5bf: {  	v0 =	vld [tilespmem:s14+$0xE300]  }
0x5c0: {  	v1 =	vld [tilespmem:s14+$0xDE00]  }
0x5c1: {  	v3 =	vld [tilespmem:s14+$0xDC00]  }
0x5c2: {  	v4 =	vld [tilespmem:s14+$0xDD00]  }
0x5c3: {  	v7 =	vld [tilespmem:s14+$0xD800]  }
0x5c4: {  	v6 =	vld [tilespmem:s14+$0xDA00]  }
0x5c5: {  	v10 =	vld [tilespmem:s14+$0xD900]  }
0x5c6: {  	v8 =	vld [tilespmem:s14+$0xDB00]  }
0x5c7: {  	v12 =	vld [tilespmem:s14+$0xD700]  }
0x5c8: {  	v17 =	vld [tilespmem:s14+$0xD600]  }
0x5c9: {  	v34 =	vld [tilespmem:s14+$0xD400]  }
0x5ca: {  	v35 =	vld [tilespmem:s14+$0xD500]  }
0x5cb: {  	v37 =	vld [tilespmem:s14+$0xD300]  }
0x5cc: {  	v36 =	vld [tilespmem:s14+$0xD100]  }
0x5cd: {  	v38 =	vld [tilespmem:s14+$0xD200]  }
.Ltmp25:
0x5ce: {  	v5 =	vld [tilespmem:s14+$0xE400];
	(pc) =	sbr.rel @p0 .LBB2_47-.Ltmp25, $4  }
0x5cf: {  	v9 =	vld [tilespmem:s14+$0xE200]  }
0x5d0: {  	v11 =	vld [tilespmem:s14+$0xE000]  }
0x5d1: {  	v39 =	vadd.s32 v14, v36;
	v14 =	vld [tilespmem:s14+$0xDF00]  }
0x5d2: {  	v36 =	vadd.s32 v19, v38;
	v37 =	vadd.s32 v37, v39;
	v19 =	vld [tilespmem:s14+$0xE100]  }
0x5d3: {  	v38 =	vld [tilespmem:s14+$0xE600]  }
0x5d4: {  	v34 =	vadd.s32 v34, v36;
	v35 =	vadd.s32 v35, v37;
	v59 =	vld [tilespmem:s14+$0xE500]  }
0x5d5: {  	v60 =	vld [tilespmem:s14+$0xE700];
	v17 =	vadd.s32 v17, v34;
	v12 =	vadd.s32 v12, v35  }
0x5d6: {  	v7 =	vadd.s32 v7, v17;
	v10 =	vadd.s32 v10, v12;
	v12 =	vld [tilespmem:s14+$0xE800]  }
0x5d7: {  	v6 =	vadd.s32 v6, v7;
	v7 =	vadd.s32 v8, v10;
	v8 =	vld [tilespmem:s14+$0xE900]  }
0x5d8: {  	v3 =	vadd.s32 v3, v6;
	v4 =	vadd.s32 v4, v7;
	v6 =	vld [tilespmem:s14+$0xEA00]  }
0x5d9: {  	v7 =	vld [tilespmem:s14+$0xEC00];
	v1 =	vadd.s32 v1, v3;
	v3 =	vadd.s32 v14, v4  }
0x5da: {  	v4 =	vld [tilespmem:s14+$0xEB00];
	v1 =	vadd.s32 v11, v1;
	v3 =	vadd.s32 v19, v3  }
0x5db: {  	v1 =	vadd.s32 v9, v1;
	v0 =	vadd.s32 v0, v3;
	v3 =	vld [tilespmem:s14+$0xED00]  }
0x5dc: {  	v1 =	vadd.s32 v5, v1;
	v0 =	vadd.s32 v59, v0;
	v5 =	vld [tilespmem:s14+$0xEE00]  }
0x5dd: {  	v1 =	vadd.s32 v38, v1;
	v0 =	vadd.s32 v60, v0  }
0x5de: {  	v1 =	vadd.s32 v12, v1;
	v0 =	vadd.s32 v8, v0  }
0x5df: {  	v1 =	vadd.s32 v6, v1;
	v0 =	vadd.s32 v4, v0  }
0x5e0: {  	v1 =	vadd.s32 v7, v1;
	v0 =	vadd.s32 v3, v0  }
0x5e1: {  	v1 =	vadd.s32 v5, v1;
	[tilespmem:s13+$0xFFFFFF00] =	vst v0  }
0x5e2: {  	[tilespmem:s13+$0x0] =	vst v1  }
0x5e3: {  	v0 =	vld [tilespmem:$0xEF00]  }
0x5e4: {  	v1 =	vld [tilespmem:$0xEF10]  }
0x5e5: {  	v3 =	vld [tilespmem:$0xEF20]  }
0x5e6: {  	v4 =	vld [tilespmem:$0xEF30]  }
0x5e7: {  	v5 =	vld [tilespmem:$0xEF40]  }
0x5e8: {  	v6 =	vld [tilespmem:$0xEF50]  }
0x5e9: {  	v7 =	vld [tilespmem:$0xEF60];
	v0 =	vadd.s32 v0, v1  }
0x5ea: {  	v1 =	vld [tilespmem:$0xEF70];
	v0 =	vadd.s32 v0, v3  }
0x5eb: {  	v3 =	vld [tilespmem:$0xEF80];
	v0 =	vadd.s32 v0, v4  }
0x5ec: {  	v4 =	vld [tilespmem:$0xEF90];
	v0 =	vadd.s32 v0, v5  }
0x5ed: {  	v5 =	vld [tilespmem:$0xEFA0];
	v0 =	vadd.s32 v0, v6  }
0x5ee: {  	v6 =	vld [tilespmem:$0xEFB0];
	v0 =	vadd.s32 v0, v7  }
0x5ef: {  	v7 =	vld [tilespmem:$0xEFC0];
	v0 =	vadd.s32 v0, v1  }
0x5f0: {  	v1 =	vld [tilespmem:$0xEFD0];
	v0 =	vadd.s32 v0, v3  }
0x5f1: {  	v3 =	vld [tilespmem:$0xEFE0];
	v0 =	vadd.s32 v0, v4  }
0x5f2: {  	v4 =	vld [tilespmem:$0xEFF0];
	v0 =	vadd.s32 v0, v5  }
0x5f3: {  	s19 =	simm.s32 $0x0;
	v0 =	vadd.s32 v0, v6  }
0x5f4: {  	v5 =	vld [tilespmem:s19+$0xEF00];
	v0 =	vadd.s32 v0, v7  }
0x5f5: {  	v0 =	vadd.s32 v0, v1  }
0x5f6: {  	s20 =	simm.s32 $0x10;
	v0 =	vadd.s32 v0, v3  }
0x5f7: {  	v6 =	vld [tilespmem:s20+$0xEF00];
	v0 =	vadd.s32 v0, v4  }
0x5f8: {  	(xrf0) =	vadd.scan.msk.s32 $0xffff, v0  }
0x5f9: {  	(xrf0) =	vadd.scan.msk.s32 $0xffff, v5  }
0x5fa: {  	(v2sf) =	vpush v2, $0xF;
	_ =	sdelay $0x1  }
0x5fb: {  	(xrf0) =	vadd.scan.msk.s32 $0xffff, v6;
	_ =	sdelay $0x1  }
0x5fc: {  	v34, _, _ =	vpop (xrf0)  }
0x5fd: {  	v0, _, _ =	vpop (xrf0)  }
0x5fe: {  	(v2sf) =	vpush v0, $0xF;
	_ =	sdelay $0x1  }
0x5ff: {  	s21 =	simm.s32 $0x20;
	v7, _, _ =	vpop (xrf0)  }
0x600: {  	v9 =	vld [tilespmem:s21+$0xEF00];
	(v2sf) =	vpush v7, $0xF;
	_ =	sdelay $0x1  }
0x601: {  	s13 =	simm.s32 $0x0  }
0x602: {  	v1 =	vmov s13  }
0x603: {  	v1 =	vsub.s32 $0x0, v1  }
0x604: {  	s22 =	simm.s32 $0x30;
	v1 =	vbroadcast v1, $0x0;
	v36 =	vbroadcast v34, $0xF;
	(xrf0) =	vadd.scan.msk.s32 $0xffff, v9  }
0x605: {  	v61 =	vld [tilespmem:s22+$0xEF00];
	s23 =	spop (v2sf)  }
0x606: {  	s12 =	ssub.s32 s12, s23;
	v1 =	vadd.s32 v36, v1  }
0x607: {  	s10 =	sadd.s32 s10, s12;
	v1 =	vadd.s32 v5, v1  }
0x608: {  	v35 =	vmov s10;
	v0 =	vsub.s32 v1, v0  }
0x609: {  	vm0 =	vge.s32 v0, v35  }
0x60a: {  	(xrf0) =	vadd.scan.msk.s32 $0xffff, v61;
	v0 =	vnsel vm0, $0x0, v5;
	v8, _, _ =	vpop (xrf0)  }
0x60b: {  	(xrf0) =	vadd.scan.msk.s32 $0xffff, v0;
	(v2sf) =	vpush v8, $0xF;
	s24 =	spop (v2sf)  }
0x60c: {  	s12 =	sadd.s32 $0x0, s24  }
0x60d: {  	s15 =	simm.s32 $0x40;
	v2 =	vmov s12  }
0x60e: {  	v40 =	vld [tilespmem:s15+$0xEF00];
	s25 =	spop (v2sf);
	v3 =	vsub.s32 $0x0, v2  }
0x60f: {  	s12 =	sadd.s32 s12, s25;
	v3 =	vbroadcast v3, $0x0  }
0x610: {  	v14, _, _ =	vpop (xrf0);
	v5 =	vmov s12  }
0x611: {  	(v2sf) =	vpush v14, $0xF;
	v10, _, _ =	vpop (xrf0);
	v5 =	vsub.s32 $0x0, v5;
	v11 =	vadd.s32 v36, v3  }
0x612: {  	s26 =	simm.s32 $0x50;
	(v2sf) =	vpush v10, $0xF;
	v10 =	vadd.s32 v6, v11;
	v11 =	vbroadcast v5, $0x0  }
0x613: {  	v39 =	vld [tilespmem:s26+$0xEF00];
	(xrf0) =	vadd.scan.msk.s32 $0xffff, v40;
	v7 =	vsub.s32 v10, v7  }
0x614: {  	s28 =	simm.s32 $0x60;
	vm1 =	vge.s32 v7, v35;
	v7 =	vadd.s32 v36, v11  }
0x615: {  	v38 =	vld [tilespmem:s28+$0xEF00];
	v7 =	vadd.s32 v9, v7  }
0x616: {  	v4 =	vld [tilespmem:$0xF030];
	v10 =	vnsel vm1, $0x0, v6;
	v8 =	vsub.s32 v7, v8  }
0x617: {  	v1 =	vld [tilespmem:$0xF010];
	v12 =	vmpcnt.ones.xlane vm0;
	(xrf0) =	vadd.scan.msk.s32 $0xffff, v10;
	vm2 =	vge.s32 v8, v35  }
0x618: {  	v17 =	vimm.s32 $0x0;
	v0 =	vld [tilespmem:$0xF000];
	(xrf0) =	vadd.scan.msk.s32 $0xffff, v39;
	v9 =	vnsel vm2, $0x0, v9  }
0x619: {  	v17 =	vadd.s32 v17, v12;
	v12 =	vld [tilespmem:$0xF0C0];
	v42, _, _ =	vpop (xrf0);
	(xrf0) =	vadd.scan.msk.s32 $0xffff, v9  }
0x61a: {  	(v2sf) =	vpush v42, $0xF;
	v2 =	vld [tilespmem:$0xF020];
	s29 =	spop (v2sf)  }
0x61b: {  	v3 =	vld [tilespmem:$0xF040];
	s12 =	sadd.s32 s12, s29  }
0x61c: {  	v5 =	vld [tilespmem:$0xF050];
	v10 =	vmov s12  }
0x61d: {  	v6 =	vld [tilespmem:$0xF060];
	v10 =	vsub.s32 $0x0, v10;
	v43, _, _ =	vpop (xrf0)  }
0x61e: {  	v41 =	vmpcnt.ones.xlane vm1;
	v7 =	vld [tilespmem:$0xF070];
	v11 =	vbroadcast v10, $0x0;
	(v2sf) =	vpush v43, $0xF;
	v43, _, _ =	vpop (xrf0)  }
0x61f: {  	v8 =	vld [tilespmem:$0xF080];
	(v2sf) =	vpush v43, $0xF;
	v48, _, _ =	vpop (xrf0)  }
0x620: {  	s30 =	spop (v2sf);
	v41 =	vadd.s32 v17, v41;
	v17 =	vld [tilespmem:$0xF0E0];
	(xrf0) =	vadd.scan.msk.s32 $0xffff, v38;
	v19 =	vadd.s32 v36, v11;
	(v2sf) =	vpush v48, $0xF  }
0x621: {  	v10 =	vld [tilespmem:$0xF090];
	v44 =	vmpcnt.ones.xlane vm2;
	v19 =	vadd.s32 v61, v19  }
0x622: {  	s31 =	simm.s32 $0x70;
	v9 =	vld [tilespmem:$0xF0A0];
	v19 =	vsub.s32 v19, v14  }
0x623: {  	s14 =	sadd.s32 s12, s30;
	v46 =	vadd.s32 v41, v44;
	v41 =	vld [tilespmem:s31+$0xEF00];
	vm15 =	vge.s32 v19, v35  }
0x624: {  	v62 =	vmov s14;
	v11 =	vld [tilespmem:$0xF0B0];
	v47 =	vmpcnt.ones.xlane vm15  }
0x625: {  	v63 =	vsub.s32 $0x0, v62;
	v14 =	vld [tilespmem:$0xF0D0];
	v37 =	vnsel vm15, $0x0, v61  }
0x626: {  	s15 =	simm.s32 $0x200;
	v45 =	vbroadcast v63, $0x0;
	s12 =	spop (v2sf);
	v19 =	vld [tilespmem:$0xF0F0];
	(xrf0) =	vadd.scan.msk.s32 $0xffff, v37;
	v44, _, _ =	vpop (xrf0);
	v37 =	vadd.s32 v46, v47  }
.LBB2_49:
0x627: {  	p0 =	sne.s32 s15, $0x3C0  }
0x628: {  	(xrf0) =	vadd.scan.msk.s32 $0xffff, v41;
	(v2sf) =	vpush v44, $0xF;
	v45 =	vadd.s32 v36, v45;
	s13 =	sadd.s32 s13, s12;
	v46 =	vmov v41;
	s12 =	smov.u32 s15;
	s15 =	sadd.s32 $0x40, s15  }
0x629: {  	s12 =	sshra.s32 s12, $0x2;
	v45 =	vadd.s32 v40, v45;
	s16 =	spop (v2sf)  }
.Ltmp26:
0x62a: {  	v41 =	vld [tilespmem:s12+$0xEF00];
	v45 =	vsub.s32 v45, v42;
	s14 =	sadd.s32 s14, s16;
	v42 =	vmov v43;
	v43 =	vmov v44;
	(pc) =	sbr.rel @p0 .LBB2_49-.Ltmp26, $4  }
0x62b: {  	v44 =	vmov s14;
	vm0 =	vge.s32 v45, v35  }
0x62c: {  	v50 =	vsub.s32 $0x0, v44;
	v47 =	vmpcnt.ones.xlane vm0;
	v49 =	vnsel vm0, $0x0, v40;
	v48, _, _ =	vpop (xrf0)  }
0x62d: {  	v40 =	vmovc v39;
	v39 =	vmov v38;
	v45 =	vbroadcast v50, $0x0;
	(xrf0) =	vadd.scan.msk.s32 $0xffff, v49;
	(v2sf) =	vpush v48, $0xF;
	_ =	sdelay $0x1  }
0x62e: {  	v38 =	vmov v46;
	v44, _, _ =	vpop (xrf0);
	v37 =	vadd.s32 v37, v47;
	s12 =	spop (v2sf)  }
0x62f: {  	(v2sf) =	vpush v44, $0xF;
	_ =	sdelay $0x8  }
0x630: {  	s15 =	spop (v2sf)  }
0x631: {  	v13 =	vadd.s32 v13, v15;
	s14 =	sadd.s32 s14, s15  }
0x632: {  	v13 =	vadd.s32 v13, v16;
	v46 =	vmov s14  }
0x633: {  	v45 =	vadd.s32 v36, v45;
	s16 =	spop (v2sf);
	v13 =	vadd.s32 v13, v20;
	v46 =	vsub.s32 $0x0, v46  }
0x634: {  	v45 =	vadd.s32 v40, v45;
	v13 =	vadd.s32 v13, v18;
	v46 =	vbroadcast v46, $0x0;
	s17 =	spop (v2sf)  }
0x635: {  	v15 =	vsub.s32 v45, v42;
	v13 =	vadd.s32 v13, v21;
	s15 =	spop (v2sf)  }
0x636: {  	vm0 =	vge.s32 v15, v35;
	v13 =	vadd.s32 v13, v22;
	v15 =	vadd.s32 v36, v46;
	s14 =	sadd.s32 s14, s17;
	s25 =	spop (v2sf)  }
0x637: {  	(xrf0) =	vadd.scan.msk.s32 $0xffff, v41;
	v13 =	vadd.s32 v13, v23;
	v15 =	vadd.s32 v39, v15;
	v18 =	vmov s14;
	s14 =	sadd.s32 s14, s25  }
0x638: {  	v13 =	vadd.s32 v13, v24;
	v18 =	vsub.s32 $0x0, v18;
	v20 =	vmov s14  }
0x639: {  	v15 =	vsub.s32 v15, v43;
	v18 =	vbroadcast v18, $0x0;
	v20 =	vsub.s32 $0x0, v20  }
0x63a: {  	v13 =	vadd.s32 v13, v26;
	vm1 =	vge.s32 v15, v35;
	v15 =	vbroadcast v20, $0x0  }
0x63b: {  	v16 =	vnsel vm0, $0x0, v40;
	v13 =	vadd.s32 v13, v25;
	v18 =	vadd.s32 v36, v18  }
0x63c: {  	v21, _, _ =	vpop (xrf0);
	v13 =	vadd.s32 v13, v27;
	v18 =	vadd.s32 v38, v18;
	v15 =	vadd.s32 v36, v15  }
0x63d: {  	v22, _, _ =	vpop (xrf0);
	v13 =	vadd.s32 v13, v28;
	v18 =	vsub.s32 v18, v44;
	v15 =	vadd.s32 v41, v15  }
0x63e: {  	(xrf0) =	vadd.scan.msk.s32 $0xffff, v16;
	vm2 =	vge.s32 v18, v35;
	v20 =	vnsel vm1, $0x0, v39;
	v15 =	vsub.s32 v15, v22  }
0x63f: {  	v13 =	vadd.s32 v13, v29;
	v16 =	vnsel vm2, $0x0, v38;
	(xrf0) =	vadd.scan.msk.s32 $0xffff, v20;
	vm3 =	vge.s32 v15, v35  }
0x640: {  	v13 =	vadd.s32 v13, v30;
	(xrf0) =	vadd.scan.msk.s32 $0xffff, v16;
	v15 =	vnsel vm3, $0x0, v41  }
0x641: {  	v13 =	vadd.s32 v13, v31;
	(xrf0) =	vadd.scan.msk.s32 $0xffff, v15  }
0x642: {  	(xrf0) =	vadd.scan.msk.s32 $0xffff, v13  }
0x643: {  	(v2sf) =	vpush v21, $0xF  }
0x644: {  	(v2sf) =	vpush v22, $0xF;
	v13, _, _ =	vpop (xrf0)  }
0x645: {  	(v2sf) =	vpush v13, $0xF;
	v13, _, _ =	vpop (xrf0)  }
0x646: {  	(v2sf) =	vpush v13, $0xF;
	v13, _, _ =	vpop (xrf0)  }
0x647: {  	s14 =	simm.s32 $0x0;
	(v2sf) =	vpush v13, $0xF;
	v13, _, _ =	vpop (xrf0)  }
0x648: {  	s26 =	sand.u32 $0xF0, s14;
	(v2sf) =	vpush v13, $0xF;
	v13, _, _ =	vpop (xrf0)  }
0x649: {  	(v2sf) =	vpush v13, $0xF;
	v13 =	vld [tilespmem:s26+$0xF000]  }
0x64a: {  	s28 =	simm.s32 $0x10  }
0x64b: {  	s17 =	sand.u32 $0xF0, s28  }
0x64c: {  	v16 =	vld [tilespmem:s17+$0xF000];
	_ =	sdelay $0x1  }
0x64d: {  	(xrf0) =	vadd.scan.msk.s32 $0xffff, v13;
	_ =	sdelay $0x1  }
0x64e: {  	s29 =	simm.s32 $0x20  }
0x64f: {  	s17 =	sand.u32 $0xF0, s29;
	(xrf0) =	vadd.scan.msk.s32 $0xffff, v16  }
0x650: {  	v22 =	vld [tilespmem:s17+$0xF000]  }
0x651: {  	s21 =	spop (v2sf)  }
0x652: {  	s30 =	spop (v2sf);
	v18, _, _ =	vpop (xrf0)  }
0x653: {  	s20 =	spop (v2sf);
	(v2sf) =	vpush v18, $0xF  }
0x654: {  	s17 =	simm.s32 $0x30;
	s19 =	spop (v2sf)  }
0x655: {  	s17 =	sand.u32 $0xF0, s17;
	(xrf0) =	vadd.scan.msk.s32 $0xffff, v22;
	s18 =	spop (v2sf);
	v20, _, _ =	vpop (xrf0)  }
0x656: {  	v23 =	vld [tilespmem:s17+$0xF000];
	(v2sf) =	vpush v20, $0xF;
	s17 =	spop (v2sf)  }
0x657: {  	s22 =	spop (v2sf)  }
0x658: {  	s11 =	ssub.s32 s11, s22  }
0x659: {  	s9 =	sadd.s32 s9, s11  }
0x65a: {  	v18 =	vadd.s32 s14, v18;
	v15 =	vmov s9  }
0x65b: {  	v24, _, _ =	vpop (xrf0);
	vm4 =	vge.s32 v18, v15  }
0x65c: {  	(xrf0) =	vadd.scan.msk.s32 $0xffff, v23;
	(v2sf) =	vpush v24, $0xF;
	v13 =	vnsel vm4, $0x0, v13  }
0x65d: {  	(xrf0) =	vadd.scan.msk.s32 $0xffff, v13;
	_ =	sdelay $0x1  }
0x65e: {  	s31 =	simm.s32 $0x40  }
0x65f: {  	s11 =	sand.u32 $0xF0, s31  }
0x660: {  	v21 =	vld [tilespmem:s11+$0xF000]  }
0x661: {  	s22 =	simm.s32 $0x50;
	v25, _, _ =	vpop (xrf0);
	s23 =	spop (v2sf)  }
0x662: {  	(v2sf) =	vpush v25, $0xF;
	s11 =	sand.u32 $0xF0, s22;
	v13, _, _ =	vpop (xrf0);
	s22 =	sadd.s32 $0x0, s23  }
0x663: {  	v18 =	vld [tilespmem:s11+$0xF000];
	(v2sf) =	vpush v13, $0xF;
	v13 =	vadd.s32 s22, v20  }
0x664: {  	s23 =	spop (v2sf);
	vm5 =	vge.s32 v13, v15  }
0x665: {  	(xrf0) =	vadd.scan.msk.s32 $0xffff, v21;
	s22 =	sadd.s32 s22, s23;
	v16 =	vnsel vm5, $0x0, v16  }
0x666: {  	s24 =	simm.s32 $0x60;
	(xrf0) =	vadd.scan.msk.s32 $0xffff, v16;
	v16 =	vadd.s32 s22, v24  }
0x667: {  	s11 =	sand.u32 $0xF0, s24;
	v13 =	vmpcnt.ones.xlane vm0;
	vm0 =	vge.s32 v16, v15  }
0x668: {  	v20 =	vld [tilespmem:s11+$0xF000];
	(xrf0) =	vadd.scan.msk.s32 $0xffff, v18;
	v22 =	vnsel vm0, $0x0, v22  }
0x669: {  	v24 =	vmpcnt.ones.xlane vm2;
	(xrf0) =	vadd.scan.msk.s32 $0xffff, v22  }
0x66a: {  	v26 =	vmpcnt.ones.xlane vm1;
	s28 =	spop (v2sf)  }
0x66b: {  	s25 =	sadd.s32 s13, s12;
	s13 =	sadd.s32 s22, s28;
	v13 =	vadd.s32 v37, v13  }
0x66c: {  	v27, _, _ =	vpop (xrf0);
	v25 =	vadd.s32 s13, v25;
	v13 =	vadd.s32 v13, v26  }
0x66d: {  	(v2sf) =	vpush v27, $0xF;
	v13 =	vadd.s32 v13, v24;
	(xrf0) =	vadd.scan.msk.s32 $0xffff, v20;
	v24, _, _ =	vpop (xrf0)  }
0x66e: {  	(v2sf) =	vpush v24, $0xF;
	v24, _, _ =	vpop (xrf0)  }
0x66f: {  	v16 =	vmpcnt.ones.xlane vm3;
	vm3 =	vge.s32 v25, v15;
	(v2sf) =	vpush v24, $0xF;
	v25, _, _ =	vpop (xrf0)  }
0x670: {  	(v2sf) =	vpush v25, $0xF;
	_ =	sdelay $0x2  }
0x671: {  	v26, _, _ =	vpop (xrf0)  }
0x672: {  	s26 =	simm.s32 $0x70;
	s29 =	spop (v2sf);
	(v2sf) =	vpush v26, $0xF  }
0x673: {  	s12 =	sand.u32 $0xF0, s26;
	vm1 =	vmmov vm4;
	s11 =	sadd.s32 s25, s16  }
0x674: {  	vm1 =	vmmov vm1;
	s11 =	sadd.s32 s11, s15;
	v22 =	vld [tilespmem:s12+$0xF000]  }
0x675: {  	vm1 =	vmmov vm1;
	s11 =	sadd.s32 s11, s21;
	vm2 =	vmmov vm5;
	v23 =	vnsel vm3, $0x0, v23  }
0x676: {  	vm4 =	vmmov vm1;
	s11 =	sadd.s32 s11, s20;
	vm2 =	vmmov vm2;
	vm0 =	vmmov vm0;
	(xrf0) =	vadd.scan.msk.s32 $0xffff, v23  }
0x677: {  	s30 =	simm.s32 $0x80;
	s11 =	sadd.s32 s11, s19;
	s13 =	sadd.s32 s13, s29;
	vm2 =	vmmov vm2;
	vm1 =	vmmov vm3;
	v13 =	vadd.s32 v13, v16  }
0x678: {  	s31 =	sand.u32 $0xF0, s30;
	s11 =	sadd.s32 s11, s18;
	v16 =	vimm.s32 $0x0;
	vm0 =	vmmov vm0;
	v27 =	vadd.s32 s13, v27  }
0x679: {  	s15 =	simm.s32 $0x90;
	s12 =	sadd.s32 s11, s17;
	vm2 =	vmmov vm2;
	vm3 =	vge.s32 v27, v15;
	v23 =	vmpcnt.ones.xlane vm4;
	(xrf0) =	vadd.scan.msk.s32 $0xffff, v22;
	v25 =	vld [tilespmem:s31+$0xF000];
	s11 =	spop (v2sf)  }
.LBB2_51:
0x67a: {  	p0 =	sne.s32 s15, $0xF0  }
0x67b: {  	v27 =	vnsel vm3, $0x0, v21;
	v16 =	vadd.s32 v16, v23;
	s14 =	sadd.s32 s14, s11;
	v21 =	vmovc v18;
	v18 =	vmovc v20;
	v20 =	vmov v22;
	s11 =	smov.u32 s15;
	s15 =	sadd.s32 $0x10, s15  }
.Ltmp27:
0x67c: {  	vm4 =	vmmov vm0;
	vm0 =	vmmov vm1;
	vm1 =	vmmov vm3;
	(xrf0) =	vadd.scan.msk.s32 $0xffff, v27;
	v22, _, _ =	vpop (xrf0);
	(pc) =	sbr.rel @p0 .LBB2_51-.Ltmp27, $4  }
0x67d: {  	s16 =	spop (v2sf);
	(v2sf) =	vpush v22, $0xF  }
0x67e: {  	s13 =	sadd.s32 s13, s16  }
0x67f: {  	v23 =	vmpcnt.ones.xlane vm2;
	s16 =	sand.u32 $0xF0, s11;
	(xrf0) =	vadd.scan.msk.s32 $0xffff, v25;
	v27 =	vadd.s32 s13, v24;
	v24 =	vmov v26;
	v26, _, _ =	vpop (xrf0);
	_ =	sdelay $0x1  }
0x680: {  	vm2 =	vmmov vm4;
	v22 =	vmovc v25;
	(v2sf) =	vpush v26, $0xF;
	vm3 =	vge.s32 v27, v15;
	s11 =	spop (v2sf);
	v25 =	vld [tilespmem:s16+$0xF000]  }
0x681: {  	_ =	sdelay $0x1  }
0x682: {  	v27, _, _ =	vpop (xrf0)  }
0x683: {  	(v2sf) =	vpush v27, $0xF;
	v57, _, _ =	vpop (xrf0)  }
0x684: {  	(v2sf) =	vpush v57, $0xF;
	_ =	sdelay $0x7  }
0x685: {  	v21 =	vnsel vm3, $0x0, v21  }
0x686: {  	s16 =	spop (v2sf);
	(xrf0) =	vadd.scan.msk.s32 $0xffff, v21  }
0x687: {  	s17 =	spop (v2sf);
	(xrf0) =	vadd.scan.msk.s32 $0xffff, v25  }
0x688: {  	s18 =	spop (v2sf)  }
0x689: {  	s15 =	spop (v2sf)  }
0x68a: {  	s13 =	sadd.s32 s13, s16;
	s23 =	spop (v2sf)  }
0x68b: {  	v58 =	vadd.s32 s13, v24;
	s18 =	sadd.s32 s13, s18;
	s24 =	spop (v2sf)  }
0x68c: {  	vm5 =	vge.s32 v58, v15;
	v60 =	vadd.s32 s18, v26;
	v59, _, _ =	vpop (xrf0);
	s16 =	sadd.s32 s18, s23;
	s25 =	spop (v2sf)  }
0x68d: {  	v18 =	vnsel vm5, $0x0, v18;
	vm7 =	vge.s32 v60, v15;
	v62, _, _ =	vpop (xrf0);
	v61 =	vadd.s32 s16, v57;
	s16 =	sadd.s32 s16, s25  }
0x68e: {  	(xrf0) =	vadd.scan.msk.s32 $0xffff, v18;
	v18 =	vnsel vm7, $0x0, v20;
	vm6 =	vge.s32 v61, v15;
	v63 =	vadd.s32 s16, v62  }
0x68f: {  	(xrf0) =	vadd.scan.msk.s32 $0xffff, v18;
	vm4 =	vge.s32 v63, v15;
	v15 =	vnsel vm6, $0x0, v22  }
0x690: {  	(xrf0) =	vadd.scan.msk.s32 $0xffff, v15;
	v15 =	vnsel vm4, $0x0, v25  }
0x691: {  	(xrf0) =	vadd.scan.msk.s32 $0xffff, v15;
	_ =	sdelay $0x1  }
0x692: {  	(v2sf) =	vpush v59, $0xF  }
0x693: {  	(v2sf) =	vpush v62, $0xF;
	v15, _, _ =	vpop (xrf0)  }
0x694: {  	(v2sf) =	vpush v15, $0xF;
	v15, _, _ =	vpop (xrf0)  }
0x695: {  	(v2sf) =	vpush v15, $0xF;
	v15, _, _ =	vpop (xrf0)  }
0x696: {  	(v2sf) =	vpush v15, $0xF;
	v15, _, _ =	vpop (xrf0)  }
0x697: {  	vm12 =	vmmov vm3;
	(v2sf) =	vpush v15, $0xF  }
0x698: {  	vm1 =	vmmov vm1;
	vm14 =	vmmov vm12  }
0x699: {  	vm0 =	vmmov vm0;
	vm13 =	vmmov vm1;
	vm1 =	vmmov vm14  }
0x69a: {  	vm0 =	vmmov vm0;
	vm15 =	vmmov vm1  }
0x69b: {  	vm7 =	vmmov vm7;
	v18 =	vmpcnt.ones.xlane vm0;
	vm0 =	vmmov vm13  }
0x69c: {  	vm5 =	vmmov vm5;
	vm1 =	vmmov vm7;
	v20 =	vmpcnt.ones.xlane vm0  }
0x69d: {  	vm0 =	vmmov vm5;
	vm1 =	vmmov vm1;
	v15 =	vmpcnt.ones.xlane vm2  }
0x69e: {  	v16 =	vadd.s32 v16, v23;
	vm0 =	vmmov vm0;
	vm10 =	vmmov vm1  }
0x69f: {  	s11 =	sadd.s32 s14, s11;
	vm0 =	vmmov vm0;
	vm8 =	vmmov vm6;
	v15 =	vadd.s32 v16, v15  }
0x6a0: {  	s11 =	sadd.s32 s11, s17;
	vm9 =	vmmov vm4;
	v16 =	vmpcnt.ones.xlane vm15;
	v15 =	vadd.s32 v15, v18  }
0x6a1: {  	s11 =	sadd.s32 s11, s15;
	s26 =	spop (v2sf);
	vm12 =	vmmov vm9;
	vm2 =	vmmov vm8;
	v15 =	vadd.s32 v15, v20  }
0x6a2: {  	s11 =	sadd.s32 s11, s24;
	s28 =	spop (v2sf);
	vm11 =	vmmov vm2;
	v15 =	vadd.s32 v15, v16;
	v16 =	vmpcnt.ones.xlane vm0  }
0x6a3: {  	s11 =	sadd.s32 s11, s26;
	vm14 =	vmmov vm12;
	vm13 =	vmmov vm11;
	v18 =	vmpcnt.ones.xlane vm10;
	s13 =	spop (v2sf)  }
0x6a4: {  	vm15 =	vmmov vm14;
	v15 =	vadd.s32 v15, v16;
	v16 =	vmpcnt.ones.xlane vm13;
	s11 =	sadd.s32 s11, s13;
	s29 =	spop (v2sf)  }
0x6a5: {  	v15 =	vadd.s32 v15, v18;
	v18 =	vmpcnt.ones.xlane vm15;
	s11 =	sadd.s32 s11, s29;
	s30 =	spop (v2sf)  }
0x6a6: {  	v15 =	vadd.s32 v15, v16;
	s11 =	sadd.s32 s11, s30;
	s31 =	spop (v2sf)  }
0x6a7: {  	s14 =	simm.s32 $0x0;
	v16 =	vimm.s32 $0x0;
	v15 =	vadd.s32 v15, v18;
	s13 =	simm.s32 $0x40;
	s11 =	sadd.s32 s11, s31  }
.LBB2_53:
0x6a8: {  	p0 =	sne.s32 s13, $0x3FC0;
	[tilespmem:s14+$0xAD00] =	vst v16;
	s15 =	smov.u32 s13;
	s13 =	sadd.s32 $0x40, s13  }
.Ltmp28:
0x6a9: {  	[tilespmem:s14+$0xBD00] =	vst v16;
	(pc) =	sbr.rel @p0 .LBB2_53-.Ltmp28, $2  }
0x6aa: {  	_ =	sdelay $0x2  }
0x6ab: {  	s14 =	sshra.s32 s15, $0x2  }
0x6ac: {  	[tilespmem:s14+$0xAD00] =	vst v16  }
0x6ad: {  	v13 =	vshll.u32 v13, $0x8;
	v15 =	vshll.u32 v15, $0x8;
	[tilespmem:s14+$0xBD00] =	vst v16;
	v16 =	vlaneseq.u32  }
0x6ae: {  	s15 =	simm.s32 $0x0;
	v13 =	vadd.s32 $0xFFFFFF00, v13;
	v15 =	vsub.s32 $0x10000, v15;
	v18 =	vmul.u32 $0x100, v16  }
0x6af: {  	s13 =	simm.s32 $0xAD00;
	s14 =	simm.s32 $0xBD00;
	v16 =	vimm.s32 $0x1;
	v20 =	vld [tilespmem:s15+$0x8200];
	s15 =	simm.s32 $0x40;
	v13 =	vor.u32 v32, v13;
	v15 =	vor.u32 v33, v15  }
.LBB2_55:
0x6b0: {  	p0 =	sne.s32 s15, $0xAA40;
	_ =	sdelay $0x3  }
0x6b1: {  	v21 =	vand.u32 $0xFFFFFF00, v20  }
0x6b2: {  	v20 =	vand.u32 $0xFF, v20;
	vm0 =	veq.s32 v21, v13;
	vm1 =	veq.s32 v21, v15  }
0x6b3: {  	v20 =	vor.u32 v18, v20;
	_ =	sdelay $0x2  }
.Ltmp29:
0x6b4: {  	(pc) =	sbr.rel @p0 .LBB2_55-.Ltmp29, $4  }
0x6b5: {  	_ = 	snop  }
0x6b6: {  	[tilespmem:v20+s13+$0x0] =	vst.idx.add.s32.msk vm0, v16  }
0x6b7: {  	s16 =	sshra.s32 s15, $0x2;
	[tilespmem:v20+s14+$0x0] =	vst.idx.add.s32.msk vm1, v16  }
0x6b8: {  	s15 =	sadd.s32 $0x40, s15;
	v20 =	vld [tilespmem:s16+$0x8200]  }
0x6b9: {  	_ =	sdelay $0x3  }
0x6ba: {  	v21 =	vand.u32 $0xFFFFFF00, v20  }
0x6bb: {  	v20 =	vand.u32 $0xFF, v20;
	vm0 =	veq.s32 v21, v13  }
0x6bc: {  	vm1 =	veq.s32 v21, v15;
	v18 =	vor.u32 v18, v20;
	_ =	sdelay $0x4  }
0x6bd: {  	[tilespmem:v18+s13+$0x0] =	vst.idx.add.s32.msk vm0, v16  }
0x6be: {  	s13 =	simm.s32 $0x0;
	[tilespmem:v18+s14+$0x0] =	vst.idx.add.s32.msk vm1, v16  }
0x6bf: {  	v16 =	vld [tilespmem:s13+$0xBD00]  }
0x6c0: {  	v18 =	vld [tilespmem:s13+$0xBE00]  }
0x6c1: {  	v20 =	vld [tilespmem:s13+$0xBF00]  }
0x6c2: {  	v21 =	vld [tilespmem:s13+$0xC000]  }
0x6c3: {  	v22 =	vld [tilespmem:s13+$0xC100]  }
0x6c4: {  	v23 =	vld [tilespmem:s13+$0xC200]  }
0x6c5: {  	v24 =	vld [tilespmem:s13+$0xC300]  }
0x6c6: {  	v61 =	vld [tilespmem:s13+$0xC900];
	v16 =	vadd.s32 v16, v18  }
0x6c7: {  	v18 =	vld [tilespmem:s13+$0xC400];
	v16 =	vadd.s32 v20, v16  }
0x6c8: {  	v20 =	vld [tilespmem:s13+$0xC500];
	v16 =	vadd.s32 v21, v16  }
0x6c9: {  	v21 =	vld [tilespmem:s13+$0xC600];
	v16 =	vadd.s32 v22, v16  }
0x6ca: {  	v22 =	vld [tilespmem:s13+$0xC700];
	v16 =	vadd.s32 v23, v16  }
0x6cb: {  	v23 =	vld [tilespmem:s13+$0xC800];
	v16 =	vadd.s32 v24, v16  }
0x6cc: {  	v16 =	vadd.s32 v18, v16;
	v18 =	vld [tilespmem:s13+$0xCA00]  }
0x6cd: {  	v16 =	vadd.s32 v20, v16;
	v20 =	vld [tilespmem:s13+$0xCB00]  }
0x6ce: {  	v16 =	vadd.s32 v21, v16;
	v21 =	vld [tilespmem:s13+$0xCC00]  }
0x6cf: {  	v16 =	vadd.s32 v22, v16;
	v22 =	vld [tilespmem:s13+$0xAD00]  }
0x6d0: {  	v16 =	vadd.s32 v23, v16;
	v23 =	vld [tilespmem:s13+$0xAE00]  }
0x6d1: {  	v62 =	vld [tilespmem:s13+$0xAF00];
	v16 =	vadd.s32 v61, v16  }
0x6d2: {  	v16 =	vadd.s32 v18, v16;
	v18 =	vld [tilespmem:s13+$0xB000]  }
0x6d3: {  	v16 =	vadd.s32 v20, v16;
	v20 =	vld [tilespmem:s13+$0xB100]  }
0x6d4: {  	v16 =	vadd.s32 v21, v16;
	v21 =	vld [tilespmem:s13+$0xB200]  }
0x6d5: {  	[tilespmem:s13+$0xCE00] =	vst v16;
	v16 =	vadd.s32 v22, v23;
	v22 =	vld [tilespmem:s13+$0xB300]  }
0x6d6: {  	v23 =	vld [tilespmem:s13+$0xB400];
	v16 =	vadd.s32 v62, v16  }
0x6d7: {  	v63 =	vld [tilespmem:s13+$0xB500];
	v16 =	vadd.s32 v18, v16  }
0x6d8: {  	v25 =	vld [tilespmem:s13+$0xB600];
	v16 =	vadd.s32 v20, v16  }
0x6d9: {  	v26 =	vld [tilespmem:s13+$0xB700];
	v16 =	vadd.s32 v21, v16  }
0x6da: {  	v27 =	vld [tilespmem:s13+$0xB800];
	v16 =	vadd.s32 v22, v16  }
0x6db: {  	v18 =	vld [tilespmem:s13+$0xB900];
	v16 =	vadd.s32 v23, v16  }
0x6dc: {  	v20 =	vld [tilespmem:s13+$0xBA00];
	v16 =	vadd.s32 v63, v16  }
0x6dd: {  	v21 =	vld [tilespmem:s13+$0xBB00];
	v16 =	vadd.s32 v25, v16  }
0x6de: {  	s15 =	simm.s32 $0x10;
	v22 =	vld [tilespmem:s13+$0xBC00];
	v23 =	vadd.s32 v26, v16  }
0x6df: {  	s14 =	simm.s32 $0x80;
	v16 =	vld [tilespmem:s15+$0xBD00];
	v23 =	vadd.s32 v27, v23  }
.LBB2_57:
0x6e0: {  	p0 =	sne.s32 s14, $0x3C0;
	v24 =	vld [tilespmem:s15+$0xBE00];
	v18 =	vadd.s32 v18, v23  }
0x6e1: {  	v23 =	vld [tilespmem:s15+$0xBF00];
	v18 =	vadd.s32 v20, v18  }
0x6e2: {  	v20 =	vld [tilespmem:s15+$0xC000];
	v18 =	vadd.s32 v21, v18  }
0x6e3: {  	v21 =	vld [tilespmem:s15+$0xC100];
	v18 =	vadd.s32 v22, v18  }
0x6e4: {  	v22 =	vld [tilespmem:s15+$0xC200];
	[tilespmem:s13+$0xCD00] =	vst v18;
	s13 =	smov.u32 s15  }
0x6e5: {  	v16 =	vadd.s32 v16, v24;
	v18 =	vld [tilespmem:s13+$0xC300]  }
0x6e6: {  	v16 =	vadd.s32 v23, v16;
	v23 =	vld [tilespmem:s13+$0xC400]  }
0x6e7: {  	v16 =	vadd.s32 v20, v16;
	v20 =	vld [tilespmem:s13+$0xC500]  }
0x6e8: {  	v16 =	vadd.s32 v21, v16;
	v21 =	vld [tilespmem:s13+$0xC600]  }
0x6e9: {  	v16 =	vadd.s32 v22, v16;
	v22 =	vld [tilespmem:s13+$0xC700]  }
0x6ea: {  	v16 =	vadd.s32 v18, v16;
	v18 =	vld [tilespmem:s13+$0xC800]  }
0x6eb: {  	v16 =	vadd.s32 v23, v16;
	v23 =	vld [tilespmem:s13+$0xC900]  }
0x6ec: {  	v16 =	vadd.s32 v20, v16;
	v20 =	vld [tilespmem:s13+$0xCA00]  }
0x6ed: {  	v16 =	vadd.s32 v21, v16;
	v21 =	vld [tilespmem:s13+$0xCB00]  }
0x6ee: {  	v16 =	vadd.s32 v22, v16;
	v22 =	vld [tilespmem:s13+$0xCC00]  }
0x6ef: {  	v24 =	vld [tilespmem:s13+$0xAD00];
	v16 =	vadd.s32 v18, v16  }
0x6f0: {  	v18 =	vld [tilespmem:s13+$0xAE00];
	v16 =	vadd.s32 v23, v16  }
0x6f1: {  	v23 =	vld [tilespmem:s13+$0xAF00];
	v16 =	vadd.s32 v20, v16  }
0x6f2: {  	v20 =	vld [tilespmem:s13+$0xB000];
	v16 =	vadd.s32 v21, v16  }
0x6f3: {  	v21 =	vld [tilespmem:s13+$0xB100];
	v16 =	vadd.s32 v22, v16  }
0x6f4: {  	v22 =	vld [tilespmem:s13+$0xB200];
	[tilespmem:s13+$0xCE00] =	vst v16  }
0x6f5: {  	v16 =	vadd.s32 v24, v18;
	v18 =	vld [tilespmem:s13+$0xB300]  }
0x6f6: {  	v16 =	vadd.s32 v23, v16;
	v23 =	vld [tilespmem:s13+$0xB400]  }
0x6f7: {  	v16 =	vadd.s32 v20, v16;
	v20 =	vld [tilespmem:s13+$0xB500]  }
0x6f8: {  	v16 =	vadd.s32 v21, v16;
	v21 =	vld [tilespmem:s13+$0xB600]  }
0x6f9: {  	v16 =	vadd.s32 v22, v16;
	v22 =	vld [tilespmem:s13+$0xB700]  }
0x6fa: {  	v16 =	vadd.s32 v18, v16;
	v24 =	vld [tilespmem:s13+$0xB800]  }
.Ltmp30:
0x6fb: {  	v16 =	vadd.s32 v23, v16;
	v18 =	vld [tilespmem:s13+$0xB900];
	(pc) =	sbr.rel @p0 .LBB2_57-.Ltmp30, $4  }
0x6fc: {  	v16 =	vadd.s32 v20, v16;
	v20 =	vld [tilespmem:s13+$0xBA00]  }
0x6fd: {  	v16 =	vadd.s32 v21, v16;
	v21 =	vld [tilespmem:s13+$0xBB00]  }
0x6fe: {  	s15 =	sshra.s32 s14, $0x2;
	v23 =	vadd.s32 v22, v16;
	v22 =	vld [tilespmem:s13+$0xBC00]  }
0x6ff: {  	s14 =	sadd.s32 $0x40, s14;
	v16 =	vld [tilespmem:s15+$0xBD00];
	v23 =	vadd.s32 v24, v23  }
0x700: {  	v24 =	vld [tilespmem:s15+$0xBE00];
	v18 =	vadd.s32 v18, v23  }
0x701: {  	v23 =	vld [tilespmem:s15+$0xBF00];
	v18 =	vadd.s32 v20, v18  }
0x702: {  	v20 =	vld [tilespmem:s15+$0xC000];
	v18 =	vadd.s32 v21, v18  }
0x703: {  	v21 =	vld [tilespmem:s15+$0xC100];
	v18 =	vadd.s32 v22, v18  }
0x704: {  	v22 =	vld [tilespmem:s15+$0xC200];
	[tilespmem:s13+$0xCD00] =	vst v18  }
0x705: {  	v18 =	vld [tilespmem:s15+$0xC300]  }
0x706: {  	v16 =	vadd.s32 v16, v24;
	v24 =	vld [tilespmem:s15+$0xC400]  }
0x707: {  	v16 =	vadd.s32 v23, v16;
	v23 =	vld [tilespmem:s15+$0xC500]  }
0x708: {  	v16 =	vadd.s32 v20, v16;
	v20 =	vld [tilespmem:s15+$0xC600]  }
0x709: {  	v16 =	vadd.s32 v21, v16;
	v21 =	vld [tilespmem:s15+$0xC700]  }
0x70a: {  	v16 =	vadd.s32 v22, v16;
	v22 =	vld [tilespmem:s15+$0xC800]  }
0x70b: {  	v16 =	vadd.s32 v18, v16;
	v18 =	vld [tilespmem:s15+$0xC900]  }
0x70c: {  	v16 =	vadd.s32 v24, v16;
	v24 =	vld [tilespmem:s15+$0xCA00]  }
0x70d: {  	v16 =	vadd.s32 v23, v16;
	v23 =	vld [tilespmem:s15+$0xCB00]  }
0x70e: {  	v16 =	vadd.s32 v20, v16;
	v20 =	vld [tilespmem:s15+$0xCC00]  }
0x70f: {  	v16 =	vadd.s32 v21, v16;
	v21 =	vld [tilespmem:s15+$0xAD00]  }
0x710: {  	v16 =	vadd.s32 v22, v16;
	v22 =	vld [tilespmem:s15+$0xAE00]  }
0x711: {  	v16 =	vadd.s32 v18, v16;
	v18 =	vld [tilespmem:s15+$0xAF00]  }
0x712: {  	v16 =	vadd.s32 v24, v16;
	v24 =	vld [tilespmem:s15+$0xB000]  }
0x713: {  	v16 =	vadd.s32 v23, v16;
	v23 =	vld [tilespmem:s15+$0xB100]  }
0x714: {  	v16 =	vadd.s32 v20, v16;
	v20 =	vld [tilespmem:s15+$0xB200]  }
0x715: {  	[tilespmem:s15+$0xCE00] =	vst v16;
	v16 =	vadd.s32 v21, v22;
	v21 =	vld [tilespmem:s15+$0xB300]  }
0x716: {  	v16 =	vadd.s32 v18, v16;
	v18 =	vld [tilespmem:s15+$0xB400]  }
0x717: {  	v22 =	vld [tilespmem:s15+$0xB500];
	v16 =	vadd.s32 v24, v16  }
0x718: {  	v16 =	vadd.s32 v23, v16;
	v23 =	vld [tilespmem:s15+$0xB600]  }
0x719: {  	v16 =	vadd.s32 v20, v16;
	v20 =	vld [tilespmem:s15+$0xB700]  }
0x71a: {  	v16 =	vadd.s32 v21, v16;
	v21 =	vld [tilespmem:s15+$0xB800]  }
0x71b: {  	v16 =	vadd.s32 v18, v16;
	v18 =	vld [tilespmem:s15+$0xB900]  }
0x71c: {  	v16 =	vadd.s32 v22, v16;
	v22 =	vld [tilespmem:s15+$0xBA00]  }
0x71d: {  	v16 =	vadd.s32 v23, v16;
	v23 =	vld [tilespmem:s15+$0xBB00]  }
0x71e: {  	v16 =	vadd.s32 v20, v16;
	v20 =	vld [tilespmem:s15+$0xBC00]  }
0x71f: {  	v16 =	vadd.s32 v21, v16  }
0x720: {  	v16 =	vadd.s32 v18, v16  }
0x721: {  	v16 =	vadd.s32 v22, v16  }
0x722: {  	v16 =	vadd.s32 v23, v16  }
0x723: {  	s8 =	sadd.s32 $0x180, s8;
	s26 =	simm.s32 $0x80;
	v16 =	vadd.s32 v20, v16  }
0x724: {  	s14 =	simm.s32 $0x200;
	s28 =	simm.s32 $0xCD00;
	s29 =	simm.s32 $0x5;
	[tilespmem:s15+$0xCD00] =	vst v16  }
0x725: {  	[spmem:s8] =	stream.strided.scatter [tilespmem:s28], [sflag:$0x5], $0x200, s14, s26, $0x38;
	[tilespmem:$0xFB10] =	vst v63  }
0x726: {  	_ =	swait.ge [sflag:s29], $0x200  }
0x727: {  	[sflag:s29] =	ssyncset.done $0x0  }
0x728: {  	[sflag:s29] =	ssyncadd.s32 $0xFFFFFE00  }
0x729: {  	s7 =	sadd.s32 $0x180, s7;
	s30 =	simm.s32 $0xCF00;
	[bflag:$0x0] =	sbarrier.arrive $0xFFFF  }
0x72a: {  	[tilespmem:s30], [sflag:$0x5] =	stream.strided.gather [spmem:s7], $0x2000, s14, s26, $0x38;
	[tilespmem:$0xFB10] =	vst v63  }
0x72b: {  	_ =	swait.ge [sflag:s29], $0x2000  }
0x72c: {  	[sflag:s29] =	ssyncset.done $0x0  }
0x72d: {  	s13 =	simm.s32 $0xD000;
	[sflag:s29] =	ssyncadd.s32 $0xFFFFE000  }
0x72e: {  	s31 =	simm.s32 $0x0;
	v32 =	vld [tilespmem:s13+$0x0]  }
0x72f: {  	s8 =	sand.u32 $0xF0, s31;
	v30 =	vld [tilespmem:s13+$0xFFFFFF00]  }
0x730: {  	v16 =	vld [tilespmem:s8+$0xE300]  }
0x731: {  	v18 =	vld [tilespmem:s8+$0xDE00]  }
0x732: {  	v20 =	vld [tilespmem:s8+$0xDC00]  }
0x733: {  	v21 =	vld [tilespmem:s8+$0xDD00]  }
0x734: {  	v24 =	vld [tilespmem:s8+$0xD800]  }
0x735: {  	v23 =	vld [tilespmem:s8+$0xDA00]  }
0x736: {  	v27 =	vld [tilespmem:s8+$0xD900]  }
0x737: {  	v25 =	vld [tilespmem:s8+$0xDB00]  }
0x738: {  	v29 =	vld [tilespmem:s8+$0xD700]  }
0x739: {  	v31 =	vld [tilespmem:s8+$0xD600]  }
0x73a: {  	v33 =	vld [tilespmem:s8+$0xD400]  }
0x73b: {  	v35 =	vld [tilespmem:s8+$0xD500]  }
0x73c: {  	v37 =	vld [tilespmem:s8+$0xD300]  }
0x73d: {  	v36 =	vld [tilespmem:s8+$0xD100]  }
0x73e: {  	v38 =	vld [tilespmem:s8+$0xD200]  }
0x73f: {  	v22 =	vld [tilespmem:s8+$0xE400]  }
0x740: {  	v26 =	vld [tilespmem:s8+$0xE200]  }
0x741: {  	v28 =	vld [tilespmem:s8+$0xE000]  }
0x742: {  	v39 =	vadd.s32 v30, v36;
	v30 =	vld [tilespmem:s8+$0xDF00]  }
0x743: {  	s15 =	simm.s32 $0x10;
	s14 =	simm.s32 $0xF000;
	s7 =	simm.s32 $0xF000;
	v36 =	vadd.s32 v32, v38;
	v32 =	vld [tilespmem:s8+$0xE100];
	v37 =	vadd.s32 v37, v39  }
.LBB2_59:
0x744: {  	p0 =	sne.s32 s15, $0xF0;
	v38 =	vld [tilespmem:s8+$0xE600];
	s14 =	sadd.s32 $0x10, s14;
	s13 =	sadd.s32 $0x10, s13  }
0x745: {  	v33 =	vadd.s32 v33, v36;
	v35 =	vadd.s32 v35, v37;
	s16 =	smov.u32 s15;
	s15 =	sadd.s32 $0x10, s15;
	v36 =	vld [tilespmem:s8+$0xE500]  }
0x746: {  	v31 =	vadd.s32 v31, v33;
	v29 =	vadd.s32 v29, v35;
	v33 =	vld [tilespmem:s8+$0xE700]  }
0x747: {  	v24 =	vadd.s32 v24, v31;
	v27 =	vadd.s32 v27, v29;
	v29 =	vld [tilespmem:s8+$0xE800]  }
0x748: {  	v23 =	vadd.s32 v23, v24;
	v24 =	vadd.s32 v25, v27;
	v25 =	vld [tilespmem:s8+$0xE900]  }
0x749: {  	v20 =	vadd.s32 v20, v23;
	v21 =	vadd.s32 v21, v24;
	v23 =	vld [tilespmem:s8+$0xEA00]  }
0x74a: {  	v18 =	vadd.s32 v18, v20;
	v20 =	vadd.s32 v30, v21;
	v21 =	vld [tilespmem:s8+$0xEB00]  }
0x74b: {  	v18 =	vadd.s32 v28, v18;
	v20 =	vadd.s32 v32, v20;
	v24 =	vld [tilespmem:s8+$0xEC00]  }
0x74c: {  	v18 =	vadd.s32 v26, v18;
	v16 =	vadd.s32 v16, v20;
	v20 =	vld [tilespmem:s8+$0xED00]  }
0x74d: {  	v18 =	vadd.s32 v22, v18;
	v16 =	vadd.s32 v36, v16;
	v22 =	vld [tilespmem:s8+$0xEE00]  }
0x74e: {  	v18 =	vadd.s32 v38, v18;
	v16 =	vadd.s32 v33, v16  }
0x74f: {  	v18 =	vadd.s32 v29, v18;
	v16 =	vadd.s32 v25, v16  }
0x750: {  	v18 =	vadd.s32 v23, v18;
	v16 =	vadd.s32 v21, v16  }
0x751: {  	v18 =	vadd.s32 v24, v18;
	v16 =	vadd.s32 v20, v16  }
0x752: {  	v18 =	vadd.s32 v22, v18;
	[tilespmem:s7+$0xFFFFFF00] =	vst v16  }
0x753: {  	[tilespmem:s7+$0x0] =	vst v18;
	s7 =	smov.u32 s14  }
0x754: {  	v32 =	vld [tilespmem:s13+$0x0]  }
0x755: {  	s8 =	sand.u32 $0xF0, s16;
	v30 =	vld [tilespmem:s13+$0xFFFFFF00]  }
0x756: {  	v16 =	vld [tilespmem:s8+$0xE300]  }
0x757: {  	v18 =	vld [tilespmem:s8+$0xDE00]  }
0x758: {  	v20 =	vld [tilespmem:s8+$0xDC00]  }
0x759: {  	v21 =	vld [tilespmem:s8+$0xDD00]  }
0x75a: {  	v24 =	vld [tilespmem:s8+$0xD800]  }
0x75b: {  	v23 =	vld [tilespmem:s8+$0xDA00]  }
0x75c: {  	v27 =	vld [tilespmem:s8+$0xD900]  }
0x75d: {  	v25 =	vld [tilespmem:s8+$0xDB00]  }
0x75e: {  	v29 =	vld [tilespmem:s8+$0xD700]  }
0x75f: {  	v31 =	vld [tilespmem:s8+$0xD600]  }
0x760: {  	v33 =	vld [tilespmem:s8+$0xD400]  }
0x761: {  	v35 =	vld [tilespmem:s8+$0xD500]  }
0x762: {  	v37 =	vld [tilespmem:s8+$0xD300]  }
0x763: {  	v36 =	vld [tilespmem:s8+$0xD100]  }
0x764: {  	v38 =	vld [tilespmem:s8+$0xD200]  }
.Ltmp31:
0x765: {  	v22 =	vld [tilespmem:s8+$0xE400];
	(pc) =	sbr.rel @p0 .LBB2_59-.Ltmp31, $4  }
0x766: {  	v26 =	vld [tilespmem:s8+$0xE200]  }
0x767: {  	v28 =	vld [tilespmem:s8+$0xE000]  }
0x768: {  	v39 =	vadd.s32 v30, v36;
	v30 =	vld [tilespmem:s8+$0xDF00]  }
0x769: {  	v36 =	vadd.s32 v32, v38;
	v37 =	vadd.s32 v37, v39;
	v32 =	vld [tilespmem:s8+$0xE100]  }
0x76a: {  	v38 =	vld [tilespmem:s8+$0xE600]  }
0x76b: {  	v33 =	vadd.s32 v33, v36;
	v35 =	vadd.s32 v35, v37;
	v55 =	vld [tilespmem:s8+$0xE500]  }
0x76c: {  	v56 =	vld [tilespmem:s8+$0xE700];
	v31 =	vadd.s32 v31, v33;
	v29 =	vadd.s32 v29, v35  }
0x76d: {  	v24 =	vadd.s32 v24, v31;
	v27 =	vadd.s32 v27, v29;
	v29 =	vld [tilespmem:s8+$0xE800]  }
0x76e: {  	v23 =	vadd.s32 v23, v24;
	v24 =	vadd.s32 v25, v27;
	v25 =	vld [tilespmem:s8+$0xE900]  }
0x76f: {  	v20 =	vadd.s32 v20, v23;
	v21 =	vadd.s32 v21, v24;
	v23 =	vld [tilespmem:s8+$0xEA00]  }
0x770: {  	v24 =	vld [tilespmem:s8+$0xEC00];
	v18 =	vadd.s32 v18, v20;
	v20 =	vadd.s32 v30, v21  }
0x771: {  	v21 =	vld [tilespmem:s8+$0xEB00];
	v18 =	vadd.s32 v28, v18;
	v20 =	vadd.s32 v32, v20  }
0x772: {  	v18 =	vadd.s32 v26, v18;
	v16 =	vadd.s32 v16, v20;
	v20 =	vld [tilespmem:s8+$0xED00]  }
0x773: {  	v18 =	vadd.s32 v22, v18;
	v16 =	vadd.s32 v55, v16;
	v22 =	vld [tilespmem:s8+$0xEE00]  }
0x774: {  	v18 =	vadd.s32 v38, v18;
	v16 =	vadd.s32 v56, v16  }
0x775: {  	v18 =	vadd.s32 v29, v18;
	v16 =	vadd.s32 v25, v16  }
0x776: {  	v18 =	vadd.s32 v23, v18;
	v16 =	vadd.s32 v21, v16  }
0x777: {  	v18 =	vadd.s32 v24, v18;
	v16 =	vadd.s32 v20, v16  }
0x778: {  	v18 =	vadd.s32 v22, v18;
	[tilespmem:s7+$0xFFFFFF00] =	vst v16  }
0x779: {  	[tilespmem:s7+$0x0] =	vst v18  }
0x77a: {  	v16 =	vld [tilespmem:$0xEF00]  }
0x77b: {  	v18 =	vld [tilespmem:$0xEF10]  }
0x77c: {  	v20 =	vld [tilespmem:$0xEF20]  }
0x77d: {  	v21 =	vld [tilespmem:$0xEF30]  }
0x77e: {  	v22 =	vld [tilespmem:$0xEF40]  }
0x77f: {  	v23 =	vld [tilespmem:$0xEF50]  }
0x780: {  	v24 =	vld [tilespmem:$0xEF60];
	v16 =	vadd.s32 v16, v18  }
0x781: {  	v18 =	vld [tilespmem:$0xEF70];
	v16 =	vadd.s32 v16, v20  }
0x782: {  	v20 =	vld [tilespmem:$0xEF80];
	v16 =	vadd.s32 v16, v21  }
0x783: {  	v21 =	vld [tilespmem:$0xEF90];
	v16 =	vadd.s32 v16, v22  }
0x784: {  	v22 =	vld [tilespmem:$0xEFA0];
	v16 =	vadd.s32 v16, v23  }
0x785: {  	v23 =	vld [tilespmem:$0xEFB0];
	v16 =	vadd.s32 v16, v24  }
0x786: {  	v24 =	vld [tilespmem:$0xEFC0];
	v16 =	vadd.s32 v16, v18  }
0x787: {  	v18 =	vld [tilespmem:$0xEFD0];
	v16 =	vadd.s32 v16, v20  }
0x788: {  	v20 =	vld [tilespmem:$0xEFE0];
	v16 =	vadd.s32 v16, v21  }
0x789: {  	v21 =	vld [tilespmem:$0xEFF0];
	v16 =	vadd.s32 v16, v22  }
0x78a: {  	s18 =	simm.s32 $0x0;
	v16 =	vadd.s32 v16, v23  }
0x78b: {  	v22 =	vld [tilespmem:s18+$0xEF00];
	v16 =	vadd.s32 v16, v24  }
0x78c: {  	s19 =	simm.s32 $0x10;
	v16 =	vadd.s32 v16, v18  }
0x78d: {  	v25 =	vld [tilespmem:s19+$0xEF00];
	v16 =	vadd.s32 v16, v20  }
0x78e: {  	v16 =	vadd.s32 v16, v21  }
0x78f: {  	(xrf0) =	vadd.scan.msk.s32 $0xffff, v16  }
0x790: {  	(xrf0) =	vadd.scan.msk.s32 $0xffff, v22  }
0x791: {  	(v2sf) =	vpush v34, $0xF  }
0x792: {  	(xrf0) =	vadd.scan.msk.s32 $0xffff, v25;
	_ =	sdelay $0x2  }
0x793: {  	v16, _, _ =	vpop (xrf0)  }
0x794: {  	v18, _, _ =	vpop (xrf0)  }
0x795: {  	(v2sf) =	vpush v18, $0xF  }
0x796: {  	s20 =	simm.s32 $0x20;
	v24, _, _ =	vpop (xrf0)  }
0x797: {  	v28 =	vld [tilespmem:s20+$0xEF00];
	(v2sf) =	vpush v24, $0xF;
	_ =	sdelay $0x2  }
0x798: {  	s13 =	simm.s32 $0x0  }
0x799: {  	v20 =	vmov s13  }
0x79a: {  	s21 =	simm.s32 $0x30;
	v20 =	vsub.s32 $0x0, v20;
	(xrf0) =	vadd.scan.msk.s32 $0xffff, v28  }
0x79b: {  	v57 =	vld [tilespmem:s21+$0xEF00];
	v20 =	vbroadcast v20, $0x0;
	v36 =	vbroadcast v16, $0xF  }
0x79c: {  	s22 =	spop (v2sf)  }
0x79d: {  	s7 =	ssub.s32 s12, s22;
	v20 =	vadd.s32 v36, v20  }
0x79e: {  	s7 =	sadd.s32 s10, s7;
	v20 =	vadd.s32 v22, v20  }
0x79f: {  	v35 =	vmov s7;
	v18 =	vsub.s32 v20, v18  }
0x7a0: {  	(xrf0) =	vadd.scan.msk.s32 $0xffff, v57;
	vm0 =	vge.s32 v18, v35;
	v26, _, _ =	vpop (xrf0)  }
0x7a1: {  	v18 =	vnsel vm0, $0x0, v22;
	(v2sf) =	vpush v26, $0xF  }
0x7a2: {  	(xrf0) =	vadd.scan.msk.s32 $0xffff, v18;
	s23 =	spop (v2sf)  }
0x7a3: {  	s25 =	simm.s32 $0x40;
	s8 =	sadd.s32 $0x0, s23  }
0x7a4: {  	v40 =	vld [tilespmem:s25+$0xEF00];
	s24 =	spop (v2sf);
	v21 =	vmov s8  }
0x7a5: {  	s8 =	sadd.s32 s8, s24;
	v22 =	vsub.s32 $0x0, v21  }
0x7a6: {  	v58, _, _ =	vpop (xrf0);
	v27 =	vmov s8;
	v23 =	vbroadcast v22, $0x0  }
0x7a7: {  	(v2sf) =	vpush v58, $0xF;
	v27 =	vsub.s32 $0x0, v27  }
0x7a8: {  	s26 =	simm.s32 $0x50;
	v29, _, _ =	vpop (xrf0);
	v27 =	vbroadcast v27, $0x0;
	v30 =	vadd.s32 v36, v23  }
0x7a9: {  	v39 =	vld [tilespmem:s26+$0xEF00];
	(xrf0) =	vadd.scan.msk.s32 $0xffff, v40;
	(v2sf) =	vpush v29, $0xF;
	v29 =	vadd.s32 v25, v30  }
0x7aa: {  	s28 =	simm.s32 $0x60;
	v27 =	vadd.s32 v36, v27;
	v29 =	vsub.s32 v29, v24  }
0x7ab: {  	v38 =	vld [tilespmem:s28+$0xEF00];
	v27 =	vadd.s32 v28, v27;
	vm1 =	vge.s32 v29, v35  }
0x7ac: {  	v32 =	vld [tilespmem:$0xF0D0];
	v27 =	vsub.s32 v27, v26;
	v29 =	vnsel vm1, $0x0, v25  }
0x7ad: {  	v20 =	vld [tilespmem:$0xF010];
	vm2 =	vge.s32 v27, v35;
	(xrf0) =	vadd.scan.msk.s32 $0xffff, v29  }
0x7ae: {  	v18 =	vld [tilespmem:$0xF000];
	v30 =	vnsel vm2, $0x0, v28;
	(xrf0) =	vadd.scan.msk.s32 $0xffff, v39  }
0x7af: {  	v42, _, _ =	vpop (xrf0);
	v21 =	vld [tilespmem:$0xF020];
	(xrf0) =	vadd.scan.msk.s32 $0xffff, v30  }
0x7b0: {  	(v2sf) =	vpush v42, $0xF;
	v22 =	vld [tilespmem:$0xF030];
	s29 =	spop (v2sf)  }
0x7b1: {  	v23 =	vld [tilespmem:$0xF040];
	s8 =	sadd.s32 s8, s29  }
0x7b2: {  	v24 =	vld [tilespmem:$0xF050];
	v29 =	vmov s8  }
0x7b3: {  	v26 =	vld [tilespmem:$0xF070];
	v29 =	vsub.s32 $0x0, v29;
	v43, _, _ =	vpop (xrf0)  }
0x7b4: {  	v59 =	vmpcnt.ones.xlane vm0;
	v25 =	vld [tilespmem:$0xF060];
	v31 =	vbroadcast v29, $0x0;
	(v2sf) =	vpush v43, $0xF;
	v43, _, _ =	vpop (xrf0)  }
0x7b5: {  	v60 =	vimm.s32 $0x0;
	v27 =	vld [tilespmem:$0xF080];
	v41 =	vmpcnt.ones.xlane vm1;
	(v2sf) =	vpush v43, $0xF;
	v48, _, _ =	vpop (xrf0)  }
0x7b6: {  	v33 =	vadd.s32 v60, v59;
	s30 =	spop (v2sf);
	v28 =	vld [tilespmem:$0xF090];
	(xrf0) =	vadd.scan.msk.s32 $0xffff, v38;
	v31 =	vadd.s32 v36, v31;
	(v2sf) =	vpush v48, $0xF  }
0x7b7: {  	v44 =	vmpcnt.ones.xlane vm2;
	v41 =	vadd.s32 v33, v41;
	v33 =	vld [tilespmem:$0xF0E0];
	v61 =	vadd.s32 v57, v31  }
0x7b8: {  	s31 =	simm.s32 $0x70;
	v29 =	vld [tilespmem:$0xF0A0];
	v34 =	vsub.s32 v61, v58  }
0x7b9: {  	s8 =	sadd.s32 s8, s30;
	v46 =	vadd.s32 v41, v44;
	v41 =	vld [tilespmem:s31+$0xEF00];
	vm15 =	vge.s32 v34, v35  }
0x7ba: {  	v62 =	vmov s8;
	v30 =	vld [tilespmem:$0xF0B0];
	v47 =	vmpcnt.ones.xlane vm15  }
0x7bb: {  	v63 =	vsub.s32 $0x0, v62;
	v31 =	vld [tilespmem:$0xF0C0];
	v37 =	vnsel vm15, $0x0, v57  }
0x7bc: {  	s10 =	simm.s32 $0x200;
	s12 =	spop (v2sf);
	v45 =	vbroadcast v63, $0x0;
	v34 =	vld [tilespmem:$0xF0F0];
	(xrf0) =	vadd.scan.msk.s32 $0xffff, v37;
	v44, _, _ =	vpop (xrf0);
	v37 =	vadd.s32 v46, v47  }
.LBB2_61:
0x7bd: {  	p0 =	sne.s32 s10, $0x3C0  }
0x7be: {  	(xrf0) =	vadd.scan.msk.s32 $0xffff, v41;
	(v2sf) =	vpush v44, $0xF;
	v45 =	vadd.s32 v36, v45;
	s13 =	sadd.s32 s13, s12;
	v46 =	vmov v41;
	s12 =	smov.u32 s10;
	s10 =	sadd.s32 $0x40, s10  }
0x7bf: {  	s12 =	sshra.s32 s12, $0x2;
	v45 =	vadd.s32 v40, v45;
	s14 =	spop (v2sf)  }
.Ltmp32:
0x7c0: {  	v41 =	vld [tilespmem:s12+$0xEF00];
	v45 =	vsub.s32 v45, v42;
	s8 =	sadd.s32 s8, s14;
	v42 =	vmov v43;
	v43 =	vmov v44;
	(pc) =	sbr.rel @p0 .LBB2_61-.Ltmp32, $4  }
0x7c1: {  	v44 =	vmov s8;
	vm0 =	vge.s32 v45, v35  }
0x7c2: {  	v50 =	vsub.s32 $0x0, v44;
	v47 =	vmpcnt.ones.xlane vm0;
	v49 =	vnsel vm0, $0x0, v40;
	v48, _, _ =	vpop (xrf0)  }
0x7c3: {  	v40 =	vmovc v39;
	v39 =	vmov v38;
	v45 =	vbroadcast v50, $0x0;
	(xrf0) =	vadd.scan.msk.s32 $0xffff, v49;
	(v2sf) =	vpush v48, $0xF;
	_ =	sdelay $0x1  }
0x7c4: {  	v38 =	vmov v46;
	v44, _, _ =	vpop (xrf0);
	v37 =	vadd.s32 v37, v47;
	s12 =	spop (v2sf)  }
0x7c5: {  	(v2sf) =	vpush v44, $0xF;
	_ =	sdelay $0x8  }
0x7c6: {  	s10 =	spop (v2sf)  }
0x7c7: {  	v0 =	vadd.s32 v0, v1;
	s8 =	sadd.s32 s8, s10  }
0x7c8: {  	v0 =	vadd.s32 v0, v2;
	v46 =	vmov s8  }
0x7c9: {  	v45 =	vadd.s32 v36, v45;
	s15 =	spop (v2sf);
	v0 =	vadd.s32 v0, v4;
	v46 =	vsub.s32 $0x0, v46  }
0x7ca: {  	v45 =	vadd.s32 v40, v45;
	v0 =	vadd.s32 v0, v3;
	v46 =	vbroadcast v46, $0x0;
	s30 =	spop (v2sf)  }
0x7cb: {  	v1 =	vsub.s32 v45, v42;
	v0 =	vadd.s32 v0, v5;
	s14 =	spop (v2sf)  }
0x7cc: {  	vm0 =	vge.s32 v1, v35;
	v0 =	vadd.s32 v0, v6;
	v1 =	vadd.s32 v36, v46;
	s8 =	sadd.s32 s8, s30;
	s31 =	spop (v2sf)  }
0x7cd: {  	(xrf0) =	vadd.scan.msk.s32 $0xffff, v41;
	v0 =	vadd.s32 v0, v7;
	v1 =	vadd.s32 v39, v1;
	v3 =	vmov s8;
	s8 =	sadd.s32 s8, s31  }
0x7ce: {  	v0 =	vadd.s32 v0, v8;
	v3 =	vsub.s32 $0x0, v3;
	v4 =	vmov s8  }
0x7cf: {  	v1 =	vsub.s32 v1, v43;
	v3 =	vbroadcast v3, $0x0;
	v4 =	vsub.s32 $0x0, v4  }
0x7d0: {  	v0 =	vadd.s32 v0, v10;
	vm1 =	vge.s32 v1, v35;
	v1 =	vbroadcast v4, $0x0  }
0x7d1: {  	v2 =	vnsel vm0, $0x0, v40;
	v0 =	vadd.s32 v0, v9;
	v3 =	vadd.s32 v36, v3  }
0x7d2: {  	v5, _, _ =	vpop (xrf0);
	v0 =	vadd.s32 v0, v11;
	v3 =	vadd.s32 v38, v3;
	v1 =	vadd.s32 v36, v1  }
0x7d3: {  	v6, _, _ =	vpop (xrf0);
	v0 =	vadd.s32 v0, v12;
	v3 =	vsub.s32 v3, v44;
	v1 =	vadd.s32 v41, v1  }
0x7d4: {  	(xrf0) =	vadd.scan.msk.s32 $0xffff, v2;
	vm2 =	vge.s32 v3, v35;
	v4 =	vnsel vm1, $0x0, v39;
	v1 =	vsub.s32 v1, v6  }
0x7d5: {  	v0 =	vadd.s32 v0, v14;
	v2 =	vnsel vm2, $0x0, v38;
	(xrf0) =	vadd.scan.msk.s32 $0xffff, v4;
	vm3 =	vge.s32 v1, v35  }
0x7d6: {  	v0 =	vadd.s32 v0, v17;
	(xrf0) =	vadd.scan.msk.s32 $0xffff, v2;
	v1 =	vnsel vm3, $0x0, v41  }
0x7d7: {  	v0 =	vadd.s32 v0, v19;
	(xrf0) =	vadd.scan.msk.s32 $0xffff, v1  }
0x7d8: {  	(xrf0) =	vadd.scan.msk.s32 $0xffff, v0  }
0x7d9: {  	(v2sf) =	vpush v5, $0xF  }
0x7da: {  	(v2sf) =	vpush v6, $0xF;
	v0, _, _ =	vpop (xrf0)  }
0x7db: {  	(v2sf) =	vpush v0, $0xF;
	v0, _, _ =	vpop (xrf0)  }
0x7dc: {  	(v2sf) =	vpush v0, $0xF;
	v0, _, _ =	vpop (xrf0)  }
0x7dd: {  	s10 =	simm.s32 $0x0;
	(v2sf) =	vpush v0, $0xF;
	v0, _, _ =	vpop (xrf0)  }
0x7de: {  	s16 =	sand.u32 $0xF0, s10;
	(v2sf) =	vpush v0, $0xF;
	v0, _, _ =	vpop (xrf0)  }
0x7df: {  	(v2sf) =	vpush v0, $0xF;
	v0 =	vld [tilespmem:s16+$0xF000]  }
0x7e0: {  	s17 =	simm.s32 $0x10  }
0x7e1: {  	s8 =	sand.u32 $0xF0, s17  }
0x7e2: {  	v2 =	vld [tilespmem:s8+$0xF000];
	_ =	sdelay $0x1  }
0x7e3: {  	(xrf0) =	vadd.scan.msk.s32 $0xffff, v0;
	_ =	sdelay $0x1  }
0x7e4: {  	s18 =	simm.s32 $0x20  }
0x7e5: {  	s8 =	sand.u32 $0xF0, s18;
	(xrf0) =	vadd.scan.msk.s32 $0xffff, v2  }
0x7e6: {  	v6 =	vld [tilespmem:s8+$0xF000]  }
0x7e7: {  	s20 =	spop (v2sf)  }
0x7e8: {  	s19 =	spop (v2sf);
	v3, _, _ =	vpop (xrf0)  }
0x7e9: {  	s19 =	spop (v2sf);
	(v2sf) =	vpush v3, $0xF  }
0x7ea: {  	s18 =	spop (v2sf)  }
0x7eb: {  	s8 =	simm.s32 $0x30;
	(xrf0) =	vadd.scan.msk.s32 $0xffff, v6;
	s17 =	spop (v2sf);
	v4, _, _ =	vpop (xrf0)  }
0x7ec: {  	s8 =	sand.u32 $0xF0, s8;
	(v2sf) =	vpush v4, $0xF;
	s16 =	spop (v2sf)  }
0x7ed: {  	v7 =	vld [tilespmem:s8+$0xF000];
	s21 =	spop (v2sf)  }
0x7ee: {  	s8 =	ssub.s32 s11, s21  }
0x7ef: {  	s8 =	sadd.s32 s9, s8  }
0x7f0: {  	v3 =	vadd.s32 s10, v3;
	v1 =	vmov s8  }
0x7f1: {  	v8, _, _ =	vpop (xrf0);
	vm4 =	vge.s32 v3, v1  }
0x7f2: {  	(xrf0) =	vadd.scan.msk.s32 $0xffff, v7;
	(v2sf) =	vpush v8, $0xF;
	v0 =	vnsel vm4, $0x0, v0  }
0x7f3: {  	(xrf0) =	vadd.scan.msk.s32 $0xffff, v0;
	_ =	sdelay $0x1  }
0x7f4: {  	s22 =	simm.s32 $0x40  }
0x7f5: {  	s9 =	sand.u32 $0xF0, s22  }
0x7f6: {  	v5 =	vld [tilespmem:s9+$0xF000]  }
0x7f7: {  	s23 =	simm.s32 $0x50;
	v9, _, _ =	vpop (xrf0);
	s24 =	spop (v2sf)  }
0x7f8: {  	(v2sf) =	vpush v9, $0xF;
	s9 =	sand.u32 $0xF0, s23;
	v0, _, _ =	vpop (xrf0);
	s11 =	sadd.s32 $0x0, s24  }
0x7f9: {  	v3 =	vld [tilespmem:s9+$0xF000];
	(v2sf) =	vpush v0, $0xF;
	v0 =	vadd.s32 s11, v4  }
0x7fa: {  	s21 =	spop (v2sf);
	vm5 =	vge.s32 v0, v1  }
0x7fb: {  	(xrf0) =	vadd.scan.msk.s32 $0xffff, v5;
	s11 =	sadd.s32 s11, s21;
	v2 =	vnsel vm5, $0x0, v2  }
0x7fc: {  	s25 =	simm.s32 $0x60;
	(xrf0) =	vadd.scan.msk.s32 $0xffff, v2;
	v2 =	vadd.s32 s11, v8  }
0x7fd: {  	s9 =	sand.u32 $0xF0, s25;
	v0 =	vmpcnt.ones.xlane vm0;
	vm0 =	vge.s32 v2, v1  }
0x7fe: {  	v4 =	vld [tilespmem:s9+$0xF000];
	(xrf0) =	vadd.scan.msk.s32 $0xffff, v3;
	v6 =	vnsel vm0, $0x0, v6  }
0x7ff: {  	v8 =	vmpcnt.ones.xlane vm2;
	(xrf0) =	vadd.scan.msk.s32 $0xffff, v6  }
0x800: {  	v10 =	vmpcnt.ones.xlane vm1;
	s29 =	spop (v2sf)  }
0x801: {  	v0 =	vadd.s32 v37, v0;
	s11 =	sadd.s32 s11, s29  }
0x802: {  	v11, _, _ =	vpop (xrf0);
	v0 =	vadd.s32 v0, v10;
	v9 =	vadd.s32 s11, v9  }
0x803: {  	(v2sf) =	vpush v11, $0xF;
	v0 =	vadd.s32 v0, v8;
	(xrf0) =	vadd.scan.msk.s32 $0xffff, v4;
	v8, _, _ =	vpop (xrf0)  }
0x804: {  	(v2sf) =	vpush v8, $0xF;
	v8, _, _ =	vpop (xrf0)  }
0x805: {  	v2 =	vmpcnt.ones.xlane vm3;
	vm3 =	vge.s32 v9, v1;
	(v2sf) =	vpush v8, $0xF;
	v9, _, _ =	vpop (xrf0)  }
0x806: {  	(v2sf) =	vpush v9, $0xF;
	_ =	sdelay $0x2  }
0x807: {  	v10, _, _ =	vpop (xrf0)  }
0x808: {  	s26 =	sadd.s32 s13, s12;
	s28 =	simm.s32 $0x70;
	s30 =	spop (v2sf);
	(v2sf) =	vpush v10, $0xF  }
0x809: {  	s12 =	sand.u32 $0xF0, s28;
	vm1 =	vmmov vm4;
	s9 =	sadd.s32 s26, s15  }
0x80a: {  	vm1 =	vmmov vm1;
	s9 =	sadd.s32 s9, s14;
	v6 =	vld [tilespmem:s12+$0xF000]  }
0x80b: {  	vm1 =	vmmov vm1;
	s9 =	sadd.s32 s9, s20;
	vm2 =	vmmov vm5;
	v7 =	vnsel vm3, $0x0, v7  }
0x80c: {  	vm4 =	vmmov vm1;
	s9 =	sadd.s32 s9, s19;
	vm2 =	vmmov vm2;
	vm0 =	vmmov vm0;
	(xrf0) =	vadd.scan.msk.s32 $0xffff, v7  }
0x80d: {  	s31 =	simm.s32 $0x80;
	s9 =	sadd.s32 s9, s18;
	vm5 =	vmmov vm2;
	v0 =	vadd.s32 v0, v2;
	v2 =	vimm.s32 $0x0;
	s12 =	sadd.s32 s11, s30  }
0x80e: {  	s9 =	sadd.s32 s9, s17;
	vm1 =	vmmov vm0;
	vm0 =	vmmov vm3;
	s11 =	sand.u32 $0xF0, s31;
	v11 =	vadd.s32 s12, v11  }
0x80f: {  	s13 =	simm.s32 $0x90;
	s9 =	sadd.s32 s9, s16;
	vm3 =	vmmov vm5;
	v7 =	vmpcnt.ones.xlane vm4;
	vm2 =	vge.s32 v11, v1;
	(xrf0) =	vadd.scan.msk.s32 $0xffff, v6;
	v9 =	vld [tilespmem:s11+$0xF000];
	s11 =	spop (v2sf)  }
.LBB2_63:
0x810: {  	p0 =	sne.s32 s13, $0xF0  }
0x811: {  	v11 =	vnsel vm2, $0x0, v5;
	v2 =	vadd.s32 v2, v7;
	s10 =	sadd.s32 s10, s11;
	v5 =	vmovc v3;
	v3 =	vmovc v4;
	v4 =	vmov v6;
	s11 =	smov.u32 s13;
	s13 =	sadd.s32 $0x10, s13  }
.Ltmp33:
0x812: {  	vm4 =	vmmov vm1;
	vm1 =	vmmov vm0;
	vm0 =	vmmov vm2;
	(xrf0) =	vadd.scan.msk.s32 $0xffff, v11;
	v6, _, _ =	vpop (xrf0);
	(pc) =	sbr.rel @p0 .LBB2_63-.Ltmp33, $4  }
0x813: {  	s14 =	spop (v2sf);
	(v2sf) =	vpush v6, $0xF  }
0x814: {  	s12 =	sadd.s32 s12, s14  }
0x815: {  	v7 =	vmpcnt.ones.xlane vm3;
	s14 =	sand.u32 $0xF0, s11;
	(xrf0) =	vadd.scan.msk.s32 $0xffff, v9;
	v11 =	vadd.s32 s12, v8;
	v8 =	vmov v10;
	v10, _, _ =	vpop (xrf0);
	_ =	sdelay $0x1  }
0x816: {  	vm3 =	vmmov vm4;
	v6 =	vmovc v9;
	(v2sf) =	vpush v10, $0xF;
	vm2 =	vge.s32 v11, v1;
	s11 =	spop (v2sf);
	v9 =	vld [tilespmem:s14+$0xF000]  }
0x817: {  	_ =	sdelay $0x1  }
0x818: {  	v11, _, _ =	vpop (xrf0)  }
0x819: {  	(v2sf) =	vpush v11, $0xF;
	v61, _, _ =	vpop (xrf0)  }
0x81a: {  	(v2sf) =	vpush v61, $0xF;
	_ =	sdelay $0x7  }
0x81b: {  	v5 =	vnsel vm2, $0x0, v5  }
0x81c: {  	s15 =	spop (v2sf);
	(xrf0) =	vadd.scan.msk.s32 $0xffff, v5  }
0x81d: {  	s14 =	spop (v2sf);
	(xrf0) =	vadd.scan.msk.s32 $0xffff, v9  }
0x81e: {  	s12 =	sadd.s32 s12, s15;
	s16 =	spop (v2sf)  }
0x81f: {  	v5 =	vadd.s32 s12, v8;
	s13 =	spop (v2sf)  }
0x820: {  	s22 =	spop (v2sf)  }
0x821: {  	s16 =	sadd.s32 s12, s16;
	s23 =	spop (v2sf)  }
0x822: {  	vm4 =	vge.s32 v5, v1;
	v8 =	vadd.s32 s16, v10;
	v5, _, _ =	vpop (xrf0);
	s15 =	sadd.s32 s16, s22;
	s24 =	spop (v2sf)  }
0x823: {  	v3 =	vnsel vm4, $0x0, v3;
	vm7 =	vge.s32 v8, v1;
	v63, _, _ =	vpop (xrf0);
	v62 =	vadd.s32 s15, v61;
	s15 =	sadd.s32 s15, s24  }
0x824: {  	(xrf0) =	vadd.scan.msk.s32 $0xffff, v3;
	v3 =	vnsel vm7, $0x0, v4;
	vm6 =	vge.s32 v62, v1;
	v8 =	vadd.s32 s15, v63  }
0x825: {  	(xrf0) =	vadd.scan.msk.s32 $0xffff, v3;
	vm5 =	vge.s32 v8, v1;
	v1 =	vnsel vm6, $0x0, v6  }
0x826: {  	(xrf0) =	vadd.scan.msk.s32 $0xffff, v1;
	v1 =	vnsel vm5, $0x0, v9  }
0x827: {  	(xrf0) =	vadd.scan.msk.s32 $0xffff, v1;
	_ =	sdelay $0x1  }
0x828: {  	(v2sf) =	vpush v5, $0xF  }
0x829: {  	(v2sf) =	vpush v63, $0xF;
	v1, _, _ =	vpop (xrf0)  }
0x82a: {  	(v2sf) =	vpush v1, $0xF;
	v1, _, _ =	vpop (xrf0)  }
0x82b: {  	vm1 =	vmmov vm1;
	(v2sf) =	vpush v1, $0xF;
	v1, _, _ =	vpop (xrf0)  }
0x82c: {  	vm0 =	vmmov vm0;
	vm14 =	vmmov vm2;
	(v2sf) =	vpush v1, $0xF;
	v1, _, _ =	vpop (xrf0)  }
0x82d: {  	vm1 =	vmmov vm1;
	vm0 =	vmmov vm0;
	(v2sf) =	vpush v1, $0xF  }
0x82e: {  	vm0 =	vmmov vm0;
	v4 =	vmpcnt.ones.xlane vm1;
	vm1 =	vmmov vm14  }
0x82f: {  	vm7 =	vmmov vm7;
	vm1 =	vmmov vm1;
	vm8 =	vmmov vm6  }
0x830: {  	vm15 =	vmmov vm1;
	vm1 =	vmmov vm7;
	vm2 =	vmmov vm8  }
0x831: {  	vm4 =	vmmov vm4;
	vm1 =	vmmov vm1;
	vm11 =	vmmov vm2  }
0x832: {  	v3 =	vmpcnt.ones.xlane vm3;
	vm10 =	vmmov vm1;
	vm13 =	vmmov vm11  }
0x833: {  	v1 =	vadd.s32 v2, v7;
	v2 =	vmpcnt.ones.xlane vm0;
	vm0 =	vmmov vm4  }
0x834: {  	vm9 =	vmmov vm5;
	v1 =	vadd.s32 v1, v3;
	vm0 =	vmmov vm0  }
0x835: {  	s10 =	sadd.s32 s10, s11;
	v3 =	vmpcnt.ones.xlane vm15;
	v1 =	vadd.s32 v1, v4;
	vm0 =	vmmov vm0  }
0x836: {  	s10 =	sadd.s32 s10, s14;
	vm12 =	vmmov vm9;
	v1 =	vadd.s32 v1, v2;
	v2 =	vmpcnt.ones.xlane vm0  }
0x837: {  	s10 =	sadd.s32 s10, s13;
	s25 =	spop (v2sf);
	vm14 =	vmmov vm12;
	v1 =	vadd.s32 v1, v3;
	v3 =	vmpcnt.ones.xlane vm10  }
0x838: {  	s10 =	sadd.s32 s10, s23;
	s26 =	spop (v2sf);
	vm15 =	vmmov vm14;
	v1 =	vadd.s32 v1, v2;
	v2 =	vmpcnt.ones.xlane vm13  }
0x839: {  	s10 =	sadd.s32 s10, s25;
	v1 =	vadd.s32 v1, v3;
	v3 =	vmpcnt.ones.xlane vm15;
	s28 =	spop (v2sf)  }
0x83a: {  	v0 =	vadd.s32 $0xFFFFFFFF, v0;
	v1 =	vadd.s32 v1, v2;
	s10 =	sadd.s32 s10, s28;
	s29 =	spop (v2sf)  }
0x83b: {  	v0 =	vor.u32 v13, v0;
	v5 =	vimm.s32 $0x0;
	v1 =	vadd.s32 v1, v3;
	s10 =	sadd.s32 s10, s29;
	s30 =	spop (v2sf)  }
0x83c: {  	s12 =	simm.s32 $0x0;
	v6 =	vimm.s32 $0x0;
	v7 =	vimm.s32 $0x0;
	v1 =	vsub.s32 $0x100, v1;
	s10 =	sadd.s32 s10, s30;
	s31 =	spop (v2sf)  }
0x83d: {  	s11 =	simm.s32 $0x40;
	v4 =	vimm.f32 $0.0e+00;
	v2 =	vimm.f32 $0.0e+00;
	v3 =	vld [tilespmem:s12+$0x8200];
	v1 =	vor.u32 v15, v1;
	s10 =	sadd.s32 s10, s31  }
.LBB2_65:
0x83e: {  	_ =	sdelay $0x1  }
0x83f: {  	p0 =	sne.s32 s11, $0xAA40  }
.Ltmp34:
0x840: {  	_ = 	snop;
	(pc) =	sbr.rel @p0 .LBB2_65-.Ltmp34, $4  }
0x841: {  	vm0 =	veq.s32 v0, v3  }
0x842: {  	vm1 =	veq.s32 v1, v3;
	vm2 =	vlt.s32 v0, v3;
	v8 =	vmovc v3;
	v9 =	vsel vm0, $0x1, v5  }
0x843: {  	s12 =	sshra.s32 s11, $0x2;
	v10 =	vsel vm1, $0x1, v5;
	v11 =	vnsel vm2, $0x0, v8;
	v4 =	vadd.f32 v8, v4  }
0x844: {  	s11 =	sadd.s32 $0x40, s11;
	v3 =	vld [tilespmem:s12+$0x8200];
	v7 =	vadd.s32 v9, v7;
	v6 =	vadd.s32 v10, v6;
	v2 =	vadd.f32 v11, v2  }
0x845: {  	v8 =	vadd.s32 v18, v20  }
0x846: {  	v8 =	vadd.s32 v8, v21  }
0x847: {  	v8 =	vadd.s32 v8, v22  }
0x848: {  	v8 =	vadd.s32 v8, v23  }
0x849: {  	v8 =	vadd.s32 v8, v24  }
0x84a: {  	v8 =	vadd.s32 v8, v25  }
0x84b: {  	v8 =	vadd.s32 v8, v26  }
0x84c: {  	v8 =	vadd.s32 v8, v27  }
0x84d: {  	v8 =	vadd.s32 v8, v28  }
0x84e: {  	v8 =	vadd.s32 v8, v29  }
0x84f: {  	v8 =	vadd.s32 v8, v30  }
0x850: {  	v8 =	vadd.s32 v8, v31  }
0x851: {  	v8 =	vadd.s32 v8, v32  }
0x852: {  	vm0 =	veq.s32 v0, v3;
	v8 =	vadd.s32 v8, v33  }
0x853: {  	vm1 =	veq.s32 v1, v3;
	v9 =	vsel vm0, $0x1, v5;
	v8 =	vadd.s32 v8, v34  }
0x854: {  	v5 =	vsel vm1, $0x1, v5;
	v7 =	vadd.s32 v9, v7;
	(xrf0) =	vadd.scan.msk.s32 $0xffff, v8  }
0x855: {  	v5 =	vadd.s32 v5, v6;
	(xrf0) =	vadd.scan.msk.s32 $0xffff, v7  }
0x856: {  	(xrf0) =	vadd.scan.msk.s32 $0xffff, v5;
	_ =	sdelay $0x3  }
0x857: {  	(v2sf) =	vpush v16, $0xF;
	v5, _, _ =	vpop (xrf0)  }
0x858: {  	(v2sf) =	vpush v5, $0xF;
	v5, _, _ =	vpop (xrf0)  }
0x859: {  	(v2sf) =	vpush v5, $0xF;
	v5, _, _ =	vpop (xrf0)  }
0x85a: {  	(v2sf) =	vpush v5, $0xF;
	_ =	sdelay $0x3  }
0x85b: {  	vm0 =	vlt.s32 v0, v3  }
0x85c: {  	v5 =	vnsel vm0, $0x0, v3  }
0x85d: {  	v2 =	vadd.f32 v5, v2;
	_ =	sdelay $0x1  }
0x85e: {  	v3 =	vadd.f32 v3, v4;
	(xrf2) =	vadd.scan.msk.f32 $0xffff, v2;
	_ =	sdelay $0x1  }
0x85f: {  	(xrf2) =	vadd.scan.msk.f32 $0xffff, v3;
	_ =	sdelay $0x1  }
0x860: {  	s12 =	spop (v2sf)  }
0x861: {  	s11 =	spop (v2sf)  }
0x862: {  	s13 =	spop (v2sf)  }
0x863: {  	s14 =	spop (v2sf)  }
0x864: {  	vm1 =	vcmask $0x704;
	vm0 =	vcmask $0x300;
	v2 =	vimm.f32 $0.0e+00;
	s13 =	scvt.s32.f32 s13;
	s14 =	scvt.s32.f32 s14  }
0x865: {  	v3 =	vsel vm0, $0x3F800000, v2;
	v4 =	vsel vm1, $0x3F800000, v2  }
0x866: {  	v5, _, _ =	vpop (xrf2);
	v6 =	vmul.f32 s13, v3;
	v7 =	vmul.f32 s14, v4  }
0x867: {  	vm0 =	vcmask $0xB08;
	v5 =	vbroadcast v5, $0xF  }
0x868: {  	v8, _, _ =	vpop (xrf2);
	v6 =	vadd.f32 v7, v6;
	v7 =	vsel vm0, $0x3F800000, v2  }
0x869: {  	vm0 =	vcmask $0xF0C;
	v5 =	vmul.f32 v7, v5;
	v7 =	vbroadcast v8, $0xF  }
0x86a: {  	v2 =	vsel vm0, $0x3F800000, v2  }
0x86b: {  	v5 =	vadd.f32 v6, v5;
	v2 =	vmul.f32 v2, v7;
	_ =	sdelay $0x1  }
0x86c: {  	v2 =	vadd.f32 v5, v2  }
0x86d: {  	s20 =	sshll.u32 s5, $0x4  }
0x86e: {  	s21 =	simm.s32 $0xF100;
	s22 =	simm.s32 $0x5;
	s13 =	sadd.s32 s20, s6;
	[tilespmem:$0xF100] =	vst v2  }
0x86f: {  	[spmem:s13] =	stream.linear.scatter [tilespmem:s21], [sflag:$0x5], $0x10, $0x38;
	[tilespmem:$0xFB10] =	vst v63  }
0x870: {  	_ =	swait.ge [sflag:s22], $0x10  }
0x871: {  	v2 =	vlaneseq.u32;
	[sflag:s22] =	ssyncset.done $0x0  }
0x872: {  	v5 =	vmul.u32 $0x10, v2;
	[sflag:s22] =	ssyncadd.s32 $0xFFFFFFF0  }
0x873: {  	s23 =	simm.s32 $0xF180;
	[bflag:$0x0] =	sbarrier.arrive $0xFFFF  }
0x874: {  	v6 =	vor.u32 $0x1, v5;
	[tilespmem:s23], [sflag:$0x5] =	stream.linear.gather [spmem:s6], $0x100, $0x38;
	[tilespmem:$0xFB10] =	vst v63  }
0x875: {  	_ =	swait.ge [sflag:s22], $0x100  }
0x876: {  	[sflag:s22] =	ssyncset.done $0x0  }
0x877: {  	v7 =	vor.u32 $0x2, v5;
	[sflag:s22] =	ssyncadd.s32 $0xFFFFFF00  }
0x878: {  	v8 =	vld.idx.msk [tilespmem:v5+s23+$0x0], $0xffff;
	v5 =	vor.u32 $0x3, v5  }
0x879: {  	v6 =	vld.idx.msk [tilespmem:v6+s23+$0x0], $0xffff  }
0x87a: {  	v9 =	vmov s5  }
0x87b: {  	vm0 =	vgt.u32 v9, v2;
	v2 =	vimm.s32 $0x0  }
0x87c: {  	v9 =	vsel vm0, $0x3F800000, v2;
	v7 =	vld.idx.msk [tilespmem:v7+s23+$0x0], $0xffff  }
0x87d: {  	v5 =	vld.idx.msk [tilespmem:v5+s23+$0x0], $0xffff;
	v8 =	vmul.f32 v9, v8  }
0x87e: {  	v6 =	vmul.f32 v9, v6  }
0x87f: {  	(xrf2) =	vadd.scan.msk.f32 $0xffff, v8  }
0x880: {  	(xrf2) =	vadd.scan.msk.f32 $0xffff, v6  }
0x881: {  	(xrf2) =	vadd.scan.msk.f32 $0xffff, v7  }
0x882: {  	(xrf2) =	vadd.scan.msk.f32 $0xffff, v5;
	_ =	sdelay $0x6  }
0x883: {  	v5, _, _ =	vpop (xrf2)  }
0x884: {  	v6, _, _ =	vpop (xrf2)  }
0x885: {  	(v2sf) =	vpush v5, $0xF;
	v7, _, _ =	vpop (xrf2)  }
0x886: {  	(v2sf) =	vpush v6, $0xF;
	v5, _, _ =	vpop (xrf2)  }
0x887: {  	(v2sf) =	vpush v5, $0xF;
	_ =	sdelay $0x9  }
0x888: {  	s24 =	ssub.s32 s7, s12  }
0x889: {  	s6 =	sadd.s32 s9, s24  }
0x88a: {  	s6 =	scvt.s32.f32 s6  }
0x88b: {  	s25 =	spop (v2sf)  }
0x88c: {  	v6 =	vbroadcast v7, $0xF;
	v5 =	vmul.f32 s6, v0;
	s26 =	spop (v2sf)  }
0x88d: {  	s28 =	spop (v2sf)  }
0x88e: {  	v5 =	vadd.f32 v6, v5;
	s12 =	smul.f32 $5.727639290e-06, s28;
	_ =	sdelay $0x1  }
0x88f: {  	v3 =	vmul.f32 v3, v5;
	v4 =	vmul.f32 s12, v4;
	_ =	sdelay $0x1  }
0x890: {  	v3 =	vadd.f32 v4, v3  }
0x891: {  	p0 =	sne.s32 s5, $0x0  }
0x892: {  	s5 =	simm.s32 @!p0 $0x0;
	s12 =	simm.s32 @!p0 $0xF280;
	[tilespmem:$0xF280] =	vst v3  }
0x893: {  	[hbm4b:s4+s5] =	stream.linear.scatter @!p0 [tilespmem:s12], [sflag:$0x5], $0x80, $0x38;
	[tilespmem:$0xFB10] =	vst v63  }
0x894: {  	s4 =	simm.s32 @!p0 $0x5  }
0x895: {  	_ =	swait.ge @!p0 [sflag:s4], $0x80  }
0x896: {  	[sflag:s4] =	ssyncset.done @!p0 $0x0  }
0x897: {  	s5 =	simm.s32 $0x0;
	[sflag:s4] =	ssyncadd.s32 @!p0 $0xFFFFFF80  }
0x898: {  	v5 =	vld [tilespmem:s5+$0x8200];
	_ =	sdelay $0x3  }
0x899: {  	s29 =	ssub.s32 s8, s11  }
0x89a: {  	s4 =	sadd.s32 s10, s29;
	vm0 =	veq.s32 v5, v1  }
0x89b: {  	s30 =	scvt.s32.f32 s4;
	s4 =	simm.s32 $0x10;
	vm3 =	veq.s32 v5, v0;
	v3 =	vsel vm0, $0x1, v2  }
0x89c: {  	v6 =	vld [tilespmem:s4+$0x8200];
	v4 =	vsel vm3, $0x1, v2;
	(xrf0) =	vadd.scan.msk.s32 $0xffff, v3  }
0x89d: {  	(xrf0) =	vadd.scan.msk.s32 $0xffff, v4  }
0x89e: {  	s6 =	ssub.f32 s6, s25  }
0x89f: {  	s31 =	ssub.f32 s30, s26  }
0x8a0: {  	s6 =	scvt.f32.s32 s6;
	vm2 =	vmmov vm0  }
0x8a1: {  	s7 =	scvt.f32.s32 s31;
	vm1 =	veq.s32 v6, v1;
	vm3 =	vmmov vm3;
	vm0 =	veq.s32 v6, v0  }
0x8a2: {  	v3 =	vmov s6;
	v8 =	vsel vm1, $0x1, v2;
	v9 =	vsel vm0, $0x1, v2;
	v7, _, _ =	vpop (xrf0)  }
0x8a3: {  	s2 =	sadd.s32 s2, s1;
	v4 =	vmov s7;
	(xrf0) =	vadd.scan.msk.s32 $0xffff, v8;
	v8 =	vimm.s32 $0x0;
	v10, _, _ =	vpop (xrf0);
	v7 =	vadd.s32 v2, v7  }
0x8a4: {  	s1 =	sadd.s32 s3, s1;
	s3 =	simm.s32 $0x20;
	s6 =	simm.s32 $0xC0;
	v10 =	vadd.s32 v2, v10;
	vm4 =	vle.s32 v7, v4;
	v7 =	vimm.s32 $0x0  }
.LBB2_67:
0x8a5: {  	p1 =	sne.s32 s6, $0xAA40;
	v11 =	vld [tilespmem:s3+$0x8200];
	(xrf0) =	vadd.scan.msk.s32 $0xffff, v9;
	vm5 =	vle.s32 v10, v3;
	vm6 =	vlt.s32 v5, v1;
	vm4 =	vmand vm2, vm4  }
0x8a6: {  	vm7 =	vgt.s32 v5, v0;
	v5 =	vmovc v6;
	vm5 =	vmand vm3, vm5;
	vm4 =	vmor vm6, vm4  }
0x8a7: {  	vm5 =	vmor vm7, vm5;
	vm6 =	vmneg vm4;
	v6 =	vsel vm4, $0x3F800000, v2  }
.Ltmp35:
0x8a8: {  	vm4 =	vmand vm5, vm6;
	[tilespmem:s5+$0x2C00] =	vst v6;
	v6 =	vmpcnt.ones.xlane vm2;
	vm2 =	vmmov vm1;
	(pc) =	sbr.rel @p1 .LBB2_67-.Ltmp35, $4  }
0x8a9: {  	v10 =	vmpcnt.ones.xlane vm3;
	vm3 =	vmmov vm0;
	v9 =	vsel vm4, $0x3F800000, v2  }
0x8aa: {  	vm0 =	veq.s32 v11, v0;
	vm1 =	veq.s32 v11, v1;
	v12, _, _ =	vpop (xrf0);
	[tilespmem:s5+$0x5700] =	vst v9;
	v8 =	vadd.s32 v8, v6;
	s5 =	smov.u32 s4;
	s4 =	smov.u32 s3  }
0x8ab: {  	v7 =	vadd.s32 v7, v10;
	v14 =	vsel vm1, $0x1, v2;
	v12 =	vadd.s32 v8, v12;
	v13, _, _ =	vpop (xrf0)  }
0x8ac: {  	s3 =	sshra.s32 s6, $0x2;
	s6 =	sadd.s32 $0x40, s6;
	v9 =	vsel vm0, $0x1, v2;
	(xrf0) =	vadd.scan.msk.s32 $0xffff, v14;
	v10 =	vadd.s32 v7, v13;
	vm4 =	vle.s32 v12, v4;
	v6 =	vmovc v11  }
0x8ad: {  	v11 =	vld [tilespmem:s3+$0x8200]  }
0x8ae: {  	vm5 =	vle.s32 v10, v3  }
0x8af: {  	vm6 =	vlt.s32 v5, v1;
	vm4 =	vmand vm2, vm4;
	(xrf0) =	vadd.scan.msk.s32 $0xffff, v9;
	vm7 =	vgt.s32 v5, v0  }
0x8b0: {  	v49 =	vmpcnt.ones.xlane vm2;
	v50 =	vmpcnt.ones.xlane vm3;
	vm1 =	vmmov vm1  }
0x8b1: {  	vm10 =	vlt.s32 v6, v1;
	vm5 =	vmand vm3, vm5;
	vm4 =	vmor vm6, vm4  }
0x8b2: {  	vm5 =	vmor vm7, vm5;
	vm6 =	vmneg vm4;
	vm3 =	veq.s32 v11, v1  }
0x8b3: {  	vm15 =	vmand vm5, vm6;
	vm5 =	veq.s32 v11, v0;
	v52 =	vsel vm3, $0x1, v2  }
0x8b4: {  	vm0 =	vmmov vm0;
	vm12 =	vgt.s32 v6, v0;
	v51, _, _ =	vpop (xrf0);
	v53 =	vsel vm5, $0x1, v2;
	(xrf0) =	vadd.scan.msk.s32 $0xffff, v52  }
0x8b5: {  	v57 =	vmpcnt.ones.xlane vm1;
	v58 =	vmpcnt.ones.xlane vm0;
	v5 =	vadd.s32 v8, v49;
	v54, _, _ =	vpop (xrf0);
	(xrf0) =	vadd.scan.msk.s32 $0xffff, v53  }
0x8b6: {  	v7 =	vadd.s32 v7, v50;
	v55 =	vsel vm4, $0x3F800000, v2;
	v56 =	vsel vm15, $0x3F800000, v2  }
0x8b7: {  	v10 =	vadd.s32 v5, v51;
	v5 =	vadd.s32 v5, v57;
	v9 =	vadd.s32 v7, v54  }
0x8b8: {  	vm8 =	vmmov vm3;
	vm9 =	vle.s32 v10, v4;
	vm11 =	vle.s32 v9, v3  }
0x8b9: {  	v7 =	vadd.s32 v7, v58;
	vm6 =	vmand vm1, vm9;
	vm2 =	vmand vm0, vm11  }
0x8ba: {  	vm9 =	vmmov vm5;
	vm6 =	vmor vm10, vm6;
	vm13 =	vmor vm12, vm2;
	v59, _, _ =	vpop (xrf0)  }
0x8bb: {  	vm14 =	vmneg vm6;
	v12 =	vsel vm6, $0x3F800000, v2;
	v5 =	vadd.s32 v5, v59;
	v60, _, _ =	vpop (xrf0)  }
0x8bc: {  	vm12 =	vlt.s32 v11, v1;
	v6 =	vadd.s32 v7, v60;
	vm10 =	vle.s32 v5, v4  }
0x8bd: {  	[tilespmem:s5+$0x2C00] =	vst v55;
	vm15 =	vmand vm13, vm14;
	vm11 =	vle.s32 v6, v3;
	vm1 =	vmand vm8, vm10  }
0x8be: {  	[tilespmem:s5+$0x5700] =	vst v56;
	vm13 =	vgt.s32 v11, v0;
	vm2 =	vmand vm9, vm11;
	vm1 =	vmor vm12, vm1  }
0x8bf: {  	[tilespmem:s4+$0x2C00] =	vst v12;
	v61 =	vsel vm15, $0x3F800000, v2;
	vm14 =	vmor vm13, vm2;
	vm15 =	vmneg vm1  }
0x8c0: {  	[tilespmem:s4+$0x5700] =	vst v61;
	v62 =	vsel vm1, $0x3F800000, v2;
	vm0 =	vmand vm14, vm15  }
0x8c1: {  	[tilespmem:s3+$0x2C00] =	vst v62;
	v63 =	vsel vm0, $0x3F800000, v2  }
0x8c2: {  	s28 =	simm.s32 $0x0;
	s29 =	simm.s32 $0x5700;
	s30 =	simm.s32 $0x5;
	[tilespmem:s3+$0x5700] =	vst v63  }
0x8c3: {  	[hbm4b:s2+s28] =	stream.linear.scatter [tilespmem:s29], [sflag:$0x5], $0x2AA0, $0x38;
	[tilespmem:$0xFB10] =	vst v63  }
0x8c4: {  	_ =	swait.ge [sflag:s30], $0x2AA0  }
0x8c5: {  	[sflag:s30] =	ssyncset.done $0x0  }
0x8c6: {  	s31 =	simm.s32 $0x2C00;
	[sflag:s30] =	ssyncadd.s32 $0xFFFFD560  }
0x8c7: {  	[hbm4b:s1+s28] =	stream.linear.scatter [tilespmem:s31], [sflag:$0x5], $0x2AA0, $0x38;
	[tilespmem:$0xFB10] =	vst v63  }
0x8c8: {  	_ =	swait.ge [sflag:s30], $0x2AA0  }
0x8c9: {  	[sflag:s30] =	ssyncset.done $0x0  }
0x8ca: {  	[sflag:s30] =	ssyncadd.s32 $0xFFFFD560  }
0x8cb: {  	_ =	sfence.sel $0x180000  }
0x8cc: {  	[bflag:$0x0] =	sbarrier.arrive $0xFFFF  }
0x8cd: {  	_ =	strace $0x90000047  }
0x8ce: {  	s0 =	sadd.s32 @!p0 $0x100000, s0;
	[bflag:$0x2] =	sbarrier.arrive $0xFFFF  }
0x8cf: {  	[sflag:s0] =	ssyncadd.tile.s32 @!p0 $0x1;
	_ =	shalt  }
.Lfunc_end2:
_tile_overlayer_lowered:
.L_overlay_start_2:
0x8d0: {  	(tag) =	ssettag $0x2  }
0x8d1: {  	s0 =	rddreg [dreg:$0x0];
	s2 =	stileid.u32  }
0x8d2: {  	s1 =	rddreg [dreg:$0x1];
	p0 =	sne.s32 s2, $0x0  }
0x8d3: {  	s3 =	rddreg [dreg:$0x2];
	[bflag:$0x3] =	sbarrier.arrive $0xFFFF;
	s2 =	simm.s32 @!p0 $0x1C05  }
0x8d4: {  	[timem:s3], [sflag:s2] =	dma.local @!p0 [hbm:s0], s1  }
0x8d5: {  	s0 =	simm.s32 @!p0 $0x5  }
0x8d6: {  	_ =	swait.ge @!p0 [sflag:s0], s1  }
0x8d7: {  	s1 =	ssub.s32 @!p0 $0x0, s1;
	[sflag:s0] =	ssyncset.done @!p0 $0x0  }
0x8d8: {  	[sflag:s0] =	ssyncadd.s32 @!p0 s1  }
0x8d9: {  	[bflag:$0x3] =	sbarrier.arrive $0xFFFF  }
0x8da: {  	_ =	shalt  }

</sc_bundles>
